<compile_context>
chip_gen: v7x
topology: tpu7x:2x2x1
jax: 0.10.2.dev20260603
libtpu: 0.0.44.dev20260713+nightly
codegen_flags: <defaults>
</compile_context>

<pallas_src>
import functools

import jax
import jax.numpy as jnp
from jax import lax
from jax.experimental import pallas as pl
from jax.experimental.pallas import tpu as pltpu
from jax.experimental.pallas import tpu_sc as plsc

N = 10000
E = 320000
H = 128
W = 3 * H

NC = 2
NS = 16
NW = NC * NS
K = 40
K2 = 80
G = 80
RPS = 624
NTAIL = N - NS * RPS

_mesh = plsc.VectorSubcoreMesh(core_axis_name="c", subcore_axis_name="s")


@functools.cache
def _make_edge_gather(ep):
    epw = ep // NW
    ch = epw // K

    @functools.partial(
        pl.kernel,
        mesh=_mesh,
        out_type=(
            jax.ShapeDtypeStruct((ep, H), jnp.float32),
            jax.ShapeDtypeStruct((ep, H), jnp.float32),
            jax.ShapeDtypeStruct((ep, 16), jnp.float32),
        ),
        scratch_types=(
            pltpu.VMEM((epw,), jnp.int32),
            pltpu.VMEM((epw,), jnp.int32),
            pltpu.VMEM((3, K, 2 * H), jnp.float32),
            pltpu.VMEM((3, K, 2 * H), jnp.float32),
            pltpu.VMEM((3, K, 16), jnp.float32),
            pltpu.SemaphoreType.DMA((3,)),
            pltpu.SemaphoreType.DMA((3,)),
            pltpu.SemaphoreType.DMA((3,)),
        ),
    )
    def edge_gather(snd_hbm, rcv_hbm, send_hbm, rec_hbm, sa_out, sb_out,
                    d_out, sidx_all, ridx_all, buf_a, buf_b, dbuf,
                    sem_a, sem_b, sem_w):
        wid = lax.axis_index("s") * NC + lax.axis_index("c")
        e0 = wid * epw
        pltpu.sync_copy(send_hbm.at[pl.ds(e0, epw)], sidx_all)
        pltpu.sync_copy(rec_hbm.at[pl.ds(e0, epw)], ridx_all)

        def fire_gather(t, b):
            off = t * K
            pltpu.async_copy(snd_hbm.at[sidx_all.at[pl.ds(off, K)]],
                             buf_a.at[b], sem_a.at[b])
            pltpu.async_copy(rcv_hbm.at[ridx_all.at[pl.ds(off, K)]],
                             buf_b.at[b], sem_b.at[b])

        def wait_gather(t, b):
            off = t * K
            pltpu.make_async_copy(snd_hbm.at[sidx_all.at[pl.ds(off, K)]],
                                  buf_a.at[b], sem_a.at[b]).wait()
            pltpu.make_async_copy(rcv_hbm.at[ridx_all.at[pl.ds(off, K)]],
                                  buf_b.at[b], sem_b.at[b]).wait()

        def fire_write(t, b):
            base = e0 + t * K
            pltpu.async_copy(buf_a.at[b, :, pl.ds(0, H)],
                             sa_out.at[pl.ds(base, K)], sem_w.at[b])
            pltpu.async_copy(buf_b.at[b, :, pl.ds(0, H)],
                             sb_out.at[pl.ds(base, K)], sem_w.at[b])
            pltpu.async_copy(dbuf.at[b], d_out.at[pl.ds(base, K)], sem_w.at[b])

        def wait_write(t, b):
            base = e0 + t * K
            pltpu.make_async_copy(buf_a.at[b, :, pl.ds(0, H)],
                                  sa_out.at[pl.ds(base, K)], sem_w.at[b]).wait()
            pltpu.make_async_copy(buf_b.at[b, :, pl.ds(0, H)],
                                  sb_out.at[pl.ds(base, K)], sem_w.at[b]).wait()
            pltpu.make_async_copy(dbuf.at[b], d_out.at[pl.ds(base, K)],
                                  sem_w.at[b]).wait()

        fire_gather(0, 0)
        fire_gather(1, 1)

        def body(t, carry):
            b = t % 3
            fbuf = (t + 2) % 3

            @pl.when(t >= 1)
            def _():
                wait_write(t - 1, fbuf)

            @pl.when(t + 2 < ch)
            def _():
                fire_gather(t + 2, fbuf)

            wait_gather(t, b)

            def add_row(i, c):
                psl = pl.ds(H, 16)
                dbuf[b, i, pl.ds(0, 16)] = buf_a[b, i, psl] + buf_b[b, i, psl]
                return c
            lax.fori_loop(0, K, add_row, 0)
            fire_write(t, b)
            return carry

        lax.fori_loop(0, ch, body, 0)
        wait_write(ch - 1, (ch - 1) % 3)

    return edge_gather


@functools.cache
def _make_edge_scatter(ep):
    epw = ep // NS
    ng = epw // G

    @functools.partial(
        pl.kernel,
        mesh=_mesh,
        out_type=(
            jax.ShapeDtypeStruct((N, H), jnp.float32),
            jax.ShapeDtypeStruct((N, H), jnp.float32),
        ),
        scratch_types=(
            pltpu.VMEM((epw // K2, 1, K2), jnp.int32),
            pltpu.VMEM((2, G, H), jnp.float32),
            pltpu.VMEM_SHARED((N, H), jnp.float32),
            pltpu.SemaphoreType.DMA((2,)),
        ),
    )
    def edge_scatter(msg_hbm, pos_hbm, rec3_hbm, zeros_hbm,
                     out_m, out_p, ridx3, buf, acc, sem_r):
        c = lax.axis_index("c")
        s = lax.axis_index("s")
        row0 = s * RPS
        is_last = s == NS - 1
        pltpu.sync_copy(rec3_hbm.at[pl.ds(s * (epw // K2), epw // K2)],
                        ridx3)

        pltpu.sync_copy(zeros_hbm.at[pl.ds(row0, RPS)],
                        acc.at[pl.ds(row0, RPS)])

        @pl.when(is_last)
        def _():
            pltpu.sync_copy(zeros_hbm.at[pl.ds(NS * RPS, NTAIL)],
                            acc.at[pl.ds(NS * RPS, NTAIL)])
        plsc.subcore_barrier()

        def scatter_loop(src_hbm):
            def fire_read(r, b):
                base = s * epw + r * G
                pltpu.async_copy(src_hbm.at[pl.ds(base, G)], buf.at[b],
                                 sem_r.at[b])

            def wait_read(r, b):
                base = s * epw + r * G
                pltpu.make_async_copy(src_hbm.at[pl.ds(base, G)], buf.at[b],
                                      sem_r.at[b]).wait()

            fire_read(0, 0)

            def chunk(r, carry):
                b = r % 2

                @pl.when(r + 1 < ng)
                def _():
                    fire_read(r + 1, 1 - b)

                wait_read(r, b)
                for j in range(G // K2):
                    pltpu.sync_copy(buf.at[b, pl.ds(j * K2, K2)],
                                    acc.at[ridx3.at[r * (G // K2) + j, 0]],
                                    add=True)
                return carry
            lax.fori_loop(0, ng, chunk, 0)

        @pl.when(c == 0)
        def _():
            scatter_loop(msg_hbm)

        @pl.when(c == 1)
        def _():
            scatter_loop(pos_hbm)

        plsc.subcore_barrier()

        def copy_out(dst_hbm):
            pltpu.sync_copy(acc.at[pl.ds(row0, RPS)],
                            dst_hbm.at[pl.ds(row0, RPS)])

            @pl.when(is_last)
            def _():
                pltpu.sync_copy(acc.at[pl.ds(NS * RPS, NTAIL)],
                                dst_hbm.at[pl.ds(NS * RPS, NTAIL)])

        @pl.when(c == 0)
        def _():
            copy_out(out_m)

        @pl.when(c == 1)
        def _():
            copy_out(out_p)
        plsc.subcore_barrier()

    return edge_scatter


def _pack_pair(lo, hi):
    lo16 = jax.lax.bitcast_convert_type(lo.astype(jnp.bfloat16), jnp.uint16)
    hi16 = jax.lax.bitcast_convert_type(hi.astype(jnp.bfloat16), jnp.uint16)
    word = lo16.astype(jnp.uint32) | (hi16.astype(jnp.uint32) << 16)
    return jax.lax.bitcast_convert_type(word, jnp.float32)


def _node_pre_body(x_ref, pe_ref, ppad_ref, wx_ref, wp_ref, b_ref,
                   snd_ref, rcv_ref, ef_ref):
    x = x_ref[:]
    pe = pe_ref[:]
    sfeat = (x @ wx_ref[:, 0:2 * H] + pe @ wp_ref[:, 0:2 * H]
             + b_ref[:, 0:2 * H])
    snd_ref[:, 0:H] = _pack_pair(sfeat[:, 0:H], sfeat[:, H:2 * H])
    snd_ref[:, H:2 * H] = ppad_ref[:]
    rfeat = (x @ wx_ref[:, 2 * H:4 * H] + pe @ wp_ref[:, 2 * H:4 * H])
    rcv_ref[:, 0:H] = _pack_pair(rfeat[:, 0:H], rfeat[:, H:2 * H])
    rcv_ref[:, H:2 * H] = -ppad_ref[:]
    ef_ref[:] = (x @ wx_ref[:, 4 * H:6 * H] + pe @ wp_ref[:, 4 * H:6 * H]
                 + b_ref[:, 2 * H:4 * H])


def _unpack_pair(packed):
    bits = jax.lax.bitcast_convert_type(packed, jnp.uint32)
    lo = jax.lax.bitcast_convert_type(bits << 16, jnp.float32)
    hi = jax.lax.bitcast_convert_type(bits & jnp.uint32(0xFFFF0000),
                                      jnp.float32)
    return lo, hi


def _edge_mlp_body(sa_ref, sb_ref, d_ref, wrow_ref, brow_ref, w2_ref, p2_ref,
                   msg_ref, pmsg_ref):
    dvec = d_ref[:]
    dist = jnp.sqrt(jnp.sum(dvec * dvec, axis=1, keepdims=True))
    a1, a2 = _unpack_pair(sa_ref[:])
    b1_, b2_ = _unpack_pair(sb_ref[:])
    z1 = (a1 + b1_) + dist * wrow_ref[0:1, :]
    m1 = z1 * jax.nn.sigmoid(z1)
    mm = jnp.dot(m1, w2_ref[:], preferred_element_type=jnp.float32) \
        + brow_ref[0:1, :]
    msg_ref[:] = mm * jax.nn.sigmoid(mm)
    zp = (a2 + b2_) + dist * wrow_ref[1:2, :]
    p1 = jnp.tanh(zp)
    pp = jnp.dot(p1, p2_ref[:], preferred_element_type=jnp.float32) \
        + brow_ref[1:2, :]
    pmsg_ref[:] = jnp.tanh(pp)


def _update_body(ef_ref, pm1_ref, pm2_ref, pp1_ref, pp2_ref,
                 u1c_ref, u2_ref, ub2_ref, q1b_ref, q2_ref, qb2_ref,
                 upd_ref, updpe_ref):
    aggr = pm1_ref[:] + pm2_ref[:]
    u = ef_ref[:, 0:H] + jnp.dot(aggr, u1c_ref[:],
                                 preferred_element_type=jnp.float32)
    u = u * jax.nn.sigmoid(u)
    upd_ref[:] = jnp.dot(u, u2_ref[:],
                         preferred_element_type=jnp.float32) + ub2_ref[:]
    pos_aggr = pp1_ref[:] + pp2_ref[:]
    q = jnp.tanh(ef_ref[:, H:2 * H] + jnp.dot(pos_aggr, q1b_ref[:],
                                              preferred_element_type=jnp.float32))
    updpe_ref[:] = jnp.tanh(jnp.dot(q, q2_ref[:],
                                    preferred_element_type=jnp.float32)
                            + qb2_ref[:])


def kernel(x, pos, pe, edge_index, W1, b1, W2, b2, P1, pb1, P2, pb2,
           U1, ub1, U2, ub2, Q1, qb1, Q2, qb2):
    f32 = jnp.float32
    send = edge_index[0].astype(jnp.int32)
    rec = edge_index[1].astype(jnp.int32)
    ppad = jnp.concatenate([pos.astype(f32),
                            jnp.zeros((N, H - 3), f32)], axis=1)

    zH = jnp.zeros((H, H), f32)
    Wx = jnp.concatenate(
        [W1[0:H], zH, W1[2 * H:3 * H], zH, U1[0:H], zH], axis=1)
    Wp = jnp.concatenate(
        [W1[H:2 * H], P1[0:H], W1[3 * H:4 * H], P1[H:2 * H],
         U1[H:2 * H], Q1[0:H]], axis=1)
    bias = jnp.concatenate(
        [b1, pb1, ub1, qb1]).reshape(1, 4 * H)

    Tn = 2000
    snd_t, rcv_t, ef_t = pl.pallas_call(
        _node_pre_body,
        grid=(N // Tn,),
        in_specs=[
            pl.BlockSpec((Tn, H), lambda i: (i, 0)),
            pl.BlockSpec((Tn, H), lambda i: (i, 0)),
            pl.BlockSpec((Tn, H), lambda i: (i, 0)),
            pl.BlockSpec((H, 6 * H), lambda i: (0, 0)),
            pl.BlockSpec((H, 6 * H), lambda i: (0, 0)),
            pl.BlockSpec((1, 4 * H), lambda i: (0, 0)),
        ],
        out_specs=[
            pl.BlockSpec((Tn, 2 * H), lambda i: (i, 0)),
            pl.BlockSpec((Tn, 2 * H), lambda i: (i, 0)),
            pl.BlockSpec((Tn, 2 * H), lambda i: (i, 0)),
        ],
        out_shape=[
            jax.ShapeDtypeStruct((N, 2 * H), f32),
            jax.ShapeDtypeStruct((N, 2 * H), f32),
            jax.ShapeDtypeStruct((N, 2 * H), f32),
        ],
    )(x, pe, ppad, Wx, Wp, bias)

    wrow = jnp.stack([W1[4 * H], P1[2 * H]])
    brow = jnp.stack([b2, pb2])

    P = 2
    Eh = E // P
    gather_fn = _make_edge_gather(Eh)
    scatter_fn = _make_edge_scatter(Eh)
    Te = 2000
    zeros_nh = jnp.zeros((N, H), f32)

    partials = []
    for p in range(P):
        sl = slice(p * Eh, (p + 1) * Eh)
        sa_edge, sb_edge, d_edge = gather_fn(snd_t, rcv_t, send[sl], rec[sl])
        msg, pmsg = pl.pallas_call(
            _edge_mlp_body,
            grid=(Eh // Te,),
            in_specs=[
                pl.BlockSpec((Te, H), lambda i: (i, 0)),
                pl.BlockSpec((Te, H), lambda i: (i, 0)),
                pl.BlockSpec((Te, 16), lambda i: (i, 0)),
                pl.BlockSpec((2, H), lambda i: (0, 0)),
                pl.BlockSpec((2, H), lambda i: (0, 0)),
                pl.BlockSpec((H, H), lambda i: (0, 0)),
                pl.BlockSpec((H, H), lambda i: (0, 0)),
            ],
            out_specs=[
                pl.BlockSpec((Te, H), lambda i: (i, 0)),
                pl.BlockSpec((Te, H), lambda i: (i, 0)),
            ],
            out_shape=[
                jax.ShapeDtypeStruct((Eh, H), f32),
                jax.ShapeDtypeStruct((Eh, H), f32),
            ],
        )(sa_edge, sb_edge, d_edge, wrow, brow, W2, P2)
        rec3 = rec[sl].reshape(Eh // K2, 1, K2)
        pm, pp = scatter_fn(msg, pmsg, rec3, zeros_nh)
        partials.append((pm, pp))

    (pm1, pp1), (pm2, pp2) = partials
    upd, upd_pe = pl.pallas_call(
        _update_body,
        grid=(N // Tn,),
        in_specs=[
            pl.BlockSpec((Tn, 2 * H), lambda i: (i, 0)),
            pl.BlockSpec((Tn, H), lambda i: (i, 0)),
            pl.BlockSpec((Tn, H), lambda i: (i, 0)),
            pl.BlockSpec((Tn, H), lambda i: (i, 0)),
            pl.BlockSpec((Tn, H), lambda i: (i, 0)),
            pl.BlockSpec((H, H), lambda i: (0, 0)),
            pl.BlockSpec((H, H), lambda i: (0, 0)),
            pl.BlockSpec((1, H), lambda i: (0, 0)),
            pl.BlockSpec((H, H), lambda i: (0, 0)),
            pl.BlockSpec((H, H), lambda i: (0, 0)),
            pl.BlockSpec((1, H), lambda i: (0, 0)),
        ],
        out_specs=[
            pl.BlockSpec((Tn, H), lambda i: (i, 0)),
            pl.BlockSpec((Tn, H), lambda i: (i, 0)),
        ],
        out_shape=[
            jax.ShapeDtypeStruct((N, H), f32),
            jax.ShapeDtypeStruct((N, H), f32),
        ],
    )(ef_t, pm1, pm2, pp1, pp2, U1[2 * H:3 * H], U2, ub2.reshape(1, H),
      Q1[H:2 * H], Q2, qb2.reshape(1, H))

    return (upd, upd_pe)

# --- scband reference (transcript-rebuilt; emitter-appended) ---
"""Pipeline reference for scband-mpnnlspelayer-62088047231704 (READ-ONLY COPY).

The authoritative reference and input builder live on the scoring server;
editing this copy changes nothing except your own understanding.
"""

import jax, jax.numpy as jnp
import numpy as np

N = 10000
E = 320000
H = 128

def setup_inputs(seed: int = 0) -> dict:
    key = jax.random.key(seed)
    ks = jax.random.split(key, 24)
    def w(k, shape):
        return jax.random.normal(k, shape, dtype=jnp.float32) * 0.05
    inp = {}
    inp['x'] = jax.random.normal(ks[0], (N, H), dtype=jnp.float32)
    inp['pos'] = jax.random.normal(ks[1], (N, 3), dtype=jnp.float32)
    inp['pe'] = jax.random.normal(ks[2], (N, H), dtype=jnp.float32)
    inp['edge_index'] = jax.random.randint(ks[3], (2, E), 0, N)
    # message_mlp: Linear(4H+1, H), SiLU, Linear(H, H), SiLU
    inp['W1'] = w(ks[4], (4 * H + 1, H)); inp['b1'] = jnp.zeros((H,), jnp.float32)
    inp['W2'] = w(ks[5], (H, H));         inp['b2'] = jnp.zeros((H,), jnp.float32)
    # pos_mlp: Linear(2H+1, H), Tanh, Linear(H, H), Tanh
    inp['P1'] = w(ks[6], (2 * H + 1, H)); inp['pb1'] = jnp.zeros((H,), jnp.float32)
    inp['P2'] = w(ks[7], (H, H));         inp['pb2'] = jnp.zeros((H,), jnp.float32)
    # update_mlp: Linear(3H, H), SiLU, Linear(H, H)
    inp['U1'] = w(ks[8], (3 * H, H));     inp['ub1'] = jnp.zeros((H,), jnp.float32)
    inp['U2'] = w(ks[9], (H, H));         inp['ub2'] = jnp.zeros((H,), jnp.float32)
    # update_mlp_pos: Linear(2H, H), Tanh, Linear(H, H), Tanh
    inp['Q1'] = w(ks[10], (2 * H, H));    inp['qb1'] = jnp.zeros((H,), jnp.float32)
    inp['Q2'] = w(ks[11], (H, H));        inp['qb2'] = jnp.zeros((H,), jnp.float32)
    return inp

def reference(x, pos, pe, edge_index, W1, b1, W2, b2, P1, pb1, P2, pb2, U1, ub1, U2, ub2, Q1, qb1, Q2, qb2):
    send = edge_index[0]
    rec = edge_index[1]
    x_s = jnp.take(x, send, axis=0)
    x_r = jnp.take(x, rec, axis=0)
    pe_s = jnp.take(pe, send, axis=0)
    pe_r = jnp.take(pe, rec, axis=0)
    pos_s = jnp.take(pos, send, axis=0)
    pos_r = jnp.take(pos, rec, axis=0)
    # reduced=False: state = [x[send], pe[send], x[rec], pe[rec]]
    state = jnp.concatenate([x_s, pe_s, x_r, pe_r], axis=1)
    pe_state = jnp.concatenate([pe_s, pe_r], axis=1)
    # include_dist=True
    dist = jnp.linalg.norm(pos_s - pos_r, axis=1)[:, None]
    state = jnp.concatenate([state, dist], axis=1)
    pe_state = jnp.concatenate([pe_state, dist], axis=1)
    # message_mlp
    m = jax.nn.silu(state @ W1 + b1)
    message = jax.nn.silu(m @ W2 + b2)
    # pos_mlp
    p = jnp.tanh(pe_state @ P1 + pb1)
    pos_msg = jnp.tanh(p @ P2 + pb2)
    # scatter_add over destination nodes
    aggr = jax.ops.segment_sum(message, rec, num_segments=N)
    # update_with_pe=True: cat([x, pe, aggr])
    u = jax.nn.silu(jnp.concatenate([x, pe, aggr], axis=1) @ U1 + ub1)
    update = u @ U2 + ub2
    pos_aggr = jax.ops.segment_sum(pos_msg, rec, num_segments=N)
    q = jnp.tanh(jnp.concatenate([pe, pos_aggr], axis=1) @ Q1 + qb1)
    update_pe = jnp.tanh(q @ Q2 + qb2)
    return (update, update_pe)

if __name__ == "__main__":
    import jax
    _d = setup_inputs()
    print(jax.jit(kernel)(*tuple(_d.values())))

</pallas_src>

<mosaic_0001>
#map = affine_map<(d0, d1) -> (0, 0)>
#map1 = affine_map<(d0, d1) -> (0, 0, 0)>
module attributes {stable_mosaic.version = 14 : i64} {
  func.func @edge_scatter(%arg0: i32, %arg1: i32, %arg2: memref<160000x128xf32, #tpu.memory_space<hbm>>, %arg3: memref<160000x128xf32, #tpu.memory_space<hbm>>, %arg4: memref<2000x1x80xi32, #tpu.memory_space<hbm>>, %arg5: memref<10000x128xf32, #tpu.memory_space<hbm>>, %arg6: memref<10000x128xf32, #tpu.memory_space<hbm>>, %arg7: memref<10000x128xf32, #tpu.memory_space<hbm>>, %arg8: memref<125x1x80xi32, #tpu.memory_space<vmem>>, %arg9: memref<2x80x128xf32, #tpu.memory_space<vmem>>, %arg10: memref<10000x128xf32, #tpu.memory_space<vmem_shared>>, %arg11: memref<2x!tpu.dma_semaphore, #tpu.memory_space<semaphore_mem>>) attributes {dimension_semantics = [#tpu.dimension_semantics<core_parallel>, #tpu.dimension_semantics<subcore_parallel>], iteration_bounds = array<i64: 2, 16>, scalar_prefetch = 0 : i64, scratch_operands = 4 : i64, tpu.core_type = #tpu.core_type<sc_vector_subcore>, window_params = [{transform_indices = #map}, {transform_indices = #map}, {transform_indices = #map1}, {transform_indices = #map}, {transform_indices = #map}, {transform_indices = #map}]} {
    %mul3A = arith.constant 624 : i32
    %mul3A_0 = arith.muli %arg1, %mul3A : i32
    %eq3A = arith.constant 15 : i32
    %eq3A_1 = arith.cmpi eq, %arg1, %eq3A : i32
    %mul3A_2 = arith.constant 125 : i32
    %mul3A_3 = arith.muli %arg1, %mul3A_2 : i32
    "tpu.region"() ({
      %run_scoped3A = tpu.sem_alloc : memref<!tpu.dma_semaphore, #tpu.memory_space<semaphore_mem>>
      %dma_start3A = arith.constant 0 : i32
      %dma_start3A_27 = arith.constant 0 : i32
      %dma_start3A_28 = tpu.memref_slice %arg4[%mul3A_3, %dma_start3A, %dma_start3A_27] : memref<2000x1x80xi32, #tpu.memory_space<hbm>> -> memref<125x1x80xi32, #tpu.memory_space<hbm>>
      %dma_start3A_29 = arith.constant 0 : i32
      %dma_start3A_30 = arith.constant 0 : i32
      %dma_start3A_31 = tpu.memref_slice %arg4[%mul3A_3, %dma_start3A_29, %dma_start3A_30] : memref<2000x1x80xi32, #tpu.memory_space<hbm>> -> memref<125x1x80xi32, #tpu.memory_space<hbm>>
      tpu.enqueue_dma source(%dma_start3A_31 : memref<125x1x80xi32, #tpu.memory_space<hbm>>) target(%arg8 : memref<125x1x80xi32, #tpu.memory_space<vmem>>) target_semaphore(%run_scoped3A : memref<!tpu.dma_semaphore, #tpu.memory_space<semaphore_mem>>)
      %dma_wait3A = arith.constant 0 : i32
      %dma_wait3A_32 = arith.constant 0 : i32
      %dma_wait3A_33 = tpu.memref_slice %arg4[%mul3A_3, %dma_wait3A, %dma_wait3A_32] : memref<2000x1x80xi32, #tpu.memory_space<hbm>> -> memref<125x1x80xi32, #tpu.memory_space<hbm>>
      %dma_wait3A_34 = arith.constant 0 : i32
      %dma_wait3A_35 = arith.constant 0 : i32
      %dma_wait3A_36 = tpu.memref_slice %arg4[%mul3A_3, %dma_wait3A_34, %dma_wait3A_35] : memref<2000x1x80xi32, #tpu.memory_space<hbm>> -> memref<125x1x80xi32, #tpu.memory_space<hbm>>
      tpu.wait_dma2 semaphore(%run_scoped3A : memref<!tpu.dma_semaphore, #tpu.memory_space<semaphore_mem>>) src(%dma_wait3A_36 : memref<125x1x80xi32, #tpu.memory_space<hbm>>) dst(%arg8 : memref<125x1x80xi32, #tpu.memory_space<vmem>>)
      tpu.yield
    }) : () -> ()
    "tpu.region"() ({
      %run_scoped3A = tpu.sem_alloc : memref<!tpu.dma_semaphore, #tpu.memory_space<semaphore_mem>>
      %dma_start3A = arith.constant 0 : i32
      %dma_start3A_27 = tpu.memref_slice %arg10[%mul3A_0, %dma_start3A] : memref<10000x128xf32, #tpu.memory_space<vmem_shared>> -> memref<624x128xf32, #tpu.memory_space<vmem_shared>>
      %dma_start3A_28 = arith.constant 0 : i32
      %dma_start3A_29 = tpu.memref_slice %arg5[%mul3A_0, %dma_start3A_28] : memref<10000x128xf32, #tpu.memory_space<hbm>> -> memref<624x128xf32, #tpu.memory_space<hbm>>
      tpu.enqueue_dma source(%dma_start3A_29 : memref<624x128xf32, #tpu.memory_space<hbm>>) target(%dma_start3A_27 : memref<624x128xf32, #tpu.memory_space<vmem_shared>>) target_semaphore(%run_scoped3A : memref<!tpu.dma_semaphore, #tpu.memory_space<semaphore_mem>>)
      %dma_wait3A = arith.constant 0 : i32
      %dma_wait3A_30 = tpu.memref_slice %arg10[%mul3A_0, %dma_wait3A] : memref<10000x128xf32, #tpu.memory_space<vmem_shared>> -> memref<624x128xf32, #tpu.memory_space<vmem_shared>>
      %dma_wait3A_31 = arith.constant 0 : i32
      %dma_wait3A_32 = tpu.memref_slice %arg5[%mul3A_0, %dma_wait3A_31] : memref<10000x128xf32, #tpu.memory_space<hbm>> -> memref<624x128xf32, #tpu.memory_space<hbm>>
      tpu.wait_dma2 semaphore(%run_scoped3A : memref<!tpu.dma_semaphore, #tpu.memory_space<semaphore_mem>>) src(%dma_wait3A_32 : memref<624x128xf32, #tpu.memory_space<hbm>>) dst(%dma_wait3A_30 : memref<624x128xf32, #tpu.memory_space<vmem_shared>>)
      tpu.yield
    }) : () -> ()
    %convert_element_type3A = arith.extui %eq3A_1 : i1 to i32
    %cond3A = arith.constant 0 : i32
    %cond3A_4 = arith.cmpi ne, %convert_element_type3A, %cond3A : i32
    scf.if %cond3A_4 {
      "tpu.region"() ({
        %run_scoped3A = tpu.sem_alloc : memref<!tpu.dma_semaphore, #tpu.memory_space<semaphore_mem>>
        %dma_start3A = arith.constant 9984 : i32
        %dma_start3A_27 = arith.constant 0 : i32
        %dma_start3A_28 = tpu.memref_slice %arg10[%dma_start3A, %dma_start3A_27] : memref<10000x128xf32, #tpu.memory_space<vmem_shared>> -> memref<16x128xf32, #tpu.memory_space<vmem_shared>>
        %dma_start3A_29 = arith.constant 9984 : i32
        %dma_start3A_30 = arith.constant 0 : i32
        %dma_start3A_31 = tpu.memref_slice %arg5[%dma_start3A_29, %dma_start3A_30] : memref<10000x128xf32, #tpu.memory_space<hbm>> -> memref<16x128xf32, #tpu.memory_space<hbm>>
        tpu.enqueue_dma source(%dma_start3A_31 : memref<16x128xf32, #tpu.memory_space<hbm>>) target(%dma_start3A_28 : memref<16x128xf32, #tpu.memory_space<vmem_shared>>) target_semaphore(%run_scoped3A : memref<!tpu.dma_semaphore, #tpu.memory_space<semaphore_mem>>)
        %dma_wait3A = arith.constant 9984 : i32
        %dma_wait3A_32 = arith.constant 0 : i32
        %dma_wait3A_33 = tpu.memref_slice %arg10[%dma_wait3A, %dma_wait3A_32] : memref<10000x128xf32, #tpu.memory_space<vmem_shared>> -> memref<16x128xf32, #tpu.memory_space<vmem_shared>>
        %dma_wait3A_34 = arith.constant 9984 : i32
        %dma_wait3A_35 = arith.constant 0 : i32
        %dma_wait3A_36 = tpu.memref_slice %arg5[%dma_wait3A_34, %dma_wait3A_35] : memref<10000x128xf32, #tpu.memory_space<hbm>> -> memref<16x128xf32, #tpu.memory_space<hbm>>
        tpu.wait_dma2 semaphore(%run_scoped3A : memref<!tpu.dma_semaphore, #tpu.memory_space<semaphore_mem>>) src(%dma_wait3A_36 : memref<16x128xf32, #tpu.memory_space<hbm>>) dst(%dma_wait3A_33 : memref<16x128xf32, #tpu.memory_space<vmem_shared>>)
        tpu.yield
      }) : () -> ()
    } else {
    }
    %barrier3A = arith.constant 0 : index
    tpu.barrier barrier_id(%barrier3A)
    %eq3A_5 = arith.constant 0 : i32
    %eq3A_6 = arith.cmpi eq, %arg0, %eq3A_5 : i32
    %convert_element_type3A_7 = arith.extui %eq3A_6 : i1 to i32
    %cond3A_8 = arith.constant 0 : i32
    %cond3A_9 = arith.cmpi ne, %convert_element_type3A_7, %cond3A_8 : i32
    scf.if %cond3A_9 {
      %mul3A_27 = arith.constant 10000 : i32
      %mul3A_28 = arith.muli %arg1, %mul3A_27 : i32
      %add3A = arith.constant 0 : i32
      %add3A_29 = arith.addi %mul3A_28, %add3A : i32
      %dma_start3A = arith.constant 0 : i32
      %dma_start3A_30 = arith.constant 0 : i32
      %dma_start3A_31 = arith.constant 0 : i32
      %dma_start3A_32 = arith.constant 0 : i32
      %dma_start3A_33 = tpu.memref_slice %arg9[%dma_start3A, %dma_start3A_31, %dma_start3A_32] : memref<2x80x128xf32, #tpu.memory_space<vmem>> -> memref<1x80x128xf32, #tpu.memory_space<vmem>>
      %dma_start3A_34 = tpu.memref_squeeze %dma_start3A_33 : memref<1x80x128xf32, #tpu.memory_space<vmem>> -> memref<80x128xf32, #tpu.memory_space<vmem>>
      %dma_start3A_35 = arith.constant 0 : i32
      %dma_start3A_36 = tpu.memref_slice %arg2[%add3A_29, %dma_start3A_35] : memref<160000x128xf32, #tpu.memory_space<hbm>> -> memref<80x128xf32, #tpu.memory_space<hbm>>
      %dma_start3A_37 = tpu.memref_slice %arg11[%dma_start3A_30] : memref<2x!tpu.dma_semaphore, #tpu.memory_space<semaphore_mem>> -> memref<1x!tpu.dma_semaphore, #tpu.memory_space<semaphore_mem>>
      %dma_start3A_38 = tpu.memref_squeeze %dma_start3A_37 : memref<1x!tpu.dma_semaphore, #tpu.memory_space<semaphore_mem>> -> memref<!tpu.dma_semaphore, #tpu.memory_space<semaphore_mem>>
      %dma_start3A_39 = arith.constant 0 : i32
      %dma_start3A_40 = arith.constant 0 : i32
      %dma_start3A_41 = tpu.memref_slice %arg9[%dma_start3A, %dma_start3A_39, %dma_start3A_40] : memref<2x80x128xf32, #tpu.memory_space<vmem>> -> memref<1x80x128xf32, #tpu.memory_space<vmem>>
      %dma_start3A_42 = tpu.memref_squeeze %dma_start3A_41 : memref<1x80x128xf32, #tpu.memory_space<vmem>> -> memref<80x128xf32, #tpu.memory_space<vmem>>
      %dma_start3A_43 = arith.constant 0 : i32
      %dma_start3A_44 = tpu.memref_slice %arg2[%add3A_29, %dma_start3A_43] : memref<160000x128xf32, #tpu.memory_space<hbm>> -> memref<80x128xf32, #tpu.memory_space<hbm>>
      tpu.enqueue_dma source(%dma_start3A_44 : memref<80x128xf32, #tpu.memory_space<hbm>>) target(%dma_start3A_42 : memref<80x128xf32, #tpu.memory_space<vmem>>) target_semaphore(%dma_start3A_38 : memref<!tpu.dma_semaphore, #tpu.memory_space<semaphore_mem>>)
      %scan3A = arith.constant 0 : i32
      %scan3A_45 = arith.constant 0 : i32
      %scan3A_46 = arith.constant 125 : i32
      %scan3A_47 = arith.addi %scan3A_45, %scan3A_46 : i32
      %scan3A_48 = arith.constant 1 : i32
      scf.for %scan3A_50 = %scan3A_45 to %scan3A_47 step %scan3A_48  : i32 {
        %jit3A = arith.constant 2 : i32
        %eq3A_51 = arith.constant 0 : i32
        %eq3A_52 = arith.cmpi eq, %jit3A, %eq3A_51 : i32
        %jit3A_53 = arith.constant 1 : i32
        %select_n3A = arith.select %eq3A_52, %jit3A_53, %jit3A : i32
        %rem3A = arith.remsi %scan3A_50, %select_n3A : i32
        %ne3A = arith.constant 0 : i32
        %ne3A_54 = arith.cmpi ne, %rem3A, %ne3A : i32
        %lt3A = arith.constant 0 : i32
        %lt3A_55 = arith.cmpi slt, %rem3A, %lt3A : i32
        %lt3A_56 = arith.constant 0 : i32
        %lt3A_57 = arith.cmpi slt, %select_n3A, %lt3A_56 : i32
        %ne3A_58 = arith.xori %lt3A_55, %lt3A_57 : i1
        %and3A = arith.andi %ne3A_58, %ne3A_54 : i1
        %add3A_59 = arith.addi %rem3A, %select_n3A : i32
        %select_n3A_60 = arith.select %and3A, %add3A_59, %rem3A : i32
        %add3A_61 = arith.constant 1 : i32
        %add3A_62 = arith.addi %scan3A_50, %add3A_61 : i32
        %lt3A_63 = arith.constant 125 : i32
        %lt3A_64 = arith.cmpi slt, %add3A_62, %lt3A_63 : i32
        %convert_element_type3A_65 = arith.extui %lt3A_64 : i1 to i32
        %cond3A_66 = arith.constant 0 : i32
        %cond3A_67 = arith.cmpi ne, %convert_element_type3A_65, %cond3A_66 : i32
        scf.if %cond3A_67 {
          %add3A_90 = arith.constant 1 : i32
          %add3A_91 = arith.addi %scan3A_50, %add3A_90 : i32
          %sub3A = arith.constant 1 : i32
          %sub3A_92 = arith.subi %sub3A, %select_n3A_60 : i32
          %mul3A_93 = arith.constant 10000 : i32
          %mul3A_94 = arith.muli %arg1, %mul3A_93 : i32
          %mul3A_95 = arith.constant 80 : i32
          %mul3A_96 = arith.muli %add3A_91, %mul3A_95 : i32
          %add3A_97 = arith.addi %mul3A_94, %mul3A_96 : i32
          %dma_start3A_98 = arith.constant 0 : i32
          %dma_start3A_99 = arith.constant 0 : i32
          %dma_start3A_100 = tpu.memref_slice %arg9[%sub3A_92, %dma_start3A_98, %dma_start3A_99] : memref<2x80x128xf32, #tpu.memory_space<vmem>> -> memref<1x80x128xf32, #tpu.memory_space<vmem>>
          %dma_start3A_101 = tpu.memref_squeeze %dma_start3A_100 : memref<1x80x128xf32, #tpu.memory_space<vmem>> -> memref<80x128xf32, #tpu.memory_space<vmem>>
          %dma_start3A_102 = arith.constant 0 : i32
          %dma_start3A_103 = tpu.memref_slice %arg2[%add3A_97, %dma_start3A_102] : memref<160000x128xf32, #tpu.memory_space<hbm>> -> memref<80x128xf32, #tpu.memory_space<hbm>>
          %dma_start3A_104 = tpu.memref_slice %arg11[%sub3A_92] : memref<2x!tpu.dma_semaphore, #tpu.memory_space<semaphore_mem>> -> memref<1x!tpu.dma_semaphore, #tpu.memory_space<semaphore_mem>>
          %dma_start3A_105 = tpu.memref_squeeze %dma_start3A_104 : memref<1x!tpu.dma_semaphore, #tpu.memory_space<semaphore_mem>> -> memref<!tpu.dma_semaphore, #tpu.memory_space<semaphore_mem>>
          %dma_start3A_106 = arith.constant 0 : i32
          %dma_start3A_107 = arith.constant 0 : i32
          %dma_start3A_108 = tpu.memref_slice %arg9[%sub3A_92, %dma_start3A_106, %dma_start3A_107] : memref<2x80x128xf32, #tpu.memory_space<vmem>> -> memref<1x80x128xf32, #tpu.memory_space<vmem>>
          %dma_start3A_109 = tpu.memref_squeeze %dma_start3A_108 : memref<1x80x128xf32, #tpu.memory_space<vmem>> -> memref<80x128xf32, #tpu.memory_space<vmem>>
          %dma_start3A_110 = arith.constant 0 : i32
          %dma_start3A_111 = tpu.memref_slice %arg2[%add3A_97, %dma_start3A_110] : memref<160000x128xf32, #tpu.memory_space<hbm>> -> memref<80x128xf32, #tpu.memory_space<hbm>>
          tpu.enqueue_dma source(%dma_start3A_111 : memref<80x128xf32, #tpu.memory_space<hbm>>) target(%dma_start3A_109 : memref<80x128xf32, #tpu.memory_space<vmem>>) target_semaphore(%dma_start3A_105 : memref<!tpu.dma_semaphore, #tpu.memory_space<semaphore_mem>>)
        } else {
        }
        %mul3A_68 = arith.constant 10000 : i32
        %mul3A_69 = arith.muli %arg1, %mul3A_68 : i32
        %mul3A_70 = arith.constant 80 : i32
        %mul3A_71 = arith.muli %scan3A_50, %mul3A_70 : i32
        %add3A_72 = arith.addi %mul3A_69, %mul3A_71 : i32
        %dma_wait3A = arith.constant 0 : i32
        %dma_wait3A_73 = arith.constant 0 : i32
        %dma_wait3A_74 = tpu.memref_slice %arg9[%select_n3A_60, %dma_wait3A, %dma_wait3A_73] : memref<2x80x128xf32, #tpu.memory_space<vmem>> -> memref<1x80x128xf32, #tpu.memory_space<vmem>>
        %dma_wait3A_75 = tpu.memref_squeeze %dma_wait3A_74 : memref<1x80x128xf32, #tpu.memory_space<vmem>> -> memref<80x128xf32, #tpu.memory_space<vmem>>
        %dma_wait3A_76 = arith.constant 0 : i32
        %dma_wait3A_77 = tpu.memref_slice %arg2[%add3A_72, %dma_wait3A_76] : memref<160000x128xf32, #tpu.memory_space<hbm>> -> memref<80x128xf32, #tpu.memory_space<hbm>>
        %dma_wait3A_78 = tpu.memref_slice %arg11[%select_n3A_60] : memref<2x!tpu.dma_semaphore, #tpu.memory_space<semaphore_mem>> -> memref<1x!tpu.dma_semaphore, #tpu.memory_space<semaphore_mem>>
        %dma_wait3A_79 = tpu.memref_squeeze %dma_wait3A_78 : memref<1x!tpu.dma_semaphore, #tpu.memory_space<semaphore_mem>> -> memref<!tpu.dma_semaphore, #tpu.memory_space<semaphore_mem>>
        %dma_wait3A_80 = arith.constant 0 : i32
        %dma_wait3A_81 = arith.constant 0 : i32
        %dma_wait3A_82 = tpu.memref_slice %arg9[%select_n3A_60, %dma_wait3A_80, %dma_wait3A_81] : memref<2x80x128xf32, #tpu.memory_space<vmem>> -> memref<1x80x128xf32, #tpu.memory_space<vmem>>
        %dma_wait3A_83 = tpu.memref_squeeze %dma_wait3A_82 : memref<1x80x128xf32, #tpu.memory_space<vmem>> -> memref<80x128xf32, #tpu.memory_space<vmem>>
        %dma_wait3A_84 = arith.constant 0 : i32
        %dma_wait3A_85 = tpu.memref_slice %arg2[%add3A_72, %dma_wait3A_84] : memref<160000x128xf32, #tpu.memory_space<hbm>> -> memref<80x128xf32, #tpu.memory_space<hbm>>
        tpu.wait_dma2 semaphore(%dma_wait3A_79 : memref<!tpu.dma_semaphore, #tpu.memory_space<semaphore_mem>>) src(%dma_wait3A_85 : memref<80x128xf32, #tpu.memory_space<hbm>>) dst(%dma_wait3A_83 : memref<80x128xf32, #tpu.memory_space<vmem>>)
        %mul3A_86 = arith.constant 1 : i32
        %mul3A_87 = arith.muli %scan3A_50, %mul3A_86 : i32
        %add3A_88 = arith.constant 0 : i32
        %add3A_89 = arith.addi %mul3A_87, %add3A_88 : i32
        %run_scoped3A = arith.constant 0 : i32
        "tpu.region"() ({
          %run_scoped3A_90 = tpu.sem_alloc : memref<!tpu.dma_semaphore, #tpu.memory_space<semaphore_mem>>
          %dma_start3A_91 = arith.constant 0 : i32
          %dma_start3A_92 = arith.constant 0 : i32
          %dma_start3A_93 = tpu.memref_slice %arg9[%select_n3A_60, %dma_start3A_91, %dma_start3A_92] : memref<2x80x128xf32, #tpu.memory_space<vmem>> -> memref<1x80x128xf32, #tpu.memory_space<vmem>>
          %dma_start3A_94 = tpu.memref_squeeze %dma_start3A_93 : memref<1x80x128xf32, #tpu.memory_space<vmem>> -> memref<80x128xf32, #tpu.memory_space<vmem>>
          %dma_start3A_95 = arith.constant 0 : i32
          %dma_start3A_96 = tpu.memref_slice %arg8[%add3A_89, %run_scoped3A, %dma_start3A_95] : memref<125x1x80xi32, #tpu.memory_space<vmem>> -> memref<1x1x80xi32, #tpu.memory_space<vmem>>
          %dma_start3A_97 = tpu.memref_squeeze %dma_start3A_96 : memref<1x1x80xi32, #tpu.memory_space<vmem>> -> memref<80xi32, #tpu.memory_space<vmem>>
          %dma_start3A_98 = arith.constant 0 : i32
          %dma_start3A_99 = arith.constant 0 : i32
          %dma_start3A_100 = tpu.memref_slice %arg10[%dma_start3A_98, %dma_start3A_99] : memref<10000x128xf32, #tpu.memory_space<vmem_shared>> -> memref<10000x128xf32, #tpu.memory_space<vmem_shared>>
          tpu.enqueue_indirect_dma source(%dma_start3A_94 : memref<80x128xf32, #tpu.memory_space<vmem>>) target(%dma_start3A_100 : memref<10000x128xf32, #tpu.memory_space<vmem_shared>>) offsets(%dma_start3A_97 : memref<80xi32, #tpu.memory_space<vmem>>) semaphore(%run_scoped3A_90 : memref<!tpu.dma_semaphore, #tpu.memory_space<semaphore_mem>>) {add = true}
          %dma_wait3A_101 = arith.constant 0 : i32
          %dma_wait3A_102 = arith.constant 0 : i32
          %dma_wait3A_103 = tpu.memref_slice %arg9[%select_n3A_60, %dma_wait3A_101, %dma_wait3A_102] : memref<2x80x128xf32, #tpu.memory_space<vmem>> -> memref<1x80x128xf32, #tpu.memory_space<vmem>>
          %dma_wait3A_104 = tpu.memref_squeeze %dma_wait3A_103 : memref<1x80x128xf32, #tpu.memory_space<vmem>> -> memref<80x128xf32, #tpu.memory_space<vmem>>
          %dma_wait3A_105 = arith.constant 0 : i32
          %dma_wait3A_106 = tpu.memref_slice %arg8[%add3A_89, %run_scoped3A, %dma_wait3A_105] : memref<125x1x80xi32, #tpu.memory_space<vmem>> -> memref<1x1x80xi32, #tpu.memory_space<vmem>>
          %dma_wait3A_107 = tpu.memref_squeeze %dma_wait3A_106 : memref<1x1x80xi32, #tpu.memory_space<vmem>> -> memref<80xi32, #tpu.memory_space<vmem>>
          %dma_wait3A_108 = arith.constant 0 : i32
          %dma_wait3A_109 = arith.constant 0 : i32
          %dma_wait3A_110 = tpu.memref_slice %arg10[%dma_wait3A_108, %dma_wait3A_109] : memref<10000x128xf32, #tpu.memory_space<vmem_shared>> -> memref<10000x128xf32, #tpu.memory_space<vmem_shared>>
          tpu.wait_indirect_dma semaphore(%run_scoped3A_90 : memref<!tpu.dma_semaphore, #tpu.memory_space<semaphore_mem>>) src(%dma_wait3A_104 : memref<80x128xf32, #tpu.memory_space<vmem>>) dst(%dma_wait3A_110 : memref<10000x128xf32, #tpu.memory_space<vmem_shared>>)
          tpu.yield
        }) : () -> ()
      }
      %scan3A_49 = arith.constant 125 : i32
    } else {
    }
    %eq3A_10 = arith.constant 1 : i32
    %eq3A_11 = arith.cmpi eq, %arg0, %eq3A_10 : i32
    %convert_element_type3A_12 = arith.extui %eq3A_11 : i1 to i32
    %cond3A_13 = arith.constant 0 : i32
    %cond3A_14 = arith.cmpi ne, %convert_element_type3A_12, %cond3A_13 : i32
    scf.if %cond3A_14 {
      %mul3A_27 = arith.constant 10000 : i32
      %mul3A_28 = arith.muli %arg1, %mul3A_27 : i32
      %add3A = arith.constant 0 : i32
      %add3A_29 = arith.addi %mul3A_28, %add3A : i32
      %dma_start3A = arith.constant 0 : i32
      %dma_start3A_30 = arith.constant 0 : i32
      %dma_start3A_31 = arith.constant 0 : i32
      %dma_start3A_32 = arith.constant 0 : i32
      %dma_start3A_33 = tpu.memref_slice %arg9[%dma_start3A, %dma_start3A_31, %dma_start3A_32] : memref<2x80x128xf32, #tpu.memory_space<vmem>> -> memref<1x80x128xf32, #tpu.memory_space<vmem>>
      %dma_start3A_34 = tpu.memref_squeeze %dma_start3A_33 : memref<1x80x128xf32, #tpu.memory_space<vmem>> -> memref<80x128xf32, #tpu.memory_space<vmem>>
      %dma_start3A_35 = arith.constant 0 : i32
      %dma_start3A_36 = tpu.memref_slice %arg3[%add3A_29, %dma_start3A_35] : memref<160000x128xf32, #tpu.memory_space<hbm>> -> memref<80x128xf32, #tpu.memory_space<hbm>>
      %dma_start3A_37 = tpu.memref_slice %arg11[%dma_start3A_30] : memref<2x!tpu.dma_semaphore, #tpu.memory_space<semaphore_mem>> -> memref<1x!tpu.dma_semaphore, #tpu.memory_space<semaphore_mem>>
      %dma_start3A_38 = tpu.memref_squeeze %dma_start3A_37 : memref<1x!tpu.dma_semaphore, #tpu.memory_space<semaphore_mem>> -> memref<!tpu.dma_semaphore, #tpu.memory_space<semaphore_mem>>
      %dma_start3A_39 = arith.constant 0 : i32
      %dma_start3A_40 = arith.constant 0 : i32
      %dma_start3A_41 = tpu.memref_slice %arg9[%dma_start3A, %dma_start3A_39, %dma_start3A_40] : memref<2x80x128xf32, #tpu.memory_space<vmem>> -> memref<1x80x128xf32, #tpu.memory_space<vmem>>
      %dma_start3A_42 = tpu.memref_squeeze %dma_start3A_41 : memref<1x80x128xf32, #tpu.memory_space<vmem>> -> memref<80x128xf32, #tpu.memory_space<vmem>>
      %dma_start3A_43 = arith.constant 0 : i32
      %dma_start3A_44 = tpu.memref_slice %arg3[%add3A_29, %dma_start3A_43] : memref<160000x128xf32, #tpu.memory_space<hbm>> -> memref<80x128xf32, #tpu.memory_space<hbm>>
      tpu.enqueue_dma source(%dma_start3A_44 : memref<80x128xf32, #tpu.memory_space<hbm>>) target(%dma_start3A_42 : memref<80x128xf32, #tpu.memory_space<vmem>>) target_semaphore(%dma_start3A_38 : memref<!tpu.dma_semaphore, #tpu.memory_space<semaphore_mem>>)
      %scan3A = arith.constant 0 : i32
      %scan3A_45 = arith.constant 0 : i32
      %scan3A_46 = arith.constant 125 : i32
      %scan3A_47 = arith.addi %scan3A_45, %scan3A_46 : i32
      %scan3A_48 = arith.constant 1 : i32
      scf.for %scan3A_50 = %scan3A_45 to %scan3A_47 step %scan3A_48  : i32 {
        %jit3A = arith.constant 2 : i32
        %eq3A_51 = arith.constant 0 : i32
        %eq3A_52 = arith.cmpi eq, %jit3A, %eq3A_51 : i32
        %jit3A_53 = arith.constant 1 : i32
        %select_n3A = arith.select %eq3A_52, %jit3A_53, %jit3A : i32
        %rem3A = arith.remsi %scan3A_50, %select_n3A : i32
        %ne3A = arith.constant 0 : i32
        %ne3A_54 = arith.cmpi ne, %rem3A, %ne3A : i32
        %lt3A = arith.constant 0 : i32
        %lt3A_55 = arith.cmpi slt, %rem3A, %lt3A : i32
        %lt3A_56 = arith.constant 0 : i32
        %lt3A_57 = arith.cmpi slt, %select_n3A, %lt3A_56 : i32
        %ne3A_58 = arith.xori %lt3A_55, %lt3A_57 : i1
        %and3A = arith.andi %ne3A_58, %ne3A_54 : i1
        %add3A_59 = arith.addi %rem3A, %select_n3A : i32
        %select_n3A_60 = arith.select %and3A, %add3A_59, %rem3A : i32
        %add3A_61 = arith.constant 1 : i32
        %add3A_62 = arith.addi %scan3A_50, %add3A_61 : i32
        %lt3A_63 = arith.constant 125 : i32
        %lt3A_64 = arith.cmpi slt, %add3A_62, %lt3A_63 : i32
        %convert_element_type3A_65 = arith.extui %lt3A_64 : i1 to i32
        %cond3A_66 = arith.constant 0 : i32
        %cond3A_67 = arith.cmpi ne, %convert_element_type3A_65, %cond3A_66 : i32
        scf.if %cond3A_67 {
          %add3A_90 = arith.constant 1 : i32
          %add3A_91 = arith.addi %scan3A_50, %add3A_90 : i32
          %sub3A = arith.constant 1 : i32
          %sub3A_92 = arith.subi %sub3A, %select_n3A_60 : i32
          %mul3A_93 = arith.constant 10000 : i32
          %mul3A_94 = arith.muli %arg1, %mul3A_93 : i32
          %mul3A_95 = arith.constant 80 : i32
          %mul3A_96 = arith.muli %add3A_91, %mul3A_95 : i32
          %add3A_97 = arith.addi %mul3A_94, %mul3A_96 : i32
          %dma_start3A_98 = arith.constant 0 : i32
          %dma_start3A_99 = arith.constant 0 : i32
          %dma_start3A_100 = tpu.memref_slice %arg9[%sub3A_92, %dma_start3A_98, %dma_start3A_99] : memref<2x80x128xf32, #tpu.memory_space<vmem>> -> memref<1x80x128xf32, #tpu.memory_space<vmem>>
          %dma_start3A_101 = tpu.memref_squeeze %dma_start3A_100 : memref<1x80x128xf32, #tpu.memory_space<vmem>> -> memref<80x128xf32, #tpu.memory_space<vmem>>
          %dma_start3A_102 = arith.constant 0 : i32
          %dma_start3A_103 = tpu.memref_slice %arg3[%add3A_97, %dma_start3A_102] : memref<160000x128xf32, #tpu.memory_space<hbm>> -> memref<80x128xf32, #tpu.memory_space<hbm>>
          %dma_start3A_104 = tpu.memref_slice %arg11[%sub3A_92] : memref<2x!tpu.dma_semaphore, #tpu.memory_space<semaphore_mem>> -> memref<1x!tpu.dma_semaphore, #tpu.memory_space<semaphore_mem>>
          %dma_start3A_105 = tpu.memref_squeeze %dma_start3A_104 : memref<1x!tpu.dma_semaphore, #tpu.memory_space<semaphore_mem>> -> memref<!tpu.dma_semaphore, #tpu.memory_space<semaphore_mem>>
          %dma_start3A_106 = arith.constant 0 : i32
          %dma_start3A_107 = arith.constant 0 : i32
          %dma_start3A_108 = tpu.memref_slice %arg9[%sub3A_92, %dma_start3A_106, %dma_start3A_107] : memref<2x80x128xf32, #tpu.memory_space<vmem>> -> memref<1x80x128xf32, #tpu.memory_space<vmem>>
          %dma_start3A_109 = tpu.memref_squeeze %dma_start3A_108 : memref<1x80x128xf32, #tpu.memory_space<vmem>> -> memref<80x128xf32, #tpu.memory_space<vmem>>
          %dma_start3A_110 = arith.constant 0 : i32
          %dma_start3A_111 = tpu.memref_slice %arg3[%add3A_97, %dma_start3A_110] : memref<160000x128xf32, #tpu.memory_space<hbm>> -> memref<80x128xf32, #tpu.memory_space<hbm>>
          tpu.enqueue_dma source(%dma_start3A_111 : memref<80x128xf32, #tpu.memory_space<hbm>>) target(%dma_start3A_109 : memref<80x128xf32, #tpu.memory_space<vmem>>) target_semaphore(%dma_start3A_105 : memref<!tpu.dma_semaphore, #tpu.memory_space<semaphore_mem>>)
        } else {
        }
        %mul3A_68 = arith.constant 10000 : i32
        %mul3A_69 = arith.muli %arg1, %mul3A_68 : i32
        %mul3A_70 = arith.constant 80 : i32
        %mul3A_71 = arith.muli %scan3A_50, %mul3A_70 : i32
        %add3A_72 = arith.addi %mul3A_69, %mul3A_71 : i32
        %dma_wait3A = arith.constant 0 : i32
        %dma_wait3A_73 = arith.constant 0 : i32
        %dma_wait3A_74 = tpu.memref_slice %arg9[%select_n3A_60, %dma_wait3A, %dma_wait3A_73] : memref<2x80x128xf32, #tpu.memory_space<vmem>> -> memref<1x80x128xf32, #tpu.memory_space<vmem>>
        %dma_wait3A_75 = tpu.memref_squeeze %dma_wait3A_74 : memref<1x80x128xf32, #tpu.memory_space<vmem>> -> memref<80x128xf32, #tpu.memory_space<vmem>>
        %dma_wait3A_76 = arith.constant 0 : i32
        %dma_wait3A_77 = tpu.memref_slice %arg3[%add3A_72, %dma_wait3A_76] : memref<160000x128xf32, #tpu.memory_space<hbm>> -> memref<80x128xf32, #tpu.memory_space<hbm>>
        %dma_wait3A_78 = tpu.memref_slice %arg11[%select_n3A_60] : memref<2x!tpu.dma_semaphore, #tpu.memory_space<semaphore_mem>> -> memref<1x!tpu.dma_semaphore, #tpu.memory_space<semaphore_mem>>
        %dma_wait3A_79 = tpu.memref_squeeze %dma_wait3A_78 : memref<1x!tpu.dma_semaphore, #tpu.memory_space<semaphore_mem>> -> memref<!tpu.dma_semaphore, #tpu.memory_space<semaphore_mem>>
        %dma_wait3A_80 = arith.constant 0 : i32
        %dma_wait3A_81 = arith.constant 0 : i32
        %dma_wait3A_82 = tpu.memref_slice %arg9[%select_n3A_60, %dma_wait3A_80, %dma_wait3A_81] : memref<2x80x128xf32, #tpu.memory_space<vmem>> -> memref<1x80x128xf32, #tpu.memory_space<vmem>>
        %dma_wait3A_83 = tpu.memref_squeeze %dma_wait3A_82 : memref<1x80x128xf32, #tpu.memory_space<vmem>> -> memref<80x128xf32, #tpu.memory_space<vmem>>
        %dma_wait3A_84 = arith.constant 0 : i32
        %dma_wait3A_85 = tpu.memref_slice %arg3[%add3A_72, %dma_wait3A_84] : memref<160000x128xf32, #tpu.memory_space<hbm>> -> memref<80x128xf32, #tpu.memory_space<hbm>>
        tpu.wait_dma2 semaphore(%dma_wait3A_79 : memref<!tpu.dma_semaphore, #tpu.memory_space<semaphore_mem>>) src(%dma_wait3A_85 : memref<80x128xf32, #tpu.memory_space<hbm>>) dst(%dma_wait3A_83 : memref<80x128xf32, #tpu.memory_space<vmem>>)
        %mul3A_86 = arith.constant 1 : i32
        %mul3A_87 = arith.muli %scan3A_50, %mul3A_86 : i32
        %add3A_88 = arith.constant 0 : i32
        %add3A_89 = arith.addi %mul3A_87, %add3A_88 : i32
        %run_scoped3A = arith.constant 0 : i32
        "tpu.region"() ({
          %run_scoped3A_90 = tpu.sem_alloc : memref<!tpu.dma_semaphore, #tpu.memory_space<semaphore_mem>>
          %dma_start3A_91 = arith.constant 0 : i32
          %dma_start3A_92 = arith.constant 0 : i32
          %dma_start3A_93 = tpu.memref_slice %arg9[%select_n3A_60, %dma_start3A_91, %dma_start3A_92] : memref<2x80x128xf32, #tpu.memory_space<vmem>> -> memref<1x80x128xf32, #tpu.memory_space<vmem>>
          %dma_start3A_94 = tpu.memref_squeeze %dma_start3A_93 : memref<1x80x128xf32, #tpu.memory_space<vmem>> -> memref<80x128xf32, #tpu.memory_space<vmem>>
          %dma_start3A_95 = arith.constant 0 : i32
          %dma_start3A_96 = tpu.memref_slice %arg8[%add3A_89, %run_scoped3A, %dma_start3A_95] : memref<125x1x80xi32, #tpu.memory_space<vmem>> -> memref<1x1x80xi32, #tpu.memory_space<vmem>>
          %dma_start3A_97 = tpu.memref_squeeze %dma_start3A_96 : memref<1x1x80xi32, #tpu.memory_space<vmem>> -> memref<80xi32, #tpu.memory_space<vmem>>
          %dma_start3A_98 = arith.constant 0 : i32
          %dma_start3A_99 = arith.constant 0 : i32
          %dma_start3A_100 = tpu.memref_slice %arg10[%dma_start3A_98, %dma_start3A_99] : memref<10000x128xf32, #tpu.memory_space<vmem_shared>> -> memref<10000x128xf32, #tpu.memory_space<vmem_shared>>
          tpu.enqueue_indirect_dma source(%dma_start3A_94 : memref<80x128xf32, #tpu.memory_space<vmem>>) target(%dma_start3A_100 : memref<10000x128xf32, #tpu.memory_space<vmem_shared>>) offsets(%dma_start3A_97 : memref<80xi32, #tpu.memory_space<vmem>>) semaphore(%run_scoped3A_90 : memref<!tpu.dma_semaphore, #tpu.memory_space<semaphore_mem>>) {add = true}
          %dma_wait3A_101 = arith.constant 0 : i32
          %dma_wait3A_102 = arith.constant 0 : i32
          %dma_wait3A_103 = tpu.memref_slice %arg9[%select_n3A_60, %dma_wait3A_101, %dma_wait3A_102] : memref<2x80x128xf32, #tpu.memory_space<vmem>> -> memref<1x80x128xf32, #tpu.memory_space<vmem>>
          %dma_wait3A_104 = tpu.memref_squeeze %dma_wait3A_103 : memref<1x80x128xf32, #tpu.memory_space<vmem>> -> memref<80x128xf32, #tpu.memory_space<vmem>>
          %dma_wait3A_105 = arith.constant 0 : i32
          %dma_wait3A_106 = tpu.memref_slice %arg8[%add3A_89, %run_scoped3A, %dma_wait3A_105] : memref<125x1x80xi32, #tpu.memory_space<vmem>> -> memref<1x1x80xi32, #tpu.memory_space<vmem>>
          %dma_wait3A_107 = tpu.memref_squeeze %dma_wait3A_106 : memref<1x1x80xi32, #tpu.memory_space<vmem>> -> memref<80xi32, #tpu.memory_space<vmem>>
          %dma_wait3A_108 = arith.constant 0 : i32
          %dma_wait3A_109 = arith.constant 0 : i32
          %dma_wait3A_110 = tpu.memref_slice %arg10[%dma_wait3A_108, %dma_wait3A_109] : memref<10000x128xf32, #tpu.memory_space<vmem_shared>> -> memref<10000x128xf32, #tpu.memory_space<vmem_shared>>
          tpu.wait_indirect_dma semaphore(%run_scoped3A_90 : memref<!tpu.dma_semaphore, #tpu.memory_space<semaphore_mem>>) src(%dma_wait3A_104 : memref<80x128xf32, #tpu.memory_space<vmem>>) dst(%dma_wait3A_110 : memref<10000x128xf32, #tpu.memory_space<vmem_shared>>)
          tpu.yield
        }) : () -> ()
      }
      %scan3A_49 = arith.constant 125 : i32
    } else {
    }
    %barrier3A_15 = arith.constant 0 : index
    tpu.barrier barrier_id(%barrier3A_15)
    %eq3A_16 = arith.constant 0 : i32
    %eq3A_17 = arith.cmpi eq, %arg0, %eq3A_16 : i32
    %convert_element_type3A_18 = arith.extui %eq3A_17 : i1 to i32
    %cond3A_19 = arith.constant 0 : i32
    %cond3A_20 = arith.cmpi ne, %convert_element_type3A_18, %cond3A_19 : i32
    scf.if %cond3A_20 {
      "tpu.region"() ({
        %run_scoped3A = tpu.sem_alloc : memref<!tpu.dma_semaphore, #tpu.memory_space<semaphore_mem>>
        %dma_start3A = arith.constant 0 : i32
        %dma_start3A_30 = tpu.memref_slice %arg6[%mul3A_0, %dma_start3A] : memref<10000x128xf32, #tpu.memory_space<hbm>> -> memref<624x128xf32, #tpu.memory_space<hbm>>
        %dma_start3A_31 = arith.constant 0 : i32
        %dma_start3A_32 = tpu.memref_slice %arg10[%mul3A_0, %dma_start3A_31] : memref<10000x128xf32, #tpu.memory_space<vmem_shared>> -> memref<624x128xf32, #tpu.memory_space<vmem_shared>>
        tpu.enqueue_dma source(%dma_start3A_32 : memref<624x128xf32, #tpu.memory_space<vmem_shared>>) target(%dma_start3A_30 : memref<624x128xf32, #tpu.memory_space<hbm>>) target_semaphore(%run_scoped3A : memref<!tpu.dma_semaphore, #tpu.memory_space<semaphore_mem>>)
        %dma_wait3A = arith.constant 0 : i32
        %dma_wait3A_33 = tpu.memref_slice %arg6[%mul3A_0, %dma_wait3A] : memref<10000x128xf32, #tpu.memory_space<hbm>> -> memref<624x128xf32, #tpu.memory_space<hbm>>
        %dma_wait3A_34 = arith.constant 0 : i32
        %dma_wait3A_35 = tpu.memref_slice %arg10[%mul3A_0, %dma_wait3A_34] : memref<10000x128xf32, #tpu.memory_space<vmem_shared>> -> memref<624x128xf32, #tpu.memory_space<vmem_shared>>
        tpu.wait_dma2 semaphore(%run_scoped3A : memref<!tpu.dma_semaphore, #tpu.memory_space<semaphore_mem>>) src(%dma_wait3A_35 : memref<624x128xf32, #tpu.memory_space<vmem_shared>>) dst(%dma_wait3A_33 : memref<624x128xf32, #tpu.memory_space<hbm>>)
        tpu.yield
      }) : () -> ()
      %convert_element_type3A_27 = arith.extui %eq3A_1 : i1 to i32
      %cond3A_28 = arith.constant 0 : i32
      %cond3A_29 = arith.cmpi ne, %convert_element_type3A_27, %cond3A_28 : i32
      scf.if %cond3A_29 {
        "tpu.region"() ({
          %run_scoped3A = tpu.sem_alloc : memref<!tpu.dma_semaphore, #tpu.memory_space<semaphore_mem>>
          %dma_start3A = arith.constant 9984 : i32
          %dma_start3A_30 = arith.constant 0 : i32
          %dma_start3A_31 = tpu.memref_slice %arg6[%dma_start3A, %dma_start3A_30] : memref<10000x128xf32, #tpu.memory_space<hbm>> -> memref<16x128xf32, #tpu.memory_space<hbm>>
          %dma_start3A_32 = arith.constant 9984 : i32
          %dma_start3A_33 = arith.constant 0 : i32
          %dma_start3A_34 = tpu.memref_slice %arg10[%dma_start3A_32, %dma_start3A_33] : memref<10000x128xf32, #tpu.memory_space<vmem_shared>> -> memref<16x128xf32, #tpu.memory_space<vmem_shared>>
          tpu.enqueue_dma source(%dma_start3A_34 : memref<16x128xf32, #tpu.memory_space<vmem_shared>>) target(%dma_start3A_31 : memref<16x128xf32, #tpu.memory_space<hbm>>) target_semaphore(%run_scoped3A : memref<!tpu.dma_semaphore, #tpu.memory_space<semaphore_mem>>)
          %dma_wait3A = arith.constant 9984 : i32
          %dma_wait3A_35 = arith.constant 0 : i32
          %dma_wait3A_36 = tpu.memref_slice %arg6[%dma_wait3A, %dma_wait3A_35] : memref<10000x128xf32, #tpu.memory_space<hbm>> -> memref<16x128xf32, #tpu.memory_space<hbm>>
          %dma_wait3A_37 = arith.constant 9984 : i32
          %dma_wait3A_38 = arith.constant 0 : i32
          %dma_wait3A_39 = tpu.memref_slice %arg10[%dma_wait3A_37, %dma_wait3A_38] : memref<10000x128xf32, #tpu.memory_space<vmem_shared>> -> memref<16x128xf32, #tpu.memory_space<vmem_shared>>
          tpu.wait_dma2 semaphore(%run_scoped3A : memref<!tpu.dma_semaphore, #tpu.memory_space<semaphore_mem>>) src(%dma_wait3A_39 : memref<16x128xf32, #tpu.memory_space<vmem_shared>>) dst(%dma_wait3A_36 : memref<16x128xf32, #tpu.memory_space<hbm>>)
          tpu.yield
        }) : () -> ()
      } else {
      }
    } else {
    }
    %eq3A_21 = arith.constant 1 : i32
    %eq3A_22 = arith.cmpi eq, %arg0, %eq3A_21 : i32
    %convert_element_type3A_23 = arith.extui %eq3A_22 : i1 to i32
    %cond3A_24 = arith.constant 0 : i32
    %cond3A_25 = arith.cmpi ne, %convert_element_type3A_23, %cond3A_24 : i32
    scf.if %cond3A_25 {
      "tpu.region"() ({
        %run_scoped3A = tpu.sem_alloc : memref<!tpu.dma_semaphore, #tpu.memory_space<semaphore_mem>>
        %dma_start3A = arith.constant 0 : i32
        %dma_start3A_30 = tpu.memref_slice %arg7[%mul3A_0, %dma_start3A] : memref<10000x128xf32, #tpu.memory_space<hbm>> -> memref<624x128xf32, #tpu.memory_space<hbm>>
        %dma_start3A_31 = arith.constant 0 : i32
        %dma_start3A_32 = tpu.memref_slice %arg10[%mul3A_0, %dma_start3A_31] : memref<10000x128xf32, #tpu.memory_space<vmem_shared>> -> memref<624x128xf32, #tpu.memory_space<vmem_shared>>
        tpu.enqueue_dma source(%dma_start3A_32 : memref<624x128xf32, #tpu.memory_space<vmem_shared>>) target(%dma_start3A_30 : memref<624x128xf32, #tpu.memory_space<hbm>>) target_semaphore(%run_scoped3A : memref<!tpu.dma_semaphore, #tpu.memory_space<semaphore_mem>>)
        %dma_wait3A = arith.constant 0 : i32
        %dma_wait3A_33 = tpu.memref_slice %arg7[%mul3A_0, %dma_wait3A] : memref<10000x128xf32, #tpu.memory_space<hbm>> -> memref<624x128xf32, #tpu.memory_space<hbm>>
        %dma_wait3A_34 = arith.constant 0 : i32
        %dma_wait3A_35 = tpu.memref_slice %arg10[%mul3A_0, %dma_wait3A_34] : memref<10000x128xf32, #tpu.memory_space<vmem_shared>> -> memref<624x128xf32, #tpu.memory_space<vmem_shared>>
        tpu.wait_dma2 semaphore(%run_scoped3A : memref<!tpu.dma_semaphore, #tpu.memory_space<semaphore_mem>>) src(%dma_wait3A_35 : memref<624x128xf32, #tpu.memory_space<vmem_shared>>) dst(%dma_wait3A_33 : memref<624x128xf32, #tpu.memory_space<hbm>>)
        tpu.yield
      }) : () -> ()
      %convert_element_type3A_27 = arith.extui %eq3A_1 : i1 to i32
      %cond3A_28 = arith.constant 0 : i32
      %cond3A_29 = arith.cmpi ne, %convert_element_type3A_27, %cond3A_28 : i32
      scf.if %cond3A_29 {
        "tpu.region"() ({
          %run_scoped3A = tpu.sem_alloc : memref<!tpu.dma_semaphore, #tpu.memory_space<semaphore_mem>>
          %dma_start3A = arith.constant 9984 : i32
          %dma_start3A_30 = arith.constant 0 : i32
          %dma_start3A_31 = tpu.memref_slice %arg7[%dma_start3A, %dma_start3A_30] : memref<10000x128xf32, #tpu.memory_space<hbm>> -> memref<16x128xf32, #tpu.memory_space<hbm>>
          %dma_start3A_32 = arith.constant 9984 : i32
          %dma_start3A_33 = arith.constant 0 : i32
          %dma_start3A_34 = tpu.memref_slice %arg10[%dma_start3A_32, %dma_start3A_33] : memref<10000x128xf32, #tpu.memory_space<vmem_shared>> -> memref<16x128xf32, #tpu.memory_space<vmem_shared>>
          tpu.enqueue_dma source(%dma_start3A_34 : memref<16x128xf32, #tpu.memory_space<vmem_shared>>) target(%dma_start3A_31 : memref<16x128xf32, #tpu.memory_space<hbm>>) target_semaphore(%run_scoped3A : memref<!tpu.dma_semaphore, #tpu.memory_space<semaphore_mem>>)
          %dma_wait3A = arith.constant 9984 : i32
          %dma_wait3A_35 = arith.constant 0 : i32
          %dma_wait3A_36 = tpu.memref_slice %arg7[%dma_wait3A, %dma_wait3A_35] : memref<10000x128xf32, #tpu.memory_space<hbm>> -> memref<16x128xf32, #tpu.memory_space<hbm>>
          %dma_wait3A_37 = arith.constant 9984 : i32
          %dma_wait3A_38 = arith.constant 0 : i32
          %dma_wait3A_39 = tpu.memref_slice %arg10[%dma_wait3A_37, %dma_wait3A_38] : memref<10000x128xf32, #tpu.memory_space<vmem_shared>> -> memref<16x128xf32, #tpu.memory_space<vmem_shared>>
          tpu.wait_dma2 semaphore(%run_scoped3A : memref<!tpu.dma_semaphore, #tpu.memory_space<semaphore_mem>>) src(%dma_wait3A_39 : memref<16x128xf32, #tpu.memory_space<vmem_shared>>) dst(%dma_wait3A_36 : memref<16x128xf32, #tpu.memory_space<hbm>>)
          tpu.yield
        }) : () -> ()
      } else {
      }
    } else {
    }
    %barrier3A_26 = arith.constant 0 : index
    tpu.barrier barrier_id(%barrier3A_26)
    return
  }
}

#map = affine_map<(d0, d1) -> (0, 0)>
#map1 = affine_map<(d0, d1) -> (0, 0, 0)>
module attributes {stable_mosaic.version = 14 : i64} {
  func.func @edge_scatter(%arg0: i32, %arg1: i32, %arg2: memref<160000x128xf32, #tpu.memory_space<hbm>>, %arg3: memref<160000x128xf32, #tpu.memory_space<hbm>>, %arg4: memref<2000x1x80xi32, #tpu.memory_space<hbm>>, %arg5: memref<10000x128xf32, #tpu.memory_space<hbm>>, %arg6: memref<10000x128xf32, #tpu.memory_space<hbm>>, %arg7: memref<10000x128xf32, #tpu.memory_space<hbm>>, %arg8: memref<125x1x80xi32, #tpu.memory_space<vmem>>, %arg9: memref<2x80x128xf32, #tpu.memory_space<vmem>>, %arg10: memref<10000x128xf32, #tpu.memory_space<vmem_shared>>, %arg11: memref<2x!tpu.dma_semaphore, #tpu.memory_space<semaphore_mem>>) attributes {dimension_semantics = [#tpu.dimension_semantics<core_parallel>, #tpu.dimension_semantics<subcore_parallel>], iteration_bounds = array<i64: 2, 16>, scalar_prefetch = 0 : i64, scratch_operands = 4 : i64, tpu.core_type = #tpu.core_type<sc_vector_subcore>, window_params = [{transform_indices = #map}, {transform_indices = #map}, {transform_indices = #map1}, {transform_indices = #map}, {transform_indices = #map}, {transform_indices = #map}]} {
    %mul3A = arith.constant 624 : i32
    %mul3A_0 = arith.muli %arg1, %mul3A : i32
    %eq3A = arith.constant 15 : i32
    %eq3A_1 = arith.cmpi eq, %arg1, %eq3A : i32
    %mul3A_2 = arith.constant 125 : i32
    %mul3A_3 = arith.muli %arg1, %mul3A_2 : i32
    "tpu.region"() ({
      %run_scoped3A = tpu.sem_alloc : memref<!tpu.dma_semaphore, #tpu.memory_space<semaphore_mem>>
      %dma_start3A = arith.constant 0 : i32
      %dma_start3A_27 = arith.constant 0 : i32
      %dma_start3A_28 = tpu.memref_slice %arg4[%mul3A_3, %dma_start3A, %dma_start3A_27] : memref<2000x1x80xi32, #tpu.memory_space<hbm>> -> memref<125x1x80xi32, #tpu.memory_space<hbm>>
      %dma_start3A_29 = arith.constant 0 : i32
      %dma_start3A_30 = arith.constant 0 : i32
      %dma_start3A_31 = tpu.memref_slice %arg4[%mul3A_3, %dma_start3A_29, %dma_start3A_30] : memref<2000x1x80xi32, #tpu.memory_space<hbm>> -> memref<125x1x80xi32, #tpu.memory_space<hbm>>
      tpu.enqueue_dma source(%dma_start3A_31 : memref<125x1x80xi32, #tpu.memory_space<hbm>>) target(%arg8 : memref<125x1x80xi32, #tpu.memory_space<vmem>>) target_semaphore(%run_scoped3A : memref<!tpu.dma_semaphore, #tpu.memory_space<semaphore_mem>>)
      %dma_wait3A = arith.constant 0 : i32
      %dma_wait3A_32 = arith.constant 0 : i32
      %dma_wait3A_33 = tpu.memref_slice %arg4[%mul3A_3, %dma_wait3A, %dma_wait3A_32] : memref<2000x1x80xi32, #tpu.memory_space<hbm>> -> memref<125x1x80xi32, #tpu.memory_space<hbm>>
      %dma_wait3A_34 = arith.constant 0 : i32
      %dma_wait3A_35 = arith.constant 0 : i32
      %dma_wait3A_36 = tpu.memref_slice %arg4[%mul3A_3, %dma_wait3A_34, %dma_wait3A_35] : memref<2000x1x80xi32, #tpu.memory_space<hbm>> -> memref<125x1x80xi32, #tpu.memory_space<hbm>>
      tpu.wait_dma2 semaphore(%run_scoped3A : memref<!tpu.dma_semaphore, #tpu.memory_space<semaphore_mem>>) src(%dma_wait3A_36 : memref<125x1x80xi32, #tpu.memory_space<hbm>>) dst(%arg8 : memref<125x1x80xi32, #tpu.memory_space<vmem>>)
      tpu.yield
    }) : () -> ()
    "tpu.region"() ({
      %run_scoped3A = tpu.sem_alloc : memref<!tpu.dma_semaphore, #tpu.memory_space<semaphore_mem>>
      %dma_start3A = arith.constant 0 : i32
      %dma_start3A_27 = tpu.memref_slice %arg10[%mul3A_0, %dma_start3A] : memref<10000x128xf32, #tpu.memory_space<vmem_shared>> -> memref<624x128xf32, #tpu.memory_space<vmem_shared>>
      %dma_start3A_28 = arith.constant 0 : i32
      %dma_start3A_29 = tpu.memref_slice %arg5[%mul3A_0, %dma_start3A_28] : memref<10000x128xf32, #tpu.memory_space<hbm>> -> memref<624x128xf32, #tpu.memory_space<hbm>>
      tpu.enqueue_dma source(%dma_start3A_29 : memref<624x128xf32, #tpu.memory_space<hbm>>) target(%dma_start3A_27 : memref<624x128xf32, #tpu.memory_space<vmem_shared>>) target_semaphore(%run_scoped3A : memref<!tpu.dma_semaphore, #tpu.memory_space<semaphore_mem>>)
      %dma_wait3A = arith.constant 0 : i32
      %dma_wait3A_30 = tpu.memref_slice %arg10[%mul3A_0, %dma_wait3A] : memref<10000x128xf32, #tpu.memory_space<vmem_shared>> -> memref<624x128xf32, #tpu.memory_space<vmem_shared>>
      %dma_wait3A_31 = arith.constant 0 : i32
      %dma_wait3A_32 = tpu.memref_slice %arg5[%mul3A_0, %dma_wait3A_31] : memref<10000x128xf32, #tpu.memory_space<hbm>> -> memref<624x128xf32, #tpu.memory_space<hbm>>
      tpu.wait_dma2 semaphore(%run_scoped3A : memref<!tpu.dma_semaphore, #tpu.memory_space<semaphore_mem>>) src(%dma_wait3A_32 : memref<624x128xf32, #tpu.memory_space<hbm>>) dst(%dma_wait3A_30 : memref<624x128xf32, #tpu.memory_space<vmem_shared>>)
      tpu.yield
    }) : () -> ()
    %convert_element_type3A = arith.extui %eq3A_1 : i1 to i32
    %cond3A = arith.constant 0 : i32
    %cond3A_4 = arith.cmpi ne, %convert_element_type3A, %cond3A : i32
    scf.if %cond3A_4 {
      "tpu.region"() ({
        %run_scoped3A = tpu.sem_alloc : memref<!tpu.dma_semaphore, #tpu.memory_space<semaphore_mem>>
        %dma_start3A = arith.constant 9984 : i32
        %dma_start3A_27 = arith.constant 0 : i32
        %dma_start3A_28 = tpu.memref_slice %arg10[%dma_start3A, %dma_start3A_27] : memref<10000x128xf32, #tpu.memory_space<vmem_shared>> -> memref<16x128xf32, #tpu.memory_space<vmem_shared>>
        %dma_start3A_29 = arith.constant 9984 : i32
        %dma_start3A_30 = arith.constant 0 : i32
        %dma_start3A_31 = tpu.memref_slice %arg5[%dma_start3A_29, %dma_start3A_30] : memref<10000x128xf32, #tpu.memory_space<hbm>> -> memref<16x128xf32, #tpu.memory_space<hbm>>
        tpu.enqueue_dma source(%dma_start3A_31 : memref<16x128xf32, #tpu.memory_space<hbm>>) target(%dma_start3A_28 : memref<16x128xf32, #tpu.memory_space<vmem_shared>>) target_semaphore(%run_scoped3A : memref<!tpu.dma_semaphore, #tpu.memory_space<semaphore_mem>>)
        %dma_wait3A = arith.constant 9984 : i32
        %dma_wait3A_32 = arith.constant 0 : i32
        %dma_wait3A_33 = tpu.memref_slice %arg10[%dma_wait3A, %dma_wait3A_32] : memref<10000x128xf32, #tpu.memory_space<vmem_shared>> -> memref<16x128xf32, #tpu.memory_space<vmem_shared>>
        %dma_wait3A_34 = arith.constant 9984 : i32
        %dma_wait3A_35 = arith.constant 0 : i32
        %dma_wait3A_36 = tpu.memref_slice %arg5[%dma_wait3A_34, %dma_wait3A_35] : memref<10000x128xf32, #tpu.memory_space<hbm>> -> memref<16x128xf32, #tpu.memory_space<hbm>>
        tpu.wait_dma2 semaphore(%run_scoped3A : memref<!tpu.dma_semaphore, #tpu.memory_space<semaphore_mem>>) src(%dma_wait3A_36 : memref<16x128xf32, #tpu.memory_space<hbm>>) dst(%dma_wait3A_33 : memref<16x128xf32, #tpu.memory_space<vmem_shared>>)
        tpu.yield
      }) : () -> ()
    } else {
    }
    %barrier3A = arith.constant 0 : index
    tpu.barrier barrier_id(%barrier3A)
    %eq3A_5 = arith.constant 0 : i32
    %eq3A_6 = arith.cmpi eq, %arg0, %eq3A_5 : i32
    %convert_element_type3A_7 = arith.extui %eq3A_6 : i1 to i32
    %cond3A_8 = arith.constant 0 : i32
    %cond3A_9 = arith.cmpi ne, %convert_element_type3A_7, %cond3A_8 : i32
    scf.if %cond3A_9 {
      %mul3A_27 = arith.constant 10000 : i32
      %mul3A_28 = arith.muli %arg1, %mul3A_27 : i32
      %add3A = arith.constant 0 : i32
      %add3A_29 = arith.addi %mul3A_28, %add3A : i32
      %dma_start3A = arith.constant 0 : i32
      %dma_start3A_30 = arith.constant 0 : i32
      %dma_start3A_31 = arith.constant 0 : i32
      %dma_start3A_32 = arith.constant 0 : i32
      %dma_start3A_33 = tpu.memref_slice %arg9[%dma_start3A, %dma_start3A_31, %dma_start3A_32] : memref<2x80x128xf32, #tpu.memory_space<vmem>> -> memref<1x80x128xf32, #tpu.memory_space<vmem>>
      %dma_start3A_34 = tpu.memref_squeeze %dma_start3A_33 : memref<1x80x128xf32, #tpu.memory_space<vmem>> -> memref<80x128xf32, #tpu.memory_space<vmem>>
      %dma_start3A_35 = arith.constant 0 : i32
      %dma_start3A_36 = tpu.memref_slice %arg2[%add3A_29, %dma_start3A_35] : memref<160000x128xf32, #tpu.memory_space<hbm>> -> memref<80x128xf32, #tpu.memory_space<hbm>>
      %dma_start3A_37 = tpu.memref_slice %arg11[%dma_start3A_30] : memref<2x!tpu.dma_semaphore, #tpu.memory_space<semaphore_mem>> -> memref<1x!tpu.dma_semaphore, #tpu.memory_space<semaphore_mem>>
      %dma_start3A_38 = tpu.memref_squeeze %dma_start3A_37 : memref<1x!tpu.dma_semaphore, #tpu.memory_space<semaphore_mem>> -> memref<!tpu.dma_semaphore, #tpu.memory_space<semaphore_mem>>
      %dma_start3A_39 = arith.constant 0 : i32
      %dma_start3A_40 = arith.constant 0 : i32
      %dma_start3A_41 = tpu.memref_slice %arg9[%dma_start3A, %dma_start3A_39, %dma_start3A_40] : memref<2x80x128xf32, #tpu.memory_space<vmem>> -> memref<1x80x128xf32, #tpu.memory_space<vmem>>
      %dma_start3A_42 = tpu.memref_squeeze %dma_start3A_41 : memref<1x80x128xf32, #tpu.memory_space<vmem>> -> memref<80x128xf32, #tpu.memory_space<vmem>>
      %dma_start3A_43 = arith.constant 0 : i32
      %dma_start3A_44 = tpu.memref_slice %arg2[%add3A_29, %dma_start3A_43] : memref<160000x128xf32, #tpu.memory_space<hbm>> -> memref<80x128xf32, #tpu.memory_space<hbm>>
      tpu.enqueue_dma source(%dma_start3A_44 : memref<80x128xf32, #tpu.memory_space<hbm>>) target(%dma_start3A_42 : memref<80x128xf32, #tpu.memory_space<vmem>>) target_semaphore(%dma_start3A_38 : memref<!tpu.dma_semaphore, #tpu.memory_space<semaphore_mem>>)
      %scan3A = arith.constant 0 : i32
      %scan3A_45 = arith.constant 0 : i32
      %scan3A_46 = arith.constant 125 : i32
      %scan3A_47 = arith.addi %scan3A_45, %scan3A_46 : i32
      %scan3A_48 = arith.constant 1 : i32
      scf.for %scan3A_50 = %scan3A_45 to %scan3A_47 step %scan3A_48  : i32 {
        %jit3A = arith.constant 2 : i32
        %eq3A_51 = arith.constant 0 : i32
        %eq3A_52 = arith.cmpi eq, %jit3A, %eq3A_51 : i32
        %jit3A_53 = arith.constant 1 : i32
        %select_n3A = arith.select %eq3A_52, %jit3A_53, %jit3A : i32
        %rem3A = arith.remsi %scan3A_50, %select_n3A : i32
        %ne3A = arith.constant 0 : i32
        %ne3A_54 = arith.cmpi ne, %rem3A, %ne3A : i32
        %lt3A = arith.constant 0 : i32
        %lt3A_55 = arith.cmpi slt, %rem3A, %lt3A : i32
        %lt3A_56 = arith.constant 0 : i32
        %lt3A_57 = arith.cmpi slt, %select_n3A, %lt3A_56 : i32
        %ne3A_58 = arith.xori %lt3A_55, %lt3A_57 : i1
        %and3A = arith.andi %ne3A_58, %ne3A_54 : i1
        %add3A_59 = arith.addi %rem3A, %select_n3A : i32
        %select_n3A_60 = arith.select %and3A, %add3A_59, %rem3A : i32
        %add3A_61 = arith.constant 1 : i32
        %add3A_62 = arith.addi %scan3A_50, %add3A_61 : i32
        %lt3A_63 = arith.constant 125 : i32
        %lt3A_64 = arith.cmpi slt, %add3A_62, %lt3A_63 : i32
        %convert_element_type3A_65 = arith.extui %lt3A_64 : i1 to i32
        %cond3A_66 = arith.constant 0 : i32
        %cond3A_67 = arith.cmpi ne, %convert_element_type3A_65, %cond3A_66 : i32
        scf.if %cond3A_67 {
          %add3A_90 = arith.constant 1 : i32
          %add3A_91 = arith.addi %scan3A_50, %add3A_90 : i32
          %sub3A = arith.constant 1 : i32
          %sub3A_92 = arith.subi %sub3A, %select_n3A_60 : i32
          %mul3A_93 = arith.constant 10000 : i32
          %mul3A_94 = arith.muli %arg1, %mul3A_93 : i32
          %mul3A_95 = arith.constant 80 : i32
          %mul3A_96 = arith.muli %add3A_91, %mul3A_95 : i32
          %add3A_97 = arith.addi %mul3A_94, %mul3A_96 : i32
          %dma_start3A_98 = arith.constant 0 : i32
          %dma_start3A_99 = arith.constant 0 : i32
          %dma_start3A_100 = tpu.memref_slice %arg9[%sub3A_92, %dma_start3A_98, %dma_start3A_99] : memref<2x80x128xf32, #tpu.memory_space<vmem>> -> memref<1x80x128xf32, #tpu.memory_space<vmem>>
          %dma_start3A_101 = tpu.memref_squeeze %dma_start3A_100 : memref<1x80x128xf32, #tpu.memory_space<vmem>> -> memref<80x128xf32, #tpu.memory_space<vmem>>
          %dma_start3A_102 = arith.constant 0 : i32
          %dma_start3A_103 = tpu.memref_slice %arg2[%add3A_97, %dma_start3A_102] : memref<160000x128xf32, #tpu.memory_space<hbm>> -> memref<80x128xf32, #tpu.memory_space<hbm>>
          %dma_start3A_104 = tpu.memref_slice %arg11[%sub3A_92] : memref<2x!tpu.dma_semaphore, #tpu.memory_space<semaphore_mem>> -> memref<1x!tpu.dma_semaphore, #tpu.memory_space<semaphore_mem>>
          %dma_start3A_105 = tpu.memref_squeeze %dma_start3A_104 : memref<1x!tpu.dma_semaphore, #tpu.memory_space<semaphore_mem>> -> memref<!tpu.dma_semaphore, #tpu.memory_space<semaphore_mem>>
          %dma_start3A_106 = arith.constant 0 : i32
          %dma_start3A_107 = arith.constant 0 : i32
          %dma_start3A_108 = tpu.memref_slice %arg9[%sub3A_92, %dma_start3A_106, %dma_start3A_107] : memref<2x80x128xf32, #tpu.memory_space<vmem>> -> memref<1x80x128xf32, #tpu.memory_space<vmem>>
          %dma_start3A_109 = tpu.memref_squeeze %dma_start3A_108 : memref<1x80x128xf32, #tpu.memory_space<vmem>> -> memref<80x128xf32, #tpu.memory_space<vmem>>
          %dma_start3A_110 = arith.constant 0 : i32
          %dma_start3A_111 = tpu.memref_slice %arg2[%add3A_97, %dma_start3A_110] : memref<160000x128xf32, #tpu.memory_space<hbm>> -> memref<80x128xf32, #tpu.memory_space<hbm>>
          tpu.enqueue_dma source(%dma_start3A_111 : memref<80x128xf32, #tpu.memory_space<hbm>>) target(%dma_start3A_109 : memref<80x128xf32, #tpu.memory_space<vmem>>) target_semaphore(%dma_start3A_105 : memref<!tpu.dma_semaphore, #tpu.memory_space<semaphore_mem>>)
        } else {
        }
        %mul3A_68 = arith.constant 10000 : i32
        %mul3A_69 = arith.muli %arg1, %mul3A_68 : i32
        %mul3A_70 = arith.constant 80 : i32
        %mul3A_71 = arith.muli %scan3A_50, %mul3A_70 : i32
        %add3A_72 = arith.addi %mul3A_69, %mul3A_71 : i32
        %dma_wait3A = arith.constant 0 : i32
        %dma_wait3A_73 = arith.constant 0 : i32
        %dma_wait3A_74 = tpu.memref_slice %arg9[%select_n3A_60, %dma_wait3A, %dma_wait3A_73] : memref<2x80x128xf32, #tpu.memory_space<vmem>> -> memref<1x80x128xf32, #tpu.memory_space<vmem>>
        %dma_wait3A_75 = tpu.memref_squeeze %dma_wait3A_74 : memref<1x80x128xf32, #tpu.memory_space<vmem>> -> memref<80x128xf32, #tpu.memory_space<vmem>>
        %dma_wait3A_76 = arith.constant 0 : i32
        %dma_wait3A_77 = tpu.memref_slice %arg2[%add3A_72, %dma_wait3A_76] : memref<160000x128xf32, #tpu.memory_space<hbm>> -> memref<80x128xf32, #tpu.memory_space<hbm>>
        %dma_wait3A_78 = tpu.memref_slice %arg11[%select_n3A_60] : memref<2x!tpu.dma_semaphore, #tpu.memory_space<semaphore_mem>> -> memref<1x!tpu.dma_semaphore, #tpu.memory_space<semaphore_mem>>
        %dma_wait3A_79 = tpu.memref_squeeze %dma_wait3A_78 : memref<1x!tpu.dma_semaphore, #tpu.memory_space<semaphore_mem>> -> memref<!tpu.dma_semaphore, #tpu.memory_space<semaphore_mem>>
        %dma_wait3A_80 = arith.constant 0 : i32
        %dma_wait3A_81 = arith.constant 0 : i32
        %dma_wait3A_82 = tpu.memref_slice %arg9[%select_n3A_60, %dma_wait3A_80, %dma_wait3A_81] : memref<2x80x128xf32, #tpu.memory_space<vmem>> -> memref<1x80x128xf32, #tpu.memory_space<vmem>>
        %dma_wait3A_83 = tpu.memref_squeeze %dma_wait3A_82 : memref<1x80x128xf32, #tpu.memory_space<vmem>> -> memref<80x128xf32, #tpu.memory_space<vmem>>
        %dma_wait3A_84 = arith.constant 0 : i32
        %dma_wait3A_85 = tpu.memref_slice %arg2[%add3A_72, %dma_wait3A_84] : memref<160000x128xf32, #tpu.memory_space<hbm>> -> memref<80x128xf32, #tpu.memory_space<hbm>>
        tpu.wait_dma2 semaphore(%dma_wait3A_79 : memref<!tpu.dma_semaphore, #tpu.memory_space<semaphore_mem>>) src(%dma_wait3A_85 : memref<80x128xf32, #tpu.memory_space<hbm>>) dst(%dma_wait3A_83 : memref<80x128xf32, #tpu.memory_space<vmem>>)
        %mul3A_86 = arith.constant 1 : i32
        %mul3A_87 = arith.muli %scan3A_50, %mul3A_86 : i32
        %add3A_88 = arith.constant 0 : i32
        %add3A_89 = arith.addi %mul3A_87, %add3A_88 : i32
        %run_scoped3A = arith.constant 0 : i32
        "tpu.region"() ({
          %run_scoped3A_90 = tpu.sem_alloc : memref<!tpu.dma_semaphore, #tpu.memory_space<semaphore_mem>>
          %dma_start3A_91 = arith.constant 0 : i32
          %dma_start3A_92 = arith.constant 0 : i32
          %dma_start3A_93 = tpu.memref_slice %arg9[%select_n3A_60, %dma_start3A_91, %dma_start3A_92] : memref<2x80x128xf32, #tpu.memory_space<vmem>> -> memref<1x80x128xf32, #tpu.memory_space<vmem>>
          %dma_start3A_94 = tpu.memref_squeeze %dma_start3A_93 : memref<1x80x128xf32, #tpu.memory_space<vmem>> -> memref<80x128xf32, #tpu.memory_space<vmem>>
          %dma_start3A_95 = arith.constant 0 : i32
          %dma_start3A_96 = tpu.memref_slice %arg8[%add3A_89, %run_scoped3A, %dma_start3A_95] : memref<125x1x80xi32, #tpu.memory_space<vmem>> -> memref<1x1x80xi32, #tpu.memory_space<vmem>>
          %dma_start3A_97 = tpu.memref_squeeze %dma_start3A_96 : memref<1x1x80xi32, #tpu.memory_space<vmem>> -> memref<80xi32, #tpu.memory_space<vmem>>
          %dma_start3A_98 = arith.constant 0 : i32
          %dma_start3A_99 = arith.constant 0 : i32
          %dma_start3A_100 = tpu.memref_slice %arg10[%dma_start3A_98, %dma_start3A_99] : memref<10000x128xf32, #tpu.memory_space<vmem_shared>> -> memref<10000x128xf32, #tpu.memory_space<vmem_shared>>
          tpu.enqueue_indirect_dma source(%dma_start3A_94 : memref<80x128xf32, #tpu.memory_space<vmem>>) target(%dma_start3A_100 : memref<10000x128xf32, #tpu.memory_space<vmem_shared>>) offsets(%dma_start3A_97 : memref<80xi32, #tpu.memory_space<vmem>>) semaphore(%run_scoped3A_90 : memref<!tpu.dma_semaphore, #tpu.memory_space<semaphore_mem>>) {add = true}
          %dma_wait3A_101 = arith.constant 0 : i32
          %dma_wait3A_102 = arith.constant 0 : i32
          %dma_wait3A_103 = tpu.memref_slice %arg9[%select_n3A_60, %dma_wait3A_101, %dma_wait3A_102] : memref<2x80x128xf32, #tpu.memory_space<vmem>> -> memref<1x80x128xf32, #tpu.memory_space<vmem>>
          %dma_wait3A_104 = tpu.memref_squeeze %dma_wait3A_103 : memref<1x80x128xf32, #tpu.memory_space<vmem>> -> memref<80x128xf32, #tpu.memory_space<vmem>>
          %dma_wait3A_105 = arith.constant 0 : i32
          %dma_wait3A_106 = tpu.memref_slice %arg8[%add3A_89, %run_scoped3A, %dma_wait3A_105] : memref<125x1x80xi32, #tpu.memory_space<vmem>> -> memref<1x1x80xi32, #tpu.memory_space<vmem>>
          %dma_wait3A_107 = tpu.memref_squeeze %dma_wait3A_106 : memref<1x1x80xi32, #tpu.memory_space<vmem>> -> memref<80xi32, #tpu.memory_space<vmem>>
          %dma_wait3A_108 = arith.constant 0 : i32
          %dma_wait3A_109 = arith.constant 0 : i32
          %dma_wait3A_110 = tpu.memref_slice %arg10[%dma_wait3A_108, %dma_wait3A_109] : memref<10000x128xf32, #tpu.memory_space<vmem_shared>> -> memref<10000x128xf32, #tpu.memory_space<vmem_shared>>
          tpu.wait_indirect_dma semaphore(%run_scoped3A_90 : memref<!tpu.dma_semaphore, #tpu.memory_space<semaphore_mem>>) src(%dma_wait3A_104 : memref<80x128xf32, #tpu.memory_space<vmem>>) dst(%dma_wait3A_110 : memref<10000x128xf32, #tpu.memory_space<vmem_shared>>)
          tpu.yield
        }) : () -> ()
      }
      %scan3A_49 = arith.constant 125 : i32
    } else {
    }
    %eq3A_10 = arith.constant 1 : i32
    %eq3A_11 = arith.cmpi eq, %arg0, %eq3A_10 : i32
    %convert_element_type3A_12 = arith.extui %eq3A_11 : i1 to i32
    %cond3A_13 = arith.constant 0 : i32
    %cond3A_14 = arith.cmpi ne, %convert_element_type3A_12, %cond3A_13 : i32
    scf.if %cond3A_14 {
      %mul3A_27 = arith.constant 10000 : i32
      %mul3A_28 = arith.muli %arg1, %mul3A_27 : i32
      %add3A = arith.constant 0 : i32
      %add3A_29 = arith.addi %mul3A_28, %add3A : i32
      %dma_start3A = arith.constant 0 : i32
      %dma_start3A_30 = arith.constant 0 : i32
      %dma_start3A_31 = arith.constant 0 : i32
      %dma_start3A_32 = arith.constant 0 : i32
      %dma_start3A_33 = tpu.memref_slice %arg9[%dma_start3A, %dma_start3A_31, %dma_start3A_32] : memref<2x80x128xf32, #tpu.memory_space<vmem>> -> memref<1x80x128xf32, #tpu.memory_space<vmem>>
      %dma_start3A_34 = tpu.memref_squeeze %dma_start3A_33 : memref<1x80x128xf32, #tpu.memory_space<vmem>> -> memref<80x128xf32, #tpu.memory_space<vmem>>
      %dma_start3A_35 = arith.constant 0 : i32
      %dma_start3A_36 = tpu.memref_slice %arg3[%add3A_29, %dma_start3A_35] : memref<160000x128xf32, #tpu.memory_space<hbm>> -> memref<80x128xf32, #tpu.memory_space<hbm>>
      %dma_start3A_37 = tpu.memref_slice %arg11[%dma_start3A_30] : memref<2x!tpu.dma_semaphore, #tpu.memory_space<semaphore_mem>> -> memref<1x!tpu.dma_semaphore, #tpu.memory_space<semaphore_mem>>
      %dma_start3A_38 = tpu.memref_squeeze %dma_start3A_37 : memref<1x!tpu.dma_semaphore, #tpu.memory_space<semaphore_mem>> -> memref<!tpu.dma_semaphore, #tpu.memory_space<semaphore_mem>>
      %dma_start3A_39 = arith.constant 0 : i32
      %dma_start3A_40 = arith.constant 0 : i32
      %dma_start3A_41 = tpu.memref_slice %arg9[%dma_start3A, %dma_start3A_39, %dma_start3A_40] : memref<2x80x128xf32, #tpu.memory_space<vmem>> -> memref<1x80x128xf32, #tpu.memory_space<vmem>>
      %dma_start3A_42 = tpu.memref_squeeze %dma_start3A_41 : memref<1x80x128xf32, #tpu.memory_space<vmem>> -> memref<80x128xf32, #tpu.memory_space<vmem>>
      %dma_start3A_43 = arith.constant 0 : i32
      %dma_start3A_44 = tpu.memref_slice %arg3[%add3A_29, %dma_start3A_43] : memref<160000x128xf32, #tpu.memory_space<hbm>> -> memref<80x128xf32, #tpu.memory_space<hbm>>
      tpu.enqueue_dma source(%dma_start3A_44 : memref<80x128xf32, #tpu.memory_space<hbm>>) target(%dma_start3A_42 : memref<80x128xf32, #tpu.memory_space<vmem>>) target_semaphore(%dma_start3A_38 : memref<!tpu.dma_semaphore, #tpu.memory_space<semaphore_mem>>)
      %scan3A = arith.constant 0 : i32
      %scan3A_45 = arith.constant 0 : i32
      %scan3A_46 = arith.constant 125 : i32
      %scan3A_47 = arith.addi %scan3A_45, %scan3A_46 : i32
      %scan3A_48 = arith.constant 1 : i32
      scf.for %scan3A_50 = %scan3A_45 to %scan3A_47 step %scan3A_48  : i32 {
        %jit3A = arith.constant 2 : i32
        %eq3A_51 = arith.constant 0 : i32
        %eq3A_52 = arith.cmpi eq, %jit3A, %eq3A_51 : i32
        %jit3A_53 = arith.constant 1 : i32
        %select_n3A = arith.select %eq3A_52, %jit3A_53, %jit3A : i32
        %rem3A = arith.remsi %scan3A_50, %select_n3A : i32
        %ne3A = arith.constant 0 : i32
        %ne3A_54 = arith.cmpi ne, %rem3A, %ne3A : i32
        %lt3A = arith.constant 0 : i32
        %lt3A_55 = arith.cmpi slt, %rem3A, %lt3A : i32
        %lt3A_56 = arith.constant 0 : i32
        %lt3A_57 = arith.cmpi slt, %select_n3A, %lt3A_56 : i32
        %ne3A_58 = arith.xori %lt3A_55, %lt3A_57 : i1
        %and3A = arith.andi %ne3A_58, %ne3A_54 : i1
        %add3A_59 = arith.addi %rem3A, %select_n3A : i32
        %select_n3A_60 = arith.select %and3A, %add3A_59, %rem3A : i32
        %add3A_61 = arith.constant 1 : i32
        %add3A_62 = arith.addi %scan3A_50, %add3A_61 : i32
        %lt3A_63 = arith.constant 125 : i32
        %lt3A_64 = arith.cmpi slt, %add3A_62, %lt3A_63 : i32
        %convert_element_type3A_65 = arith.extui %lt3A_64 : i1 to i32
        %cond3A_66 = arith.constant 0 : i32
        %cond3A_67 = arith.cmpi ne, %convert_element_type3A_65, %cond3A_66 : i32
        scf.if %cond3A_67 {
          %add3A_90 = arith.constant 1 : i32
          %add3A_91 = arith.addi %scan3A_50, %add3A_90 : i32
          %sub3A = arith.constant 1 : i32
          %sub3A_92 = arith.subi %sub3A, %select_n3A_60 : i32
          %mul3A_93 = arith.constant 10000 : i32
          %mul3A_94 = arith.muli %arg1, %mul3A_93 : i32
          %mul3A_95 = arith.constant 80 : i32
          %mul3A_96 = arith.muli %add3A_91, %mul3A_95 : i32
          %add3A_97 = arith.addi %mul3A_94, %mul3A_96 : i32
          %dma_start3A_98 = arith.constant 0 : i32
          %dma_start3A_99 = arith.constant 0 : i32
          %dma_start3A_100 = tpu.memref_slice %arg9[%sub3A_92, %dma_start3A_98, %dma_start3A_99] : memref<2x80x128xf32, #tpu.memory_space<vmem>> -> memref<1x80x128xf32, #tpu.memory_space<vmem>>
          %dma_start3A_101 = tpu.memref_squeeze %dma_start3A_100 : memref<1x80x128xf32, #tpu.memory_space<vmem>> -> memref<80x128xf32, #tpu.memory_space<vmem>>
          %dma_start3A_102 = arith.constant 0 : i32
          %dma_start3A_103 = tpu.memref_slice %arg3[%add3A_97, %dma_start3A_102] : memref<160000x128xf32, #tpu.memory_space<hbm>> -> memref<80x128xf32, #tpu.memory_space<hbm>>
          %dma_start3A_104 = tpu.memref_slice %arg11[%sub3A_92] : memref<2x!tpu.dma_semaphore, #tpu.memory_space<semaphore_mem>> -> memref<1x!tpu.dma_semaphore, #tpu.memory_space<semaphore_mem>>
          %dma_start3A_105 = tpu.memref_squeeze %dma_start3A_104 : memref<1x!tpu.dma_semaphore, #tpu.memory_space<semaphore_mem>> -> memref<!tpu.dma_semaphore, #tpu.memory_space<semaphore_mem>>
          %dma_start3A_106 = arith.constant 0 : i32
          %dma_start3A_107 = arith.constant 0 : i32
          %dma_start3A_108 = tpu.memref_slice %arg9[%sub3A_92, %dma_start3A_106, %dma_start3A_107] : memref<2x80x128xf32, #tpu.memory_space<vmem>> -> memref<1x80x128xf32, #tpu.memory_space<vmem>>
          %dma_start3A_109 = tpu.memref_squeeze %dma_start3A_108 : memref<1x80x128xf32, #tpu.memory_space<vmem>> -> memref<80x128xf32, #tpu.memory_space<vmem>>
          %dma_start3A_110 = arith.constant 0 : i32
          %dma_start3A_111 = tpu.memref_slice %arg3[%add3A_97, %dma_start3A_110] : memref<160000x128xf32, #tpu.memory_space<hbm>> -> memref<80x128xf32, #tpu.memory_space<hbm>>
          tpu.enqueue_dma source(%dma_start3A_111 : memref<80x128xf32, #tpu.memory_space<hbm>>) target(%dma_start3A_109 : memref<80x128xf32, #tpu.memory_space<vmem>>) target_semaphore(%dma_start3A_105 : memref<!tpu.dma_semaphore, #tpu.memory_space<semaphore_mem>>)
        } else {
        }
        %mul3A_68 = arith.constant 10000 : i32
        %mul3A_69 = arith.muli %arg1, %mul3A_68 : i32
        %mul3A_70 = arith.constant 80 : i32
        %mul3A_71 = arith.muli %scan3A_50, %mul3A_70 : i32
        %add3A_72 = arith.addi %mul3A_69, %mul3A_71 : i32
        %dma_wait3A = arith.constant 0 : i32
        %dma_wait3A_73 = arith.constant 0 : i32
        %dma_wait3A_74 = tpu.memref_slice %arg9[%select_n3A_60, %dma_wait3A, %dma_wait3A_73] : memref<2x80x128xf32, #tpu.memory_space<vmem>> -> memref<1x80x128xf32, #tpu.memory_space<vmem>>
        %dma_wait3A_75 = tpu.memref_squeeze %dma_wait3A_74 : memref<1x80x128xf32, #tpu.memory_space<vmem>> -> memref<80x128xf32, #tpu.memory_space<vmem>>
        %dma_wait3A_76 = arith.constant 0 : i32
        %dma_wait3A_77 = tpu.memref_slice %arg3[%add3A_72, %dma_wait3A_76] : memref<160000x128xf32, #tpu.memory_space<hbm>> -> memref<80x128xf32, #tpu.memory_space<hbm>>
        %dma_wait3A_78 = tpu.memref_slice %arg11[%select_n3A_60] : memref<2x!tpu.dma_semaphore, #tpu.memory_space<semaphore_mem>> -> memref<1x!tpu.dma_semaphore, #tpu.memory_space<semaphore_mem>>
        %dma_wait3A_79 = tpu.memref_squeeze %dma_wait3A_78 : memref<1x!tpu.dma_semaphore, #tpu.memory_space<semaphore_mem>> -> memref<!tpu.dma_semaphore, #tpu.memory_space<semaphore_mem>>
        %dma_wait3A_80 = arith.constant 0 : i32
        %dma_wait3A_81 = arith.constant 0 : i32
        %dma_wait3A_82 = tpu.memref_slice %arg9[%select_n3A_60, %dma_wait3A_80, %dma_wait3A_81] : memref<2x80x128xf32, #tpu.memory_space<vmem>> -> memref<1x80x128xf32, #tpu.memory_space<vmem>>
        %dma_wait3A_83 = tpu.memref_squeeze %dma_wait3A_82 : memref<1x80x128xf32, #tpu.memory_space<vmem>> -> memref<80x128xf32, #tpu.memory_space<vmem>>
        %dma_wait3A_84 = arith.constant 0 : i32
        %dma_wait3A_85 = tpu.memref_slice %arg3[%add3A_72, %dma_wait3A_84] : memref<160000x128xf32, #tpu.memory_space<hbm>> -> memref<80x128xf32, #tpu.memory_space<hbm>>
        tpu.wait_dma2 semaphore(%dma_wait3A_79 : memref<!tpu.dma_semaphore, #tpu.memory_space<semaphore_mem>>) src(%dma_wait3A_85 : memref<80x128xf32, #tpu.memory_space<hbm>>) dst(%dma_wait3A_83 : memref<80x128xf32, #tpu.memory_space<vmem>>)
        %mul3A_86 = arith.constant 1 : i32
        %mul3A_87 = arith.muli %scan3A_50, %mul3A_86 : i32
        %add3A_88 = arith.constant 0 : i32
        %add3A_89 = arith.addi %mul3A_87, %add3A_88 : i32
        %run_scoped3A = arith.constant 0 : i32
        "tpu.region"() ({
          %run_scoped3A_90 = tpu.sem_alloc : memref<!tpu.dma_semaphore, #tpu.memory_space<semaphore_mem>>
          %dma_start3A_91 = arith.constant 0 : i32
          %dma_start3A_92 = arith.constant 0 : i32
          %dma_start3A_93 = tpu.memref_slice %arg9[%select_n3A_60, %dma_start3A_91, %dma_start3A_92] : memref<2x80x128xf32, #tpu.memory_space<vmem>> -> memref<1x80x128xf32, #tpu.memory_space<vmem>>
          %dma_start3A_94 = tpu.memref_squeeze %dma_start3A_93 : memref<1x80x128xf32, #tpu.memory_space<vmem>> -> memref<80x128xf32, #tpu.memory_space<vmem>>
          %dma_start3A_95 = arith.constant 0 : i32
          %dma_start3A_96 = tpu.memref_slice %arg8[%add3A_89, %run_scoped3A, %dma_start3A_95] : memref<125x1x80xi32, #tpu.memory_space<vmem>> -> memref<1x1x80xi32, #tpu.memory_space<vmem>>
          %dma_start3A_97 = tpu.memref_squeeze %dma_start3A_96 : memref<1x1x80xi32, #tpu.memory_space<vmem>> -> memref<80xi32, #tpu.memory_space<vmem>>
          %dma_start3A_98 = arith.constant 0 : i32
          %dma_start3A_99 = arith.constant 0 : i32
          %dma_start3A_100 = tpu.memref_slice %arg10[%dma_start3A_98, %dma_start3A_99] : memref<10000x128xf32, #tpu.memory_space<vmem_shared>> -> memref<10000x128xf32, #tpu.memory_space<vmem_shared>>
          tpu.enqueue_indirect_dma source(%dma_start3A_94 : memref<80x128xf32, #tpu.memory_space<vmem>>) target(%dma_start3A_100 : memref<10000x128xf32, #tpu.memory_space<vmem_shared>>) offsets(%dma_start3A_97 : memref<80xi32, #tpu.memory_space<vmem>>) semaphore(%run_scoped3A_90 : memref<!tpu.dma_semaphore, #tpu.memory_space<semaphore_mem>>) {add = true}
          %dma_wait3A_101 = arith.constant 0 : i32
          %dma_wait3A_102 = arith.constant 0 : i32
          %dma_wait3A_103 = tpu.memref_slice %arg9[%select_n3A_60, %dma_wait3A_101, %dma_wait3A_102] : memref<2x80x128xf32, #tpu.memory_space<vmem>> -> memref<1x80x128xf32, #tpu.memory_space<vmem>>
          %dma_wait3A_104 = tpu.memref_squeeze %dma_wait3A_103 : memref<1x80x128xf32, #tpu.memory_space<vmem>> -> memref<80x128xf32, #tpu.memory_space<vmem>>
          %dma_wait3A_105 = arith.constant 0 : i32
          %dma_wait3A_106 = tpu.memref_slice %arg8[%add3A_89, %run_scoped3A, %dma_wait3A_105] : memref<125x1x80xi32, #tpu.memory_space<vmem>> -> memref<1x1x80xi32, #tpu.memory_space<vmem>>
          %dma_wait3A_107 = tpu.memref_squeeze %dma_wait3A_106 : memref<1x1x80xi32, #tpu.memory_space<vmem>> -> memref<80xi32, #tpu.memory_space<vmem>>
          %dma_wait3A_108 = arith.constant 0 : i32
          %dma_wait3A_109 = arith.constant 0 : i32
          %dma_wait3A_110 = tpu.memref_slice %arg10[%dma_wait3A_108, %dma_wait3A_109] : memref<10000x128xf32, #tpu.memory_space<vmem_shared>> -> memref<10000x128xf32, #tpu.memory_space<vmem_shared>>
          tpu.wait_indirect_dma semaphore(%run_scoped3A_90 : memref<!tpu.dma_semaphore, #tpu.memory_space<semaphore_mem>>) src(%dma_wait3A_104 : memref<80x128xf32, #tpu.memory_space<vmem>>) dst(%dma_wait3A_110 : memref<10000x128xf32, #tpu.memory_space<vmem_shared>>)
          tpu.yield
        }) : () -> ()
      }
      %scan3A_49 = arith.constant 125 : i32
    } else {
    }
    %barrier3A_15 = arith.constant 0 : index
    tpu.barrier barrier_id(%barrier3A_15)
    %eq3A_16 = arith.constant 0 : i32
    %eq3A_17 = arith.cmpi eq, %arg0, %eq3A_16 : i32
    %convert_element_type3A_18 = arith.extui %eq3A_17 : i1 to i32
    %cond3A_19 = arith.constant 0 : i32
    %cond3A_20 = arith.cmpi ne, %convert_element_type3A_18, %cond3A_19 : i32
    scf.if %cond3A_20 {
      "tpu.region"() ({
        %run_scoped3A = tpu.sem_alloc : memref<!tpu.dma_semaphore, #tpu.memory_space<semaphore_mem>>
        %dma_start3A = arith.constant 0 : i32
        %dma_start3A_30 = tpu.memref_slice %arg6[%mul3A_0, %dma_start3A] : memref<10000x128xf32, #tpu.memory_space<hbm>> -> memref<624x128xf32, #tpu.memory_space<hbm>>
        %dma_start3A_31 = arith.constant 0 : i32
        %dma_start3A_32 = tpu.memref_slice %arg10[%mul3A_0, %dma_start3A_31] : memref<10000x128xf32, #tpu.memory_space<vmem_shared>> -> memref<624x128xf32, #tpu.memory_space<vmem_shared>>
        tpu.enqueue_dma source(%dma_start3A_32 : memref<624x128xf32, #tpu.memory_space<vmem_shared>>) target(%dma_start3A_30 : memref<624x128xf32, #tpu.memory_space<hbm>>) target_semaphore(%run_scoped3A : memref<!tpu.dma_semaphore, #tpu.memory_space<semaphore_mem>>)
        %dma_wait3A = arith.constant 0 : i32
        %dma_wait3A_33 = tpu.memref_slice %arg6[%mul3A_0, %dma_wait3A] : memref<10000x128xf32, #tpu.memory_space<hbm>> -> memref<624x128xf32, #tpu.memory_space<hbm>>
        %dma_wait3A_34 = arith.constant 0 : i32
        %dma_wait3A_35 = tpu.memref_slice %arg10[%mul3A_0, %dma_wait3A_34] : memref<10000x128xf32, #tpu.memory_space<vmem_shared>> -> memref<624x128xf32, #tpu.memory_space<vmem_shared>>
        tpu.wait_dma2 semaphore(%run_scoped3A : memref<!tpu.dma_semaphore, #tpu.memory_space<semaphore_mem>>) src(%dma_wait3A_35 : memref<624x128xf32, #tpu.memory_space<vmem_shared>>) dst(%dma_wait3A_33 : memref<624x128xf32, #tpu.memory_space<hbm>>)
        tpu.yield
      }) : () -> ()
      %convert_element_type3A_27 = arith.extui %eq3A_1 : i1 to i32
      %cond3A_28 = arith.constant 0 : i32
      %cond3A_29 = arith.cmpi ne, %convert_element_type3A_27, %cond3A_28 : i32
      scf.if %cond3A_29 {
        "tpu.region"() ({
          %run_scoped3A = tpu.sem_alloc : memref<!tpu.dma_semaphore, #tpu.memory_space<semaphore_mem>>
          %dma_start3A = arith.constant 9984 : i32
          %dma_start3A_30 = arith.constant 0 : i32
          %dma_start3A_31 = tpu.memref_slice %arg6[%dma_start3A, %dma_start3A_30] : memref<10000x128xf32, #tpu.memory_space<hbm>> -> memref<16x128xf32, #tpu.memory_space<hbm>>
          %dma_start3A_32 = arith.constant 9984 : i32
          %dma_start3A_33 = arith.constant 0 : i32
          %dma_start3A_34 = tpu.memref_slice %arg10[%dma_start3A_32, %dma_start3A_33] : memref<10000x128xf32, #tpu.memory_space<vmem_shared>> -> memref<16x128xf32, #tpu.memory_space<vmem_shared>>
          tpu.enqueue_dma source(%dma_start3A_34 : memref<16x128xf32, #tpu.memory_space<vmem_shared>>) target(%dma_start3A_31 : memref<16x128xf32, #tpu.memory_space<hbm>>) target_semaphore(%run_scoped3A : memref<!tpu.dma_semaphore, #tpu.memory_space<semaphore_mem>>)
          %dma_wait3A = arith.constant 9984 : i32
          %dma_wait3A_35 = arith.constant 0 : i32
          %dma_wait3A_36 = tpu.memref_slice %arg6[%dma_wait3A, %dma_wait3A_35] : memref<10000x128xf32, #tpu.memory_space<hbm>> -> memref<16x128xf32, #tpu.memory_space<hbm>>
          %dma_wait3A_37 = arith.constant 9984 : i32
          %dma_wait3A_38 = arith.constant 0 : i32
          %dma_wait3A_39 = tpu.memref_slice %arg10[%dma_wait3A_37, %dma_wait3A_38] : memref<10000x128xf32, #tpu.memory_space<vmem_shared>> -> memref<16x128xf32, #tpu.memory_space<vmem_shared>>
          tpu.wait_dma2 semaphore(%run_scoped3A : memref<!tpu.dma_semaphore, #tpu.memory_space<semaphore_mem>>) src(%dma_wait3A_39 : memref<16x128xf32, #tpu.memory_space<vmem_shared>>) dst(%dma_wait3A_36 : memref<16x128xf32, #tpu.memory_space<hbm>>)
          tpu.yield
        }) : () -> ()
      } else {
      }
    } else {
    }
    %eq3A_21 = arith.constant 1 : i32
    %eq3A_22 = arith.cmpi eq, %arg0, %eq3A_21 : i32
    %convert_element_type3A_23 = arith.extui %eq3A_22 : i1 to i32
    %cond3A_24 = arith.constant 0 : i32
    %cond3A_25 = arith.cmpi ne, %convert_element_type3A_23, %cond3A_24 : i32
    scf.if %cond3A_25 {
      "tpu.region"() ({
        %run_scoped3A = tpu.sem_alloc : memref<!tpu.dma_semaphore, #tpu.memory_space<semaphore_mem>>
        %dma_start3A = arith.constant 0 : i32
        %dma_start3A_30 = tpu.memref_slice %arg7[%mul3A_0, %dma_start3A] : memref<10000x128xf32, #tpu.memory_space<hbm>> -> memref<624x128xf32, #tpu.memory_space<hbm>>
        %dma_start3A_31 = arith.constant 0 : i32
        %dma_start3A_32 = tpu.memref_slice %arg10[%mul3A_0, %dma_start3A_31] : memref<10000x128xf32, #tpu.memory_space<vmem_shared>> -> memref<624x128xf32, #tpu.memory_space<vmem_shared>>
        tpu.enqueue_dma source(%dma_start3A_32 : memref<624x128xf32, #tpu.memory_space<vmem_shared>>) target(%dma_start3A_30 : memref<624x128xf32, #tpu.memory_space<hbm>>) target_semaphore(%run_scoped3A : memref<!tpu.dma_semaphore, #tpu.memory_space<semaphore_mem>>)
        %dma_wait3A = arith.constant 0 : i32
        %dma_wait3A_33 = tpu.memref_slice %arg7[%mul3A_0, %dma_wait3A] : memref<10000x128xf32, #tpu.memory_space<hbm>> -> memref<624x128xf32, #tpu.memory_space<hbm>>
        %dma_wait3A_34 = arith.constant 0 : i32
        %dma_wait3A_35 = tpu.memref_slice %arg10[%mul3A_0, %dma_wait3A_34] : memref<10000x128xf32, #tpu.memory_space<vmem_shared>> -> memref<624x128xf32, #tpu.memory_space<vmem_shared>>
        tpu.wait_dma2 semaphore(%run_scoped3A : memref<!tpu.dma_semaphore, #tpu.memory_space<semaphore_mem>>) src(%dma_wait3A_35 : memref<624x128xf32, #tpu.memory_space<vmem_shared>>) dst(%dma_wait3A_33 : memref<624x128xf32, #tpu.memory_space<hbm>>)
        tpu.yield
      }) : () -> ()
      %convert_element_type3A_27 = arith.extui %eq3A_1 : i1 to i32
      %cond3A_28 = arith.constant 0 : i32
      %cond3A_29 = arith.cmpi ne, %convert_element_type3A_27, %cond3A_28 : i32
      scf.if %cond3A_29 {
        "tpu.region"() ({
          %run_scoped3A = tpu.sem_alloc : memref<!tpu.dma_semaphore, #tpu.memory_space<semaphore_mem>>
          %dma_start3A = arith.constant 9984 : i32
          %dma_start3A_30 = arith.constant 0 : i32
          %dma_start3A_31 = tpu.memref_slice %arg7[%dma_start3A, %dma_start3A_30] : memref<10000x128xf32, #tpu.memory_space<hbm>> -> memref<16x128xf32, #tpu.memory_space<hbm>>
          %dma_start3A_32 = arith.constant 9984 : i32
          %dma_start3A_33 = arith.constant 0 : i32
          %dma_start3A_34 = tpu.memref_slice %arg10[%dma_start3A_32, %dma_start3A_33] : memref<10000x128xf32, #tpu.memory_space<vmem_shared>> -> memref<16x128xf32, #tpu.memory_space<vmem_shared>>
          tpu.enqueue_dma source(%dma_start3A_34 : memref<16x128xf32, #tpu.memory_space<vmem_shared>>) target(%dma_start3A_31 : memref<16x128xf32, #tpu.memory_space<hbm>>) target_semaphore(%run_scoped3A : memref<!tpu.dma_semaphore, #tpu.memory_space<semaphore_mem>>)
          %dma_wait3A = arith.constant 9984 : i32
          %dma_wait3A_35 = arith.constant 0 : i32
          %dma_wait3A_36 = tpu.memref_slice %arg7[%dma_wait3A, %dma_wait3A_35] : memref<10000x128xf32, #tpu.memory_space<hbm>> -> memref<16x128xf32, #tpu.memory_space<hbm>>
          %dma_wait3A_37 = arith.constant 9984 : i32
          %dma_wait3A_38 = arith.constant 0 : i32
          %dma_wait3A_39 = tpu.memref_slice %arg10[%dma_wait3A_37, %dma_wait3A_38] : memref<10000x128xf32, #tpu.memory_space<vmem_shared>> -> memref<16x128xf32, #tpu.memory_space<vmem_shared>>
          tpu.wait_dma2 semaphore(%run_scoped3A : memref<!tpu.dma_semaphore, #tpu.memory_space<semaphore_mem>>) src(%dma_wait3A_39 : memref<16x128xf32, #tpu.memory_space<vmem_shared>>) dst(%dma_wait3A_36 : memref<16x128xf32, #tpu.memory_space<hbm>>)
          tpu.yield
        }) : () -> ()
      } else {
      }
    } else {
    }
    %barrier3A_26 = arith.constant 0 : index
    tpu.barrier barrier_id(%barrier3A_26)
    return
  }
}

#map = affine_map<(d0, d1) -> (0, 0)>
#map1 = affine_map<(d0, d1) -> (0)>
module attributes {stable_mosaic.version = 14 : i64} {
  func.func @edge_gather(%arg0: i32, %arg1: i32, %arg2: memref<10000x256xf32, #tpu.memory_space<hbm>>, %arg3: memref<10000x256xf32, #tpu.memory_space<hbm>>, %arg4: memref<160000xi32, #tpu.memory_space<hbm>>, %arg5: memref<160000xi32, #tpu.memory_space<hbm>>, %arg6: memref<160000x128xf32, #tpu.memory_space<hbm>>, %arg7: memref<160000x128xf32, #tpu.memory_space<hbm>>, %arg8: memref<160000x16xf32, #tpu.memory_space<hbm>>, %arg9: memref<5000xi32, #tpu.memory_space<vmem>>, %arg10: memref<5000xi32, #tpu.memory_space<vmem>>, %arg11: memref<3x40x256xf32, #tpu.memory_space<vmem>>, %arg12: memref<3x40x256xf32, #tpu.memory_space<vmem>>, %arg13: memref<3x40x16xf32, #tpu.memory_space<vmem>>, %arg14: memref<3x!tpu.dma_semaphore, #tpu.memory_space<semaphore_mem>>, %arg15: memref<3x!tpu.dma_semaphore, #tpu.memory_space<semaphore_mem>>, %arg16: memref<3x!tpu.dma_semaphore, #tpu.memory_space<semaphore_mem>>) attributes {dimension_semantics = [#tpu.dimension_semantics<core_parallel>, #tpu.dimension_semantics<subcore_parallel>], iteration_bounds = array<i64: 2, 16>, scalar_prefetch = 0 : i64, scratch_operands = 8 : i64, tpu.core_type = #tpu.core_type<sc_vector_subcore>, window_params = [{transform_indices = #map}, {transform_indices = #map}, {transform_indices = #map1}, {transform_indices = #map1}, {transform_indices = #map}, {transform_indices = #map}, {transform_indices = #map}]} {
    %mul3A = arith.constant 2 : i32
    %mul3A_0 = arith.muli %arg1, %mul3A : i32
    %add3A = arith.addi %mul3A_0, %arg0 : i32
    %mul3A_1 = arith.constant 5000 : i32
    %mul3A_2 = arith.muli %add3A, %mul3A_1 : i32
    "tpu.region"() ({
      %run_scoped3A = tpu.sem_alloc : memref<!tpu.dma_semaphore, #tpu.memory_space<semaphore_mem>>
      %dma_start3A_108 = tpu.memref_slice %arg4[%mul3A_2] : memref<160000xi32, #tpu.memory_space<hbm>> -> memref<5000xi32, #tpu.memory_space<hbm>>
      %dma_start3A_109 = tpu.memref_slice %arg4[%mul3A_2] : memref<160000xi32, #tpu.memory_space<hbm>> -> memref<5000xi32, #tpu.memory_space<hbm>>
      tpu.enqueue_dma source(%dma_start3A_109 : memref<5000xi32, #tpu.memory_space<hbm>>) target(%arg9 : memref<5000xi32, #tpu.memory_space<vmem>>) target_semaphore(%run_scoped3A : memref<!tpu.dma_semaphore, #tpu.memory_space<semaphore_mem>>)
      %dma_wait3A_110 = tpu.memref_slice %arg4[%mul3A_2] : memref<160000xi32, #tpu.memory_space<hbm>> -> memref<5000xi32, #tpu.memory_space<hbm>>
      %dma_wait3A_111 = tpu.memref_slice %arg4[%mul3A_2] : memref<160000xi32, #tpu.memory_space<hbm>> -> memref<5000xi32, #tpu.memory_space<hbm>>
      tpu.wait_dma2 semaphore(%run_scoped3A : memref<!tpu.dma_semaphore, #tpu.memory_space<semaphore_mem>>) src(%dma_wait3A_111 : memref<5000xi32, #tpu.memory_space<hbm>>) dst(%arg9 : memref<5000xi32, #tpu.memory_space<vmem>>)
      tpu.yield
    }) : () -> ()
    "tpu.region"() ({
      %run_scoped3A = tpu.sem_alloc : memref<!tpu.dma_semaphore, #tpu.memory_space<semaphore_mem>>
      %dma_start3A_108 = tpu.memref_slice %arg5[%mul3A_2] : memref<160000xi32, #tpu.memory_space<hbm>> -> memref<5000xi32, #tpu.memory_space<hbm>>
      %dma_start3A_109 = tpu.memref_slice %arg5[%mul3A_2] : memref<160000xi32, #tpu.memory_space<hbm>> -> memref<5000xi32, #tpu.memory_space<hbm>>
      tpu.enqueue_dma source(%dma_start3A_109 : memref<5000xi32, #tpu.memory_space<hbm>>) target(%arg10 : memref<5000xi32, #tpu.memory_space<vmem>>) target_semaphore(%run_scoped3A : memref<!tpu.dma_semaphore, #tpu.memory_space<semaphore_mem>>)
      %dma_wait3A_110 = tpu.memref_slice %arg5[%mul3A_2] : memref<160000xi32, #tpu.memory_space<hbm>> -> memref<5000xi32, #tpu.memory_space<hbm>>
      %dma_wait3A_111 = tpu.memref_slice %arg5[%mul3A_2] : memref<160000xi32, #tpu.memory_space<hbm>> -> memref<5000xi32, #tpu.memory_space<hbm>>
      tpu.wait_dma2 semaphore(%run_scoped3A : memref<!tpu.dma_semaphore, #tpu.memory_space<semaphore_mem>>) src(%dma_wait3A_111 : memref<5000xi32, #tpu.memory_space<hbm>>) dst(%arg10 : memref<5000xi32, #tpu.memory_space<vmem>>)
      tpu.yield
    }) : () -> ()
    %dma_start3A = arith.constant 0 : i32
    %dma_start3A_3 = arith.constant 0 : i32
    %dma_start3A_4 = arith.constant 0 : i32
    %dma_start3A_5 = arith.constant 0 : i32
    %dma_start3A_6 = tpu.memref_slice %arg11[%dma_start3A, %dma_start3A_4, %dma_start3A_5] : memref<3x40x256xf32, #tpu.memory_space<vmem>> -> memref<1x40x256xf32, #tpu.memory_space<vmem>>
    %dma_start3A_7 = tpu.memref_squeeze %dma_start3A_6 : memref<1x40x256xf32, #tpu.memory_space<vmem>> -> memref<40x256xf32, #tpu.memory_space<vmem>>
    %dma_start3A_8 = arith.constant 0 : i32
    %dma_start3A_9 = tpu.memref_slice %arg9[%dma_start3A_8] : memref<5000xi32, #tpu.memory_space<vmem>> -> memref<40xi32, #tpu.memory_space<vmem>>
    %dma_start3A_10 = arith.constant 0 : i32
    %dma_start3A_11 = arith.constant 0 : i32
    %dma_start3A_12 = tpu.memref_slice %arg2[%dma_start3A_10, %dma_start3A_11] : memref<10000x256xf32, #tpu.memory_space<hbm>> -> memref<10000x256xf32, #tpu.memory_space<hbm>>
    %dma_start3A_13 = tpu.memref_slice %arg14[%dma_start3A_3] : memref<3x!tpu.dma_semaphore, #tpu.memory_space<semaphore_mem>> -> memref<1x!tpu.dma_semaphore, #tpu.memory_space<semaphore_mem>>
    %dma_start3A_14 = tpu.memref_squeeze %dma_start3A_13 : memref<1x!tpu.dma_semaphore, #tpu.memory_space<semaphore_mem>> -> memref<!tpu.dma_semaphore, #tpu.memory_space<semaphore_mem>>
    tpu.enqueue_indirect_dma source(%dma_start3A_12 : memref<10000x256xf32, #tpu.memory_space<hbm>>) target(%dma_start3A_7 : memref<40x256xf32, #tpu.memory_space<vmem>>) offsets(%dma_start3A_9 : memref<40xi32, #tpu.memory_space<vmem>>) semaphore(%dma_start3A_14 : memref<!tpu.dma_semaphore, #tpu.memory_space<semaphore_mem>>)
    %dma_start3A_15 = arith.constant 0 : i32
    %dma_start3A_16 = arith.constant 0 : i32
    %dma_start3A_17 = arith.constant 0 : i32
    %dma_start3A_18 = arith.constant 0 : i32
    %dma_start3A_19 = tpu.memref_slice %arg12[%dma_start3A_15, %dma_start3A_17, %dma_start3A_18] : memref<3x40x256xf32, #tpu.memory_space<vmem>> -> memref<1x40x256xf32, #tpu.memory_space<vmem>>
    %dma_start3A_20 = tpu.memref_squeeze %dma_start3A_19 : memref<1x40x256xf32, #tpu.memory_space<vmem>> -> memref<40x256xf32, #tpu.memory_space<vmem>>
    %dma_start3A_21 = arith.constant 0 : i32
    %dma_start3A_22 = tpu.memref_slice %arg10[%dma_start3A_21] : memref<5000xi32, #tpu.memory_space<vmem>> -> memref<40xi32, #tpu.memory_space<vmem>>
    %dma_start3A_23 = arith.constant 0 : i32
    %dma_start3A_24 = arith.constant 0 : i32
    %dma_start3A_25 = tpu.memref_slice %arg3[%dma_start3A_23, %dma_start3A_24] : memref<10000x256xf32, #tpu.memory_space<hbm>> -> memref<10000x256xf32, #tpu.memory_space<hbm>>
    %dma_start3A_26 = tpu.memref_slice %arg15[%dma_start3A_16] : memref<3x!tpu.dma_semaphore, #tpu.memory_space<semaphore_mem>> -> memref<1x!tpu.dma_semaphore, #tpu.memory_space<semaphore_mem>>
    %dma_start3A_27 = tpu.memref_squeeze %dma_start3A_26 : memref<1x!tpu.dma_semaphore, #tpu.memory_space<semaphore_mem>> -> memref<!tpu.dma_semaphore, #tpu.memory_space<semaphore_mem>>
    tpu.enqueue_indirect_dma source(%dma_start3A_25 : memref<10000x256xf32, #tpu.memory_space<hbm>>) target(%dma_start3A_20 : memref<40x256xf32, #tpu.memory_space<vmem>>) offsets(%dma_start3A_22 : memref<40xi32, #tpu.memory_space<vmem>>) semaphore(%dma_start3A_27 : memref<!tpu.dma_semaphore, #tpu.memory_space<semaphore_mem>>)
    %dma_start3A_28 = arith.constant 1 : i32
    %dma_start3A_29 = arith.constant 1 : i32
    %dma_start3A_30 = arith.constant 0 : i32
    %dma_start3A_31 = arith.constant 0 : i32
    %dma_start3A_32 = tpu.memref_slice %arg11[%dma_start3A_28, %dma_start3A_30, %dma_start3A_31] : memref<3x40x256xf32, #tpu.memory_space<vmem>> -> memref<1x40x256xf32, #tpu.memory_space<vmem>>
    %dma_start3A_33 = tpu.memref_squeeze %dma_start3A_32 : memref<1x40x256xf32, #tpu.memory_space<vmem>> -> memref<40x256xf32, #tpu.memory_space<vmem>>
    %dma_start3A_34 = arith.constant 40 : i32
    %dma_start3A_35 = tpu.memref_slice %arg9[%dma_start3A_34] : memref<5000xi32, #tpu.memory_space<vmem>> -> memref<40xi32, #tpu.memory_space<vmem>>
    %dma_start3A_36 = arith.constant 0 : i32
    %dma_start3A_37 = arith.constant 0 : i32
    %dma_start3A_38 = tpu.memref_slice %arg2[%dma_start3A_36, %dma_start3A_37] : memref<10000x256xf32, #tpu.memory_space<hbm>> -> memref<10000x256xf32, #tpu.memory_space<hbm>>
    %dma_start3A_39 = tpu.memref_slice %arg14[%dma_start3A_29] : memref<3x!tpu.dma_semaphore, #tpu.memory_space<semaphore_mem>> -> memref<1x!tpu.dma_semaphore, #tpu.memory_space<semaphore_mem>>
    %dma_start3A_40 = tpu.memref_squeeze %dma_start3A_39 : memref<1x!tpu.dma_semaphore, #tpu.memory_space<semaphore_mem>> -> memref<!tpu.dma_semaphore, #tpu.memory_space<semaphore_mem>>
    tpu.enqueue_indirect_dma source(%dma_start3A_38 : memref<10000x256xf32, #tpu.memory_space<hbm>>) target(%dma_start3A_33 : memref<40x256xf32, #tpu.memory_space<vmem>>) offsets(%dma_start3A_35 : memref<40xi32, #tpu.memory_space<vmem>>) semaphore(%dma_start3A_40 : memref<!tpu.dma_semaphore, #tpu.memory_space<semaphore_mem>>)
    %dma_start3A_41 = arith.constant 1 : i32
    %dma_start3A_42 = arith.constant 1 : i32
    %dma_start3A_43 = arith.constant 0 : i32
    %dma_start3A_44 = arith.constant 0 : i32
    %dma_start3A_45 = tpu.memref_slice %arg12[%dma_start3A_41, %dma_start3A_43, %dma_start3A_44] : memref<3x40x256xf32, #tpu.memory_space<vmem>> -> memref<1x40x256xf32, #tpu.memory_space<vmem>>
    %dma_start3A_46 = tpu.memref_squeeze %dma_start3A_45 : memref<1x40x256xf32, #tpu.memory_space<vmem>> -> memref<40x256xf32, #tpu.memory_space<vmem>>
    %dma_start3A_47 = arith.constant 40 : i32
    %dma_start3A_48 = tpu.memref_slice %arg10[%dma_start3A_47] : memref<5000xi32, #tpu.memory_space<vmem>> -> memref<40xi32, #tpu.memory_space<vmem>>
    %dma_start3A_49 = arith.constant 0 : i32
    %dma_start3A_50 = arith.constant 0 : i32
    %dma_start3A_51 = tpu.memref_slice %arg3[%dma_start3A_49, %dma_start3A_50] : memref<10000x256xf32, #tpu.memory_space<hbm>> -> memref<10000x256xf32, #tpu.memory_space<hbm>>
    %dma_start3A_52 = tpu.memref_slice %arg15[%dma_start3A_42] : memref<3x!tpu.dma_semaphore, #tpu.memory_space<semaphore_mem>> -> memref<1x!tpu.dma_semaphore, #tpu.memory_space<semaphore_mem>>
    %dma_start3A_53 = tpu.memref_squeeze %dma_start3A_52 : memref<1x!tpu.dma_semaphore, #tpu.memory_space<semaphore_mem>> -> memref<!tpu.dma_semaphore, #tpu.memory_space<semaphore_mem>>
    tpu.enqueue_indirect_dma source(%dma_start3A_51 : memref<10000x256xf32, #tpu.memory_space<hbm>>) target(%dma_start3A_46 : memref<40x256xf32, #tpu.memory_space<vmem>>) offsets(%dma_start3A_48 : memref<40xi32, #tpu.memory_space<vmem>>) semaphore(%dma_start3A_53 : memref<!tpu.dma_semaphore, #tpu.memory_space<semaphore_mem>>)
    %scan3A = arith.constant 0 : i32
    %scan3A_54 = arith.constant 0 : i32
    %scan3A_55 = arith.constant 125 : i32
    %scan3A_56 = arith.addi %scan3A_54, %scan3A_55 : i32
    %scan3A_57 = arith.constant 1 : i32
    scf.for %scan3A_108 = %scan3A_54 to %scan3A_56 step %scan3A_57  : i32 {
      %jit3A = arith.constant 3 : i32
      %eq3A = arith.constant 0 : i32
      %eq3A_109 = arith.cmpi eq, %jit3A, %eq3A : i32
      %jit3A_110 = arith.constant 1 : i32
      %select_n3A = arith.select %eq3A_109, %jit3A_110, %jit3A : i32
      %rem3A = arith.remsi %scan3A_108, %select_n3A : i32
      %ne3A = arith.constant 0 : i32
      %ne3A_111 = arith.cmpi ne, %rem3A, %ne3A : i32
      %lt3A = arith.constant 0 : i32
      %lt3A_112 = arith.cmpi slt, %rem3A, %lt3A : i32
      %lt3A_113 = arith.constant 0 : i32
      %lt3A_114 = arith.cmpi slt, %select_n3A, %lt3A_113 : i32
      %ne3A_115 = arith.xori %lt3A_112, %lt3A_114 : i1
      %and3A = arith.andi %ne3A_115, %ne3A_111 : i1
      %add3A_116 = arith.addi %rem3A, %select_n3A : i32
      %select_n3A_117 = arith.select %and3A, %add3A_116, %rem3A : i32
      %add3A_118 = arith.constant 2 : i32
      %add3A_119 = arith.addi %scan3A_108, %add3A_118 : i32
      %jit3A_120 = arith.constant 3 : i32
      %eq3A_121 = arith.constant 0 : i32
      %eq3A_122 = arith.cmpi eq, %jit3A_120, %eq3A_121 : i32
      %jit3A_123 = arith.constant 1 : i32
      %select_n3A_124 = arith.select %eq3A_122, %jit3A_123, %jit3A_120 : i32
      %rem3A_125 = arith.remsi %add3A_119, %select_n3A_124 : i32
      %ne3A_126 = arith.constant 0 : i32
      %ne3A_127 = arith.cmpi ne, %rem3A_125, %ne3A_126 : i32
      %lt3A_128 = arith.constant 0 : i32
      %lt3A_129 = arith.cmpi slt, %rem3A_125, %lt3A_128 : i32
      %lt3A_130 = arith.constant 0 : i32
      %lt3A_131 = arith.cmpi slt, %select_n3A_124, %lt3A_130 : i32
      %ne3A_132 = arith.xori %lt3A_129, %lt3A_131 : i1
      %and3A_133 = arith.andi %ne3A_132, %ne3A_127 : i1
      %add3A_134 = arith.addi %rem3A_125, %select_n3A_124 : i32
      %select_n3A_135 = arith.select %and3A_133, %add3A_134, %rem3A_125 : i32
      %ge3A = arith.constant 1 : i32
      %ge3A_136 = arith.cmpi sge, %scan3A_108, %ge3A : i32
      %convert_element_type3A = arith.extui %ge3A_136 : i1 to i32
      %cond3A = arith.constant 0 : i32
      %cond3A_137 = arith.cmpi ne, %convert_element_type3A, %cond3A : i32
      scf.if %cond3A_137 {
        %sub3A = arith.constant 1 : i32
        %sub3A_218 = arith.subi %scan3A_108, %sub3A : i32
        %mul3A_219 = arith.constant 40 : i32
        %mul3A_220 = arith.muli %sub3A_218, %mul3A_219 : i32
        %add3A_221 = arith.addi %mul3A_2, %mul3A_220 : i32
        %dma_wait3A_222 = arith.constant 0 : i32
        %dma_wait3A_223 = arith.constant 0 : i32
        %dma_wait3A_224 = tpu.memref_slice %arg11[%select_n3A_135, %dma_wait3A_222, %dma_wait3A_223] : memref<3x40x256xf32, #tpu.memory_space<vmem>> -> memref<1x40x128xf32, #tpu.memory_space<vmem>>
        %dma_wait3A_225 = tpu.memref_squeeze %dma_wait3A_224 : memref<1x40x128xf32, #tpu.memory_space<vmem>> -> memref<40x128xf32, #tpu.memory_space<vmem>>
        %dma_wait3A_226 = arith.constant 0 : i32
        %dma_wait3A_227 = tpu.memref_slice %arg6[%add3A_221, %dma_wait3A_226] : memref<160000x128xf32, #tpu.memory_space<hbm>> -> memref<40x128xf32, #tpu.memory_space<hbm>>
        %dma_wait3A_228 = tpu.memref_slice %arg16[%select_n3A_135] : memref<3x!tpu.dma_semaphore, #tpu.memory_space<semaphore_mem>> -> memref<1x!tpu.dma_semaphore, #tpu.memory_space<semaphore_mem>>
        %dma_wait3A_229 = tpu.memref_squeeze %dma_wait3A_228 : memref<1x!tpu.dma_semaphore, #tpu.memory_space<semaphore_mem>> -> memref<!tpu.dma_semaphore, #tpu.memory_space<semaphore_mem>>
        %dma_wait3A_230 = arith.constant 0 : i32
        %dma_wait3A_231 = tpu.memref_slice %arg6[%add3A_221, %dma_wait3A_230] : memref<160000x128xf32, #tpu.memory_space<hbm>> -> memref<40x128xf32, #tpu.memory_space<hbm>>
        %dma_wait3A_232 = arith.constant 0 : i32
        %dma_wait3A_233 = arith.constant 0 : i32
        %dma_wait3A_234 = tpu.memref_slice %arg11[%select_n3A_135, %dma_wait3A_232, %dma_wait3A_233] : memref<3x40x256xf32, #tpu.memory_space<vmem>> -> memref<1x40x128xf32, #tpu.memory_space<vmem>>
        %dma_wait3A_235 = tpu.memref_squeeze %dma_wait3A_234 : memref<1x40x128xf32, #tpu.memory_space<vmem>> -> memref<40x128xf32, #tpu.memory_space<vmem>>
        tpu.wait_dma2 semaphore(%dma_wait3A_229 : memref<!tpu.dma_semaphore, #tpu.memory_space<semaphore_mem>>) src(%dma_wait3A_235 : memref<40x128xf32, #tpu.memory_space<vmem>>) dst(%dma_wait3A_231 : memref<40x128xf32, #tpu.memory_space<hbm>>)
        %dma_wait3A_236 = arith.constant 0 : i32
        %dma_wait3A_237 = arith.constant 0 : i32
        %dma_wait3A_238 = tpu.memref_slice %arg12[%select_n3A_135, %dma_wait3A_236, %dma_wait3A_237] : memref<3x40x256xf32, #tpu.memory_space<vmem>> -> memref<1x40x128xf32, #tpu.memory_space<vmem>>
        %dma_wait3A_239 = tpu.memref_squeeze %dma_wait3A_238 : memref<1x40x128xf32, #tpu.memory_space<vmem>> -> memref<40x128xf32, #tpu.memory_space<vmem>>
        %dma_wait3A_240 = arith.constant 0 : i32
        %dma_wait3A_241 = tpu.memref_slice %arg7[%add3A_221, %dma_wait3A_240] : memref<160000x128xf32, #tpu.memory_space<hbm>> -> memref<40x128xf32, #tpu.memory_space<hbm>>
        %dma_wait3A_242 = tpu.memref_slice %arg16[%select_n3A_135] : memref<3x!tpu.dma_semaphore, #tpu.memory_space<semaphore_mem>> -> memref<1x!tpu.dma_semaphore, #tpu.memory_space<semaphore_mem>>
        %dma_wait3A_243 = tpu.memref_squeeze %dma_wait3A_242 : memref<1x!tpu.dma_semaphore, #tpu.memory_space<semaphore_mem>> -> memref<!tpu.dma_semaphore, #tpu.memory_space<semaphore_mem>>
        %dma_wait3A_244 = arith.constant 0 : i32
        %dma_wait3A_245 = tpu.memref_slice %arg7[%add3A_221, %dma_wait3A_244] : memref<160000x128xf32, #tpu.memory_space<hbm>> -> memref<40x128xf32, #tpu.memory_space<hbm>>
        %dma_wait3A_246 = arith.constant 0 : i32
        %dma_wait3A_247 = arith.constant 0 : i32
        %dma_wait3A_248 = tpu.memref_slice %arg12[%select_n3A_135, %dma_wait3A_246, %dma_wait3A_247] : memref<3x40x256xf32, #tpu.memory_space<vmem>> -> memref<1x40x128xf32, #tpu.memory_space<vmem>>
        %dma_wait3A_249 = tpu.memref_squeeze %dma_wait3A_248 : memref<1x40x128xf32, #tpu.memory_space<vmem>> -> memref<40x128xf32, #tpu.memory_space<vmem>>
        tpu.wait_dma2 semaphore(%dma_wait3A_243 : memref<!tpu.dma_semaphore, #tpu.memory_space<semaphore_mem>>) src(%dma_wait3A_249 : memref<40x128xf32, #tpu.memory_space<vmem>>) dst(%dma_wait3A_245 : memref<40x128xf32, #tpu.memory_space<hbm>>)
        %dma_wait3A_250 = arith.constant 0 : i32
        %dma_wait3A_251 = arith.constant 0 : i32
        %dma_wait3A_252 = tpu.memref_slice %arg13[%select_n3A_135, %dma_wait3A_250, %dma_wait3A_251] : memref<3x40x16xf32, #tpu.memory_space<vmem>> -> memref<1x40x16xf32, #tpu.memory_space<vmem>>
        %dma_wait3A_253 = tpu.memref_squeeze %dma_wait3A_252 : memref<1x40x16xf32, #tpu.memory_space<vmem>> -> memref<40x16xf32, #tpu.memory_space<vmem>>
        %dma_wait3A_254 = arith.constant 0 : i32
        %dma_wait3A_255 = tpu.memref_slice %arg8[%add3A_221, %dma_wait3A_254] : memref<160000x16xf32, #tpu.memory_space<hbm>> -> memref<40x16xf32, #tpu.memory_space<hbm>>
        %dma_wait3A_256 = tpu.memref_slice %arg16[%select_n3A_135] : memref<3x!tpu.dma_semaphore, #tpu.memory_space<semaphore_mem>> -> memref<1x!tpu.dma_semaphore, #tpu.memory_space<semaphore_mem>>
        %dma_wait3A_257 = tpu.memref_squeeze %dma_wait3A_256 : memref<1x!tpu.dma_semaphore, #tpu.memory_space<semaphore_mem>> -> memref<!tpu.dma_semaphore, #tpu.memory_space<semaphore_mem>>
        %dma_wait3A_258 = arith.constant 0 : i32
        %dma_wait3A_259 = tpu.memref_slice %arg8[%add3A_221, %dma_wait3A_258] : memref<160000x16xf32, #tpu.memory_space<hbm>> -> memref<40x16xf32, #tpu.memory_space<hbm>>
        %dma_wait3A_260 = arith.constant 0 : i32
        %dma_wait3A_261 = arith.constant 0 : i32
        %dma_wait3A_262 = tpu.memref_slice %arg13[%select_n3A_135, %dma_wait3A_260, %dma_wait3A_261] : memref<3x40x16xf32, #tpu.memory_space<vmem>> -> memref<1x40x16xf32, #tpu.memory_space<vmem>>
        %dma_wait3A_263 = tpu.memref_squeeze %dma_wait3A_262 : memref<1x40x16xf32, #tpu.memory_space<vmem>> -> memref<40x16xf32, #tpu.memory_space<vmem>>
        tpu.wait_dma2 semaphore(%dma_wait3A_257 : memref<!tpu.dma_semaphore, #tpu.memory_space<semaphore_mem>>) src(%dma_wait3A_263 : memref<40x16xf32, #tpu.memory_space<vmem>>) dst(%dma_wait3A_259 : memref<40x16xf32, #tpu.memory_space<hbm>>)
      } else {
      }
      %add3A_138 = arith.constant 2 : i32
      %add3A_139 = arith.addi %scan3A_108, %add3A_138 : i32
      %lt3A_140 = arith.constant 125 : i32
      %lt3A_141 = arith.cmpi slt, %add3A_139, %lt3A_140 : i32
      %convert_element_type3A_142 = arith.extui %lt3A_141 : i1 to i32
      %cond3A_143 = arith.constant 0 : i32
      %cond3A_144 = arith.cmpi ne, %convert_element_type3A_142, %cond3A_143 : i32
      scf.if %cond3A_144 {
        %add3A_218 = arith.constant 2 : i32
        %add3A_219 = arith.addi %scan3A_108, %add3A_218 : i32
        %mul3A_220 = arith.constant 40 : i32
        %mul3A_221 = arith.muli %add3A_219, %mul3A_220 : i32
        %dma_start3A_222 = arith.constant 0 : i32
        %dma_start3A_223 = arith.constant 0 : i32
        %dma_start3A_224 = tpu.memref_slice %arg11[%select_n3A_135, %dma_start3A_222, %dma_start3A_223] : memref<3x40x256xf32, #tpu.memory_space<vmem>> -> memref<1x40x256xf32, #tpu.memory_space<vmem>>
        %dma_start3A_225 = tpu.memref_squeeze %dma_start3A_224 : memref<1x40x256xf32, #tpu.memory_space<vmem>> -> memref<40x256xf32, #tpu.memory_space<vmem>>
        %dma_start3A_226 = tpu.memref_slice %arg9[%mul3A_221] : memref<5000xi32, #tpu.memory_space<vmem>> -> memref<40xi32, #tpu.memory_space<vmem>>
        %dma_start3A_227 = arith.constant 0 : i32
        %dma_start3A_228 = arith.constant 0 : i32
        %dma_start3A_229 = tpu.memref_slice %arg2[%dma_start3A_227, %dma_start3A_228] : memref<10000x256xf32, #tpu.memory_space<hbm>> -> memref<10000x256xf32, #tpu.memory_space<hbm>>
        %dma_start3A_230 = tpu.memref_slice %arg14[%select_n3A_135] : memref<3x!tpu.dma_semaphore, #tpu.memory_space<semaphore_mem>> -> memref<1x!tpu.dma_semaphore, #tpu.memory_space<semaphore_mem>>
        %dma_start3A_231 = tpu.memref_squeeze %dma_start3A_230 : memref<1x!tpu.dma_semaphore, #tpu.memory_space<semaphore_mem>> -> memref<!tpu.dma_semaphore, #tpu.memory_space<semaphore_mem>>
        tpu.enqueue_indirect_dma source(%dma_start3A_229 : memref<10000x256xf32, #tpu.memory_space<hbm>>) target(%dma_start3A_225 : memref<40x256xf32, #tpu.memory_space<vmem>>) offsets(%dma_start3A_226 : memref<40xi32, #tpu.memory_space<vmem>>) semaphore(%dma_start3A_231 : memref<!tpu.dma_semaphore, #tpu.memory_space<semaphore_mem>>)
        %dma_start3A_232 = arith.constant 0 : i32
        %dma_start3A_233 = arith.constant 0 : i32
        %dma_start3A_234 = tpu.memref_slice %arg12[%select_n3A_135, %dma_start3A_232, %dma_start3A_233] : memref<3x40x256xf32, #tpu.memory_space<vmem>> -> memref<1x40x256xf32, #tpu.memory_space<vmem>>
        %dma_start3A_235 = tpu.memref_squeeze %dma_start3A_234 : memref<1x40x256xf32, #tpu.memory_space<vmem>> -> memref<40x256xf32, #tpu.memory_space<vmem>>
        %dma_start3A_236 = tpu.memref_slice %arg10[%mul3A_221] : memref<5000xi32, #tpu.memory_space<vmem>> -> memref<40xi32, #tpu.memory_space<vmem>>
        %dma_start3A_237 = arith.constant 0 : i32
        %dma_start3A_238 = arith.constant 0 : i32
        %dma_start3A_239 = tpu.memref_slice %arg3[%dma_start3A_237, %dma_start3A_238] : memref<10000x256xf32, #tpu.memory_space<hbm>> -> memref<10000x256xf32, #tpu.memory_space<hbm>>
        %dma_start3A_240 = tpu.memref_slice %arg15[%select_n3A_135] : memref<3x!tpu.dma_semaphore, #tpu.memory_space<semaphore_mem>> -> memref<1x!tpu.dma_semaphore, #tpu.memory_space<semaphore_mem>>
        %dma_start3A_241 = tpu.memref_squeeze %dma_start3A_240 : memref<1x!tpu.dma_semaphore, #tpu.memory_space<semaphore_mem>> -> memref<!tpu.dma_semaphore, #tpu.memory_space<semaphore_mem>>
        tpu.enqueue_indirect_dma source(%dma_start3A_239 : memref<10000x256xf32, #tpu.memory_space<hbm>>) target(%dma_start3A_235 : memref<40x256xf32, #tpu.memory_space<vmem>>) offsets(%dma_start3A_236 : memref<40xi32, #tpu.memory_space<vmem>>) semaphore(%dma_start3A_241 : memref<!tpu.dma_semaphore, #tpu.memory_space<semaphore_mem>>)
      } else {
      }
      %mul3A_145 = arith.constant 40 : i32
      %mul3A_146 = arith.muli %scan3A_108, %mul3A_145 : i32
      %dma_wait3A_147 = arith.constant 0 : i32
      %dma_wait3A_148 = arith.constant 0 : i32
      %dma_wait3A_149 = tpu.memref_slice %arg11[%select_n3A_117, %dma_wait3A_147, %dma_wait3A_148] : memref<3x40x256xf32, #tpu.memory_space<vmem>> -> memref<1x40x256xf32, #tpu.memory_space<vmem>>
      %dma_wait3A_150 = tpu.memref_squeeze %dma_wait3A_149 : memref<1x40x256xf32, #tpu.memory_space<vmem>> -> memref<40x256xf32, #tpu.memory_space<vmem>>
      %dma_wait3A_151 = tpu.memref_slice %arg9[%mul3A_146] : memref<5000xi32, #tpu.memory_space<vmem>> -> memref<40xi32, #tpu.memory_space<vmem>>
      %dma_wait3A_152 = arith.constant 0 : i32
      %dma_wait3A_153 = arith.constant 0 : i32
      %dma_wait3A_154 = tpu.memref_slice %arg2[%dma_wait3A_152, %dma_wait3A_153] : memref<10000x256xf32, #tpu.memory_space<hbm>> -> memref<10000x256xf32, #tpu.memory_space<hbm>>
      %dma_wait3A_155 = tpu.memref_slice %arg14[%select_n3A_117] : memref<3x!tpu.dma_semaphore, #tpu.memory_space<semaphore_mem>> -> memref<1x!tpu.dma_semaphore, #tpu.memory_space<semaphore_mem>>
      %dma_wait3A_156 = tpu.memref_squeeze %dma_wait3A_155 : memref<1x!tpu.dma_semaphore, #tpu.memory_space<semaphore_mem>> -> memref<!tpu.dma_semaphore, #tpu.memory_space<semaphore_mem>>
      tpu.wait_indirect_dma semaphore(%dma_wait3A_156 : memref<!tpu.dma_semaphore, #tpu.memory_space<semaphore_mem>>) src(%dma_wait3A_154 : memref<10000x256xf32, #tpu.memory_space<hbm>>) dst(%dma_wait3A_150 : memref<40x256xf32, #tpu.memory_space<vmem>>)
      %dma_wait3A_157 = arith.constant 0 : i32
      %dma_wait3A_158 = arith.constant 0 : i32
      %dma_wait3A_159 = tpu.memref_slice %arg12[%select_n3A_117, %dma_wait3A_157, %dma_wait3A_158] : memref<3x40x256xf32, #tpu.memory_space<vmem>> -> memref<1x40x256xf32, #tpu.memory_space<vmem>>
      %dma_wait3A_160 = tpu.memref_squeeze %dma_wait3A_159 : memref<1x40x256xf32, #tpu.memory_space<vmem>> -> memref<40x256xf32, #tpu.memory_space<vmem>>
      %dma_wait3A_161 = tpu.memref_slice %arg10[%mul3A_146] : memref<5000xi32, #tpu.memory_space<vmem>> -> memref<40xi32, #tpu.memory_space<vmem>>
      %dma_wait3A_162 = arith.constant 0 : i32
      %dma_wait3A_163 = arith.constant 0 : i32
      %dma_wait3A_164 = tpu.memref_slice %arg3[%dma_wait3A_162, %dma_wait3A_163] : memref<10000x256xf32, #tpu.memory_space<hbm>> -> memref<10000x256xf32, #tpu.memory_space<hbm>>
      %dma_wait3A_165 = tpu.memref_slice %arg15[%select_n3A_117] : memref<3x!tpu.dma_semaphore, #tpu.memory_space<semaphore_mem>> -> memref<1x!tpu.dma_semaphore, #tpu.memory_space<semaphore_mem>>
      %dma_wait3A_166 = tpu.memref_squeeze %dma_wait3A_165 : memref<1x!tpu.dma_semaphore, #tpu.memory_space<semaphore_mem>> -> memref<!tpu.dma_semaphore, #tpu.memory_space<semaphore_mem>>
      tpu.wait_indirect_dma semaphore(%dma_wait3A_166 : memref<!tpu.dma_semaphore, #tpu.memory_space<semaphore_mem>>) src(%dma_wait3A_164 : memref<10000x256xf32, #tpu.memory_space<hbm>>) dst(%dma_wait3A_160 : memref<40x256xf32, #tpu.memory_space<vmem>>)
      %scan3A_167 = arith.constant 0 : i32
      %scan3A_168 = arith.constant 0 : i32
      %scan3A_169 = arith.constant 40 : i32
      %scan3A_170 = arith.addi %scan3A_168, %scan3A_169 : i32
      %scan3A_171 = arith.constant 1 : i32
      scf.for %scan3A_218 = %scan3A_168 to %scan3A_170 step %scan3A_171  : i32 {
        %get3A = arith.index_cast %select_n3A_117 : i32 to index
        %get3A_219 = arith.index_cast %scan3A_218 : i32 to index
        %get3A_220 = arith.constant 128 : index
        %get3A_221 = tpu.vector_load %arg11[%get3A, %get3A_219, %get3A_220] {strides = array<i32>} : memref<3x40x256xf32, #tpu.memory_space<vmem>>, vector<1x1x16xf32>,
        %get3A_222 = vector.shape_cast %get3A_221 : vector<1x1x16xf32> to vector<16xf32>
        %get3A_223 = arith.index_cast %select_n3A_117 : i32 to index
        %get3A_224 = arith.index_cast %scan3A_218 : i32 to index
        %get3A_225 = arith.constant 128 : index
        %get3A_226 = tpu.vector_load %arg12[%get3A_223, %get3A_224, %get3A_225] {strides = array<i32>} : memref<3x40x256xf32, #tpu.memory_space<vmem>>, vector<1x1x16xf32>,
        %get3A_227 = vector.shape_cast %get3A_226 : vector<1x1x16xf32> to vector<16xf32>
        %add3A_228 = arith.addf %get3A_222, %get3A_227 : vector<16xf32>
        %swap3A = arith.index_cast %select_n3A_117 : i32 to index
        %swap3A_229 = arith.index_cast %scan3A_218 : i32 to index
        %swap3A_230 = arith.constant 0 : index
        %swap3A_231 = tpu.vector_load %arg13[%swap3A, %swap3A_229, %swap3A_230] {strides = array<i32>} : memref<3x40x16xf32, #tpu.memory_space<vmem>>, vector<1x1x16xf32>,
        %swap3A_232 = vector.shape_cast %swap3A_231 : vector<1x1x16xf32> to vector<16xf32>
        %swap3A_233 = vector.shape_cast %add3A_228 : vector<16xf32> to vector<1x1x16xf32>
        tpu.vector_store %arg13[%swap3A, %swap3A_229, %swap3A_230], %swap3A_233 {strides = array<i32>} : memref<3x40x16xf32, #tpu.memory_space<vmem>>, vector<1x1x16xf32>,
      }
      %scan3A_172 = arith.constant 40 : i32
      %mul3A_173 = arith.constant 40 : i32
      %mul3A_174 = arith.muli %scan3A_108, %mul3A_173 : i32
      %add3A_175 = arith.addi %mul3A_2, %mul3A_174 : i32
      %dma_start3A_176 = arith.constant 0 : i32
      %dma_start3A_177 = arith.constant 0 : i32
      %dma_start3A_178 = tpu.memref_slice %arg11[%select_n3A_117, %dma_start3A_176, %dma_start3A_177] : memref<3x40x256xf32, #tpu.memory_space<vmem>> -> memref<1x40x128xf32, #tpu.memory_space<vmem>>
      %dma_start3A_179 = tpu.memref_squeeze %dma_start3A_178 : memref<1x40x128xf32, #tpu.memory_space<vmem>> -> memref<40x128xf32, #tpu.memory_space<vmem>>
      %dma_start3A_180 = arith.constant 0 : i32
      %dma_start3A_181 = tpu.memref_slice %arg6[%add3A_175, %dma_start3A_180] : memref<160000x128xf32, #tpu.memory_space<hbm>> -> memref<40x128xf32, #tpu.memory_space<hbm>>
      %dma_start3A_182 = tpu.memref_slice %arg16[%select_n3A_117] : memref<3x!tpu.dma_semaphore, #tpu.memory_space<semaphore_mem>> -> memref<1x!tpu.dma_semaphore, #tpu.memory_space<semaphore_mem>>
      %dma_start3A_183 = tpu.memref_squeeze %dma_start3A_182 : memref<1x!tpu.dma_semaphore, #tpu.memory_space<semaphore_mem>> -> memref<!tpu.dma_semaphore, #tpu.memory_space<semaphore_mem>>
      %dma_start3A_184 = arith.constant 0 : i32
      %dma_start3A_185 = tpu.memref_slice %arg6[%add3A_175, %dma_start3A_184] : memref<160000x128xf32, #tpu.memory_space<hbm>> -> memref<40x128xf32, #tpu.memory_space<hbm>>
      %dma_start3A_186 = arith.constant 0 : i32
      %dma_start3A_187 = arith.constant 0 : i32
      %dma_start3A_188 = tpu.memref_slice %arg11[%select_n3A_117, %dma_start3A_186, %dma_start3A_187] : memref<3x40x256xf32, #tpu.memory_space<vmem>> -> memref<1x40x128xf32, #tpu.memory_space<vmem>>
      %dma_start3A_189 = tpu.memref_squeeze %dma_start3A_188 : memref<1x40x128xf32, #tpu.memory_space<vmem>> -> memref<40x128xf32, #tpu.memory_space<vmem>>
      tpu.enqueue_dma source(%dma_start3A_189 : memref<40x128xf32, #tpu.memory_space<vmem>>) target(%dma_start3A_185 : memref<40x128xf32, #tpu.memory_space<hbm>>) target_semaphore(%dma_start3A_183 : memref<!tpu.dma_semaphore, #tpu.memory_space<semaphore_mem>>)
      %dma_start3A_190 = arith.constant 0 : i32
      %dma_start3A_191 = arith.constant 0 : i32
      %dma_start3A_192 = tpu.memref_slice %arg12[%select_n3A_117, %dma_start3A_190, %dma_start3A_191] : memref<3x40x256xf32, #tpu.memory_space<vmem>> -> memref<1x40x128xf32, #tpu.memory_space<vmem>>
      %dma_start3A_193 = tpu.memref_squeeze %dma_start3A_192 : memref<1x40x128xf32, #tpu.memory_space<vmem>> -> memref<40x128xf32, #tpu.memory_space<vmem>>
      %dma_start3A_194 = arith.constant 0 : i32
      %dma_start3A_195 = tpu.memref_slice %arg7[%add3A_175, %dma_start3A_194] : memref<160000x128xf32, #tpu.memory_space<hbm>> -> memref<40x128xf32, #tpu.memory_space<hbm>>
      %dma_start3A_196 = tpu.memref_slice %arg16[%select_n3A_117] : memref<3x!tpu.dma_semaphore, #tpu.memory_space<semaphore_mem>> -> memref<1x!tpu.dma_semaphore, #tpu.memory_space<semaphore_mem>>
      %dma_start3A_197 = tpu.memref_squeeze %dma_start3A_196 : memref<1x!tpu.dma_semaphore, #tpu.memory_space<semaphore_mem>> -> memref<!tpu.dma_semaphore, #tpu.memory_space<semaphore_mem>>
      %dma_start3A_198 = arith.constant 0 : i32
      %dma_start3A_199 = tpu.memref_slice %arg7[%add3A_175, %dma_start3A_198] : memref<160000x128xf32, #tpu.memory_space<hbm>> -> memref<40x128xf32, #tpu.memory_space<hbm>>
      %dma_start3A_200 = arith.constant 0 : i32
      %dma_start3A_201 = arith.constant 0 : i32
      %dma_start3A_202 = tpu.memref_slice %arg12[%select_n3A_117, %dma_start3A_200, %dma_start3A_201] : memref<3x40x256xf32, #tpu.memory_space<vmem>> -> memref<1x40x128xf32, #tpu.memory_space<vmem>>
      %dma_start3A_203 = tpu.memref_squeeze %dma_start3A_202 : memref<1x40x128xf32, #tpu.memory_space<vmem>> -> memref<40x128xf32, #tpu.memory_space<vmem>>
      tpu.enqueue_dma source(%dma_start3A_203 : memref<40x128xf32, #tpu.memory_space<vmem>>) target(%dma_start3A_199 : memref<40x128xf32, #tpu.memory_space<hbm>>) target_semaphore(%dma_start3A_197 : memref<!tpu.dma_semaphore, #tpu.memory_space<semaphore_mem>>)
      %dma_start3A_204 = arith.constant 0 : i32
      %dma_start3A_205 = arith.constant 0 : i32
      %dma_start3A_206 = tpu.memref_slice %arg13[%select_n3A_117, %dma_start3A_204, %dma_start3A_205] : memref<3x40x16xf32, #tpu.memory_space<vmem>> -> memref<1x40x16xf32, #tpu.memory_space<vmem>>
      %dma_start3A_207 = tpu.memref_squeeze %dma_start3A_206 : memref<1x40x16xf32, #tpu.memory_space<vmem>> -> memref<40x16xf32, #tpu.memory_space<vmem>>
      %dma_start3A_208 = arith.constant 0 : i32
      %dma_start3A_209 = tpu.memref_slice %arg8[%add3A_175, %dma_start3A_208] : memref<160000x16xf32, #tpu.memory_space<hbm>> -> memref<40x16xf32, #tpu.memory_space<hbm>>
      %dma_start3A_210 = tpu.memref_slice %arg16[%select_n3A_117] : memref<3x!tpu.dma_semaphore, #tpu.memory_space<semaphore_mem>> -> memref<1x!tpu.dma_semaphore, #tpu.memory_space<semaphore_mem>>
      %dma_start3A_211 = tpu.memref_squeeze %dma_start3A_210 : memref<1x!tpu.dma_semaphore, #tpu.memory_space<semaphore_mem>> -> memref<!tpu.dma_semaphore, #tpu.memory_space<semaphore_mem>>
      %dma_start3A_212 = arith.constant 0 : i32
      %dma_start3A_213 = tpu.memref_slice %arg8[%add3A_175, %dma_start3A_212] : memref<160000x16xf32, #tpu.memory_space<hbm>> -> memref<40x16xf32, #tpu.memory_space<hbm>>
      %dma_start3A_214 = arith.constant 0 : i32
      %dma_start3A_215 = arith.constant 0 : i32
      %dma_start3A_216 = tpu.memref_slice %arg13[%select_n3A_117, %dma_start3A_214, %dma_start3A_215] : memref<3x40x16xf32, #tpu.memory_space<vmem>> -> memref<1x40x16xf32, #tpu.memory_space<vmem>>
      %dma_start3A_217 = tpu.memref_squeeze %dma_start3A_216 : memref<1x40x16xf32, #tpu.memory_space<vmem>> -> memref<40x16xf32, #tpu.memory_space<vmem>>
      tpu.enqueue_dma source(%dma_start3A_217 : memref<40x16xf32, #tpu.memory_space<vmem>>) target(%dma_start3A_213 : memref<40x16xf32, #tpu.memory_space<hbm>>) target_semaphore(%dma_start3A_211 : memref<!tpu.dma_semaphore, #tpu.memory_space<semaphore_mem>>)
    }
    %scan3A_58 = arith.constant 125 : i32
    %add3A_59 = arith.constant 4960 : i32
    %add3A_60 = arith.addi %mul3A_2, %add3A_59 : i32
    %dma_wait3A = arith.constant 1 : i32
    %dma_wait3A_61 = arith.constant 1 : i32
    %dma_wait3A_62 = arith.constant 0 : i32
    %dma_wait3A_63 = arith.constant 0 : i32
    %dma_wait3A_64 = tpu.memref_slice %arg11[%dma_wait3A, %dma_wait3A_62, %dma_wait3A_63] : memref<3x40x256xf32, #tpu.memory_space<vmem>> -> memref<1x40x128xf32, #tpu.memory_space<vmem>>
    %dma_wait3A_65 = tpu.memref_squeeze %dma_wait3A_64 : memref<1x40x128xf32, #tpu.memory_space<vmem>> -> memref<40x128xf32, #tpu.memory_space<vmem>>
    %dma_wait3A_66 = arith.constant 0 : i32
    %dma_wait3A_67 = tpu.memref_slice %arg6[%add3A_60, %dma_wait3A_66] : memref<160000x128xf32, #tpu.memory_space<hbm>> -> memref<40x128xf32, #tpu.memory_space<hbm>>
    %dma_wait3A_68 = tpu.memref_slice %arg16[%dma_wait3A_61] : memref<3x!tpu.dma_semaphore, #tpu.memory_space<semaphore_mem>> -> memref<1x!tpu.dma_semaphore, #tpu.memory_space<semaphore_mem>>
    %dma_wait3A_69 = tpu.memref_squeeze %dma_wait3A_68 : memref<1x!tpu.dma_semaphore, #tpu.memory_space<semaphore_mem>> -> memref<!tpu.dma_semaphore, #tpu.memory_space<semaphore_mem>>
    %dma_wait3A_70 = arith.constant 0 : i32
    %dma_wait3A_71 = tpu.memref_slice %arg6[%add3A_60, %dma_wait3A_70] : memref<160000x128xf32, #tpu.memory_space<hbm>> -> memref<40x128xf32, #tpu.memory_space<hbm>>
    %dma_wait3A_72 = arith.constant 0 : i32
    %dma_wait3A_73 = arith.constant 0 : i32
    %dma_wait3A_74 = tpu.memref_slice %arg11[%dma_wait3A, %dma_wait3A_72, %dma_wait3A_73] : memref<3x40x256xf32, #tpu.memory_space<vmem>> -> memref<1x40x128xf32, #tpu.memory_space<vmem>>
    %dma_wait3A_75 = tpu.memref_squeeze %dma_wait3A_74 : memref<1x40x128xf32, #tpu.memory_space<vmem>> -> memref<40x128xf32, #tpu.memory_space<vmem>>
    tpu.wait_dma2 semaphore(%dma_wait3A_69 : memref<!tpu.dma_semaphore, #tpu.memory_space<semaphore_mem>>) src(%dma_wait3A_75 : memref<40x128xf32, #tpu.memory_space<vmem>>) dst(%dma_wait3A_71 : memref<40x128xf32, #tpu.memory_space<hbm>>)
    %dma_wait3A_76 = arith.constant 1 : i32
    %dma_wait3A_77 = arith.constant 1 : i32
    %dma_wait3A_78 = arith.constant 0 : i32
    %dma_wait3A_79 = arith.constant 0 : i32
    %dma_wait3A_80 = tpu.memref_slice %arg12[%dma_wait3A_76, %dma_wait3A_78, %dma_wait3A_79] : memref<3x40x256xf32, #tpu.memory_space<vmem>> -> memref<1x40x128xf32, #tpu.memory_space<vmem>>
    %dma_wait3A_81 = tpu.memref_squeeze %dma_wait3A_80 : memref<1x40x128xf32, #tpu.memory_space<vmem>> -> memref<40x128xf32, #tpu.memory_space<vmem>>
    %dma_wait3A_82 = arith.constant 0 : i32
    %dma_wait3A_83 = tpu.memref_slice %arg7[%add3A_60, %dma_wait3A_82] : memref<160000x128xf32, #tpu.memory_space<hbm>> -> memref<40x128xf32, #tpu.memory_space<hbm>>
    %dma_wait3A_84 = tpu.memref_slice %arg16[%dma_wait3A_77] : memref<3x!tpu.dma_semaphore, #tpu.memory_space<semaphore_mem>> -> memref<1x!tpu.dma_semaphore, #tpu.memory_space<semaphore_mem>>
    %dma_wait3A_85 = tpu.memref_squeeze %dma_wait3A_84 : memref<1x!tpu.dma_semaphore, #tpu.memory_space<semaphore_mem>> -> memref<!tpu.dma_semaphore, #tpu.memory_space<semaphore_mem>>
    %dma_wait3A_86 = arith.constant 0 : i32
    %dma_wait3A_87 = tpu.memref_slice %arg7[%add3A_60, %dma_wait3A_86] : memref<160000x128xf32, #tpu.memory_space<hbm>> -> memref<40x128xf32, #tpu.memory_space<hbm>>
    %dma_wait3A_88 = arith.constant 0 : i32
    %dma_wait3A_89 = arith.constant 0 : i32
    %dma_wait3A_90 = tpu.memref_slice %arg12[%dma_wait3A_76, %dma_wait3A_88, %dma_wait3A_89] : memref<3x40x256xf32, #tpu.memory_space<vmem>> -> memref<1x40x128xf32, #tpu.memory_space<vmem>>
    %dma_wait3A_91 = tpu.memref_squeeze %dma_wait3A_90 : memref<1x40x128xf32, #tpu.memory_space<vmem>> -> memref<40x128xf32, #tpu.memory_space<vmem>>
    tpu.wait_dma2 semaphore(%dma_wait3A_85 : memref<!tpu.dma_semaphore, #tpu.memory_space<semaphore_mem>>) src(%dma_wait3A_91 : memref<40x128xf32, #tpu.memory_space<vmem>>) dst(%dma_wait3A_87 : memref<40x128xf32, #tpu.memory_space<hbm>>)
    %dma_wait3A_92 = arith.constant 1 : i32
    %dma_wait3A_93 = arith.constant 1 : i32
    %dma_wait3A_94 = arith.constant 0 : i32
    %dma_wait3A_95 = arith.constant 0 : i32
    %dma_wait3A_96 = tpu.memref_slice %arg13[%dma_wait3A_92, %dma_wait3A_94, %dma_wait3A_95] : memref<3x40x16xf32, #tpu.memory_space<vmem>> -> memref<1x40x16xf32, #tpu.memory_space<vmem>>
    %dma_wait3A_97 = tpu.memref_squeeze %dma_wait3A_96 : memref<1x40x16xf32, #tpu.memory_space<vmem>> -> memref<40x16xf32, #tpu.memory_space<vmem>>
    %dma_wait3A_98 = arith.constant 0 : i32
    %dma_wait3A_99 = tpu.memref_slice %arg8[%add3A_60, %dma_wait3A_98] : memref<160000x16xf32, #tpu.memory_space<hbm>> -> memref<40x16xf32, #tpu.memory_space<hbm>>
    %dma_wait3A_100 = tpu.memref_slice %arg16[%dma_wait3A_93] : memref<3x!tpu.dma_semaphore, #tpu.memory_space<semaphore_mem>> -> memref<1x!tpu.dma_semaphore, #tpu.memory_space<semaphore_mem>>
    %dma_wait3A_101 = tpu.memref_squeeze %dma_wait3A_100 : memref<1x!tpu.dma_semaphore, #tpu.memory_space<semaphore_mem>> -> memref<!tpu.dma_semaphore, #tpu.memory_space<semaphore_mem>>
    %dma_wait3A_102 = arith.constant 0 : i32
    %dma_wait3A_103 = tpu.memref_slice %arg8[%add3A_60, %dma_wait3A_102] : memref<160000x16xf32, #tpu.memory_space<hbm>> -> memref<40x16xf32, #tpu.memory_space<hbm>>
    %dma_wait3A_104 = arith.constant 0 : i32
    %dma_wait3A_105 = arith.constant 0 : i32
    %dma_wait3A_106 = tpu.memref_slice %arg13[%dma_wait3A_92, %dma_wait3A_104, %dma_wait3A_105] : memref<3x40x16xf32, #tpu.memory_space<vmem>> -> memref<1x40x16xf32, #tpu.memory_space<vmem>>
    %dma_wait3A_107 = tpu.memref_squeeze %dma_wait3A_106 : memref<1x40x16xf32, #tpu.memory_space<vmem>> -> memref<40x16xf32, #tpu.memory_space<vmem>>
    tpu.wait_dma2 semaphore(%dma_wait3A_101 : memref<!tpu.dma_semaphore, #tpu.memory_space<semaphore_mem>>) src(%dma_wait3A_107 : memref<40x16xf32, #tpu.memory_space<vmem>>) dst(%dma_wait3A_103 : memref<40x16xf32, #tpu.memory_space<hbm>>)
    return
  }
}

#map = affine_map<(d0, d1) -> (0, 0)>
#map1 = affine_map<(d0, d1) -> (0)>
module attributes {stable_mosaic.version = 14 : i64} {
  func.func @edge_gather(%arg0: i32, %arg1: i32, %arg2: memref<10000x256xf32, #tpu.memory_space<hbm>>, %arg3: memref<10000x256xf32, #tpu.memory_space<hbm>>, %arg4: memref<160000xi32, #tpu.memory_space<hbm>>, %arg5: memref<160000xi32, #tpu.memory_space<hbm>>, %arg6: memref<160000x128xf32, #tpu.memory_space<hbm>>, %arg7: memref<160000x128xf32, #tpu.memory_space<hbm>>, %arg8: memref<160000x16xf32, #tpu.memory_space<hbm>>, %arg9: memref<5000xi32, #tpu.memory_space<vmem>>, %arg10: memref<5000xi32, #tpu.memory_space<vmem>>, %arg11: memref<3x40x256xf32, #tpu.memory_space<vmem>>, %arg12: memref<3x40x256xf32, #tpu.memory_space<vmem>>, %arg13: memref<3x40x16xf32, #tpu.memory_space<vmem>>, %arg14: memref<3x!tpu.dma_semaphore, #tpu.memory_space<semaphore_mem>>, %arg15: memref<3x!tpu.dma_semaphore, #tpu.memory_space<semaphore_mem>>, %arg16: memref<3x!tpu.dma_semaphore, #tpu.memory_space<semaphore_mem>>) attributes {dimension_semantics = [#tpu.dimension_semantics<core_parallel>, #tpu.dimension_semantics<subcore_parallel>], iteration_bounds = array<i64: 2, 16>, scalar_prefetch = 0 : i64, scratch_operands = 8 : i64, tpu.core_type = #tpu.core_type<sc_vector_subcore>, window_params = [{transform_indices = #map}, {transform_indices = #map}, {transform_indices = #map1}, {transform_indices = #map1}, {transform_indices = #map}, {transform_indices = #map}, {transform_indices = #map}]} {
    %mul3A = arith.constant 2 : i32
    %mul3A_0 = arith.muli %arg1, %mul3A : i32
    %add3A = arith.addi %mul3A_0, %arg0 : i32
    %mul3A_1 = arith.constant 5000 : i32
    %mul3A_2 = arith.muli %add3A, %mul3A_1 : i32
    "tpu.region"() ({
      %run_scoped3A = tpu.sem_alloc : memref<!tpu.dma_semaphore, #tpu.memory_space<semaphore_mem>>
      %dma_start3A_108 = tpu.memref_slice %arg4[%mul3A_2] : memref<160000xi32, #tpu.memory_space<hbm>> -> memref<5000xi32, #tpu.memory_space<hbm>>
      %dma_start3A_109 = tpu.memref_slice %arg4[%mul3A_2] : memref<160000xi32, #tpu.memory_space<hbm>> -> memref<5000xi32, #tpu.memory_space<hbm>>
      tpu.enqueue_dma source(%dma_start3A_109 : memref<5000xi32, #tpu.memory_space<hbm>>) target(%arg9 : memref<5000xi32, #tpu.memory_space<vmem>>) target_semaphore(%run_scoped3A : memref<!tpu.dma_semaphore, #tpu.memory_space<semaphore_mem>>)
      %dma_wait3A_110 = tpu.memref_slice %arg4[%mul3A_2] : memref<160000xi32, #tpu.memory_space<hbm>> -> memref<5000xi32, #tpu.memory_space<hbm>>
      %dma_wait3A_111 = tpu.memref_slice %arg4[%mul3A_2] : memref<160000xi32, #tpu.memory_space<hbm>> -> memref<5000xi32, #tpu.memory_space<hbm>>
      tpu.wait_dma2 semaphore(%run_scoped3A : memref<!tpu.dma_semaphore, #tpu.memory_space<semaphore_mem>>) src(%dma_wait3A_111 : memref<5000xi32, #tpu.memory_space<hbm>>) dst(%arg9 : memref<5000xi32, #tpu.memory_space<vmem>>)
      tpu.yield
    }) : () -> ()
    "tpu.region"() ({
      %run_scoped3A = tpu.sem_alloc : memref<!tpu.dma_semaphore, #tpu.memory_space<semaphore_mem>>
      %dma_start3A_108 = tpu.memref_slice %arg5[%mul3A_2] : memref<160000xi32, #tpu.memory_space<hbm>> -> memref<5000xi32, #tpu.memory_space<hbm>>
      %dma_start3A_109 = tpu.memref_slice %arg5[%mul3A_2] : memref<160000xi32, #tpu.memory_space<hbm>> -> memref<5000xi32, #tpu.memory_space<hbm>>
      tpu.enqueue_dma source(%dma_start3A_109 : memref<5000xi32, #tpu.memory_space<hbm>>) target(%arg10 : memref<5000xi32, #tpu.memory_space<vmem>>) target_semaphore(%run_scoped3A : memref<!tpu.dma_semaphore, #tpu.memory_space<semaphore_mem>>)
      %dma_wait3A_110 = tpu.memref_slice %arg5[%mul3A_2] : memref<160000xi32, #tpu.memory_space<hbm>> -> memref<5000xi32, #tpu.memory_space<hbm>>
      %dma_wait3A_111 = tpu.memref_slice %arg5[%mul3A_2] : memref<160000xi32, #tpu.memory_space<hbm>> -> memref<5000xi32, #tpu.memory_space<hbm>>
      tpu.wait_dma2 semaphore(%run_scoped3A : memref<!tpu.dma_semaphore, #tpu.memory_space<semaphore_mem>>) src(%dma_wait3A_111 : memref<5000xi32, #tpu.memory_space<hbm>>) dst(%arg10 : memref<5000xi32, #tpu.memory_space<vmem>>)
      tpu.yield
    }) : () -> ()
    %dma_start3A = arith.constant 0 : i32
    %dma_start3A_3 = arith.constant 0 : i32
    %dma_start3A_4 = arith.constant 0 : i32
    %dma_start3A_5 = arith.constant 0 : i32
    %dma_start3A_6 = tpu.memref_slice %arg11[%dma_start3A, %dma_start3A_4, %dma_start3A_5] : memref<3x40x256xf32, #tpu.memory_space<vmem>> -> memref<1x40x256xf32, #tpu.memory_space<vmem>>
    %dma_start3A_7 = tpu.memref_squeeze %dma_start3A_6 : memref<1x40x256xf32, #tpu.memory_space<vmem>> -> memref<40x256xf32, #tpu.memory_space<vmem>>
    %dma_start3A_8 = arith.constant 0 : i32
    %dma_start3A_9 = tpu.memref_slice %arg9[%dma_start3A_8] : memref<5000xi32, #tpu.memory_space<vmem>> -> memref<40xi32, #tpu.memory_space<vmem>>
    %dma_start3A_10 = arith.constant 0 : i32
    %dma_start3A_11 = arith.constant 0 : i32
    %dma_start3A_12 = tpu.memref_slice %arg2[%dma_start3A_10, %dma_start3A_11] : memref<10000x256xf32, #tpu.memory_space<hbm>> -> memref<10000x256xf32, #tpu.memory_space<hbm>>
    %dma_start3A_13 = tpu.memref_slice %arg14[%dma_start3A_3] : memref<3x!tpu.dma_semaphore, #tpu.memory_space<semaphore_mem>> -> memref<1x!tpu.dma_semaphore, #tpu.memory_space<semaphore_mem>>
    %dma_start3A_14 = tpu.memref_squeeze %dma_start3A_13 : memref<1x!tpu.dma_semaphore, #tpu.memory_space<semaphore_mem>> -> memref<!tpu.dma_semaphore, #tpu.memory_space<semaphore_mem>>
    tpu.enqueue_indirect_dma source(%dma_start3A_12 : memref<10000x256xf32, #tpu.memory_space<hbm>>) target(%dma_start3A_7 : memref<40x256xf32, #tpu.memory_space<vmem>>) offsets(%dma_start3A_9 : memref<40xi32, #tpu.memory_space<vmem>>) semaphore(%dma_start3A_14 : memref<!tpu.dma_semaphore, #tpu.memory_space<semaphore_mem>>)
    %dma_start3A_15 = arith.constant 0 : i32
    %dma_start3A_16 = arith.constant 0 : i32
    %dma_start3A_17 = arith.constant 0 : i32
    %dma_start3A_18 = arith.constant 0 : i32
    %dma_start3A_19 = tpu.memref_slice %arg12[%dma_start3A_15, %dma_start3A_17, %dma_start3A_18] : memref<3x40x256xf32, #tpu.memory_space<vmem>> -> memref<1x40x256xf32, #tpu.memory_space<vmem>>
    %dma_start3A_20 = tpu.memref_squeeze %dma_start3A_19 : memref<1x40x256xf32, #tpu.memory_space<vmem>> -> memref<40x256xf32, #tpu.memory_space<vmem>>
    %dma_start3A_21 = arith.constant 0 : i32
    %dma_start3A_22 = tpu.memref_slice %arg10[%dma_start3A_21] : memref<5000xi32, #tpu.memory_space<vmem>> -> memref<40xi32, #tpu.memory_space<vmem>>
    %dma_start3A_23 = arith.constant 0 : i32
    %dma_start3A_24 = arith.constant 0 : i32
    %dma_start3A_25 = tpu.memref_slice %arg3[%dma_start3A_23, %dma_start3A_24] : memref<10000x256xf32, #tpu.memory_space<hbm>> -> memref<10000x256xf32, #tpu.memory_space<hbm>>
    %dma_start3A_26 = tpu.memref_slice %arg15[%dma_start3A_16] : memref<3x!tpu.dma_semaphore, #tpu.memory_space<semaphore_mem>> -> memref<1x!tpu.dma_semaphore, #tpu.memory_space<semaphore_mem>>
    %dma_start3A_27 = tpu.memref_squeeze %dma_start3A_26 : memref<1x!tpu.dma_semaphore, #tpu.memory_space<semaphore_mem>> -> memref<!tpu.dma_semaphore, #tpu.memory_space<semaphore_mem>>
    tpu.enqueue_indirect_dma source(%dma_start3A_25 : memref<10000x256xf32, #tpu.memory_space<hbm>>) target(%dma_start3A_20 : memref<40x256xf32, #tpu.memory_space<vmem>>) offsets(%dma_start3A_22 : memref<40xi32, #tpu.memory_space<vmem>>) semaphore(%dma_start3A_27 : memref<!tpu.dma_semaphore, #tpu.memory_space<semaphore_mem>>)
    %dma_start3A_28 = arith.constant 1 : i32
    %dma_start3A_29 = arith.constant 1 : i32
    %dma_start3A_30 = arith.constant 0 : i32
    %dma_start3A_31 = arith.constant 0 : i32
    %dma_start3A_32 = tpu.memref_slice %arg11[%dma_start3A_28, %dma_start3A_30, %dma_start3A_31] : memref<3x40x256xf32, #tpu.memory_space<vmem>> -> memref<1x40x256xf32, #tpu.memory_space<vmem>>
    %dma_start3A_33 = tpu.memref_squeeze %dma_start3A_32 : memref<1x40x256xf32, #tpu.memory_space<vmem>> -> memref<40x256xf32, #tpu.memory_space<vmem>>
    %dma_start3A_34 = arith.constant 40 : i32
    %dma_start3A_35 = tpu.memref_slice %arg9[%dma_start3A_34] : memref<5000xi32, #tpu.memory_space<vmem>> -> memref<40xi32, #tpu.memory_space<vmem>>
    %dma_start3A_36 = arith.constant 0 : i32
    %dma_start3A_37 = arith.constant 0 : i32
    %dma_start3A_38 = tpu.memref_slice %arg2[%dma_start3A_36, %dma_start3A_37] : memref<10000x256xf32, #tpu.memory_space<hbm>> -> memref<10000x256xf32, #tpu.memory_space<hbm>>
    %dma_start3A_39 = tpu.memref_slice %arg14[%dma_start3A_29] : memref<3x!tpu.dma_semaphore, #tpu.memory_space<semaphore_mem>> -> memref<1x!tpu.dma_semaphore, #tpu.memory_space<semaphore_mem>>
    %dma_start3A_40 = tpu.memref_squeeze %dma_start3A_39 : memref<1x!tpu.dma_semaphore, #tpu.memory_space<semaphore_mem>> -> memref<!tpu.dma_semaphore, #tpu.memory_space<semaphore_mem>>
    tpu.enqueue_indirect_dma source(%dma_start3A_38 : memref<10000x256xf32, #tpu.memory_space<hbm>>) target(%dma_start3A_33 : memref<40x256xf32, #tpu.memory_space<vmem>>) offsets(%dma_start3A_35 : memref<40xi32, #tpu.memory_space<vmem>>) semaphore(%dma_start3A_40 : memref<!tpu.dma_semaphore, #tpu.memory_space<semaphore_mem>>)
    %dma_start3A_41 = arith.constant 1 : i32
    %dma_start3A_42 = arith.constant 1 : i32
    %dma_start3A_43 = arith.constant 0 : i32
    %dma_start3A_44 = arith.constant 0 : i32
    %dma_start3A_45 = tpu.memref_slice %arg12[%dma_start3A_41, %dma_start3A_43, %dma_start3A_44] : memref<3x40x256xf32, #tpu.memory_space<vmem>> -> memref<1x40x256xf32, #tpu.memory_space<vmem>>
    %dma_start3A_46 = tpu.memref_squeeze %dma_start3A_45 : memref<1x40x256xf32, #tpu.memory_space<vmem>> -> memref<40x256xf32, #tpu.memory_space<vmem>>
    %dma_start3A_47 = arith.constant 40 : i32
    %dma_start3A_48 = tpu.memref_slice %arg10[%dma_start3A_47] : memref<5000xi32, #tpu.memory_space<vmem>> -> memref<40xi32, #tpu.memory_space<vmem>>
    %dma_start3A_49 = arith.constant 0 : i32
    %dma_start3A_50 = arith.constant 0 : i32
    %dma_start3A_51 = tpu.memref_slice %arg3[%dma_start3A_49, %dma_start3A_50] : memref<10000x256xf32, #tpu.memory_space<hbm>> -> memref<10000x256xf32, #tpu.memory_space<hbm>>
    %dma_start3A_52 = tpu.memref_slice %arg15[%dma_start3A_42] : memref<3x!tpu.dma_semaphore, #tpu.memory_space<semaphore_mem>> -> memref<1x!tpu.dma_semaphore, #tpu.memory_space<semaphore_mem>>
    %dma_start3A_53 = tpu.memref_squeeze %dma_start3A_52 : memref<1x!tpu.dma_semaphore, #tpu.memory_space<semaphore_mem>> -> memref<!tpu.dma_semaphore, #tpu.memory_space<semaphore_mem>>
    tpu.enqueue_indirect_dma source(%dma_start3A_51 : memref<10000x256xf32, #tpu.memory_space<hbm>>) target(%dma_start3A_46 : memref<40x256xf32, #tpu.memory_space<vmem>>) offsets(%dma_start3A_48 : memref<40xi32, #tpu.memory_space<vmem>>) semaphore(%dma_start3A_53 : memref<!tpu.dma_semaphore, #tpu.memory_space<semaphore_mem>>)
    %scan3A = arith.constant 0 : i32
    %scan3A_54 = arith.constant 0 : i32
    %scan3A_55 = arith.constant 125 : i32
    %scan3A_56 = arith.addi %scan3A_54, %scan3A_55 : i32
    %scan3A_57 = arith.constant 1 : i32
    scf.for %scan3A_108 = %scan3A_54 to %scan3A_56 step %scan3A_57  : i32 {
      %jit3A = arith.constant 3 : i32
      %eq3A = arith.constant 0 : i32
      %eq3A_109 = arith.cmpi eq, %jit3A, %eq3A : i32
      %jit3A_110 = arith.constant 1 : i32
      %select_n3A = arith.select %eq3A_109, %jit3A_110, %jit3A : i32
      %rem3A = arith.remsi %scan3A_108, %select_n3A : i32
      %ne3A = arith.constant 0 : i32
      %ne3A_111 = arith.cmpi ne, %rem3A, %ne3A : i32
      %lt3A = arith.constant 0 : i32
      %lt3A_112 = arith.cmpi slt, %rem3A, %lt3A : i32
      %lt3A_113 = arith.constant 0 : i32
      %lt3A_114 = arith.cmpi slt, %select_n3A, %lt3A_113 : i32
      %ne3A_115 = arith.xori %lt3A_112, %lt3A_114 : i1
      %and3A = arith.andi %ne3A_115, %ne3A_111 : i1
      %add3A_116 = arith.addi %rem3A, %select_n3A : i32
      %select_n3A_117 = arith.select %and3A, %add3A_116, %rem3A : i32
      %add3A_118 = arith.constant 2 : i32
      %add3A_119 = arith.addi %scan3A_108, %add3A_118 : i32
      %jit3A_120 = arith.constant 3 : i32
      %eq3A_121 = arith.constant 0 : i32
      %eq3A_122 = arith.cmpi eq, %jit3A_120, %eq3A_121 : i32
      %jit3A_123 = arith.constant 1 : i32
      %select_n3A_124 = arith.select %eq3A_122, %jit3A_123, %jit3A_120 : i32
      %rem3A_125 = arith.remsi %add3A_119, %select_n3A_124 : i32
      %ne3A_126 = arith.constant 0 : i32
      %ne3A_127 = arith.cmpi ne, %rem3A_125, %ne3A_126 : i32
      %lt3A_128 = arith.constant 0 : i32
      %lt3A_129 = arith.cmpi slt, %rem3A_125, %lt3A_128 : i32
      %lt3A_130 = arith.constant 0 : i32
      %lt3A_131 = arith.cmpi slt, %select_n3A_124, %lt3A_130 : i32
      %ne3A_132 = arith.xori %lt3A_129, %lt3A_131 : i1
      %and3A_133 = arith.andi %ne3A_132, %ne3A_127 : i1
      %add3A_134 = arith.addi %rem3A_125, %select_n3A_124 : i32
      %select_n3A_135 = arith.select %and3A_133, %add3A_134, %rem3A_125 : i32
      %ge3A = arith.constant 1 : i32
      %ge3A_136 = arith.cmpi sge, %scan3A_108, %ge3A : i32
      %convert_element_type3A = arith.extui %ge3A_136 : i1 to i32
      %cond3A = arith.constant 0 : i32
      %cond3A_137 = arith.cmpi ne, %convert_element_type3A, %cond3A : i32
      scf.if %cond3A_137 {
        %sub3A = arith.constant 1 : i32
        %sub3A_218 = arith.subi %scan3A_108, %sub3A : i32
        %mul3A_219 = arith.constant 40 : i32
        %mul3A_220 = arith.muli %sub3A_218, %mul3A_219 : i32
        %add3A_221 = arith.addi %mul3A_2, %mul3A_220 : i32
        %dma_wait3A_222 = arith.constant 0 : i32
        %dma_wait3A_223 = arith.constant 0 : i32
        %dma_wait3A_224 = tpu.memref_slice %arg11[%select_n3A_135, %dma_wait3A_222, %dma_wait3A_223] : memref<3x40x256xf32, #tpu.memory_space<vmem>> -> memref<1x40x128xf32, #tpu.memory_space<vmem>>
        %dma_wait3A_225 = tpu.memref_squeeze %dma_wait3A_224 : memref<1x40x128xf32, #tpu.memory_space<vmem>> -> memref<40x128xf32, #tpu.memory_space<vmem>>
        %dma_wait3A_226 = arith.constant 0 : i32
        %dma_wait3A_227 = tpu.memref_slice %arg6[%add3A_221, %dma_wait3A_226] : memref<160000x128xf32, #tpu.memory_space<hbm>> -> memref<40x128xf32, #tpu.memory_space<hbm>>
        %dma_wait3A_228 = tpu.memref_slice %arg16[%select_n3A_135] : memref<3x!tpu.dma_semaphore, #tpu.memory_space<semaphore_mem>> -> memref<1x!tpu.dma_semaphore, #tpu.memory_space<semaphore_mem>>
        %dma_wait3A_229 = tpu.memref_squeeze %dma_wait3A_228 : memref<1x!tpu.dma_semaphore, #tpu.memory_space<semaphore_mem>> -> memref<!tpu.dma_semaphore, #tpu.memory_space<semaphore_mem>>
        %dma_wait3A_230 = arith.constant 0 : i32
        %dma_wait3A_231 = tpu.memref_slice %arg6[%add3A_221, %dma_wait3A_230] : memref<160000x128xf32, #tpu.memory_space<hbm>> -> memref<40x128xf32, #tpu.memory_space<hbm>>
        %dma_wait3A_232 = arith.constant 0 : i32
        %dma_wait3A_233 = arith.constant 0 : i32
        %dma_wait3A_234 = tpu.memref_slice %arg11[%select_n3A_135, %dma_wait3A_232, %dma_wait3A_233] : memref<3x40x256xf32, #tpu.memory_space<vmem>> -> memref<1x40x128xf32, #tpu.memory_space<vmem>>
        %dma_wait3A_235 = tpu.memref_squeeze %dma_wait3A_234 : memref<1x40x128xf32, #tpu.memory_space<vmem>> -> memref<40x128xf32, #tpu.memory_space<vmem>>
        tpu.wait_dma2 semaphore(%dma_wait3A_229 : memref<!tpu.dma_semaphore, #tpu.memory_space<semaphore_mem>>) src(%dma_wait3A_235 : memref<40x128xf32, #tpu.memory_space<vmem>>) dst(%dma_wait3A_231 : memref<40x128xf32, #tpu.memory_space<hbm>>)
        %dma_wait3A_236 = arith.constant 0 : i32
        %dma_wait3A_237 = arith.constant 0 : i32
        %dma_wait3A_238 = tpu.memref_slice %arg12[%select_n3A_135, %dma_wait3A_236, %dma_wait3A_237] : memref<3x40x256xf32, #tpu.memory_space<vmem>> -> memref<1x40x128xf32, #tpu.memory_space<vmem>>
        %dma_wait3A_239 = tpu.memref_squeeze %dma_wait3A_238 : memref<1x40x128xf32, #tpu.memory_space<vmem>> -> memref<40x128xf32, #tpu.memory_space<vmem>>
        %dma_wait3A_240 = arith.constant 0 : i32
        %dma_wait3A_241 = tpu.memref_slice %arg7[%add3A_221, %dma_wait3A_240] : memref<160000x128xf32, #tpu.memory_space<hbm>> -> memref<40x128xf32, #tpu.memory_space<hbm>>
        %dma_wait3A_242 = tpu.memref_slice %arg16[%select_n3A_135] : memref<3x!tpu.dma_semaphore, #tpu.memory_space<semaphore_mem>> -> memref<1x!tpu.dma_semaphore, #tpu.memory_space<semaphore_mem>>
        %dma_wait3A_243 = tpu.memref_squeeze %dma_wait3A_242 : memref<1x!tpu.dma_semaphore, #tpu.memory_space<semaphore_mem>> -> memref<!tpu.dma_semaphore, #tpu.memory_space<semaphore_mem>>
        %dma_wait3A_244 = arith.constant 0 : i32
        %dma_wait3A_245 = tpu.memref_slice %arg7[%add3A_221, %dma_wait3A_244] : memref<160000x128xf32, #tpu.memory_space<hbm>> -> memref<40x128xf32, #tpu.memory_space<hbm>>
        %dma_wait3A_246 = arith.constant 0 : i32
        %dma_wait3A_247 = arith.constant 0 : i32
        %dma_wait3A_248 = tpu.memref_slice %arg12[%select_n3A_135, %dma_wait3A_246, %dma_wait3A_247] : memref<3x40x256xf32, #tpu.memory_space<vmem>> -> memref<1x40x128xf32, #tpu.memory_space<vmem>>
        %dma_wait3A_249 = tpu.memref_squeeze %dma_wait3A_248 : memref<1x40x128xf32, #tpu.memory_space<vmem>> -> memref<40x128xf32, #tpu.memory_space<vmem>>
        tpu.wait_dma2 semaphore(%dma_wait3A_243 : memref<!tpu.dma_semaphore, #tpu.memory_space<semaphore_mem>>) src(%dma_wait3A_249 : memref<40x128xf32, #tpu.memory_space<vmem>>) dst(%dma_wait3A_245 : memref<40x128xf32, #tpu.memory_space<hbm>>)
        %dma_wait3A_250 = arith.constant 0 : i32
        %dma_wait3A_251 = arith.constant 0 : i32
        %dma_wait3A_252 = tpu.memref_slice %arg13[%select_n3A_135, %dma_wait3A_250, %dma_wait3A_251] : memref<3x40x16xf32, #tpu.memory_space<vmem>> -> memref<1x40x16xf32, #tpu.memory_space<vmem>>
        %dma_wait3A_253 = tpu.memref_squeeze %dma_wait3A_252 : memref<1x40x16xf32, #tpu.memory_space<vmem>> -> memref<40x16xf32, #tpu.memory_space<vmem>>
        %dma_wait3A_254 = arith.constant 0 : i32
        %dma_wait3A_255 = tpu.memref_slice %arg8[%add3A_221, %dma_wait3A_254] : memref<160000x16xf32, #tpu.memory_space<hbm>> -> memref<40x16xf32, #tpu.memory_space<hbm>>
        %dma_wait3A_256 = tpu.memref_slice %arg16[%select_n3A_135] : memref<3x!tpu.dma_semaphore, #tpu.memory_space<semaphore_mem>> -> memref<1x!tpu.dma_semaphore, #tpu.memory_space<semaphore_mem>>
        %dma_wait3A_257 = tpu.memref_squeeze %dma_wait3A_256 : memref<1x!tpu.dma_semaphore, #tpu.memory_space<semaphore_mem>> -> memref<!tpu.dma_semaphore, #tpu.memory_space<semaphore_mem>>
        %dma_wait3A_258 = arith.constant 0 : i32
        %dma_wait3A_259 = tpu.memref_slice %arg8[%add3A_221, %dma_wait3A_258] : memref<160000x16xf32, #tpu.memory_space<hbm>> -> memref<40x16xf32, #tpu.memory_space<hbm>>
        %dma_wait3A_260 = arith.constant 0 : i32
        %dma_wait3A_261 = arith.constant 0 : i32
        %dma_wait3A_262 = tpu.memref_slice %arg13[%select_n3A_135, %dma_wait3A_260, %dma_wait3A_261] : memref<3x40x16xf32, #tpu.memory_space<vmem>> -> memref<1x40x16xf32, #tpu.memory_space<vmem>>
        %dma_wait3A_263 = tpu.memref_squeeze %dma_wait3A_262 : memref<1x40x16xf32, #tpu.memory_space<vmem>> -> memref<40x16xf32, #tpu.memory_space<vmem>>
        tpu.wait_dma2 semaphore(%dma_wait3A_257 : memref<!tpu.dma_semaphore, #tpu.memory_space<semaphore_mem>>) src(%dma_wait3A_263 : memref<40x16xf32, #tpu.memory_space<vmem>>) dst(%dma_wait3A_259 : memref<40x16xf32, #tpu.memory_space<hbm>>)
      } else {
      }
      %add3A_138 = arith.constant 2 : i32
      %add3A_139 = arith.addi %scan3A_108, %add3A_138 : i32
      %lt3A_140 = arith.constant 125 : i32
      %lt3A_141 = arith.cmpi slt, %add3A_139, %lt3A_140 : i32
      %convert_element_type3A_142 = arith.extui %lt3A_141 : i1 to i32
      %cond3A_143 = arith.constant 0 : i32
      %cond3A_144 = arith.cmpi ne, %convert_element_type3A_142, %cond3A_143 : i32
      scf.if %cond3A_144 {
        %add3A_218 = arith.constant 2 : i32
        %add3A_219 = arith.addi %scan3A_108, %add3A_218 : i32
        %mul3A_220 = arith.constant 40 : i32
        %mul3A_221 = arith.muli %add3A_219, %mul3A_220 : i32
        %dma_start3A_222 = arith.constant 0 : i32
        %dma_start3A_223 = arith.constant 0 : i32
        %dma_start3A_224 = tpu.memref_slice %arg11[%select_n3A_135, %dma_start3A_222, %dma_start3A_223] : memref<3x40x256xf32, #tpu.memory_space<vmem>> -> memref<1x40x256xf32, #tpu.memory_space<vmem>>
        %dma_start3A_225 = tpu.memref_squeeze %dma_start3A_224 : memref<1x40x256xf32, #tpu.memory_space<vmem>> -> memref<40x256xf32, #tpu.memory_space<vmem>>
        %dma_start3A_226 = tpu.memref_slice %arg9[%mul3A_221] : memref<5000xi32, #tpu.memory_space<vmem>> -> memref<40xi32, #tpu.memory_space<vmem>>
        %dma_start3A_227 = arith.constant 0 : i32
        %dma_start3A_228 = arith.constant 0 : i32
        %dma_start3A_229 = tpu.memref_slice %arg2[%dma_start3A_227, %dma_start3A_228] : memref<10000x256xf32, #tpu.memory_space<hbm>> -> memref<10000x256xf32, #tpu.memory_space<hbm>>
        %dma_start3A_230 = tpu.memref_slice %arg14[%select_n3A_135] : memref<3x!tpu.dma_semaphore, #tpu.memory_space<semaphore_mem>> -> memref<1x!tpu.dma_semaphore, #tpu.memory_space<semaphore_mem>>
        %dma_start3A_231 = tpu.memref_squeeze %dma_start3A_230 : memref<1x!tpu.dma_semaphore, #tpu.memory_space<semaphore_mem>> -> memref<!tpu.dma_semaphore, #tpu.memory_space<semaphore_mem>>
        tpu.enqueue_indirect_dma source(%dma_start3A_229 : memref<10000x256xf32, #tpu.memory_space<hbm>>) target(%dma_start3A_225 : memref<40x256xf32, #tpu.memory_space<vmem>>) offsets(%dma_start3A_226 : memref<40xi32, #tpu.memory_space<vmem>>) semaphore(%dma_start3A_231 : memref<!tpu.dma_semaphore, #tpu.memory_space<semaphore_mem>>)
        %dma_start3A_232 = arith.constant 0 : i32
        %dma_start3A_233 = arith.constant 0 : i32
        %dma_start3A_234 = tpu.memref_slice %arg12[%select_n3A_135, %dma_start3A_232, %dma_start3A_233] : memref<3x40x256xf32, #tpu.memory_space<vmem>> -> memref<1x40x256xf32, #tpu.memory_space<vmem>>
        %dma_start3A_235 = tpu.memref_squeeze %dma_start3A_234 : memref<1x40x256xf32, #tpu.memory_space<vmem>> -> memref<40x256xf32, #tpu.memory_space<vmem>>
        %dma_start3A_236 = tpu.memref_slice %arg10[%mul3A_221] : memref<5000xi32, #tpu.memory_space<vmem>> -> memref<40xi32, #tpu.memory_space<vmem>>
        %dma_start3A_237 = arith.constant 0 : i32
        %dma_start3A_238 = arith.constant 0 : i32
        %dma_start3A_239 = tpu.memref_slice %arg3[%dma_start3A_237, %dma_start3A_238] : memref<10000x256xf32, #tpu.memory_space<hbm>> -> memref<10000x256xf32, #tpu.memory_space<hbm>>
        %dma_start3A_240 = tpu.memref_slice %arg15[%select_n3A_135] : memref<3x!tpu.dma_semaphore, #tpu.memory_space<semaphore_mem>> -> memref<1x!tpu.dma_semaphore, #tpu.memory_space<semaphore_mem>>
        %dma_start3A_241 = tpu.memref_squeeze %dma_start3A_240 : memref<1x!tpu.dma_semaphore, #tpu.memory_space<semaphore_mem>> -> memref<!tpu.dma_semaphore, #tpu.memory_space<semaphore_mem>>
        tpu.enqueue_indirect_dma source(%dma_start3A_239 : memref<10000x256xf32, #tpu.memory_space<hbm>>) target(%dma_start3A_235 : memref<40x256xf32, #tpu.memory_space<vmem>>) offsets(%dma_start3A_236 : memref<40xi32, #tpu.memory_space<vmem>>) semaphore(%dma_start3A_241 : memref<!tpu.dma_semaphore, #tpu.memory_space<semaphore_mem>>)
      } else {
      }
      %mul3A_145 = arith.constant 40 : i32
      %mul3A_146 = arith.muli %scan3A_108, %mul3A_145 : i32
      %dma_wait3A_147 = arith.constant 0 : i32
      %dma_wait3A_148 = arith.constant 0 : i32
      %dma_wait3A_149 = tpu.memref_slice %arg11[%select_n3A_117, %dma_wait3A_147, %dma_wait3A_148] : memref<3x40x256xf32, #tpu.memory_space<vmem>> -> memref<1x40x256xf32, #tpu.memory_space<vmem>>
      %dma_wait3A_150 = tpu.memref_squeeze %dma_wait3A_149 : memref<1x40x256xf32, #tpu.memory_space<vmem>> -> memref<40x256xf32, #tpu.memory_space<vmem>>
      %dma_wait3A_151 = tpu.memref_slice %arg9[%mul3A_146] : memref<5000xi32, #tpu.memory_space<vmem>> -> memref<40xi32, #tpu.memory_space<vmem>>
      %dma_wait3A_152 = arith.constant 0 : i32
      %dma_wait3A_153 = arith.constant 0 : i32
      %dma_wait3A_154 = tpu.memref_slice %arg2[%dma_wait3A_152, %dma_wait3A_153] : memref<10000x256xf32, #tpu.memory_space<hbm>> -> memref<10000x256xf32, #tpu.memory_space<hbm>>
      %dma_wait3A_155 = tpu.memref_slice %arg14[%select_n3A_117] : memref<3x!tpu.dma_semaphore, #tpu.memory_space<semaphore_mem>> -> memref<1x!tpu.dma_semaphore, #tpu.memory_space<semaphore_mem>>
      %dma_wait3A_156 = tpu.memref_squeeze %dma_wait3A_155 : memref<1x!tpu.dma_semaphore, #tpu.memory_space<semaphore_mem>> -> memref<!tpu.dma_semaphore, #tpu.memory_space<semaphore_mem>>
      tpu.wait_indirect_dma semaphore(%dma_wait3A_156 : memref<!tpu.dma_semaphore, #tpu.memory_space<semaphore_mem>>) src(%dma_wait3A_154 : memref<10000x256xf32, #tpu.memory_space<hbm>>) dst(%dma_wait3A_150 : memref<40x256xf32, #tpu.memory_space<vmem>>)
      %dma_wait3A_157 = arith.constant 0 : i32
      %dma_wait3A_158 = arith.constant 0 : i32
      %dma_wait3A_159 = tpu.memref_slice %arg12[%select_n3A_117, %dma_wait3A_157, %dma_wait3A_158] : memref<3x40x256xf32, #tpu.memory_space<vmem>> -> memref<1x40x256xf32, #tpu.memory_space<vmem>>
      %dma_wait3A_160 = tpu.memref_squeeze %dma_wait3A_159 : memref<1x40x256xf32, #tpu.memory_space<vmem>> -> memref<40x256xf32, #tpu.memory_space<vmem>>
      %dma_wait3A_161 = tpu.memref_slice %arg10[%mul3A_146] : memref<5000xi32, #tpu.memory_space<vmem>> -> memref<40xi32, #tpu.memory_space<vmem>>
      %dma_wait3A_162 = arith.constant 0 : i32
      %dma_wait3A_163 = arith.constant 0 : i32
      %dma_wait3A_164 = tpu.memref_slice %arg3[%dma_wait3A_162, %dma_wait3A_163] : memref<10000x256xf32, #tpu.memory_space<hbm>> -> memref<10000x256xf32, #tpu.memory_space<hbm>>
      %dma_wait3A_165 = tpu.memref_slice %arg15[%select_n3A_117] : memref<3x!tpu.dma_semaphore, #tpu.memory_space<semaphore_mem>> -> memref<1x!tpu.dma_semaphore, #tpu.memory_space<semaphore_mem>>
      %dma_wait3A_166 = tpu.memref_squeeze %dma_wait3A_165 : memref<1x!tpu.dma_semaphore, #tpu.memory_space<semaphore_mem>> -> memref<!tpu.dma_semaphore, #tpu.memory_space<semaphore_mem>>
      tpu.wait_indirect_dma semaphore(%dma_wait3A_166 : memref<!tpu.dma_semaphore, #tpu.memory_space<semaphore_mem>>) src(%dma_wait3A_164 : memref<10000x256xf32, #tpu.memory_space<hbm>>) dst(%dma_wait3A_160 : memref<40x256xf32, #tpu.memory_space<vmem>>)
      %scan3A_167 = arith.constant 0 : i32
      %scan3A_168 = arith.constant 0 : i32
      %scan3A_169 = arith.constant 40 : i32
      %scan3A_170 = arith.addi %scan3A_168, %scan3A_169 : i32
      %scan3A_171 = arith.constant 1 : i32
      scf.for %scan3A_218 = %scan3A_168 to %scan3A_170 step %scan3A_171  : i32 {
        %get3A = arith.index_cast %select_n3A_117 : i32 to index
        %get3A_219 = arith.index_cast %scan3A_218 : i32 to index
        %get3A_220 = arith.constant 128 : index
        %get3A_221 = tpu.vector_load %arg11[%get3A, %get3A_219, %get3A_220] {strides = array<i32>} : memref<3x40x256xf32, #tpu.memory_space<vmem>>, vector<1x1x16xf32>,
        %get3A_222 = vector.shape_cast %get3A_221 : vector<1x1x16xf32> to vector<16xf32>
        %get3A_223 = arith.index_cast %select_n3A_117 : i32 to index
        %get3A_224 = arith.index_cast %scan3A_218 : i32 to index
        %get3A_225 = arith.constant 128 : index
        %get3A_226 = tpu.vector_load %arg12[%get3A_223, %get3A_224, %get3A_225] {strides = array<i32>} : memref<3x40x256xf32, #tpu.memory_space<vmem>>, vector<1x1x16xf32>,
        %get3A_227 = vector.shape_cast %get3A_226 : vector<1x1x16xf32> to vector<16xf32>
        %add3A_228 = arith.addf %get3A_222, %get3A_227 : vector<16xf32>
        %swap3A = arith.index_cast %select_n3A_117 : i32 to index
        %swap3A_229 = arith.index_cast %scan3A_218 : i32 to index
        %swap3A_230 = arith.constant 0 : index
        %swap3A_231 = tpu.vector_load %arg13[%swap3A, %swap3A_229, %swap3A_230] {strides = array<i32>} : memref<3x40x16xf32, #tpu.memory_space<vmem>>, vector<1x1x16xf32>,
        %swap3A_232 = vector.shape_cast %swap3A_231 : vector<1x1x16xf32> to vector<16xf32>
        %swap3A_233 = vector.shape_cast %add3A_228 : vector<16xf32> to vector<1x1x16xf32>
        tpu.vector_store %arg13[%swap3A, %swap3A_229, %swap3A_230], %swap3A_233 {strides = array<i32>} : memref<3x40x16xf32, #tpu.memory_space<vmem>>, vector<1x1x16xf32>,
      }
      %scan3A_172 = arith.constant 40 : i32
      %mul3A_173 = arith.constant 40 : i32
      %mul3A_174 = arith.muli %scan3A_108, %mul3A_173 : i32
      %add3A_175 = arith.addi %mul3A_2, %mul3A_174 : i32
      %dma_start3A_176 = arith.constant 0 : i32
      %dma_start3A_177 = arith.constant 0 : i32
      %dma_start3A_178 = tpu.memref_slice %arg11[%select_n3A_117, %dma_start3A_176, %dma_start3A_177] : memref<3x40x256xf32, #tpu.memory_space<vmem>> -> memref<1x40x128xf32, #tpu.memory_space<vmem>>
      %dma_start3A_179 = tpu.memref_squeeze %dma_start3A_178 : memref<1x40x128xf32, #tpu.memory_space<vmem>> -> memref<40x128xf32, #tpu.memory_space<vmem>>
      %dma_start3A_180 = arith.constant 0 : i32
      %dma_start3A_181 = tpu.memref_slice %arg6[%add3A_175, %dma_start3A_180] : memref<160000x128xf32, #tpu.memory_space<hbm>> -> memref<40x128xf32, #tpu.memory_space<hbm>>
      %dma_start3A_182 = tpu.memref_slice %arg16[%select_n3A_117] : memref<3x!tpu.dma_semaphore, #tpu.memory_space<semaphore_mem>> -> memref<1x!tpu.dma_semaphore, #tpu.memory_space<semaphore_mem>>
      %dma_start3A_183 = tpu.memref_squeeze %dma_start3A_182 : memref<1x!tpu.dma_semaphore, #tpu.memory_space<semaphore_mem>> -> memref<!tpu.dma_semaphore, #tpu.memory_space<semaphore_mem>>
      %dma_start3A_184 = arith.constant 0 : i32
      %dma_start3A_185 = tpu.memref_slice %arg6[%add3A_175, %dma_start3A_184] : memref<160000x128xf32, #tpu.memory_space<hbm>> -> memref<40x128xf32, #tpu.memory_space<hbm>>
      %dma_start3A_186 = arith.constant 0 : i32
      %dma_start3A_187 = arith.constant 0 : i32
      %dma_start3A_188 = tpu.memref_slice %arg11[%select_n3A_117, %dma_start3A_186, %dma_start3A_187] : memref<3x40x256xf32, #tpu.memory_space<vmem>> -> memref<1x40x128xf32, #tpu.memory_space<vmem>>
      %dma_start3A_189 = tpu.memref_squeeze %dma_start3A_188 : memref<1x40x128xf32, #tpu.memory_space<vmem>> -> memref<40x128xf32, #tpu.memory_space<vmem>>
      tpu.enqueue_dma source(%dma_start3A_189 : memref<40x128xf32, #tpu.memory_space<vmem>>) target(%dma_start3A_185 : memref<40x128xf32, #tpu.memory_space<hbm>>) target_semaphore(%dma_start3A_183 : memref<!tpu.dma_semaphore, #tpu.memory_space<semaphore_mem>>)
      %dma_start3A_190 = arith.constant 0 : i32
      %dma_start3A_191 = arith.constant 0 : i32
      %dma_start3A_192 = tpu.memref_slice %arg12[%select_n3A_117, %dma_start3A_190, %dma_start3A_191] : memref<3x40x256xf32, #tpu.memory_space<vmem>> -> memref<1x40x128xf32, #tpu.memory_space<vmem>>
      %dma_start3A_193 = tpu.memref_squeeze %dma_start3A_192 : memref<1x40x128xf32, #tpu.memory_space<vmem>> -> memref<40x128xf32, #tpu.memory_space<vmem>>
      %dma_start3A_194 = arith.constant 0 : i32
      %dma_start3A_195 = tpu.memref_slice %arg7[%add3A_175, %dma_start3A_194] : memref<160000x128xf32, #tpu.memory_space<hbm>> -> memref<40x128xf32, #tpu.memory_space<hbm>>
      %dma_start3A_196 = tpu.memref_slice %arg16[%select_n3A_117] : memref<3x!tpu.dma_semaphore, #tpu.memory_space<semaphore_mem>> -> memref<1x!tpu.dma_semaphore, #tpu.memory_space<semaphore_mem>>
      %dma_start3A_197 = tpu.memref_squeeze %dma_start3A_196 : memref<1x!tpu.dma_semaphore, #tpu.memory_space<semaphore_mem>> -> memref<!tpu.dma_semaphore, #tpu.memory_space<semaphore_mem>>
      %dma_start3A_198 = arith.constant 0 : i32
      %dma_start3A_199 = tpu.memref_slice %arg7[%add3A_175, %dma_start3A_198] : memref<160000x128xf32, #tpu.memory_space<hbm>> -> memref<40x128xf32, #tpu.memory_space<hbm>>
      %dma_start3A_200 = arith.constant 0 : i32
      %dma_start3A_201 = arith.constant 0 : i32
      %dma_start3A_202 = tpu.memref_slice %arg12[%select_n3A_117, %dma_start3A_200, %dma_start3A_201] : memref<3x40x256xf32, #tpu.memory_space<vmem>> -> memref<1x40x128xf32, #tpu.memory_space<vmem>>
      %dma_start3A_203 = tpu.memref_squeeze %dma_start3A_202 : memref<1x40x128xf32, #tpu.memory_space<vmem>> -> memref<40x128xf32, #tpu.memory_space<vmem>>
      tpu.enqueue_dma source(%dma_start3A_203 : memref<40x128xf32, #tpu.memory_space<vmem>>) target(%dma_start3A_199 : memref<40x128xf32, #tpu.memory_space<hbm>>) target_semaphore(%dma_start3A_197 : memref<!tpu.dma_semaphore, #tpu.memory_space<semaphore_mem>>)
      %dma_start3A_204 = arith.constant 0 : i32
      %dma_start3A_205 = arith.constant 0 : i32
      %dma_start3A_206 = tpu.memref_slice %arg13[%select_n3A_117, %dma_start3A_204, %dma_start3A_205] : memref<3x40x16xf32, #tpu.memory_space<vmem>> -> memref<1x40x16xf32, #tpu.memory_space<vmem>>
      %dma_start3A_207 = tpu.memref_squeeze %dma_start3A_206 : memref<1x40x16xf32, #tpu.memory_space<vmem>> -> memref<40x16xf32, #tpu.memory_space<vmem>>
      %dma_start3A_208 = arith.constant 0 : i32
      %dma_start3A_209 = tpu.memref_slice %arg8[%add3A_175, %dma_start3A_208] : memref<160000x16xf32, #tpu.memory_space<hbm>> -> memref<40x16xf32, #tpu.memory_space<hbm>>
      %dma_start3A_210 = tpu.memref_slice %arg16[%select_n3A_117] : memref<3x!tpu.dma_semaphore, #tpu.memory_space<semaphore_mem>> -> memref<1x!tpu.dma_semaphore, #tpu.memory_space<semaphore_mem>>
      %dma_start3A_211 = tpu.memref_squeeze %dma_start3A_210 : memref<1x!tpu.dma_semaphore, #tpu.memory_space<semaphore_mem>> -> memref<!tpu.dma_semaphore, #tpu.memory_space<semaphore_mem>>
      %dma_start3A_212 = arith.constant 0 : i32
      %dma_start3A_213 = tpu.memref_slice %arg8[%add3A_175, %dma_start3A_212] : memref<160000x16xf32, #tpu.memory_space<hbm>> -> memref<40x16xf32, #tpu.memory_space<hbm>>
      %dma_start3A_214 = arith.constant 0 : i32
      %dma_start3A_215 = arith.constant 0 : i32
      %dma_start3A_216 = tpu.memref_slice %arg13[%select_n3A_117, %dma_start3A_214, %dma_start3A_215] : memref<3x40x16xf32, #tpu.memory_space<vmem>> -> memref<1x40x16xf32, #tpu.memory_space<vmem>>
      %dma_start3A_217 = tpu.memref_squeeze %dma_start3A_216 : memref<1x40x16xf32, #tpu.memory_space<vmem>> -> memref<40x16xf32, #tpu.memory_space<vmem>>
      tpu.enqueue_dma source(%dma_start3A_217 : memref<40x16xf32, #tpu.memory_space<vmem>>) target(%dma_start3A_213 : memref<40x16xf32, #tpu.memory_space<hbm>>) target_semaphore(%dma_start3A_211 : memref<!tpu.dma_semaphore, #tpu.memory_space<semaphore_mem>>)
    }
    %scan3A_58 = arith.constant 125 : i32
    %add3A_59 = arith.constant 4960 : i32
    %add3A_60 = arith.addi %mul3A_2, %add3A_59 : i32
    %dma_wait3A = arith.constant 1 : i32
    %dma_wait3A_61 = arith.constant 1 : i32
    %dma_wait3A_62 = arith.constant 0 : i32
    %dma_wait3A_63 = arith.constant 0 : i32
    %dma_wait3A_64 = tpu.memref_slice %arg11[%dma_wait3A, %dma_wait3A_62, %dma_wait3A_63] : memref<3x40x256xf32, #tpu.memory_space<vmem>> -> memref<1x40x128xf32, #tpu.memory_space<vmem>>
    %dma_wait3A_65 = tpu.memref_squeeze %dma_wait3A_64 : memref<1x40x128xf32, #tpu.memory_space<vmem>> -> memref<40x128xf32, #tpu.memory_space<vmem>>
    %dma_wait3A_66 = arith.constant 0 : i32
    %dma_wait3A_67 = tpu.memref_slice %arg6[%add3A_60, %dma_wait3A_66] : memref<160000x128xf32, #tpu.memory_space<hbm>> -> memref<40x128xf32, #tpu.memory_space<hbm>>
    %dma_wait3A_68 = tpu.memref_slice %arg16[%dma_wait3A_61] : memref<3x!tpu.dma_semaphore, #tpu.memory_space<semaphore_mem>> -> memref<1x!tpu.dma_semaphore, #tpu.memory_space<semaphore_mem>>
    %dma_wait3A_69 = tpu.memref_squeeze %dma_wait3A_68 : memref<1x!tpu.dma_semaphore, #tpu.memory_space<semaphore_mem>> -> memref<!tpu.dma_semaphore, #tpu.memory_space<semaphore_mem>>
    %dma_wait3A_70 = arith.constant 0 : i32
    %dma_wait3A_71 = tpu.memref_slice %arg6[%add3A_60, %dma_wait3A_70] : memref<160000x128xf32, #tpu.memory_space<hbm>> -> memref<40x128xf32, #tpu.memory_space<hbm>>
    %dma_wait3A_72 = arith.constant 0 : i32
    %dma_wait3A_73 = arith.constant 0 : i32
    %dma_wait3A_74 = tpu.memref_slice %arg11[%dma_wait3A, %dma_wait3A_72, %dma_wait3A_73] : memref<3x40x256xf32, #tpu.memory_space<vmem>> -> memref<1x40x128xf32, #tpu.memory_space<vmem>>
    %dma_wait3A_75 = tpu.memref_squeeze %dma_wait3A_74 : memref<1x40x128xf32, #tpu.memory_space<vmem>> -> memref<40x128xf32, #tpu.memory_space<vmem>>
    tpu.wait_dma2 semaphore(%dma_wait3A_69 : memref<!tpu.dma_semaphore, #tpu.memory_space<semaphore_mem>>) src(%dma_wait3A_75 : memref<40x128xf32, #tpu.memory_space<vmem>>) dst(%dma_wait3A_71 : memref<40x128xf32, #tpu.memory_space<hbm>>)
    %dma_wait3A_76 = arith.constant 1 : i32
    %dma_wait3A_77 = arith.constant 1 : i32
    %dma_wait3A_78 = arith.constant 0 : i32
    %dma_wait3A_79 = arith.constant 0 : i32
    %dma_wait3A_80 = tpu.memref_slice %arg12[%dma_wait3A_76, %dma_wait3A_78, %dma_wait3A_79] : memref<3x40x256xf32, #tpu.memory_space<vmem>> -> memref<1x40x128xf32, #tpu.memory_space<vmem>>
    %dma_wait3A_81 = tpu.memref_squeeze %dma_wait3A_80 : memref<1x40x128xf32, #tpu.memory_space<vmem>> -> memref<40x128xf32, #tpu.memory_space<vmem>>
    %dma_wait3A_82 = arith.constant 0 : i32
    %dma_wait3A_83 = tpu.memref_slice %arg7[%add3A_60, %dma_wait3A_82] : memref<160000x128xf32, #tpu.memory_space<hbm>> -> memref<40x128xf32, #tpu.memory_space<hbm>>
    %dma_wait3A_84 = tpu.memref_slice %arg16[%dma_wait3A_77] : memref<3x!tpu.dma_semaphore, #tpu.memory_space<semaphore_mem>> -> memref<1x!tpu.dma_semaphore, #tpu.memory_space<semaphore_mem>>
    %dma_wait3A_85 = tpu.memref_squeeze %dma_wait3A_84 : memref<1x!tpu.dma_semaphore, #tpu.memory_space<semaphore_mem>> -> memref<!tpu.dma_semaphore, #tpu.memory_space<semaphore_mem>>
    %dma_wait3A_86 = arith.constant 0 : i32
    %dma_wait3A_87 = tpu.memref_slice %arg7[%add3A_60, %dma_wait3A_86] : memref<160000x128xf32, #tpu.memory_space<hbm>> -> memref<40x128xf32, #tpu.memory_space<hbm>>
    %dma_wait3A_88 = arith.constant 0 : i32
    %dma_wait3A_89 = arith.constant 0 : i32
    %dma_wait3A_90 = tpu.memref_slice %arg12[%dma_wait3A_76, %dma_wait3A_88, %dma_wait3A_89] : memref<3x40x256xf32, #tpu.memory_space<vmem>> -> memref<1x40x128xf32, #tpu.memory_space<vmem>>
    %dma_wait3A_91 = tpu.memref_squeeze %dma_wait3A_90 : memref<1x40x128xf32, #tpu.memory_space<vmem>> -> memref<40x128xf32, #tpu.memory_space<vmem>>
    tpu.wait_dma2 semaphore(%dma_wait3A_85 : memref<!tpu.dma_semaphore, #tpu.memory_space<semaphore_mem>>) src(%dma_wait3A_91 : memref<40x128xf32, #tpu.memory_space<vmem>>) dst(%dma_wait3A_87 : memref<40x128xf32, #tpu.memory_space<hbm>>)
    %dma_wait3A_92 = arith.constant 1 : i32
    %dma_wait3A_93 = arith.constant 1 : i32
    %dma_wait3A_94 = arith.constant 0 : i32
    %dma_wait3A_95 = arith.constant 0 : i32
    %dma_wait3A_96 = tpu.memref_slice %arg13[%dma_wait3A_92, %dma_wait3A_94, %dma_wait3A_95] : memref<3x40x16xf32, #tpu.memory_space<vmem>> -> memref<1x40x16xf32, #tpu.memory_space<vmem>>
    %dma_wait3A_97 = tpu.memref_squeeze %dma_wait3A_96 : memref<1x40x16xf32, #tpu.memory_space<vmem>> -> memref<40x16xf32, #tpu.memory_space<vmem>>
    %dma_wait3A_98 = arith.constant 0 : i32
    %dma_wait3A_99 = tpu.memref_slice %arg8[%add3A_60, %dma_wait3A_98] : memref<160000x16xf32, #tpu.memory_space<hbm>> -> memref<40x16xf32, #tpu.memory_space<hbm>>
    %dma_wait3A_100 = tpu.memref_slice %arg16[%dma_wait3A_93] : memref<3x!tpu.dma_semaphore, #tpu.memory_space<semaphore_mem>> -> memref<1x!tpu.dma_semaphore, #tpu.memory_space<semaphore_mem>>
    %dma_wait3A_101 = tpu.memref_squeeze %dma_wait3A_100 : memref<1x!tpu.dma_semaphore, #tpu.memory_space<semaphore_mem>> -> memref<!tpu.dma_semaphore, #tpu.memory_space<semaphore_mem>>
    %dma_wait3A_102 = arith.constant 0 : i32
    %dma_wait3A_103 = tpu.memref_slice %arg8[%add3A_60, %dma_wait3A_102] : memref<160000x16xf32, #tpu.memory_space<hbm>> -> memref<40x16xf32, #tpu.memory_space<hbm>>
    %dma_wait3A_104 = arith.constant 0 : i32
    %dma_wait3A_105 = arith.constant 0 : i32
    %dma_wait3A_106 = tpu.memref_slice %arg13[%dma_wait3A_92, %dma_wait3A_104, %dma_wait3A_105] : memref<3x40x16xf32, #tpu.memory_space<vmem>> -> memref<1x40x16xf32, #tpu.memory_space<vmem>>
    %dma_wait3A_107 = tpu.memref_squeeze %dma_wait3A_106 : memref<1x40x16xf32, #tpu.memory_space<vmem>> -> memref<40x16xf32, #tpu.memory_space<vmem>>
    tpu.wait_dma2 semaphore(%dma_wait3A_101 : memref<!tpu.dma_semaphore, #tpu.memory_space<semaphore_mem>>) src(%dma_wait3A_107 : memref<40x16xf32, #tpu.memory_space<vmem>>) dst(%dma_wait3A_103 : memref<40x16xf32, #tpu.memory_space<hbm>>)
    return
  }
}

module attributes {stable_mosaic.version = 14 : i64} {
  func.func @_node_pre_body(%arg0: i32, %arg1: memref<2000x128xf32, #tpu.memory_space<vmem>>, %arg2: memref<2000x128xf32, #tpu.memory_space<vmem>>, %arg3: memref<2000x128xf32, #tpu.memory_space<vmem>>, %arg4: memref<128x768xf32, #tpu.memory_space<vmem>>, %arg5: memref<128x768xf32, #tpu.memory_space<vmem>>, %arg6: memref<1x512xf32, #tpu.memory_space<vmem>>, %arg7: memref<2000x256xf32, #tpu.memory_space<vmem>>, %arg8: memref<2000x256xf32, #tpu.memory_space<vmem>>, %arg9: memref<2000x256xf32, #tpu.memory_space<vmem>>) attributes {dimension_semantics = [#tpu.dimension_semantics<arbitrary>], iteration_bounds = array<i64: 5>, scalar_prefetch = 0 : i64, scratch_operands = 0 : i64, tpu.core_type = #tpu.core_type<tc>, window_params = [{transform_indices = @transform_0, window_bounds = array<i64: 2000, 128>}, {transform_indices = @transform_1, window_bounds = array<i64: 2000, 128>}, {transform_indices = @transform_2, window_bounds = array<i64: 2000, 128>}, {pipeline_mode = #tpu.pipeline_mode<synchronous>, transform_indices = @transform_3, window_bounds = array<i64: 128, 768>}, {pipeline_mode = #tpu.pipeline_mode<synchronous>, transform_indices = @transform_4, window_bounds = array<i64: 128, 768>}, {pipeline_mode = #tpu.pipeline_mode<synchronous>, transform_indices = @transform_5, window_bounds = array<i64: 1, 512>}, {transform_indices = @transform_6, window_bounds = array<i64: 2000, 256>}, {transform_indices = @transform_7, window_bounds = array<i64: 2000, 256>}, {transform_indices = @transform_8, window_bounds = array<i64: 2000, 256>}]} {
    %get3A = arith.constant 0 : index
    %get3A_0 = arith.constant 0 : index
    %get3A_1 = vector.load %arg1[%get3A, %get3A_0] : memref<2000x128xf32, #tpu.memory_space<vmem>>, vector<2000x128xf32>
    %get3A_2 = arith.constant 0 : index
    %get3A_3 = arith.constant 0 : index
    %get3A_4 = vector.load %arg2[%get3A_2, %get3A_3] : memref<2000x128xf32, #tpu.memory_space<vmem>>, vector<2000x128xf32>
    %get3A_5 = arith.constant 0 : index
    %get3A_6 = arith.constant 0 : index
    %get3A_7 = vector.load %arg4[%get3A_5, %get3A_6] : memref<128x768xf32, #tpu.memory_space<vmem>>, vector<128x256xf32>
    %dot_general3A = arith.constant dense<0.000000e+00> : vector<2000x256xf32>
    %dot_general3A_8 = tpu.matmul %get3A_1, %get3A_7, %dot_general3A {dimension_numbers = #tpu.dot_dimension_numbers<[1], [0], [0], [1], [0, 0, 1, 1], [], []>, transpose_lhs_hint = false} : vector<2000x128xf32>, vector<128x256xf32>, vector<2000x256xf32> -> vector<2000x256xf32>
    %get3A_9 = arith.constant 0 : index
    %get3A_10 = arith.constant 0 : index
    %get3A_11 = vector.load %arg5[%get3A_9, %get3A_10] : memref<128x768xf32, #tpu.memory_space<vmem>>, vector<128x256xf32>
    %dot_general3A_12 = arith.constant dense<0.000000e+00> : vector<2000x256xf32>
    %dot_general3A_13 = tpu.matmul %get3A_4, %get3A_11, %dot_general3A_12 {dimension_numbers = #tpu.dot_dimension_numbers<[1], [0], [0], [1], [0, 0, 1, 1], [], []>, transpose_lhs_hint = false} : vector<2000x128xf32>, vector<128x256xf32>, vector<2000x256xf32> -> vector<2000x256xf32>
    %add3A = arith.addf %dot_general3A_8, %dot_general3A_13 : vector<2000x256xf32>
    %get3A_14 = arith.constant 0 : index
    %get3A_15 = arith.constant 0 : index
    %get3A_16 = vector.load %arg6[%get3A_14, %get3A_15] : memref<1x512xf32, #tpu.memory_space<vmem>>, vector<1x256xf32>
    %add3A_17 = vector.broadcast %get3A_16 : vector<1x256xf32> to vector<2000x256xf32>
    %add3A_18 = arith.addf %add3A, %add3A_17 : vector<2000x256xf32>
    %slice3A = vector.extract_strided_slice %add3A_18 {offsets = [0, 0], sizes = [2000, 128], strides = [1, 1]} : vector<2000x256xf32> to vector<2000x128xf32>
    %slice3A_19 = vector.extract_strided_slice %add3A_18 {offsets = [0, 128], sizes = [2000, 128], strides = [1, 1]} : vector<2000x256xf32> to vector<2000x128xf32>
    %convert_element_type3A = arith.truncf %slice3A : vector<2000x128xf32> to vector<2000x128xbf16>
    %bitcast_convert_type3A = tpu.bitcast %convert_element_type3A : vector<2000x128xbf16> -> vector<2000x128xi16>
    %convert_element_type3A_20 = arith.truncf %slice3A_19 : vector<2000x128xf32> to vector<2000x128xbf16>
    %bitcast_convert_type3A_21 = tpu.bitcast %convert_element_type3A_20 : vector<2000x128xbf16> -> vector<2000x128xi16>
    %convert_element_type3A_22 = arith.extui %bitcast_convert_type3A : vector<2000x128xi16> to vector<2000x128xi32>
    %convert_element_type3A_23 = arith.extui %bitcast_convert_type3A_21 : vector<2000x128xi16> to vector<2000x128xi32>
    %shift_left3A = arith.constant 16 : i32
    %shift_left3A_24 = vector.broadcast %shift_left3A : i32 to vector<2000x128xi32>
    %shift_left3A_25 = arith.shli %convert_element_type3A_23, %shift_left3A_24 : vector<2000x128xi32>
    %or3A = arith.ori %convert_element_type3A_22, %shift_left3A_25 : vector<2000x128xi32>
    %bitcast_convert_type3A_26 = tpu.bitcast %or3A : vector<2000x128xi32> -> vector<2000x128xf32>
    %swap3A = arith.constant 0 : index
    %swap3A_27 = arith.constant 0 : index
    %swap3A_28 = vector.load %arg7[%swap3A, %swap3A_27] : memref<2000x256xf32, #tpu.memory_space<vmem>>, vector<2000x128xf32>
    tpu.vector_store %arg7[%swap3A, %swap3A_27], %bitcast_convert_type3A_26 {strides = array<i32>} : memref<2000x256xf32, #tpu.memory_space<vmem>>, vector<2000x128xf32>,
    %get3A_29 = arith.constant 0 : index
    %get3A_30 = arith.constant 0 : index
    %get3A_31 = vector.load %arg3[%get3A_29, %get3A_30] : memref<2000x128xf32, #tpu.memory_space<vmem>>, vector<2000x128xf32>
    %swap3A_32 = arith.constant 0 : index
    %swap3A_33 = arith.constant 128 : index
    %swap3A_34 = vector.load %arg7[%swap3A_32, %swap3A_33] : memref<2000x256xf32, #tpu.memory_space<vmem>>, vector<2000x128xf32>
    tpu.vector_store %arg7[%swap3A_32, %swap3A_33], %get3A_31 {strides = array<i32>} : memref<2000x256xf32, #tpu.memory_space<vmem>>, vector<2000x128xf32>,
    %get3A_35 = arith.constant 0 : index
    %get3A_36 = arith.constant 256 : index
    %get3A_37 = vector.load %arg4[%get3A_35, %get3A_36] : memref<128x768xf32, #tpu.memory_space<vmem>>, vector<128x256xf32>
    %dot_general3A_38 = arith.constant dense<0.000000e+00> : vector<2000x256xf32>
    %dot_general3A_39 = tpu.matmul %get3A_1, %get3A_37, %dot_general3A_38 {dimension_numbers = #tpu.dot_dimension_numbers<[1], [0], [0], [1], [0, 0, 1, 1], [], []>, transpose_lhs_hint = false} : vector<2000x128xf32>, vector<128x256xf32>, vector<2000x256xf32> -> vector<2000x256xf32>
    %get3A_40 = arith.constant 0 : index
    %get3A_41 = arith.constant 256 : index
    %get3A_42 = vector.load %arg5[%get3A_40, %get3A_41] : memref<128x768xf32, #tpu.memory_space<vmem>>, vector<128x256xf32>
    %dot_general3A_43 = arith.constant dense<0.000000e+00> : vector<2000x256xf32>
    %dot_general3A_44 = tpu.matmul %get3A_4, %get3A_42, %dot_general3A_43 {dimension_numbers = #tpu.dot_dimension_numbers<[1], [0], [0], [1], [0, 0, 1, 1], [], []>, transpose_lhs_hint = false} : vector<2000x128xf32>, vector<128x256xf32>, vector<2000x256xf32> -> vector<2000x256xf32>
    %add3A_45 = arith.addf %dot_general3A_39, %dot_general3A_44 : vector<2000x256xf32>
    %slice3A_46 = vector.extract_strided_slice %add3A_45 {offsets = [0, 0], sizes = [2000, 128], strides = [1, 1]} : vector<2000x256xf32> to vector<2000x128xf32>
    %slice3A_47 = vector.extract_strided_slice %add3A_45 {offsets = [0, 128], sizes = [2000, 128], strides = [1, 1]} : vector<2000x256xf32> to vector<2000x128xf32>
    %convert_element_type3A_48 = arith.truncf %slice3A_46 : vector<2000x128xf32> to vector<2000x128xbf16>
    %bitcast_convert_type3A_49 = tpu.bitcast %convert_element_type3A_48 : vector<2000x128xbf16> -> vector<2000x128xi16>
    %convert_element_type3A_50 = arith.truncf %slice3A_47 : vector<2000x128xf32> to vector<2000x128xbf16>
    %bitcast_convert_type3A_51 = tpu.bitcast %convert_element_type3A_50 : vector<2000x128xbf16> -> vector<2000x128xi16>
    %convert_element_type3A_52 = arith.extui %bitcast_convert_type3A_49 : vector<2000x128xi16> to vector<2000x128xi32>
    %convert_element_type3A_53 = arith.extui %bitcast_convert_type3A_51 : vector<2000x128xi16> to vector<2000x128xi32>
    %shift_left3A_54 = arith.constant 16 : i32
    %shift_left3A_55 = vector.broadcast %shift_left3A_54 : i32 to vector<2000x128xi32>
    %shift_left3A_56 = arith.shli %convert_element_type3A_53, %shift_left3A_55 : vector<2000x128xi32>
    %or3A_57 = arith.ori %convert_element_type3A_52, %shift_left3A_56 : vector<2000x128xi32>
    %bitcast_convert_type3A_58 = tpu.bitcast %or3A_57 : vector<2000x128xi32> -> vector<2000x128xf32>
    %swap3A_59 = arith.constant 0 : index
    %swap3A_60 = arith.constant 0 : index
    %swap3A_61 = vector.load %arg8[%swap3A_59, %swap3A_60] : memref<2000x256xf32, #tpu.memory_space<vmem>>, vector<2000x128xf32>
    tpu.vector_store %arg8[%swap3A_59, %swap3A_60], %bitcast_convert_type3A_58 {strides = array<i32>} : memref<2000x256xf32, #tpu.memory_space<vmem>>, vector<2000x128xf32>,
    %get3A_62 = arith.constant 0 : index
    %get3A_63 = arith.constant 0 : index
    %get3A_64 = vector.load %arg3[%get3A_62, %get3A_63] : memref<2000x128xf32, #tpu.memory_space<vmem>>, vector<2000x128xf32>
    %neg3A = arith.constant 0.000000e+00 : f32
    %neg3A_65 = vector.broadcast %neg3A : f32 to vector<2000x128xf32>
    %neg3A_66 = arith.subf %neg3A_65, %get3A_64 : vector<2000x128xf32>
    %swap3A_67 = arith.constant 0 : index
    %swap3A_68 = arith.constant 128 : index
    %swap3A_69 = vector.load %arg8[%swap3A_67, %swap3A_68] : memref<2000x256xf32, #tpu.memory_space<vmem>>, vector<2000x128xf32>
    tpu.vector_store %arg8[%swap3A_67, %swap3A_68], %neg3A_66 {strides = array<i32>} : memref<2000x256xf32, #tpu.memory_space<vmem>>, vector<2000x128xf32>,
    %get3A_70 = arith.constant 0 : index
    %get3A_71 = arith.constant 512 : index
    %get3A_72 = vector.load %arg4[%get3A_70, %get3A_71] : memref<128x768xf32, #tpu.memory_space<vmem>>, vector<128x256xf32>
    %dot_general3A_73 = arith.constant dense<0.000000e+00> : vector<2000x256xf32>
    %dot_general3A_74 = tpu.matmul %get3A_1, %get3A_72, %dot_general3A_73 {dimension_numbers = #tpu.dot_dimension_numbers<[1], [0], [0], [1], [0, 0, 1, 1], [], []>, transpose_lhs_hint = false} : vector<2000x128xf32>, vector<128x256xf32>, vector<2000x256xf32> -> vector<2000x256xf32>
    %get3A_75 = arith.constant 0 : index
    %get3A_76 = arith.constant 512 : index
    %get3A_77 = vector.load %arg5[%get3A_75, %get3A_76] : memref<128x768xf32, #tpu.memory_space<vmem>>, vector<128x256xf32>
    %dot_general3A_78 = arith.constant dense<0.000000e+00> : vector<2000x256xf32>
    %dot_general3A_79 = tpu.matmul %get3A_4, %get3A_77, %dot_general3A_78 {dimension_numbers = #tpu.dot_dimension_numbers<[1], [0], [0], [1], [0, 0, 1, 1], [], []>, transpose_lhs_hint = false} : vector<2000x128xf32>, vector<128x256xf32>, vector<2000x256xf32> -> vector<2000x256xf32>
    %add3A_80 = arith.addf %dot_general3A_74, %dot_general3A_79 : vector<2000x256xf32>
    %get3A_81 = arith.constant 0 : index
    %get3A_82 = arith.constant 256 : index
    %get3A_83 = vector.load %arg6[%get3A_81, %get3A_82] : memref<1x512xf32, #tpu.memory_space<vmem>>, vector<1x256xf32>
    %add3A_84 = vector.broadcast %get3A_83 : vector<1x256xf32> to vector<2000x256xf32>
    %add3A_85 = arith.addf %add3A_80, %add3A_84 : vector<2000x256xf32>
    %swap3A_86 = arith.constant 0 : index
    %swap3A_87 = arith.constant 0 : index
    %swap3A_88 = vector.load %arg9[%swap3A_86, %swap3A_87] : memref<2000x256xf32, #tpu.memory_space<vmem>>, vector<2000x256xf32>
    tpu.vector_store %arg9[%swap3A_86, %swap3A_87], %add3A_85 {strides = array<i32>} : memref<2000x256xf32, #tpu.memory_space<vmem>>, vector<2000x256xf32>,
    return
  }
  func.func @transform_0(%arg0: i32) -> (i32, i32) {
    %c0_i32 = arith.constant 0 : i32
    %c0_i32_0 = arith.constant 0 : i32
    return %arg0, %c0_i32 : i32, i32
  }
  func.func @transform_1(%arg0: i32) -> (i32, i32) {
    %c0_i32 = arith.constant 0 : i32
    %c0_i32_0 = arith.constant 0 : i32
    return %arg0, %c0_i32 : i32, i32
  }
  func.func @transform_2(%arg0: i32) -> (i32, i32) {
    %c0_i32 = arith.constant 0 : i32
    %c0_i32_0 = arith.constant 0 : i32
    return %arg0, %c0_i32 : i32, i32
  }
  func.func @transform_3(%arg0: i32) -> (i32, i32) {
    %c0_i32 = arith.constant 0 : i32
    %c0_i32_0 = arith.constant 0 : i32
    %c0_i32_1 = arith.constant 0 : i32
    return %c0_i32, %c0_i32_0 : i32, i32
  }
  func.func @transform_4(%arg0: i32) -> (i32, i32) {
    %c0_i32 = arith.constant 0 : i32
    %c0_i32_0 = arith.constant 0 : i32
    %c0_i32_1 = arith.constant 0 : i32
    return %c0_i32, %c0_i32_0 : i32, i32
  }
  func.func @transform_5(%arg0: i32) -> (i32, i32) {
    %c0_i32 = arith.constant 0 : i32
    %c0_i32_0 = arith.constant 0 : i32
    %c0_i32_1 = arith.constant 0 : i32
    return %c0_i32, %c0_i32_0 : i32, i32
  }
  func.func @transform_6(%arg0: i32) -> (i32, i32) {
    %c0_i32 = arith.constant 0 : i32
    %c0_i32_0 = arith.constant 0 : i32
    return %arg0, %c0_i32 : i32, i32
  }
  func.func @transform_7(%arg0: i32) -> (i32, i32) {
    %c0_i32 = arith.constant 0 : i32
    %c0_i32_0 = arith.constant 0 : i32
    return %arg0, %c0_i32 : i32, i32
  }
  func.func @transform_8(%arg0: i32) -> (i32, i32) {
    %c0_i32 = arith.constant 0 : i32
    %c0_i32_0 = arith.constant 0 : i32
    return %arg0, %c0_i32 : i32, i32
  }
}

module attributes {stable_mosaic.version = 14 : i64} {
  func.func @_edge_mlp_body(%arg0: i32, %arg1: memref<2000x128xf32, #tpu.memory_space<vmem>>, %arg2: memref<2000x128xf32, #tpu.memory_space<vmem>>, %arg3: memref<2000x16xf32, #tpu.memory_space<vmem>>, %arg4: memref<2x128xf32, #tpu.memory_space<vmem>>, %arg5: memref<2x128xf32, #tpu.memory_space<vmem>>, %arg6: memref<128x128xf32, #tpu.memory_space<vmem>>, %arg7: memref<128x128xf32, #tpu.memory_space<vmem>>, %arg8: memref<2000x128xf32, #tpu.memory_space<vmem>>, %arg9: memref<2000x128xf32, #tpu.memory_space<vmem>>) attributes {dimension_semantics = [#tpu.dimension_semantics<arbitrary>], iteration_bounds = array<i64: 80>, scalar_prefetch = 0 : i64, scratch_operands = 0 : i64, tpu.core_type = #tpu.core_type<tc>, window_params = [{transform_indices = @transform_0, window_bounds = array<i64: 2000, 128>}, {transform_indices = @transform_1, window_bounds = array<i64: 2000, 128>}, {transform_indices = @transform_2, window_bounds = array<i64: 2000, 16>}, {pipeline_mode = #tpu.pipeline_mode<synchronous>, transform_indices = @transform_3, window_bounds = array<i64: 2, 128>}, {pipeline_mode = #tpu.pipeline_mode<synchronous>, transform_indices = @transform_4, window_bounds = array<i64: 2, 128>}, {pipeline_mode = #tpu.pipeline_mode<synchronous>, transform_indices = @transform_5, window_bounds = array<i64: 128, 128>}, {pipeline_mode = #tpu.pipeline_mode<synchronous>, transform_indices = @transform_6, window_bounds = array<i64: 128, 128>}, {transform_indices = @transform_7, window_bounds = array<i64: 2000, 128>}, {transform_indices = @transform_8, window_bounds = array<i64: 2000, 128>}]} {
    %get3A = arith.constant 0 : index
    %get3A_0 = arith.constant 0 : index
    %get3A_1 = vector.load %arg3[%get3A, %get3A_0] : memref<2000x16xf32, #tpu.memory_space<vmem>>, vector<2000x16xf32>
    %mul3A = arith.mulf %get3A_1, %get3A_1 : vector<2000x16xf32>
    %reduce_sum3A = arith.constant dense<0.000000e+00> : vector<2000xf32>
    %reduce_sum3A_2 = vector.multi_reduction <add>, %mul3A, %reduce_sum3A [1] : vector<2000x16xf32> to vector<2000xf32>
    %broadcast_in_dim3A = vector.shape_cast %reduce_sum3A_2 : vector<2000xf32> to vector<2000x1xf32>
    %sqrt3A = math.sqrt %broadcast_in_dim3A : vector<2000x1xf32>
    %get3A_3 = arith.constant 0 : index
    %get3A_4 = arith.constant 0 : index
    %get3A_5 = vector.load %arg1[%get3A_3, %get3A_4] : memref<2000x128xf32, #tpu.memory_space<vmem>>, vector<2000x128xf32>
    %bitcast_convert_type3A = tpu.bitcast %get3A_5 : vector<2000x128xf32> -> vector<2000x128xi32>
    %shift_left3A = arith.constant 16 : i32
    %shift_left3A_6 = vector.broadcast %shift_left3A : i32 to vector<2000x128xi32>
    %shift_left3A_7 = arith.shli %bitcast_convert_type3A, %shift_left3A_6 : vector<2000x128xi32>
    %bitcast_convert_type3A_8 = tpu.bitcast %shift_left3A_7 : vector<2000x128xi32> -> vector<2000x128xf32>
    %and3A = arith.constant -65536 : i32
    %and3A_9 = vector.broadcast %and3A : i32 to vector<2000x128xi32>
    %and3A_10 = arith.andi %bitcast_convert_type3A, %and3A_9 : vector<2000x128xi32>
    %bitcast_convert_type3A_11 = tpu.bitcast %and3A_10 : vector<2000x128xi32> -> vector<2000x128xf32>
    %get3A_12 = arith.constant 0 : index
    %get3A_13 = arith.constant 0 : index
    %get3A_14 = vector.load %arg2[%get3A_12, %get3A_13] : memref<2000x128xf32, #tpu.memory_space<vmem>>, vector<2000x128xf32>
    %bitcast_convert_type3A_15 = tpu.bitcast %get3A_14 : vector<2000x128xf32> -> vector<2000x128xi32>
    %shift_left3A_16 = arith.constant 16 : i32
    %shift_left3A_17 = vector.broadcast %shift_left3A_16 : i32 to vector<2000x128xi32>
    %shift_left3A_18 = arith.shli %bitcast_convert_type3A_15, %shift_left3A_17 : vector<2000x128xi32>
    %bitcast_convert_type3A_19 = tpu.bitcast %shift_left3A_18 : vector<2000x128xi32> -> vector<2000x128xf32>
    %and3A_20 = arith.constant -65536 : i32
    %and3A_21 = vector.broadcast %and3A_20 : i32 to vector<2000x128xi32>
    %and3A_22 = arith.andi %bitcast_convert_type3A_15, %and3A_21 : vector<2000x128xi32>
    %bitcast_convert_type3A_23 = tpu.bitcast %and3A_22 : vector<2000x128xi32> -> vector<2000x128xf32>
    %add3A = arith.addf %bitcast_convert_type3A_8, %bitcast_convert_type3A_19 : vector<2000x128xf32>
    %get3A_24 = arith.constant 0 : index
    %get3A_25 = arith.constant 0 : index
    %get3A_26 = vector.load %arg4[%get3A_24, %get3A_25] : memref<2x128xf32, #tpu.memory_space<vmem>>, vector<1x128xf32>
    %mul3A_27 = vector.broadcast %sqrt3A : vector<2000x1xf32> to vector<2000x128xf32>
    %mul3A_28 = vector.broadcast %get3A_26 : vector<1x128xf32> to vector<2000x128xf32>
    %mul3A_29 = arith.mulf %mul3A_27, %mul3A_28 : vector<2000x128xf32>
    %add3A_30 = arith.addf %add3A, %mul3A_29 : vector<2000x128xf32>
    %logistic3A = arith.negf %add3A_30 : vector<2000x128xf32>
    %logistic3A_31 = math.exp %logistic3A : vector<2000x128xf32>
    %logistic3A_32 = arith.constant 1.000000e+00 : f32
    %logistic3A_33 = vector.broadcast %logistic3A_32 : f32 to vector<2000x128xf32>
    %logistic3A_34 = arith.addf %logistic3A_33, %logistic3A_31 : vector<2000x128xf32>
    %logistic3A_35 = arith.divf %logistic3A_33, %logistic3A_34 : vector<2000x128xf32>
    %mul3A_36 = arith.mulf %add3A_30, %logistic3A_35 : vector<2000x128xf32>
    %get3A_37 = arith.constant 0 : index
    %get3A_38 = arith.constant 0 : index
    %get3A_39 = vector.load %arg6[%get3A_37, %get3A_38] : memref<128x128xf32, #tpu.memory_space<vmem>>, vector<128x128xf32>
    %dot_general3A = arith.constant dense<0.000000e+00> : vector<2000x128xf32>
    %dot_general3A_40 = tpu.matmul %mul3A_36, %get3A_39, %dot_general3A {dimension_numbers = #tpu.dot_dimension_numbers<[1], [0], [0], [1], [0, 0, 1, 1], [], []>, transpose_lhs_hint = false} : vector<2000x128xf32>, vector<128x128xf32>, vector<2000x128xf32> -> vector<2000x128xf32>
    %get3A_41 = arith.constant 0 : index
    %get3A_42 = arith.constant 0 : index
    %get3A_43 = vector.load %arg5[%get3A_41, %get3A_42] : memref<2x128xf32, #tpu.memory_space<vmem>>, vector<1x128xf32>
    %add3A_44 = vector.broadcast %get3A_43 : vector<1x128xf32> to vector<2000x128xf32>
    %add3A_45 = arith.addf %dot_general3A_40, %add3A_44 : vector<2000x128xf32>
    %logistic3A_46 = arith.negf %add3A_45 : vector<2000x128xf32>
    %logistic3A_47 = math.exp %logistic3A_46 : vector<2000x128xf32>
    %logistic3A_48 = arith.constant 1.000000e+00 : f32
    %logistic3A_49 = vector.broadcast %logistic3A_48 : f32 to vector<2000x128xf32>
    %logistic3A_50 = arith.addf %logistic3A_49, %logistic3A_47 : vector<2000x128xf32>
    %logistic3A_51 = arith.divf %logistic3A_49, %logistic3A_50 : vector<2000x128xf32>
    %mul3A_52 = arith.mulf %add3A_45, %logistic3A_51 : vector<2000x128xf32>
    %swap3A = arith.constant 0 : index
    %swap3A_53 = arith.constant 0 : index
    %swap3A_54 = vector.load %arg8[%swap3A, %swap3A_53] : memref<2000x128xf32, #tpu.memory_space<vmem>>, vector<2000x128xf32>
    tpu.vector_store %arg8[%swap3A, %swap3A_53], %mul3A_52 {strides = array<i32>} : memref<2000x128xf32, #tpu.memory_space<vmem>>, vector<2000x128xf32>,
    %add3A_55 = arith.addf %bitcast_convert_type3A_11, %bitcast_convert_type3A_23 : vector<2000x128xf32>
    %get3A_56 = arith.constant 1 : index
    %get3A_57 = arith.constant 0 : index
    %get3A_58 = vector.load %arg4[%get3A_56, %get3A_57] : memref<2x128xf32, #tpu.memory_space<vmem>>, vector<1x128xf32>
    %mul3A_59 = vector.broadcast %sqrt3A : vector<2000x1xf32> to vector<2000x128xf32>
    %mul3A_60 = vector.broadcast %get3A_58 : vector<1x128xf32> to vector<2000x128xf32>
    %mul3A_61 = arith.mulf %mul3A_59, %mul3A_60 : vector<2000x128xf32>
    %add3A_62 = arith.addf %add3A_55, %mul3A_61 : vector<2000x128xf32>
    %tanh3A = math.tanh %add3A_62 : vector<2000x128xf32>
    %get3A_63 = arith.constant 0 : index
    %get3A_64 = arith.constant 0 : index
    %get3A_65 = vector.load %arg7[%get3A_63, %get3A_64] : memref<128x128xf32, #tpu.memory_space<vmem>>, vector<128x128xf32>
    %dot_general3A_66 = arith.constant dense<0.000000e+00> : vector<2000x128xf32>
    %dot_general3A_67 = tpu.matmul %tanh3A, %get3A_65, %dot_general3A_66 {dimension_numbers = #tpu.dot_dimension_numbers<[1], [0], [0], [1], [0, 0, 1, 1], [], []>, transpose_lhs_hint = false} : vector<2000x128xf32>, vector<128x128xf32>, vector<2000x128xf32> -> vector<2000x128xf32>
    %get3A_68 = arith.constant 1 : index
    %get3A_69 = arith.constant 0 : index
    %get3A_70 = vector.load %arg5[%get3A_68, %get3A_69] : memref<2x128xf32, #tpu.memory_space<vmem>>, vector<1x128xf32>
    %add3A_71 = vector.broadcast %get3A_70 : vector<1x128xf32> to vector<2000x128xf32>
    %add3A_72 = arith.addf %dot_general3A_67, %add3A_71 : vector<2000x128xf32>
    %tanh3A_73 = math.tanh %add3A_72 : vector<2000x128xf32>
    %swap3A_74 = arith.constant 0 : index
    %swap3A_75 = arith.constant 0 : index
    %swap3A_76 = vector.load %arg9[%swap3A_74, %swap3A_75] : memref<2000x128xf32, #tpu.memory_space<vmem>>, vector<2000x128xf32>
    tpu.vector_store %arg9[%swap3A_74, %swap3A_75], %tanh3A_73 {strides = array<i32>} : memref<2000x128xf32, #tpu.memory_space<vmem>>, vector<2000x128xf32>,
    return
  }
  func.func @transform_0(%arg0: i32) -> (i32, i32) {
    %c0_i32 = arith.constant 0 : i32
    %c0_i32_0 = arith.constant 0 : i32
    return %arg0, %c0_i32 : i32, i32
  }
  func.func @transform_1(%arg0: i32) -> (i32, i32) {
    %c0_i32 = arith.constant 0 : i32
    %c0_i32_0 = arith.constant 0 : i32
    return %arg0, %c0_i32 : i32, i32
  }
  func.func @transform_2(%arg0: i32) -> (i32, i32) {
    %c0_i32 = arith.constant 0 : i32
    %c0_i32_0 = arith.constant 0 : i32
    return %arg0, %c0_i32 : i32, i32
  }
  func.func @transform_3(%arg0: i32) -> (i32, i32) {
    %c0_i32 = arith.constant 0 : i32
    %c0_i32_0 = arith.constant 0 : i32
    %c0_i32_1 = arith.constant 0 : i32
    return %c0_i32, %c0_i32_0 : i32, i32
  }
  func.func @transform_4(%arg0: i32) -> (i32, i32) {
    %c0_i32 = arith.constant 0 : i32
    %c0_i32_0 = arith.constant 0 : i32
    %c0_i32_1 = arith.constant 0 : i32
    return %c0_i32, %c0_i32_0 : i32, i32
  }
  func.func @transform_5(%arg0: i32) -> (i32, i32) {
    %c0_i32 = arith.constant 0 : i32
    %c0_i32_0 = arith.constant 0 : i32
    %c0_i32_1 = arith.constant 0 : i32
    return %c0_i32, %c0_i32_0 : i32, i32
  }
  func.func @transform_6(%arg0: i32) -> (i32, i32) {
    %c0_i32 = arith.constant 0 : i32
    %c0_i32_0 = arith.constant 0 : i32
    %c0_i32_1 = arith.constant 0 : i32
    return %c0_i32, %c0_i32_0 : i32, i32
  }
  func.func @transform_7(%arg0: i32) -> (i32, i32) {
    %c0_i32 = arith.constant 0 : i32
    %c0_i32_0 = arith.constant 0 : i32
    return %arg0, %c0_i32 : i32, i32
  }
  func.func @transform_8(%arg0: i32) -> (i32, i32) {
    %c0_i32 = arith.constant 0 : i32
    %c0_i32_0 = arith.constant 0 : i32
    return %arg0, %c0_i32 : i32, i32
  }
}

module attributes {stable_mosaic.version = 14 : i64} {
  func.func @_update_body(%arg0: i32, %arg1: memref<2000x256xf32, #tpu.memory_space<vmem>>, %arg2: memref<2000x128xf32, #tpu.memory_space<vmem>>, %arg3: memref<2000x128xf32, #tpu.memory_space<vmem>>, %arg4: memref<2000x128xf32, #tpu.memory_space<vmem>>, %arg5: memref<2000x128xf32, #tpu.memory_space<vmem>>, %arg6: memref<128x128xf32, #tpu.memory_space<vmem>>, %arg7: memref<128x128xf32, #tpu.memory_space<vmem>>, %arg8: memref<1x128xf32, #tpu.memory_space<vmem>>, %arg9: memref<128x128xf32, #tpu.memory_space<vmem>>, %arg10: memref<128x128xf32, #tpu.memory_space<vmem>>, %arg11: memref<1x128xf32, #tpu.memory_space<vmem>>, %arg12: memref<2000x128xf32, #tpu.memory_space<vmem>>, %arg13: memref<2000x128xf32, #tpu.memory_space<vmem>>) attributes {dimension_semantics = [#tpu.dimension_semantics<arbitrary>], iteration_bounds = array<i64: 5>, scalar_prefetch = 0 : i64, scratch_operands = 0 : i64, tpu.core_type = #tpu.core_type<tc>, window_params = [{transform_indices = @transform_0, window_bounds = array<i64: 2000, 256>}, {transform_indices = @transform_1, window_bounds = array<i64: 2000, 128>}, {transform_indices = @transform_2, window_bounds = array<i64: 2000, 128>}, {transform_indices = @transform_3, window_bounds = array<i64: 2000, 128>}, {transform_indices = @transform_4, window_bounds = array<i64: 2000, 128>}, {pipeline_mode = #tpu.pipeline_mode<synchronous>, transform_indices = @transform_5, window_bounds = array<i64: 128, 128>}, {pipeline_mode = #tpu.pipeline_mode<synchronous>, transform_indices = @transform_6, window_bounds = array<i64: 128, 128>}, {pipeline_mode = #tpu.pipeline_mode<synchronous>, transform_indices = @transform_7, window_bounds = array<i64: 1, 128>}, {pipeline_mode = #tpu.pipeline_mode<synchronous>, transform_indices = @transform_8, window_bounds = array<i64: 128, 128>}, {pipeline_mode = #tpu.pipeline_mode<synchronous>, transform_indices = @transform_9, window_bounds = array<i64: 128, 128>}, {pipeline_mode = #tpu.pipeline_mode<synchronous>, transform_indices = @transform_10, window_bounds = array<i64: 1, 128>}, {transform_indices = @transform_11, window_bounds = array<i64: 2000, 128>}, {transform_indices = @transform_12, window_bounds = array<i64: 2000, 128>}]} {
    %get3A = arith.constant 0 : index
    %get3A_0 = arith.constant 0 : index
    %get3A_1 = vector.load %arg2[%get3A, %get3A_0] : memref<2000x128xf32, #tpu.memory_space<vmem>>, vector<2000x128xf32>
    %get3A_2 = arith.constant 0 : index
    %get3A_3 = arith.constant 0 : index
    %get3A_4 = vector.load %arg3[%get3A_2, %get3A_3] : memref<2000x128xf32, #tpu.memory_space<vmem>>, vector<2000x128xf32>
    %add3A = arith.addf %get3A_1, %get3A_4 : vector<2000x128xf32>
    %get3A_5 = arith.constant 0 : index
    %get3A_6 = arith.constant 0 : index
    %get3A_7 = vector.load %arg1[%get3A_5, %get3A_6] : memref<2000x256xf32, #tpu.memory_space<vmem>>, vector<2000x128xf32>
    %get3A_8 = arith.constant 0 : index
    %get3A_9 = arith.constant 0 : index
    %get3A_10 = vector.load %arg6[%get3A_8, %get3A_9] : memref<128x128xf32, #tpu.memory_space<vmem>>, vector<128x128xf32>
    %dot_general3A = arith.constant dense<0.000000e+00> : vector<2000x128xf32>
    %dot_general3A_11 = tpu.matmul %add3A, %get3A_10, %dot_general3A {dimension_numbers = #tpu.dot_dimension_numbers<[1], [0], [0], [1], [0, 0, 1, 1], [], []>, transpose_lhs_hint = false} : vector<2000x128xf32>, vector<128x128xf32>, vector<2000x128xf32> -> vector<2000x128xf32>
    %add3A_12 = arith.addf %get3A_7, %dot_general3A_11 : vector<2000x128xf32>
    %logistic3A = arith.negf %add3A_12 : vector<2000x128xf32>
    %logistic3A_13 = math.exp %logistic3A : vector<2000x128xf32>
    %logistic3A_14 = arith.constant 1.000000e+00 : f32
    %logistic3A_15 = vector.broadcast %logistic3A_14 : f32 to vector<2000x128xf32>
    %logistic3A_16 = arith.addf %logistic3A_15, %logistic3A_13 : vector<2000x128xf32>
    %logistic3A_17 = arith.divf %logistic3A_15, %logistic3A_16 : vector<2000x128xf32>
    %mul3A = arith.mulf %add3A_12, %logistic3A_17 : vector<2000x128xf32>
    %get3A_18 = arith.constant 0 : index
    %get3A_19 = arith.constant 0 : index
    %get3A_20 = vector.load %arg7[%get3A_18, %get3A_19] : memref<128x128xf32, #tpu.memory_space<vmem>>, vector<128x128xf32>
    %dot_general3A_21 = arith.constant dense<0.000000e+00> : vector<2000x128xf32>
    %dot_general3A_22 = tpu.matmul %mul3A, %get3A_20, %dot_general3A_21 {dimension_numbers = #tpu.dot_dimension_numbers<[1], [0], [0], [1], [0, 0, 1, 1], [], []>, transpose_lhs_hint = false} : vector<2000x128xf32>, vector<128x128xf32>, vector<2000x128xf32> -> vector<2000x128xf32>
    %get3A_23 = arith.constant 0 : index
    %get3A_24 = arith.constant 0 : index
    %get3A_25 = vector.load %arg8[%get3A_23, %get3A_24] : memref<1x128xf32, #tpu.memory_space<vmem>>, vector<1x128xf32>
    %add3A_26 = vector.broadcast %get3A_25 : vector<1x128xf32> to vector<2000x128xf32>
    %add3A_27 = arith.addf %dot_general3A_22, %add3A_26 : vector<2000x128xf32>
    %swap3A = arith.constant 0 : index
    %swap3A_28 = arith.constant 0 : index
    %swap3A_29 = vector.load %arg12[%swap3A, %swap3A_28] : memref<2000x128xf32, #tpu.memory_space<vmem>>, vector<2000x128xf32>
    tpu.vector_store %arg12[%swap3A, %swap3A_28], %add3A_27 {strides = array<i32>} : memref<2000x128xf32, #tpu.memory_space<vmem>>, vector<2000x128xf32>,
    %get3A_30 = arith.constant 0 : index
    %get3A_31 = arith.constant 0 : index
    %get3A_32 = vector.load %arg4[%get3A_30, %get3A_31] : memref<2000x128xf32, #tpu.memory_space<vmem>>, vector<2000x128xf32>
    %get3A_33 = arith.constant 0 : index
    %get3A_34 = arith.constant 0 : index
    %get3A_35 = vector.load %arg5[%get3A_33, %get3A_34] : memref<2000x128xf32, #tpu.memory_space<vmem>>, vector<2000x128xf32>
    %add3A_36 = arith.addf %get3A_32, %get3A_35 : vector<2000x128xf32>
    %get3A_37 = arith.constant 0 : index
    %get3A_38 = arith.constant 128 : index
    %get3A_39 = vector.load %arg1[%get3A_37, %get3A_38] : memref<2000x256xf32, #tpu.memory_space<vmem>>, vector<2000x128xf32>
    %get3A_40 = arith.constant 0 : index
    %get3A_41 = arith.constant 0 : index
    %get3A_42 = vector.load %arg9[%get3A_40, %get3A_41] : memref<128x128xf32, #tpu.memory_space<vmem>>, vector<128x128xf32>
    %dot_general3A_43 = arith.constant dense<0.000000e+00> : vector<2000x128xf32>
    %dot_general3A_44 = tpu.matmul %add3A_36, %get3A_42, %dot_general3A_43 {dimension_numbers = #tpu.dot_dimension_numbers<[1], [0], [0], [1], [0, 0, 1, 1], [], []>, transpose_lhs_hint = false} : vector<2000x128xf32>, vector<128x128xf32>, vector<2000x128xf32> -> vector<2000x128xf32>
    %add3A_45 = arith.addf %get3A_39, %dot_general3A_44 : vector<2000x128xf32>
    %tanh3A = math.tanh %add3A_45 : vector<2000x128xf32>
    %get3A_46 = arith.constant 0 : index
    %get3A_47 = arith.constant 0 : index
    %get3A_48 = vector.load %arg10[%get3A_46, %get3A_47] : memref<128x128xf32, #tpu.memory_space<vmem>>, vector<128x128xf32>
    %dot_general3A_49 = arith.constant dense<0.000000e+00> : vector<2000x128xf32>
    %dot_general3A_50 = tpu.matmul %tanh3A, %get3A_48, %dot_general3A_49 {dimension_numbers = #tpu.dot_dimension_numbers<[1], [0], [0], [1], [0, 0, 1, 1], [], []>, transpose_lhs_hint = false} : vector<2000x128xf32>, vector<128x128xf32>, vector<2000x128xf32> -> vector<2000x128xf32>
    %get3A_51 = arith.constant 0 : index
    %get3A_52 = arith.constant 0 : index
    %get3A_53 = vector.load %arg11[%get3A_51, %get3A_52] : memref<1x128xf32, #tpu.memory_space<vmem>>, vector<1x128xf32>
    %add3A_54 = vector.broadcast %get3A_53 : vector<1x128xf32> to vector<2000x128xf32>
    %add3A_55 = arith.addf %dot_general3A_50, %add3A_54 : vector<2000x128xf32>
    %tanh3A_56 = math.tanh %add3A_55 : vector<2000x128xf32>
    %swap3A_57 = arith.constant 0 : index
    %swap3A_58 = arith.constant 0 : index
    %swap3A_59 = vector.load %arg13[%swap3A_57, %swap3A_58] : memref<2000x128xf32, #tpu.memory_space<vmem>>, vector<2000x128xf32>
    tpu.vector_store %arg13[%swap3A_57, %swap3A_58], %tanh3A_56 {strides = array<i32>} : memref<2000x128xf32, #tpu.memory_space<vmem>>, vector<2000x128xf32>,
    return
  }
  func.func @transform_0(%arg0: i32) -> (i32, i32) {
    %c0_i32 = arith.constant 0 : i32
    %c0_i32_0 = arith.constant 0 : i32
    return %arg0, %c0_i32 : i32, i32
  }
  func.func @transform_1(%arg0: i32) -> (i32, i32) {
    %c0_i32 = arith.constant 0 : i32
    %c0_i32_0 = arith.constant 0 : i32
    return %arg0, %c0_i32 : i32, i32
  }
  func.func @transform_2(%arg0: i32) -> (i32, i32) {
    %c0_i32 = arith.constant 0 : i32
    %c0_i32_0 = arith.constant 0 : i32
    return %arg0, %c0_i32 : i32, i32
  }
  func.func @transform_3(%arg0: i32) -> (i32, i32) {
    %c0_i32 = arith.constant 0 : i32
    %c0_i32_0 = arith.constant 0 : i32
    return %arg0, %c0_i32 : i32, i32
  }
  func.func @transform_4(%arg0: i32) -> (i32, i32) {
    %c0_i32 = arith.constant 0 : i32
    %c0_i32_0 = arith.constant 0 : i32
    return %arg0, %c0_i32 : i32, i32
  }
  func.func @transform_5(%arg0: i32) -> (i32, i32) {
    %c0_i32 = arith.constant 0 : i32
    %c0_i32_0 = arith.constant 0 : i32
    %c0_i32_1 = arith.constant 0 : i32
    return %c0_i32, %c0_i32_0 : i32, i32
  }
  func.func @transform_6(%arg0: i32) -> (i32, i32) {
    %c0_i32 = arith.constant 0 : i32
    %c0_i32_0 = arith.constant 0 : i32
    %c0_i32_1 = arith.constant 0 : i32
    return %c0_i32, %c0_i32_0 : i32, i32
  }
  func.func @transform_7(%arg0: i32) -> (i32, i32) {
    %c0_i32 = arith.constant 0 : i32
    %c0_i32_0 = arith.constant 0 : i32
    %c0_i32_1 = arith.constant 0 : i32
    return %c0_i32, %c0_i32_0 : i32, i32
  }
  func.func @transform_8(%arg0: i32) -> (i32, i32) {
    %c0_i32 = arith.constant 0 : i32
    %c0_i32_0 = arith.constant 0 : i32
    %c0_i32_1 = arith.constant 0 : i32
    return %c0_i32, %c0_i32_0 : i32, i32
  }
  func.func @transform_9(%arg0: i32) -> (i32, i32) {
    %c0_i32 = arith.constant 0 : i32
    %c0_i32_0 = arith.constant 0 : i32
    %c0_i32_1 = arith.constant 0 : i32
    return %c0_i32, %c0_i32_0 : i32, i32
  }
  func.func @transform_10(%arg0: i32) -> (i32, i32) {
    %c0_i32 = arith.constant 0 : i32
    %c0_i32_0 = arith.constant 0 : i32
    %c0_i32_1 = arith.constant 0 : i32
    return %c0_i32, %c0_i32_0 : i32, i32
  }
  func.func @transform_11(%arg0: i32) -> (i32, i32) {
    %c0_i32 = arith.constant 0 : i32
    %c0_i32_0 = arith.constant 0 : i32
    return %arg0, %c0_i32 : i32, i32
  }
  func.func @transform_12(%arg0: i32) -> (i32, i32) {
    %c0_i32 = arith.constant 0 : i32
    %c0_i32_0 = arith.constant 0 : i32
    return %arg0, %c0_i32 : i32, i32
  }
}

</mosaic_0001>

<sc_bundles>
// kernel: kernel.10.cloned.1.call-start
scs
__scs_entry_jumppad:
0x0: {  	(pc) =	sbr.rel $0x88, $3  }
0x1: {  	(tag) =	ssettag $0x0;
	lr =	simm.s32 $0x1  }
0x2: {  	[smem:$0x3F8D] =	sst lr;
	_ =	strace $0xD0000000  }
0x3: {  	_ = 	snop  }
0x4: {  	_ = 	snop  }
0x5: {  	_ = 	snop  }
0x6: {  	_ = 	snop  }
0x7: {  	_ = 	snop  }
__scs_overlays_trampoline_lowered:
0x8: {  	[smem:$0x3F9C] =	sst s0  }
0x9: {  	[smem:$0x3F9D] =	sst s1  }
0xa: {  	[smem:$0x3F9E] =	sst s2  }
0xb: {  	[smem:$0x3F9F] =	sst s3  }
0xc: {  	[smem:$0x3FA0] =	sst s4  }
0xd: {  	[smem:$0x3FA1] =	sst s5  }
0xe: {  	[smem:$0x3FA2] =	sst s6  }
0xf: {  	[smem:$0x3FA3] =	sst s7  }
0x10: {  	[smem:$0x3FA4] =	sst s8  }
0x11: {  	[smem:$0x3FA5] =	sst s9;
	s0 =	simm.s32 @!p0 $0x0  }
0x12: {  	s1 =	sld [smem:$0x3F8B];
	s0 =	simm.s32 @p0 $0x1  }
0x13: {  	[smem:$0x3FA6] =	sst s0;
	s0 =	simm.s32 @!p1 $0x0  }
0x14: {  	s2 =	sld [smem:$0x3F8A];
	s0 =	simm.s32 @p1 $0x1  }
0x15: {  	[smem:$0x3FA7] =	sst s0;
	s0 =	simm.s32 @!p2 $0x0  }
0x16: {  	s3 =	sld [smem:$0x3FDB];
	s0 =	simm.s32 @p2 $0x1  }
0x17: {  	s4 =	simm.s32 $0x1BF5;
	[smem:$0x3FA9] =	sst s0  }
0x18: {  	s0 =	sld [smem:$0x3F8C];
	_ =	swait.ge [sflag:s4], $0x0  }
0x19: {  	s7 =	sld [smem:$0x3F8D]  }
0x1a: {  	s8 =	sadd.s32 $0xFFFFE003, lr  }
0x1b: {  	s9 =	sadd.s32 $0xFFFFFEF7, lr;
	s5 =	simm.s32 $0xFFFFFFFF;
	p2 =	slt.u32 s8, $0xFFFFF086  }
0x1c: {  	p1 =	slt.u32 s9, $0xF7A;
	s5 =	simm.s32 @!p2 $0x0  }
0x1d: {  	s5 =	simm.s32 @p1 $0x1;
	p0 =	seq.s32 s7, s2  }
0x1e: {  	s7 =	smul.u32 @!p0 $0xF7A, s2;
	p2 =	seq.s32 @!p0 s5, $0x0  }
0x1f: {  	s9 =	smul.u32 $0xF7A, s1;
	s8 =	simm.s32 @!p0 $0x1BF5;
	p2 =	por !p2, p0  }
0x20: {  	[sflag:s8] =	ssyncset.s32 @!p0 $0xFFFFF086;
	s6 =	sadd.s32 @!p0 s3, s7;
	s7 =	simm.s32 @!p0 $0x108  }
0x21: {  	s3 =	sadd.s32 s3, s9;
	s6 =	sadd.s32 @!p0 $0x88, s6;
	s7 =	simm.s32 @p2 $0x1082  }
0x22: {  	[simem:s7], [sflag:s8] =	dma.local @!p0 [hbm:s6], $0xF7A  }
0x23: {  	s9 =	sor.u32 $0xD0000000, s2;
	s6 =	simm.s32 $0x108;
	_ =	swait.ge @!p0 [sflag:s8], $0x0  }
0x24: {  	s3 =	sadd.s32 $0x88, s3;
	s6 =	simm.s32 @!p1 $0x1082;
	[sflag:s4] =	ssyncset.s32 $0xFFFFF086  }
0x25: {  	[simem:s6], [sflag:s4] =	dma.local [hbm:s3], $0xF7A  }
0x26: {  	[smem:$0x3F8D] =	sst s1;
	(tag) =	ssettag s2;
	_ =	strace s9  }
0x27: {  	s1 =	sld [smem:$0x3F9D]  }
0x28: {  	s2 =	sld [smem:$0x3F9E]  }
0x29: {  	s4 =	sld [smem:$0x3FA0]  }
0x2a: {  	p0 =	seq.s32 s5, $0x0;
	s5 =	sld [smem:$0x3FA1]  }
0x2b: {  	s6 =	sld [smem:$0x3FA2]  }
0x2c: {  	s7 =	sld [smem:$0x3FA3]  }
0x2d: {  	s3 =	simm.s32 $0x108;
	s8 =	sld [smem:$0x3FA4]  }
0x2e: {  	s3 =	simm.s32 @!p0 $0x1082;
	s9 =	sld [smem:$0x3FA5]  }
0x2f: {  	lr =	sadd.s32 s0, s3;
	s0 =	sld [smem:$0x3F9C]  }
0x30: {  	s3 =	sld [smem:$0x3F9F]  }
0x31: {  	[smem:$0x3FA8] =	sst s10  }
0x32: {  	s10 =	sld [smem:$0x3FA6];
	_ =	sdelay $0x3  }
0x33: {  	p0 =	seq.s32 s10, $0x1;
	s10 =	sld [smem:$0x3FA8];
	_ =	sdelay $0x3  }
0x34: {  	[smem:$0x3FA8] =	sst s10  }
0x35: {  	s10 =	sld [smem:$0x3FA7];
	_ =	sdelay $0x3  }
0x36: {  	p1 =	seq.s32 s10, $0x1;
	s10 =	sld [smem:$0x3FA8];
	_ =	sdelay $0x3  }
0x37: {  	[smem:$0x3FA8] =	sst s10  }
0x38: {  	s10 =	sld [smem:$0x3FA9]  }
0x39: {  	_ = 	snop;
	(pc) =	sbr.ind lr, $3  }
0x3a: {  	_ = 	snop  }
0x3b: {  	_ = 	snop  }
0x3c: {  	p2 =	seq.s32 s10, $0x1;
	s10 =	sld [smem:$0x3FA8]  }
0x3d: {  	_ =	shalt  }
0x3e: {  	_ =	shalt  }
0x3f: {  	_ =	shalt  }
0x40: {  	_ =	shalt  }
0x41: {  	_ =	shalt  }
0x42: {  	_ =	shalt  }
0x43: {  	_ =	shalt  }
0x44: {  	_ =	shalt  }
0x45: {  	_ =	shalt  }
0x46: {  	_ =	shalt  }
0x47: {  	_ =	shalt  }
0x48: {  	_ =	shalt  }
0x49: {  	_ =	shalt  }
0x4a: {  	_ =	shalt  }
0x4b: {  	_ =	shalt  }
0x4c: {  	_ =	shalt  }
0x4d: {  	_ =	shalt  }
0x4e: {  	_ =	shalt  }
0x4f: {  	_ =	shalt  }
0x50: {  	_ =	shalt  }
0x51: {  	_ =	shalt  }
0x52: {  	_ =	shalt  }
0x53: {  	_ =	shalt  }
0x54: {  	_ =	shalt  }
0x55: {  	_ =	shalt  }
0x56: {  	_ =	shalt  }
0x57: {  	_ =	shalt  }
0x58: {  	_ =	shalt  }
0x59: {  	_ =	shalt  }
0x5a: {  	_ =	shalt  }
0x5b: {  	_ =	shalt  }
0x5c: {  	_ =	shalt  }
0x5d: {  	_ =	shalt  }
0x5e: {  	_ =	shalt  }
0x5f: {  	_ =	shalt  }
0x60: {  	_ =	shalt  }
0x61: {  	_ =	shalt  }
0x62: {  	_ =	shalt  }
0x63: {  	_ =	shalt  }
0x64: {  	_ =	shalt  }
0x65: {  	_ =	shalt  }
0x66: {  	_ =	shalt  }
0x67: {  	_ =	shalt  }
0x68: {  	_ =	shalt  }
0x69: {  	_ =	shalt  }
0x6a: {  	_ =	shalt  }
0x6b: {  	_ =	shalt  }
0x6c: {  	_ =	shalt  }
0x6d: {  	_ =	shalt  }
0x6e: {  	_ =	shalt  }
0x6f: {  	_ =	shalt  }
0x70: {  	_ =	shalt  }
0x71: {  	_ =	shalt  }
0x72: {  	_ =	shalt  }
0x73: {  	_ =	shalt  }
0x74: {  	_ =	shalt  }
0x75: {  	_ =	shalt  }
0x76: {  	_ =	shalt  }
0x77: {  	_ =	shalt  }
0x78: {  	_ =	shalt  }
0x79: {  	_ =	shalt  }
0x7a: {  	_ =	shalt  }
0x7b: {  	_ =	shalt  }
0x7c: {  	_ =	shalt  }
0x7d: {  	_ =	shalt  }
0x7e: {  	_ =	shalt  }
0x7f: {  	_ =	shalt  }
0x80: {  	_ =	shalt  }
0x81: {  	_ =	shalt  }
0x82: {  	_ =	shalt  }
0x83: {  	_ =	shalt  }
0x84: {  	_ =	shalt  }
0x85: {  	_ =	shalt  }
0x86: {  	_ =	shalt  }
0x87: {  	_ =	shalt  }
.Lfunc_end0:
.L_simem_size_0:
called_computation_lowered:
.L_overlay_start_0:
0x88: {  	s2 =	sld [smem:$0x3FD9]  }
0x89: {  	s3 =	sld [smem:$0x3FFE];
	_ =	sdelay $0x1  }
0x8a: {  	s1 =	srdreg.scid  }
0x8b: {  	s0 =	sand.u32 $0x1, s1  }
0x8c: {  	s14 =	sshll.u32 s0, $0xA;
	s2 =	sadd.s32 s3, s2  }
0x8d: {  	s2 =	sadd.s32 s2, s14  }
0x8e: {  	[smem:$0x3FB4] =	sst s2  }
0x8f: {  	_ = 	snop  }
0x90: {  	s2 =	sld [smem:$0x3FD0];
	_ =	sdelay $0x2  }
0x91: {  	s15 =	simm.s32 $0xB;
	s4 =	simm.s32 $0x10  }
0x92: {  	[smem:s4], [sflag:s15] =	dma.local [hbm:s2], $0x1  }
0x93: {  	_ =	swait.eq [sflag:s15], $0x1  }
0x94: {  	[sflag:s15] =	ssyncset.done $0x0  }
0x95: {  	[sflag:s15] =	ssyncadd.s32 $0xFFFFFFFF  }
0x96: {  	s16 =	sld [smem:$0x11];
	(tm) =	ssettm $0x1  }
0x97: {  	s17 =	sld [smem:$0x3FFB];
	_ =	sdelay $0x3  }
0x98: {  	_ =	strace s17  }
0x99: {  	s3 =	sld [smem:$0x3FFC];
	_ =	sdelay $0x3  }
0x9a: {  	_ =	strace s3  }
0x9b: {  	s3 =	sld [smem:$0x3FFD];
	_ =	sdelay $0x3  }
0x9c: {  	_ =	strace s3  }
0x9d: {  	_ =	strace $0x8FFFFFFF  }
0x9e: {  	s18 =	sld [smem:$0x3FDB];
	_ =	sdelay $0x1  }
0x9f: {  	s19 =	simm.s32 $_scs_section_size  }
0xa0: {  	s5 =	simm.s32 $_size__tile_overlayer_lowered;
	s6 =	simm.s32 $_tile_overlayer_lowered  }
0xa1: {  	s22 =	simm.s32 $0x1BFF;
	s21 =	sshll.u32 s6, $0x1;
	s3 =	sadd.s32 s19, s18  }
0xa2: {  	s7 =	simm.s32 $0x0;
	s20 =	sshll.u32 s5, $0x1;
	s5 =	sadd.s32 s21, s3  }
0xa3: {  	[timem:s7], [sflag:s22] =	dma.local [hbm:s5], s20  }
0xa4: {  	_ =	swait.ge [sflag:s22], s20  }
0xa5: {  	s4 =	ssub.s32 $0x0, s20;
	[sflag:s22] =	ssyncset.done $0x0  }
0xa6: {  	[sflag:s22] =	ssyncadd.s32 s4;
	_ =	sdelay $0x1  }
0xa7: {  	s23 =	simm.s32 $0x1B8B  }
0xa8: {  	_ =	swait.ge [sflag:s23], $0x1  }
0xa9: {  	[sflag:s23] =	ssyncset.done $0x0  }
0xaa: {  	s25 =	simm.s32 $0x1B8E;
	s24 =	sld [smem:$0x3FFE];
	[sflag:s23] =	ssyncadd.s32 $0xFFFFFFFF  }
0xab: {  	s26 =	simm.s32 $execute0_lowered;
	[smem:$0x3FD2] =	sst s25  }
0xac: {  	s5 =	sshll.u32 s26, $0x1;
	_ =	strace $0x80000046;
	[dreg:$0x1] =	wrdreg $0xFFFFFFFF  }
0xad: {  	s28 =	simm.s32 $_size_execute0_lowered;
	s3 =	sadd.s32 s3, s5;
	[dreg:$0x0] =	wrdreg $0x0  }
0xae: {  	s5 =	sshll.u32 s28, $0x1;
	[dreg:$0x2] =	wrdreg s3  }
0xaf: {  	[dreg:$0x3] =	wrdreg s5  }
0xb0: {  	[dreg:$0x4] =	wrdreg $0xC0  }
0xb1: {  	_ =	task [dreg:s7], $0x5FFFF  }
0xb2: {  	[dreg:$0x1] =	wrdreg $0xFFFFFFFF  }
0xb3: {  	[dreg:$0x0] =	wrdreg $0x60  }
0xb4: {  	[dreg:$0x2] =	wrdreg s24  }
0xb5: {  	[dreg:$0x3] =	wrdreg s16  }
0xb6: {  	[dreg:$0x4] =	wrdreg $0x9  }
0xb7: {  	_ =	task.clear_ibuf [dreg:s7], $0x5FFFF;
	_ =	strace $0x90000046  }
0xb8: {  	s29 =	simm.s32 $0x9;
	_ =	strace $0x80000048  }
0xb9: {  	_ =	swait.ge [sflag:s29], $0x1  }
0xba: {  	[sflag:s29] =	ssyncadd.s32 $0xFFFFFFFF  }
0xbb: {  	_ =	strace $0x90000048  }
0xbc: {  	_ =	sfence  }
0xbd: {  	s30 =	sld [smem:$0x0];
	_ =	sdelay $0x2  }
0xbe: {  	s31 =	sshll.u32 s1, $0xD;
	s1 =	sshrl.u32 s1, $0x2  }
0xbf: {  	s3 =	sand.u32 $0x4000, s31;
	s1 =	sadd.s32 s1, s30  }
0xc0: {  	s0 =	sor.u32 s3, s0;
	s1 =	sshll.u32 s1, $0x11  }
0xc1: {  	s0 =	sor.u32 s1, s0  }
0xc2: {  	s0 =	sadd.s32 $0x8F2B, s0  }
0xc3: {  	[sflag:s0] =	ssyncadd.remote.s32 $0x1  }
0xc4: {  	_ =	sfence.sel $0xFFFF  }
0xc5: {  	[dreg:$0x0] =	wrdreg $0xFFFFFFFF;
	(pc) =	sbr.abs _section_cstart, $3  }
0xc6: {  	[dreg:$0x1] =	wrdreg $0xFFFFFFFF  }
0xc7: {  	_ =	task.clear_ibuf [dreg:s7], $0x2FFFF;
	_ =	strace $0x9FFFFFFF  }
0xc8: {  	(tm) =	ssettm $0x7FFFFFFF  }
0xc9: {  	_ =	shalt  }
tec
execute0_lowered:
.L_overlay_start_1:
0x0: {  	(tag) =	ssettag $0x1  }
0x1: {  	s0 =	rddreg [dreg:$0x0];
	s1 =	srdreg.scid  }
0x2: {  	s2 =	stileid.u32;
	s10 =	rddreg [dreg:$0x1];
	s28 =	simm.s32 $0x6800  }
0x3: {  	s29 =	simm.s32 $0x7000;
	s30 =	simm.s32 $0xC800;
	s31 =	simm.s32 $0xD000  }
0x4: {  	s13 =	simm.s32 $0xE800;
	s14 =	simm.s32 $0x8;
	s15 =	simm.s32 $0x0  }
0x5: {  	s1 =	sand.u32 $0x1, s1;
	s3 =	sshll.u32 s2, $0x1;
	s2 =	simm.s32 $0x0  }
0x6: {  	s4 =	sadd.s32 $0xCC00, s0;
	s5 =	sadd.s32 $0x5AE00, s0;
	s6 =	sadd.s32 $0xF7200, s0  }
0x7: {  	s7 =	sadd.s32 $0x368200, s0;
	s3 =	sor.u32 s1, s3;
	s1 =	ssub.s32 $0x2, s1  }
0x8: {  	[smem:$0x7FF] =	sst s2;
	s3 =	smul.u32 $0x1388, s3;
	s12 =	sshrl.u32 s1, $0x1  }
0x9: {  	s8 =	sadd.s32 $0x5D9200, s0;
	_ =	strace $0x80000047;
	s26 =	ssub.s32 s1, s12  }
0xa: {  	v2 =	vlaneseq.u32;
	s12 =	simm.s32 $0xA;
	s1 =	simm.s32 $0xD800;
	s11 =	sshrl.u32 s3, $0x3  }
0xb: {  	vm0 =	vmmov $0xffff;
	v1 =	vshrl.u32 v2, $0x3;
	s9 =	sadd.s32 s11, s0;
	s10 =	sadd.s32 s10, s11;
	s11 =	smax.u32 s26, $0x1  }
0xc: {  	v0 =	vand.u32 $0x7, v2;
	v2 =	vor.u32 $0x8, v2;
	v1 =	vmul.u32 $0x8, v1;
	s26 =	simm.s32 $0x6000;
	s0 =	simm.s32 $0xE000;
	s9 =	sadd.s32 $0x7400, s9  }
.LBB2_1:
0xd: {  	[tilespmem:s2], [sflag:$0xA] =	stream.linear.gather [hbm4b:s9+s2], $0x1388, $0x38;
	[tilespmem:$0x15400] =	vst v63  }
0xe: {  	_ =	swait.ge [sflag:s12], $0x1388  }
0xf: {  	[sflag:s12] =	ssyncset.done $0x0  }
0x10: {  	s16 =	simm.s32 $0x1400;
	[sflag:s12] =	ssyncadd.s32 $0xFFFFEC78  }
0x11: {  	[tilespmem:s16], [sflag:$0xA] =	stream.linear.gather [hbm4b:s10+s2], $0x1388, $0x38;
	[tilespmem:$0x15400] =	vst v63  }
0x12: {  	_ =	swait.ge [sflag:s12], $0x1388  }
0x13: {  	[sflag:s12] =	ssyncset.done $0x0  }
0x14: {  	[sflag:s12] =	ssyncadd.s32 $0xFFFFEC78  }
0x15: {  	v3 =	vld [tilespmem:$0x0];
	_ =	sdelay $0x4  }
0x16: {  	v4 =	vshll.u32 v3, $0x1  }
0x17: {  	v3 =	vand.u32 $0x7, v3;
	v4 =	vand.u32 $0xFFFFFFF0, v4  }
0x18: {  	v3 =	vor.u32 v3, v4  }
0x19: {  	v4 =	vperm.xlane v3, v0;
	_ =	sdelay $0x1  }
0x1a: {  	v3 =	vperm.xlane v3, v2;
	v4 =	vadd.s32 v1, v4;
	_ =	sdelay $0x1  }
0x1b: {  	v3 =	vadd.s32 v1, v3;
	_ =	sdelay $0x1  }
0x1c: {  	s23 =	simm.s32 $0x2800  }
0x1d: {  	[tilespmem:s23], [sflag:$0x1] =	stream.indirect_vreg.gather [hbm4b:s4+s2], $0x80, v4, vm0, $0xb8;
	[tilespmem:$0x15400] =	vst v63  }
0x1e: {  	s24 =	simm.s32 $0x3000  }
0x1f: {  	[tilespmem:s24], [sflag:$0x1] =	stream.indirect_vreg.gather [hbm4b:s4+s2], $0x80, v3, vm0, $0xb8;
	[tilespmem:$0x15400] =	vst v63  }
0x20: {  	v3 =	vld [tilespmem:$0x10];
	_ =	sdelay $0x4  }
0x21: {  	v53 =	vshll.u32 v3, $0x1  }
0x22: {  	v3 =	vand.u32 $0x7, v3;
	v4 =	vand.u32 $0xFFFFFFF0, v53  }
0x23: {  	v3 =	vor.u32 v3, v4  }
0x24: {  	v4 =	vperm.xlane v3, v0;
	_ =	sdelay $0x1  }
0x25: {  	v3 =	vperm.xlane v3, v2;
	v4 =	vadd.s32 v1, v4;
	_ =	sdelay $0x1  }
0x26: {  	v3 =	vadd.s32 v1, v3;
	_ =	sdelay $0x1  }
0x27: {  	s25 =	simm.s32 $0x3800  }
0x28: {  	[tilespmem:s25], [sflag:$0x1] =	stream.indirect_vreg.gather [hbm4b:s4+s2], $0x80, v4, vm0, $0xb8;
	[tilespmem:$0x15400] =	vst v63  }
0x29: {  	s17 =	simm.s32 $0x4000  }
0x2a: {  	[tilespmem:s17], [sflag:$0x1] =	stream.indirect_vreg.gather [hbm4b:s4+s2], $0x80, v3, vm0, $0xb8;
	[tilespmem:$0x15400] =	vst v63  }
0x2b: {  	v3 =	vld.msk [tilespmem:$0x20], $0xff;
	_ =	sdelay $0x4  }
0x2c: {  	v54 =	vshll.u32 v3, $0x1  }
0x2d: {  	v3 =	vand.u32 $0x7, v3;
	v4 =	vand.u32 $0xFFFFFFF0, v54  }
0x2e: {  	v3 =	vor.u32 v3, v4  }
0x2f: {  	v3 =	vperm.xlane v3, v0;
	_ =	sdelay $0x1  }
0x30: {  	v3 =	vadd.s32 v1, v3;
	_ =	sdelay $0x3  }
0x31: {  	s18 =	simm.s32 $0x4800  }
0x32: {  	[tilespmem:s18], [sflag:$0x1] =	stream.indirect_vreg.gather [hbm4b:s4+s2], $0x80, v3, vm0, $0xb8;
	[tilespmem:$0x15400] =	vst v63  }
0x33: {  	v3 =	vld [tilespmem:$0x1400];
	_ =	sdelay $0x4  }
0x34: {  	v55 =	vshll.u32 v3, $0x1  }
0x35: {  	v3 =	vand.u32 $0x7, v3;
	v4 =	vand.u32 $0xFFFFFFF0, v55  }
0x36: {  	v3 =	vor.u32 v3, v4  }
0x37: {  	v4 =	vperm.xlane v3, v0;
	_ =	sdelay $0x1  }
0x38: {  	v3 =	vperm.xlane v3, v2;
	v4 =	vadd.s32 v1, v4;
	_ =	sdelay $0x1  }
0x39: {  	v3 =	vadd.s32 v1, v3;
	_ =	sdelay $0x1  }
0x3a: {  	s19 =	simm.s32 $0xA000  }
0x3b: {  	[tilespmem:s19], [sflag:$0x4] =	stream.indirect_vreg.gather [hbm4b:s5+s2], $0x80, v4, vm0, $0xb8;
	[tilespmem:$0x15400] =	vst v63  }
0x3c: {  	s20 =	simm.s32 $0xA800  }
0x3d: {  	[tilespmem:s20], [sflag:$0x4] =	stream.indirect_vreg.gather [hbm4b:s5+s2], $0x80, v3, vm0, $0xb8;
	[tilespmem:$0x15400] =	vst v63  }
0x3e: {  	v3 =	vld [tilespmem:$0x1410];
	_ =	sdelay $0x4  }
0x3f: {  	v56 =	vshll.u32 v3, $0x1  }
0x40: {  	v3 =	vand.u32 $0x7, v3;
	v4 =	vand.u32 $0xFFFFFFF0, v56  }
0x41: {  	v3 =	vor.u32 v3, v4  }
0x42: {  	v4 =	vperm.xlane v3, v0;
	_ =	sdelay $0x1  }
0x43: {  	v3 =	vperm.xlane v3, v2;
	v4 =	vadd.s32 v1, v4;
	_ =	sdelay $0x1  }
0x44: {  	v3 =	vadd.s32 v1, v3;
	_ =	sdelay $0x1  }
0x45: {  	s21 =	simm.s32 $0xB000  }
0x46: {  	[tilespmem:s21], [sflag:$0x4] =	stream.indirect_vreg.gather [hbm4b:s5+s2], $0x80, v4, vm0, $0xb8;
	[tilespmem:$0x15400] =	vst v63  }
0x47: {  	s22 =	simm.s32 $0xB800  }
0x48: {  	[tilespmem:s22], [sflag:$0x4] =	stream.indirect_vreg.gather [hbm4b:s5+s2], $0x80, v3, vm0, $0xb8;
	[tilespmem:$0x15400] =	vst v63  }
0x49: {  	v3 =	vld.msk [tilespmem:$0x1420], $0xff;
	_ =	sdelay $0x4  }
0x4a: {  	v57 =	vshll.u32 v3, $0x1  }
0x4b: {  	v3 =	vand.u32 $0x7, v3;
	v4 =	vand.u32 $0xFFFFFFF0, v57  }
0x4c: {  	v3 =	vor.u32 v3, v4  }
0x4d: {  	v3 =	vperm.xlane v3, v0;
	_ =	sdelay $0x1  }
0x4e: {  	v3 =	vadd.s32 v1, v3;
	_ =	sdelay $0x3  }
0x4f: {  	s23 =	simm.s32 $0xC000  }
0x50: {  	[tilespmem:s23], [sflag:$0x4] =	stream.indirect_vreg.gather [hbm4b:s5+s2], $0x80, v3, vm0, $0xb8;
	[tilespmem:$0x15400] =	vst v63  }
0x51: {  	v3 =	vld [tilespmem:$0x28];
	_ =	sdelay $0x4  }
0x52: {  	v58 =	vshll.u32 v3, $0x1  }
0x53: {  	v3 =	vand.u32 $0x7, v3;
	v4 =	vand.u32 $0xFFFFFFF0, v58  }
0x54: {  	v3 =	vor.u32 v3, v4  }
0x55: {  	v4 =	vperm.xlane v3, v0;
	_ =	sdelay $0x1  }
0x56: {  	v3 =	vperm.xlane v3, v2;
	v4 =	vadd.s32 v1, v4;
	_ =	sdelay $0x1  }
0x57: {  	v3 =	vadd.s32 v1, v3;
	_ =	sdelay $0x1  }
0x58: {  	s24 =	simm.s32 $0x5000  }
0x59: {  	[tilespmem:s24], [sflag:$0x2] =	stream.indirect_vreg.gather [hbm4b:s4+s2], $0x80, v4, vm0, $0xb8;
	[tilespmem:$0x15400] =	vst v63  }
0x5a: {  	s25 =	simm.s32 $0x5800  }
0x5b: {  	[tilespmem:s25], [sflag:$0x2] =	stream.indirect_vreg.gather [hbm4b:s4+s2], $0x80, v3, vm0, $0xb8;
	[tilespmem:$0x15400] =	vst v63  }
0x5c: {  	v3 =	vld [tilespmem:$0x38];
	_ =	sdelay $0x4  }
0x5d: {  	v59 =	vshll.u32 v3, $0x1  }
0x5e: {  	v3 =	vand.u32 $0x7, v3;
	v4 =	vand.u32 $0xFFFFFFF0, v59  }
0x5f: {  	v3 =	vor.u32 v3, v4  }
0x60: {  	v4 =	vperm.xlane v3, v0;
	_ =	sdelay $0x1  }
0x61: {  	v3 =	vperm.xlane v3, v2;
	v4 =	vadd.s32 v1, v4;
	_ =	sdelay $0x1  }
0x62: {  	v3 =	vadd.s32 v1, v3;
	_ =	sdelay $0x2  }
0x63: {  	[tilespmem:s26], [sflag:$0x2] =	stream.indirect_vreg.gather [hbm4b:s4+s2], $0x80, v4, vm0, $0xb8;
	[tilespmem:$0x15400] =	vst v63  }
0x64: {  	_ = 	snop  }
0x65: {  	[tilespmem:s28], [sflag:$0x2] =	stream.indirect_vreg.gather [hbm4b:s4+s2], $0x80, v3, vm0, $0xb8;
	[tilespmem:$0x15400] =	vst v63  }
0x66: {  	v3 =	vld.msk [tilespmem:$0x48], $0xff;
	_ =	sdelay $0x4  }
0x67: {  	v60 =	vshll.u32 v3, $0x1  }
0x68: {  	v3 =	vand.u32 $0x7, v3;
	v4 =	vand.u32 $0xFFFFFFF0, v60  }
0x69: {  	v3 =	vor.u32 v3, v4  }
0x6a: {  	v3 =	vperm.xlane v3, v0;
	_ =	sdelay $0x1  }
0x6b: {  	v3 =	vadd.s32 v1, v3;
	_ =	sdelay $0x4  }
0x6c: {  	[tilespmem:s29], [sflag:$0x2] =	stream.indirect_vreg.gather [hbm4b:s4+s2], $0x80, v3, vm0, $0xb8;
	[tilespmem:$0x15400] =	vst v63  }
0x6d: {  	v3 =	vld [tilespmem:$0x1428];
	_ =	sdelay $0x4  }
0x6e: {  	v61 =	vshll.u32 v3, $0x1  }
0x6f: {  	v3 =	vand.u32 $0x7, v3;
	v4 =	vand.u32 $0xFFFFFFF0, v61  }
0x70: {  	v3 =	vor.u32 v3, v4  }
0x71: {  	v4 =	vperm.xlane v3, v0;
	_ =	sdelay $0x1  }
0x72: {  	v3 =	vperm.xlane v3, v2;
	v4 =	vadd.s32 v1, v4;
	_ =	sdelay $0x1  }
0x73: {  	v3 =	vadd.s32 v1, v3;
	_ =	sdelay $0x2  }
0x74: {  	[tilespmem:s30], [sflag:$0x5] =	stream.indirect_vreg.gather [hbm4b:s5+s2], $0x80, v4, vm0, $0xb8;
	[tilespmem:$0x15400] =	vst v63  }
0x75: {  	_ = 	snop  }
0x76: {  	[tilespmem:s31], [sflag:$0x5] =	stream.indirect_vreg.gather [hbm4b:s5+s2], $0x80, v3, vm0, $0xb8;
	[tilespmem:$0x15400] =	vst v63  }
0x77: {  	v3 =	vld [tilespmem:$0x1438];
	_ =	sdelay $0x4  }
0x78: {  	v62 =	vshll.u32 v3, $0x1  }
0x79: {  	v3 =	vand.u32 $0x7, v3;
	v4 =	vand.u32 $0xFFFFFFF0, v62  }
0x7a: {  	v3 =	vor.u32 v3, v4  }
0x7b: {  	v4 =	vperm.xlane v3, v0;
	_ =	sdelay $0x1  }
0x7c: {  	v3 =	vperm.xlane v3, v2;
	v4 =	vadd.s32 v1, v4;
	_ =	sdelay $0x1  }
0x7d: {  	v3 =	vadd.s32 v1, v3;
	_ =	sdelay $0x2  }
0x7e: {  	[tilespmem:s1], [sflag:$0x5] =	stream.indirect_vreg.gather [hbm4b:s5+s2], $0x80, v4, vm0, $0xb8;
	[tilespmem:$0x15400] =	vst v63  }
0x7f: {  	_ = 	snop  }
0x80: {  	[tilespmem:s0], [sflag:$0x5] =	stream.indirect_vreg.gather [hbm4b:s5+s2], $0x80, v3, vm0, $0xb8;
	[tilespmem:$0x15400] =	vst v63  }
0x81: {  	v3 =	vld.msk [tilespmem:$0x1448], $0xff;
	_ =	sdelay $0x4  }
0x82: {  	v63 =	vshll.u32 v3, $0x1  }
0x83: {  	v3 =	vand.u32 $0x7, v3;
	v4 =	vand.u32 $0xFFFFFFF0, v63  }
0x84: {  	v3 =	vor.u32 v3, v4  }
0x85: {  	v3 =	vperm.xlane v3, v0;
	_ =	sdelay $0x1  }
0x86: {  	v3 =	vadd.s32 v1, v3;
	_ =	sdelay $0x3  }
0x87: {  	s16 =	simm.s32 $0x11800;
	s17 =	simm.s32 $0x0  }
0x88: {  	[tilespmem:s13], [sflag:$0x5] =	stream.indirect_vreg.gather [hbm4b:s5+s2], $0x80, v3, vm0, $0xb8;
	[tilespmem:$0x15400] =	vst v63  }
.LBB2_2:
0x89: {  	s18 =	smul.u32 $0xAB, s17;
	_ =	sdelay $0x1  }
0x8a: {  	s19 =	sadd.s32 $0x156, s18  }
0x8b: {  	s19 =	sshrl.u32 s19, $0x9  }
0x8c: {  	s19 =	sand.u32 $0x7F, s19  }
0x8d: {  	s19 =	smul.u32 $0x3, s19  }
0x8e: {  	s20 =	sadd.s32 $0x2, s17  }
0x8f: {  	s19 =	ssub.s32 s20, s19  }
0x90: {  	p0 =	seq.s32 s17, $0x0;
	s19 =	sand.u32 $0xFF, s19  }
0x91: {  	s21 =	sadd.s32 @!p0 $0x7, s19  }
0x92: {  	_ =	swait.ge @!p0 [sflag:s21], $0x1400  }
0x93: {  	[sflag:s21] =	ssyncset.done @!p0 $0x0  }
0x94: {  	p1 =	sgt.u32 @!p0 s17, $0x7A;
	[sflag:s21] =	ssyncadd.s32 @!p0 $0xFFFFEC00  }
0x95: {  	p1 =	por p0, !p1;
	_ =	swait.ge @!p0 [sflag:s21], $0x1400  }
.Ltmp0:
0x96: {  	[sflag:s21] =	ssyncset.done @!p0 $0x0;
	(pc) =	sbr.rel @!p1 .LBB2_4-.Ltmp0, $4  }
0x97: {  	[sflag:s21] =	ssyncadd.s32 @!p0 $0xFFFFEC00  }
0x98: {  	_ =	swait.ge @!p0 [sflag:s21], $0x1400  }
0x99: {  	[sflag:s21] =	ssyncset.done @!p0 $0x0  }
0x9a: {  	[sflag:s21] =	ssyncadd.s32 @!p0 $0xFFFFEC00  }
0x9b: {  	s20 =	smul.u32 $0x28, s20;
	_ =	sdelay $0x1  }
0x9c: {  	v3 =	vld [tilespmem:s20+$0x0];
	_ =	sdelay $0x4  }
0x9d: {  	v4 =	vshll.u32 v3, $0x1  }
0x9e: {  	v3 =	vand.u32 $0x7, v3;
	v4 =	vand.u32 $0xFFFFFFF0, v4  }
0x9f: {  	v3 =	vor.u32 v3, v4  }
0xa0: {  	v4 =	vperm.xlane v3, v0;
	_ =	sdelay $0x1  }
0xa1: {  	v3 =	vperm.xlane v3, v2;
	v4 =	vadd.s32 v1, v4;
	_ =	sdelay $0x1  }
0xa2: {  	s21 =	smul.u32 $0x2800, s19;
	v3 =	vadd.s32 v1, v3;
	_ =	sdelay $0x1  }
0xa3: {  	s23 =	sadd.s32 $0x1, s19;
	s22 =	sadd.s32 $0x2800, s21  }
0xa4: {  	[tilespmem:s22], [sflag:s23] =	stream.indirect_vreg.gather [hbm4b:s4+s2], $0x80, v4, vm0, $0xb8;
	[tilespmem:$0x15400] =	vst v63  }
0xa5: {  	s24 =	sadd.s32 $0x3000, s21  }
0xa6: {  	[tilespmem:s24], [sflag:s23] =	stream.indirect_vreg.gather [hbm4b:s4+s2], $0x80, v3, vm0, $0xb8;
	[tilespmem:$0x15400] =	vst v63  }
0xa7: {  	v3 =	vld [tilespmem:s20+$0x10];
	_ =	sdelay $0x4  }
0xa8: {  	v59 =	vshll.u32 v3, $0x1  }
0xa9: {  	v3 =	vand.u32 $0x7, v3;
	v4 =	vand.u32 $0xFFFFFFF0, v59  }
0xaa: {  	v3 =	vor.u32 v3, v4  }
0xab: {  	v4 =	vperm.xlane v3, v0;
	_ =	sdelay $0x1  }
0xac: {  	v3 =	vperm.xlane v3, v2;
	v4 =	vadd.s32 v1, v4;
	_ =	sdelay $0x1  }
0xad: {  	v3 =	vadd.s32 v1, v3;
	_ =	sdelay $0x1  }
0xae: {  	s25 =	sadd.s32 $0x3800, s21  }
0xaf: {  	[tilespmem:s25], [sflag:s23] =	stream.indirect_vreg.gather [hbm4b:s4+s2], $0x80, v4, vm0, $0xb8;
	[tilespmem:$0x15400] =	vst v63  }
0xb0: {  	s24 =	sadd.s32 $0x4000, s21  }
0xb1: {  	[tilespmem:s24], [sflag:s23] =	stream.indirect_vreg.gather [hbm4b:s4+s2], $0x80, v3, vm0, $0xb8;
	[tilespmem:$0x15400] =	vst v63  }
0xb2: {  	v3 =	vld.msk [tilespmem:s20+$0x20], $0xff;
	_ =	sdelay $0x4  }
0xb3: {  	v60 =	vshll.u32 v3, $0x1  }
0xb4: {  	v3 =	vand.u32 $0x7, v3;
	v4 =	vand.u32 $0xFFFFFFF0, v60  }
0xb5: {  	v3 =	vor.u32 v3, v4  }
0xb6: {  	v3 =	vperm.xlane v3, v0;
	_ =	sdelay $0x1  }
0xb7: {  	v3 =	vadd.s32 v1, v3;
	_ =	sdelay $0x3  }
0xb8: {  	s25 =	sadd.s32 $0x4800, s21  }
0xb9: {  	[tilespmem:s25], [sflag:s23] =	stream.indirect_vreg.gather [hbm4b:s4+s2], $0x80, v3, vm0, $0xb8;
	[tilespmem:$0x15400] =	vst v63  }
0xba: {  	v3 =	vld [tilespmem:s20+$0x1400];
	_ =	sdelay $0x4  }
0xbb: {  	v61 =	vshll.u32 v3, $0x1  }
0xbc: {  	v3 =	vand.u32 $0x7, v3;
	v4 =	vand.u32 $0xFFFFFFF0, v61  }
0xbd: {  	v3 =	vor.u32 v3, v4  }
0xbe: {  	v4 =	vperm.xlane v3, v0;
	_ =	sdelay $0x1  }
0xbf: {  	v3 =	vperm.xlane v3, v2;
	v4 =	vadd.s32 v1, v4;
	_ =	sdelay $0x1  }
0xc0: {  	v3 =	vadd.s32 v1, v3;
	_ =	sdelay $0x1  }
0xc1: {  	s19 =	sadd.s32 $0x4, s19;
	s24 =	sadd.s32 $0xA000, s21  }
0xc2: {  	[tilespmem:s24], [sflag:s19] =	stream.indirect_vreg.gather [hbm4b:s5+s2], $0x80, v4, vm0, $0xb8;
	[tilespmem:$0x15400] =	vst v63  }
0xc3: {  	s25 =	sadd.s32 $0xA800, s21  }
0xc4: {  	[tilespmem:s25], [sflag:s19] =	stream.indirect_vreg.gather [hbm4b:s5+s2], $0x80, v3, vm0, $0xb8;
	[tilespmem:$0x15400] =	vst v63  }
0xc5: {  	v3 =	vld [tilespmem:s20+$0x1410];
	_ =	sdelay $0x4  }
0xc6: {  	v62 =	vshll.u32 v3, $0x1  }
0xc7: {  	v3 =	vand.u32 $0x7, v3;
	v4 =	vand.u32 $0xFFFFFFF0, v62  }
0xc8: {  	v3 =	vor.u32 v3, v4  }
0xc9: {  	v4 =	vperm.xlane v3, v0;
	_ =	sdelay $0x1  }
0xca: {  	v3 =	vperm.xlane v3, v2;
	v4 =	vadd.s32 v1, v4;
	_ =	sdelay $0x1  }
0xcb: {  	v3 =	vadd.s32 v1, v3;
	_ =	sdelay $0x1  }
0xcc: {  	s23 =	sadd.s32 $0xB000, s21  }
0xcd: {  	[tilespmem:s23], [sflag:s19] =	stream.indirect_vreg.gather [hbm4b:s5+s2], $0x80, v4, vm0, $0xb8;
	[tilespmem:$0x15400] =	vst v63  }
0xce: {  	s24 =	sadd.s32 $0xB800, s21  }
0xcf: {  	[tilespmem:s24], [sflag:s19] =	stream.indirect_vreg.gather [hbm4b:s5+s2], $0x80, v3, vm0, $0xb8;
	[tilespmem:$0x15400] =	vst v63  }
0xd0: {  	v3 =	vld.msk [tilespmem:s20+$0x1420], $0xff;
	_ =	sdelay $0x4  }
0xd1: {  	v63 =	vshll.u32 v3, $0x1  }
0xd2: {  	v3 =	vand.u32 $0x7, v3;
	v4 =	vand.u32 $0xFFFFFFF0, v63  }
0xd3: {  	v3 =	vor.u32 v3, v4  }
0xd4: {  	v3 =	vperm.xlane v3, v0;
	_ =	sdelay $0x1  }
0xd5: {  	v3 =	vadd.s32 v1, v3;
	_ =	sdelay $0x3  }
0xd6: {  	s25 =	sadd.s32 $0xC000, s21  }
0xd7: {  	[tilespmem:s25], [sflag:s19] =	stream.indirect_vreg.gather [hbm4b:s5+s2], $0x80, v3, vm0, $0xb8;
	[tilespmem:$0x15400] =	vst v63  }
.LBB2_4:
0xd8: {  	s18 =	sshrl.u32 s18, $0x9  }
0xd9: {  	s18 =	sand.u32 $0x7F, s18  }
0xda: {  	s18 =	smul.u32 $0x3, s18;
	_ =	sdelay $0x1  }
0xdb: {  	s18 =	ssub.s32 s17, s18  }
0xdc: {  	s20 =	sand.u32 $0xFF, s18  }
0xdd: {  	s18 =	sadd.s32 $0x1, s20  }
0xde: {  	_ =	swait.ge [sflag:s18], $0x2800  }
0xdf: {  	s21 =	simm.s32 $0x0;
	[sflag:s18] =	ssyncset.done $0x0  }
0xe0: {  	s19 =	sadd.s32 $0x4, s20;
	[sflag:s18] =	ssyncadd.s32 $0xFFFFD800;
	s18 =	smul.u32 $0x2800, s20  }
0xe1: {  	s23 =	sand.u32 $0x3800, s21;
	_ =	swait.ge [sflag:s19], $0x2800  }
0xe2: {  	s21 =	sand.u32 $0x380, s21;
	[sflag:s19] =	ssyncset.done $0x0;
	s23 =	sadd.s32 s18, s23  }
0xe3: {  	[sflag:s19] =	ssyncadd.s32 $0xFFFFD800;
	s25 =	sor.u32 s21, s23  }
0xe4: {  	s22 =	smulhi.u32 $0xAAAAAAAB, s17;
	v3 =	vld [tilespmem:s25+$0xA400]  }
0xe5: {  	v4 =	vld [tilespmem:s25+$0x2C00]  }
0xe6: {  	s22 =	sshrl.u32 s22, $0x1  }
0xe7: {  	s21 =	smul.u32 $0xFFFF1000, s22  }
0xe8: {  	s24 =	simm.s32 $0x100;
	s23 =	smul.u32 $0x5000, s20  }
0xe9: {  	s22 =	simm.s32 $0x80;
	s25 =	sand.u32 $0x3800, s24;
	s21 =	sshra.s32 s21, $0x2  }
0xea: {  	s19 =	sshrl.u32 s23, $0x2;
	s24 =	sadd.s32 s18, s25;
	s25 =	sand.u32 $0x380, s22;
	v3 =	vadd.f32 v3, v4  }
0xeb: {  	s23 =	simm.s32 $0x200;
	s21 =	sadd.s32 s21, s16;
	s19 =	sadd.s32 $0x11800, s19  }
.LBB2_5:
0xec: {  	p0 =	sne.s32 s23, $0x2700;
	s24 =	sor.u32 s25, s24;
	[tilespmem:s21+$0x0] =	vst v3  }
0xed: {  	v3 =	vld [tilespmem:s24+$0xA400]  }
0xee: {  	v4 =	vld [tilespmem:s24+$0x2C00];
	_ =	sdelay $0x1  }
.Ltmp1:
0xef: {  	(pc) =	sbr.rel @p0 .LBB2_5-.Ltmp1, $3  }
0xf0: {  	_ =	sdelay $0x1  }
0xf1: {  	s22 =	sadd.s32 $0x80, s22;
	s21 =	sadd.s32 $0x80, s21;
	s24 =	sand.u32 $0x3800, s23;
	v3 =	vadd.f32 v3, v4  }
0xf2: {  	s25 =	sand.u32 $0x380, s22;
	s23 =	sadd.s32 $0x100, s23;
	s24 =	sadd.s32 s18, s24  }
0xf3: {  	s22 =	sor.u32 s25, s24;
	[tilespmem:s21+$0x0] =	vst v3  }
0xf4: {  	v3 =	vld [tilespmem:s22+$0xA400]  }
0xf5: {  	v4 =	vld [tilespmem:s22+$0x2C00];
	_ =	sdelay $0x2  }
0xf6: {  	s23 =	smul.u32 $0x28, s17;
	_ =	sdelay $0x1  }
0xf7: {  	s22 =	sadd.s32 s3, s23;
	v3 =	vadd.f32 v3, v4  }
0xf8: {  	s24 =	sadd.s32 $0x80, s21;
	s22 =	sshll.u32 s22, $0x4  }
0xf9: {  	s20 =	sadd.s32 $0x7, s20;
	s25 =	sadd.s32 $0x2800, s18;
	s23 =	sadd.s32 s6, s22;
	[tilespmem:s24+$0x0] =	vst v3  }
0xfa: {  	[hbm4b:s23+s2] =	stream.linear.scatter [tilespmem:s25], [sflag:s20], $0x400, $0x38;
	[tilespmem:$0x15400] =	vst v63  }
0xfb: {  	s24 =	sadd.s32 $0x3000, s18;
	s25 =	sadd.s32 $0x80, s23  }
0xfc: {  	[hbm4b:s25+s2] =	stream.linear.scatter [tilespmem:s24], [sflag:s20], $0x400, $0x38;
	[tilespmem:$0x15400] =	vst v63  }
0xfd: {  	s24 =	sadd.s32 $0x3800, s18;
	s25 =	sadd.s32 $0x100, s23  }
0xfe: {  	[hbm4b:s25+s2] =	stream.linear.scatter [tilespmem:s24], [sflag:s20], $0x400, $0x38;
	[tilespmem:$0x15400] =	vst v63  }
0xff: {  	s24 =	sadd.s32 $0x4000, s18;
	s25 =	sadd.s32 $0x180, s23  }
0x100: {  	[hbm4b:s25+s2] =	stream.linear.scatter [tilespmem:s24], [sflag:s20], $0x400, $0x38;
	[tilespmem:$0x15400] =	vst v63  }
0x101: {  	s23 =	sadd.s32 $0x200, s23;
	s24 =	sadd.s32 $0x4800, s18  }
0x102: {  	[hbm4b:s23+s2] =	stream.linear.scatter [tilespmem:s24], [sflag:s20], $0x400, $0x38;
	[tilespmem:$0x15400] =	vst v63  }
0x103: {  	s25 =	sadd.s32 $0xA000, s18;
	s23 =	sadd.s32 s7, s22  }
0x104: {  	[hbm4b:s23+s2] =	stream.linear.scatter [tilespmem:s25], [sflag:s20], $0x400, $0x38;
	[tilespmem:$0x15400] =	vst v63  }
0x105: {  	s24 =	sadd.s32 $0xA800, s18;
	s25 =	sadd.s32 $0x80, s23  }
0x106: {  	[hbm4b:s25+s2] =	stream.linear.scatter [tilespmem:s24], [sflag:s20], $0x400, $0x38;
	[tilespmem:$0x15400] =	vst v63  }
0x107: {  	s17 =	sadd.s32 $0x1, s17;
	s24 =	sadd.s32 $0xB000, s18;
	s25 =	sadd.s32 $0x100, s23  }
0x108: {  	[hbm4b:s25+s2] =	stream.linear.scatter [tilespmem:s24], [sflag:s20], $0x400, $0x38;
	[tilespmem:$0x15400] =	vst v63  }
0x109: {  	p0 =	sne.s32 s17, $0x7D;
	s24 =	sadd.s32 $0xB800, s18;
	s25 =	sadd.s32 $0x180, s23  }
0x10a: {  	[hbm4b:s25+s2] =	stream.linear.scatter [tilespmem:s24], [sflag:s20], $0x400, $0x38;
	[tilespmem:$0x15400] =	vst v63  }
.Ltmp2:
0x10b: {  	_ = 	snop;
	(pc) =	sbr.rel @p0 .LBB2_2-.Ltmp2, $4  }
0x10c: {  	s21 =	sadd.s32 $0xC000, s18;
	s24 =	sadd.s32 $0x200, s23  }
0x10d: {  	[hbm4b:s24+s2] =	stream.linear.scatter [tilespmem:s21], [sflag:s20], $0x400, $0x38;
	[tilespmem:$0x15400] =	vst v63  }
0x10e: {  	s16 =	sadd.s32 $0x1400, s16;
	s25 =	sadd.s32 s8, s22  }
0x10f: {  	[hbm4b:s25+s2] =	stream.linear.scatter [tilespmem:s19], [sflag:s20], $0x1400, $0x38;
	[tilespmem:$0x15400] =	vst v63  }
0x110: {  	_ =	swait.ge [sflag:s14], $0x1400  }
0x111: {  	[sflag:s14] =	ssyncset.done $0x0  }
0x112: {  	s15 =	sadd.s32 $0x1, s15;
	[sflag:s14] =	ssyncadd.s32 $0xFFFFEC00  }
0x113: {  	p0 =	sne.s32 s15, s11;
	_ =	swait.ge [sflag:s14], $0x1400  }
.Ltmp3:
0x114: {  	[sflag:s14] =	ssyncset.done $0x0;
	(pc) =	sbr.rel @p0 .LBB2_1-.Ltmp3, $4  }
0x115: {  	[sflag:s14] =	ssyncadd.s32 $0xFFFFEC00  }
0x116: {  	_ =	swait.ge [sflag:s14], $0x1400  }
0x117: {  	[sflag:s14] =	ssyncset.done $0x0  }
0x118: {  	[sflag:s14] =	ssyncadd.s32 $0xFFFFEC00  }
0x119: {  	_ =	sfence.sel $0x180000  }
0x11a: {  	[bflag:$0x0] =	sbarrier.arrive $0xFFFF  }
0x11b: {  	_ =	strace $0x90000047  }
0x11c: {  	s0 =	stileid.u32;
	[bflag:$0x2] =	sbarrier.arrive $0xFFFF  }
0x11d: {  	p0 =	sne.s32 s0, $0x0;
	s0 =	rddreg [dreg:$0x2]  }
0x11e: {  	s0 =	sadd.s32 @!p0 $0x100000, s0  }
0x11f: {  	[sflag:s0] =	ssyncadd.tile.s32 @!p0 $0x1;
	_ =	shalt  }
.Lfunc_end2:
_tile_overlayer_lowered:
.L_overlay_start_2:
0x120: {  	(tag) =	ssettag $0x2  }
0x121: {  	s0 =	rddreg [dreg:$0x0];
	s2 =	stileid.u32  }
0x122: {  	s1 =	rddreg [dreg:$0x1];
	p0 =	sne.s32 s2, $0x0  }
0x123: {  	s3 =	rddreg [dreg:$0x2];
	[bflag:$0x3] =	sbarrier.arrive $0xFFFF;
	s2 =	simm.s32 @!p0 $0x1C0A  }
0x124: {  	[timem:s3], [sflag:s2] =	dma.local @!p0 [hbm:s0], s1  }
0x125: {  	s0 =	simm.s32 @!p0 $0xA  }
0x126: {  	_ =	swait.ge @!p0 [sflag:s0], s1  }
0x127: {  	s1 =	ssub.s32 @!p0 $0x0, s1;
	[sflag:s0] =	ssyncset.done @!p0 $0x0  }
0x128: {  	[sflag:s0] =	ssyncadd.s32 @!p0 s1  }
0x129: {  	[bflag:$0x3] =	sbarrier.arrive $0xFFFF  }
0x12a: {  	_ =	shalt  }

// kernel: kernel.13.cloned.1.call-start
scs
__scs_entry_jumppad:
0x0: {  	(pc) =	sbr.rel $0x88, $3  }
0x1: {  	(tag) =	ssettag $0x0;
	lr =	simm.s32 $0x1  }
0x2: {  	[smem:$0x3F8D] =	sst lr;
	_ =	strace $0xD0000000  }
0x3: {  	_ = 	snop  }
0x4: {  	_ = 	snop  }
0x5: {  	_ = 	snop  }
0x6: {  	_ = 	snop  }
0x7: {  	_ = 	snop  }
__scs_overlays_trampoline_lowered:
0x8: {  	[smem:$0x3F9C] =	sst s0  }
0x9: {  	[smem:$0x3F9D] =	sst s1  }
0xa: {  	[smem:$0x3F9E] =	sst s2  }
0xb: {  	[smem:$0x3F9F] =	sst s3  }
0xc: {  	[smem:$0x3FA0] =	sst s4  }
0xd: {  	[smem:$0x3FA1] =	sst s5  }
0xe: {  	[smem:$0x3FA2] =	sst s6  }
0xf: {  	[smem:$0x3FA3] =	sst s7  }
0x10: {  	[smem:$0x3FA4] =	sst s8  }
0x11: {  	[smem:$0x3FA5] =	sst s9;
	s0 =	simm.s32 @!p0 $0x0  }
0x12: {  	s1 =	sld [smem:$0x3F8B];
	s0 =	simm.s32 @p0 $0x1  }
0x13: {  	[smem:$0x3FA6] =	sst s0;
	s0 =	simm.s32 @!p1 $0x0  }
0x14: {  	s2 =	sld [smem:$0x3F8A];
	s0 =	simm.s32 @p1 $0x1  }
0x15: {  	[smem:$0x3FA7] =	sst s0;
	s0 =	simm.s32 @!p2 $0x0  }
0x16: {  	s3 =	sld [smem:$0x3FDB];
	s0 =	simm.s32 @p2 $0x1  }
0x17: {  	s4 =	simm.s32 $0x1BF5;
	[smem:$0x3FA9] =	sst s0  }
0x18: {  	s0 =	sld [smem:$0x3F8C];
	_ =	swait.ge [sflag:s4], $0x0  }
0x19: {  	s7 =	sld [smem:$0x3F8D]  }
0x1a: {  	s8 =	sadd.s32 $0xFFFFE003, lr  }
0x1b: {  	s9 =	sadd.s32 $0xFFFFFEF7, lr;
	s5 =	simm.s32 $0xFFFFFFFF;
	p2 =	slt.u32 s8, $0xFFFFF086  }
0x1c: {  	p1 =	slt.u32 s9, $0xF7A;
	s5 =	simm.s32 @!p2 $0x0  }
0x1d: {  	s5 =	simm.s32 @p1 $0x1;
	p0 =	seq.s32 s7, s2  }
0x1e: {  	s7 =	smul.u32 @!p0 $0xF7A, s2;
	p2 =	seq.s32 @!p0 s5, $0x0  }
0x1f: {  	s9 =	smul.u32 $0xF7A, s1;
	s8 =	simm.s32 @!p0 $0x1BF5;
	p2 =	por !p2, p0  }
0x20: {  	[sflag:s8] =	ssyncset.s32 @!p0 $0xFFFFF086;
	s6 =	sadd.s32 @!p0 s3, s7;
	s7 =	simm.s32 @!p0 $0x108  }
0x21: {  	s3 =	sadd.s32 s3, s9;
	s6 =	sadd.s32 @!p0 $0x88, s6;
	s7 =	simm.s32 @p2 $0x1082  }
0x22: {  	[simem:s7], [sflag:s8] =	dma.local @!p0 [hbm:s6], $0xF7A  }
0x23: {  	s9 =	sor.u32 $0xD0000000, s2;
	s6 =	simm.s32 $0x108;
	_ =	swait.ge @!p0 [sflag:s8], $0x0  }
0x24: {  	s3 =	sadd.s32 $0x88, s3;
	s6 =	simm.s32 @!p1 $0x1082;
	[sflag:s4] =	ssyncset.s32 $0xFFFFF086  }
0x25: {  	[simem:s6], [sflag:s4] =	dma.local [hbm:s3], $0xF7A  }
0x26: {  	[smem:$0x3F8D] =	sst s1;
	(tag) =	ssettag s2;
	_ =	strace s9  }
0x27: {  	s1 =	sld [smem:$0x3F9D]  }
0x28: {  	s2 =	sld [smem:$0x3F9E]  }
0x29: {  	s4 =	sld [smem:$0x3FA0]  }
0x2a: {  	p0 =	seq.s32 s5, $0x0;
	s5 =	sld [smem:$0x3FA1]  }
0x2b: {  	s6 =	sld [smem:$0x3FA2]  }
0x2c: {  	s7 =	sld [smem:$0x3FA3]  }
0x2d: {  	s3 =	simm.s32 $0x108;
	s8 =	sld [smem:$0x3FA4]  }
0x2e: {  	s3 =	simm.s32 @!p0 $0x1082;
	s9 =	sld [smem:$0x3FA5]  }
0x2f: {  	lr =	sadd.s32 s0, s3;
	s0 =	sld [smem:$0x3F9C]  }
0x30: {  	s3 =	sld [smem:$0x3F9F]  }
0x31: {  	[smem:$0x3FA8] =	sst s10  }
0x32: {  	s10 =	sld [smem:$0x3FA6];
	_ =	sdelay $0x3  }
0x33: {  	p0 =	seq.s32 s10, $0x1;
	s10 =	sld [smem:$0x3FA8];
	_ =	sdelay $0x3  }
0x34: {  	[smem:$0x3FA8] =	sst s10  }
0x35: {  	s10 =	sld [smem:$0x3FA7];
	_ =	sdelay $0x3  }
0x36: {  	p1 =	seq.s32 s10, $0x1;
	s10 =	sld [smem:$0x3FA8];
	_ =	sdelay $0x3  }
0x37: {  	[smem:$0x3FA8] =	sst s10  }
0x38: {  	s10 =	sld [smem:$0x3FA9]  }
0x39: {  	_ = 	snop;
	(pc) =	sbr.ind lr, $3  }
0x3a: {  	_ = 	snop  }
0x3b: {  	_ = 	snop  }
0x3c: {  	p2 =	seq.s32 s10, $0x1;
	s10 =	sld [smem:$0x3FA8]  }
0x3d: {  	_ =	shalt  }
0x3e: {  	_ =	shalt  }
0x3f: {  	_ =	shalt  }
0x40: {  	_ =	shalt  }
0x41: {  	_ =	shalt  }
0x42: {  	_ =	shalt  }
0x43: {  	_ =	shalt  }
0x44: {  	_ =	shalt  }
0x45: {  	_ =	shalt  }
0x46: {  	_ =	shalt  }
0x47: {  	_ =	shalt  }
0x48: {  	_ =	shalt  }
0x49: {  	_ =	shalt  }
0x4a: {  	_ =	shalt  }
0x4b: {  	_ =	shalt  }
0x4c: {  	_ =	shalt  }
0x4d: {  	_ =	shalt  }
0x4e: {  	_ =	shalt  }
0x4f: {  	_ =	shalt  }
0x50: {  	_ =	shalt  }
0x51: {  	_ =	shalt  }
0x52: {  	_ =	shalt  }
0x53: {  	_ =	shalt  }
0x54: {  	_ =	shalt  }
0x55: {  	_ =	shalt  }
0x56: {  	_ =	shalt  }
0x57: {  	_ =	shalt  }
0x58: {  	_ =	shalt  }
0x59: {  	_ =	shalt  }
0x5a: {  	_ =	shalt  }
0x5b: {  	_ =	shalt  }
0x5c: {  	_ =	shalt  }
0x5d: {  	_ =	shalt  }
0x5e: {  	_ =	shalt  }
0x5f: {  	_ =	shalt  }
0x60: {  	_ =	shalt  }
0x61: {  	_ =	shalt  }
0x62: {  	_ =	shalt  }
0x63: {  	_ =	shalt  }
0x64: {  	_ =	shalt  }
0x65: {  	_ =	shalt  }
0x66: {  	_ =	shalt  }
0x67: {  	_ =	shalt  }
0x68: {  	_ =	shalt  }
0x69: {  	_ =	shalt  }
0x6a: {  	_ =	shalt  }
0x6b: {  	_ =	shalt  }
0x6c: {  	_ =	shalt  }
0x6d: {  	_ =	shalt  }
0x6e: {  	_ =	shalt  }
0x6f: {  	_ =	shalt  }
0x70: {  	_ =	shalt  }
0x71: {  	_ =	shalt  }
0x72: {  	_ =	shalt  }
0x73: {  	_ =	shalt  }
0x74: {  	_ =	shalt  }
0x75: {  	_ =	shalt  }
0x76: {  	_ =	shalt  }
0x77: {  	_ =	shalt  }
0x78: {  	_ =	shalt  }
0x79: {  	_ =	shalt  }
0x7a: {  	_ =	shalt  }
0x7b: {  	_ =	shalt  }
0x7c: {  	_ =	shalt  }
0x7d: {  	_ =	shalt  }
0x7e: {  	_ =	shalt  }
0x7f: {  	_ =	shalt  }
0x80: {  	_ =	shalt  }
0x81: {  	_ =	shalt  }
0x82: {  	_ =	shalt  }
0x83: {  	_ =	shalt  }
0x84: {  	_ =	shalt  }
0x85: {  	_ =	shalt  }
0x86: {  	_ =	shalt  }
0x87: {  	_ =	shalt  }
.Lfunc_end0:
.L_simem_size_0:
called_computation.1_lowered:
.L_overlay_start_0:
0x88: {  	s2 =	sld [smem:$0x3FD9]  }
0x89: {  	s3 =	sld [smem:$0x3FFE];
	_ =	sdelay $0x1  }
0x8a: {  	s1 =	srdreg.scid  }
0x8b: {  	s0 =	sand.u32 $0x1, s1  }
0x8c: {  	s15 =	sshll.u32 s0, $0xA;
	s2 =	sadd.s32 s3, s2  }
0x8d: {  	s2 =	sadd.s32 s2, s15  }
0x8e: {  	[smem:$0x3FB4] =	sst s2  }
0x8f: {  	_ = 	snop  }
0x90: {  	s2 =	sld [smem:$0x3FD0];
	_ =	sdelay $0x2  }
0x91: {  	s16 =	simm.s32 $0xB;
	s4 =	simm.s32 $0x10  }
0x92: {  	[smem:s4], [sflag:s16] =	dma.local [hbm:s2], $0x1  }
0x93: {  	_ =	swait.eq [sflag:s16], $0x1  }
0x94: {  	[sflag:s16] =	ssyncset.done $0x0  }
0x95: {  	[sflag:s16] =	ssyncadd.s32 $0xFFFFFFFF  }
0x96: {  	s17 =	sld [smem:$0x11];
	(tm) =	ssettm $0x1  }
0x97: {  	s18 =	sld [smem:$0x3FFB];
	_ =	sdelay $0x3  }
0x98: {  	_ =	strace s18  }
0x99: {  	s2 =	sld [smem:$0x3FFC];
	_ =	sdelay $0x3  }
0x9a: {  	_ =	strace s2  }
0x9b: {  	s2 =	sld [smem:$0x3FFD];
	_ =	sdelay $0x3  }
0x9c: {  	_ =	strace s2  }
0x9d: {  	_ =	strace $0x8FFFFFFF  }
0x9e: {  	s19 =	sld [smem:$0x3FDB];
	_ =	sdelay $0x1  }
0x9f: {  	s20 =	simm.s32 $_scs_section_size  }
0xa0: {  	s5 =	simm.s32 $_size__tile_overlayer_lowered;
	s6 =	simm.s32 $_tile_overlayer_lowered  }
0xa1: {  	s7 =	simm.s32 $0x1BFF;
	s21 =	sshll.u32 s6, $0x1;
	s4 =	sadd.s32 s20, s19  }
0xa2: {  	s22 =	simm.s32 $0x0;
	s5 =	sshll.u32 s5, $0x1;
	s6 =	sadd.s32 s21, s4  }
0xa3: {  	[timem:s22], [sflag:s7] =	dma.local [hbm:s6], s5  }
0xa4: {  	_ =	swait.ge [sflag:s7], s5  }
0xa5: {  	s5 =	ssub.s32 $0x0, s5;
	[sflag:s7] =	ssyncset.done $0x0  }
0xa6: {  	[sflag:s7] =	ssyncadd.s32 s5;
	_ =	sdelay $0x1  }
0xa7: {  	s23 =	simm.s32 $0x1B8B  }
0xa8: {  	_ =	swait.ge [sflag:s23], $0x1  }
0xa9: {  	[sflag:s23] =	ssyncset.done $0x0  }
0xaa: {  	[sflag:s23] =	ssyncadd.s32 $0xFFFFFFFF  }
0xab: {  	s5 =	sld [smem:$0x0]  }
0xac: {  	s6 =	sand.u32 $0xFFFFFFFE, s1  }
0xad: {  	p0 =	sne.s32 s1, s6  }
0xae: {  	s6 =	sshll.u32 @p0 s6, $0xE  }
0xaf: {  	s6 =	sadd.s32 @p0 $0x11B8D, s6;
	s7 =	sshll.u32 @p0 s5, $0x11  }
0xb0: {  	s6 =	sor.u32 @p0 s7, s6  }
0xb1: {  	[sflag:s6] =	ssyncadd.remote.s32 @p0 $0x1;
	_ =	sdelay $0x1  }
0xb2: {  	s6 =	simm.s32 @p0 $0x1B8D  }
0xb3: {  	_ =	swait.eq @p0 [sflag:s6], $0x1  }
0xb4: {  	[sflag:s6] =	ssyncadd.s32 @p0 $0xFFFFFFFF  }
0xb5: {  	s7 =	sshll.u32 @!p0 s1, $0xE  }
0xb6: {  	s7 =	sor.u32 @!p0 $0x4000, s7;
	s6 =	simm.s32 @!p0 $0x1B8D  }
0xb7: {  	s5 =	sshll.u32 @!p0 s5, $0x11;
	s7 =	sadd.s32 @!p0 $0x11B8D, s7;
	_ =	swait.eq @!p0 [sflag:s6], $0x1  }
0xb8: {  	s5 =	sor.u32 @!p0 s5, s7;
	[sflag:s6] =	ssyncadd.s32 @!p0 $0xFFFFFFFF  }
0xb9: {  	s25 =	simm.s32 $0x1B8E;
	s24 =	sld [smem:$0x3FFE];
	[sflag:s5] =	ssyncadd.remote.s32 @!p0 $0x1  }
0xba: {  	s26 =	simm.s32 $execute0_lowered;
	[smem:$0x3FD2] =	sst s25  }
0xbb: {  	s6 =	sshll.u32 s26, $0x1;
	_ =	strace $0x8000004C;
	[dreg:$0x1] =	wrdreg $0xFFFFFFFF  }
0xbc: {  	s28 =	simm.s32 $_size_execute0_lowered;
	s4 =	sadd.s32 s4, s6;
	[dreg:$0x0] =	wrdreg $0x0  }
0xbd: {  	s6 =	sshll.u32 s28, $0x1;
	[dreg:$0x2] =	wrdreg s4  }
0xbe: {  	[dreg:$0x3] =	wrdreg s6  }
0xbf: {  	[dreg:$0x4] =	wrdreg $0xC0  }
0xc0: {  	_ =	task [dreg:s22], $0x5FFFF  }
0xc1: {  	[dreg:$0x1] =	wrdreg $0xFFFFFFFF  }
0xc2: {  	[dreg:$0x0] =	wrdreg $0x60  }
0xc3: {  	[dreg:$0x2] =	wrdreg s24  }
0xc4: {  	[dreg:$0x3] =	wrdreg s17  }
0xc5: {  	[dreg:$0x4] =	wrdreg $0x8E800  }
0xc6: {  	[dreg:$0x5] =	wrdreg $0x9  }
0xc7: {  	_ =	task.clear_ibuf [dreg:s22], $0x6FFFF;
	_ =	strace $0x9000004C  }
0xc8: {  	s29 =	simm.s32 $0x9;
	_ =	strace $0x8000004E  }
0xc9: {  	_ =	swait.ge [sflag:s29], $0x1  }
0xca: {  	[sflag:s29] =	ssyncadd.s32 $0xFFFFFFFF  }
0xcb: {  	_ =	strace $0x9000004E  }
0xcc: {  	_ =	sfence  }
0xcd: {  	s30 =	sld [smem:$0x0];
	_ =	sdelay $0x2  }
0xce: {  	s31 =	sshll.u32 s1, $0xD;
	s1 =	sshrl.u32 s1, $0x2  }
0xcf: {  	s4 =	sand.u32 $0x4000, s31;
	s1 =	sadd.s32 s1, s30  }
0xd0: {  	s0 =	sor.u32 s4, s0;
	s1 =	sshll.u32 s1, $0x11  }
0xd1: {  	s0 =	sor.u32 s1, s0  }
0xd2: {  	s0 =	sadd.s32 $0x8F2B, s0  }
0xd3: {  	[sflag:s0] =	ssyncadd.remote.s32 $0x1  }
0xd4: {  	_ =	sfence.sel $0xFFFF  }
0xd5: {  	[dreg:$0x0] =	wrdreg $0xFFFFFFFF;
	(pc) =	sbr.abs _section_cstart, $3  }
0xd6: {  	[dreg:$0x1] =	wrdreg $0xFFFFFFFF  }
0xd7: {  	_ =	task.clear_ibuf [dreg:s22], $0x2FFFF;
	_ =	strace $0x9FFFFFFF  }
0xd8: {  	(tm) =	ssettm $0x7FFFFFFF  }
0xd9: {  	_ =	shalt  }
tec
execute0_lowered:
.L_overlay_start_1:
0x0: {  	(tag) =	ssettag $0x1  }
0x1: {  	s0 =	rddreg [dreg:$0x0]  }
0x2: {  	s1 =	rddreg [dreg:$0x1];
	s10 =	stileid.u32  }
0x3: {  	s2 =	rddreg [dreg:$0x2];
	s3 =	simm.s32 $0x0;
	s4 =	smul.u32 $0x27100, s10  }
0x4: {  	s6 =	srdreg.scid;
	s17 =	simm.s32 $0x3;
	s5 =	smul.u32 $0x7D0, s10  }
0x5: {  	s22 =	simm.s32 $0x50;
	s23 =	simm.s32 $0x1;
	s8 =	smul.u32 $0x4E000, s10  }
0x6: {  	[smem:$0x7FF] =	sst s3;
	s21 =	sand.u32 $0x1, s6;
	s13 =	smul.u32 $0x2700, s10  }
0x7: {  	s9 =	sadd.s32 $0x27000, s1;
	s31 =	sshll.u32 s10, $0x6;
	p0 =	sne.s32 s10, $0xF  }
0x8: {  	p2 =	seq.s32 s10, $0xF;
	_ =	strace $0x8000004D;
	s6 =	ssub.s32 $0x2, s21  }
0x9: {  	s18 =	sor.u32 $0x1C03, s31;
	p1 =	sne.s32 s21, $0x0;
	s21 =	simm.s32 $0x3E80  }
0xa: {  	s16 =	sadd.s32 s4, s0;
	s7 =	sadd.s32 s5, s0;
	s4 =	sadd.s32 $0xF7200, s0  }
0xb: {  	s5 =	sadd.s32 $0x11E400, s0;
	s24 =	sshrl.u32 s6, $0x1;
	s25 =	sshrl.u32 s8, $0x2  }
0xc: {  	s8 =	sadd.s32 $0x138000, s2;
	s0 =	ssub.s32 s6, s24;
	s6 =	sadd.s32 $0xFA7200, s7  }
0xd: {  	s19 =	sadd.s32 s25, s2;
	s7 =	sadd.s32 s1, s13;
	s26 =	sadd.s32 $0x1220000, s16  }
.Ltmp0:
0xe: {  	s28 =	sadd.s32 s5, s13;
	s29 =	sadd.s32 $0xFAF000, s16;
	(pc) =	sbr.rel .LBB2_1-.Ltmp0, $4  }
0xf: {  	s30 =	sadd.s32 s4, s13;
	s15 =	sadd.s32 $0x1220500, s16;
	[dreg:$0x4] =	wrdreg s26  }
0x10: {  	s16 =	sadd.s32 $0xFAF500, s16;
	s20 =	sshrl.u32 @!p0 s8, $0x3;
	[dreg:$0x5] =	wrdreg s28  }
0x11: {  	s24 =	simm.s32 $0x3E00;
	s25 =	simm.s32 $0x0;
	[dreg:$0x6] =	wrdreg s29  }
0x12: {  	[dreg:$0x7] =	wrdreg s30;
	s14 =	smax.u32 s0, $0x1;
	s19 =	sshrl.u32 s19, $0x3  }
.LBB2_8:
0x13: {  	s0 =	sadd.s32 $0x27000, s0;
	s1 =	sshrl.u32 s8, $0x3  }
0x14: {  	[hbm:s0], [sflag:s18] =	dma.local [spmem:s1], $0x100  }
0x15: {  	_ =	swait.ge [sflag:s17], $0x100  }
0x16: {  	[sflag:s17] =	ssyncset.done $0x0  }
0x17: {  	[sflag:s17] =	ssyncadd.s32 $0xFFFFFF00  }
.LBB2_9:
0x18: {  	s25 =	sadd.s32 $0x1, s25  }
0x19: {  	p3 =	sne.s32 s25, s14  }
.Ltmp1:
0x1a: {  	_ = 	snop;
	(pc) =	sbr.rel @!p3 .LBB2_10-.Ltmp1, $2  }
0x1b: {  	_ =	sdelay $0x1  }
0x1c: {  	[bflag:$0x0] =	sbarrier.arrive $0xFFFF;
	_ =	sdelay $0x1  }
.LBB2_1:
0x1d: {  	[tilespmem:s3], [sflag:$0x3] =	stream.linear.gather [hbm4b:s6+s3], $0x3E80, $0x38;
	[tilespmem:$0x1C700] =	vst v63  }
0x1e: {  	_ =	swait.ge [sflag:s17], $0x3E80  }
0x1f: {  	[sflag:s17] =	ssyncset.done $0x0  }
0x20: {  	[sflag:s17] =	ssyncadd.s32 $0xFFFFC180  }
0x21: {  	[spmem:s19], [sflag:s18] =	dma.local [hbm:s7], $0x2700  }
0x22: {  	_ =	swait.ge [sflag:s17], $0x2700  }
0x23: {  	[sflag:s17] =	ssyncset.done $0x0  }
0x24: {  	s0 =	simm.s32 @!p0 $0x3;
	[sflag:s17] =	ssyncadd.s32 $0xFFFFD900  }
0x25: {  	[spmem:s20], [sflag:s18] =	dma.local @!p0 [hbm:s9], $0x100  }
.Ltmp2:
0x26: {  	_ =	swait.ge @!p0 [sflag:s0], $0x100;
	(pc) =	sbr.rel @p1 .LBB2_5-.Ltmp2, $4  }
0x27: {  	[sflag:s0] =	ssyncset.done @!p0 $0x0  }
0x28: {  	[sflag:s0] =	ssyncadd.s32 @!p0 $0xFFFFFF00  }
0x29: {  	s0 =	simm.s32 $0x0;
	[bflag:$0x0] =	sbarrier.arrive $0xFFFF  }
0x2a: {  	s1 =	sand.u32 $0x1, s0  }
0x2b: {  	s26 =	sxor.u32 $0x1, s1  }
0x2c: {  	s10 =	rddreg [dreg:$0x6];
	s28 =	smul.u32 $0xA000, s26  }
0x2d: {  	[tilespmem:s21], [sflag:$0x1] =	stream.linear.gather [hbm4b:s10+s0], $0x2800, $0x38;
	[tilespmem:$0x1C700] =	vst v63  }
0x2e: {  	s28 =	sshrl.u32 s28, $0x2  }
0x2f: {  	s12 =	smul.u32 $0xA000, s1;
	s26 =	sadd.s32 $0x1, s26;
	s28 =	sadd.s32 $0x3E80, s28  }
0x30: {  	[tilespmem:s28], [sflag:s26] =	stream.linear.gather [hbm4b:s16+s3], $0x2800, $0x38;
	[tilespmem:$0x1C700] =	vst v63  }
0x31: {  	s13 =	sadd.s32 $0x1, s1;
	s28 =	simm.s32 $0x1  }
0x32: {  	s26 =	sshrl.u32 s12, $0x2;
	_ =	swait.ge [sflag:s13], $0x2800;
	s28 =	sand.u32 $0x1, s28  }
0x33: {  	[sflag:s13] =	ssyncset.done $0x0;
	s30 =	sxor.u32 $0x1, s28;
	s31 =	smul.u32 $0xA000, s28  }
0x34: {  	s26 =	sadd.s32 $0x3E80, s26;
	[sflag:s13] =	ssyncadd.s32 $0xFFFFD800;
	s1 =	smul.u32 $0xA000, s30  }
0x35: {  	[spmem:s2] =	stream.indirect.scatter.add.f32 [tilespmem:s26], [sflag:$0x3], $0x80, s0, s22, $0xb8;
	[tilespmem:$0x1C700] =	vst v63  }
0x36: {  	s29 =	sadd.s32 $0x500, s16;
	s0 =	simm.s32 $0x2;
	s26 =	simm.s32 $0x80  }
.LBB2_3:
0x37: {  	s1 =	sshrl.u32 s1, $0x2;
	s31 =	sshrl.u32 s31, $0x2;
	_ =	swait.ge [sflag:s17], $0x2800  }
0x38: {  	s10 =	smov.u32 s0;
	s11 =	smov.u32 s26;
	s12 =	sadd.s32 $0x1, s0  }
0x39: {  	p3 =	sne.s32 s0, $0x7B;
	s1 =	sadd.s32 $0x3E80, s1;
	[sflag:s17] =	ssyncset.done $0x0  }
0x3a: {  	s0 =	sadd.s32 $0x1, s30;
	s26 =	sadd.s32 $0x80, s26;
	[sflag:s17] =	ssyncadd.s32 $0xFFFFD800  }
0x3b: {  	[tilespmem:s1], [sflag:s0] =	stream.linear.gather [hbm4b:s29+s3], $0x2800, $0x38;
	[tilespmem:$0x1C700] =	vst v63  }
.Ltmp3:
0x3c: {  	s0 =	sadd.s32 $0x1, s28;
	s29 =	sadd.s32 $0x500, s29;
	(pc) =	sbr.rel @p3 .LBB2_3-.Ltmp3, $4  }
0x3d: {  	s28 =	sand.u32 $0x1, s10;
	s10 =	sadd.s32 $0x3E80, s31;
	_ =	swait.ge [sflag:s0], $0x2800  }
0x3e: {  	s30 =	sxor.u32 $0x1, s28;
	s31 =	smul.u32 $0xA000, s28;
	[sflag:s0] =	ssyncset.done $0x0  }
0x3f: {  	s1 =	smul.u32 $0xA000, s30;
	[sflag:s0] =	ssyncadd.s32 $0xFFFFD800;
	s0 =	smov.u32 s12  }
0x40: {  	[spmem:s2] =	stream.indirect.scatter.add.f32 [tilespmem:s10], [sflag:$0x3], $0x80, s11, s22, $0xb8;
	[tilespmem:$0x1C700] =	vst v63  }
0x41: {  	_ =	swait.ge [sflag:s17], $0x2800  }
0x42: {  	s0 =	sshrl.u32 s1, $0x2;
	[sflag:s17] =	ssyncset.done $0x0  }
0x43: {  	s13 =	sadd.s32 $0x1, s30;
	s0 =	sadd.s32 $0x3E80, s0;
	[sflag:s17] =	ssyncadd.s32 $0xFFFFD800  }
0x44: {  	[tilespmem:s0], [sflag:s13] =	stream.linear.gather [hbm4b:s29+s3], $0x2800, $0x38;
	[tilespmem:$0x1C700] =	vst v63  }
0x45: {  	s29 =	sadd.s32 $0x1, s28  }
0x46: {  	_ =	swait.ge [sflag:s29], $0x2800  }
0x47: {  	s30 =	sshrl.u32 s31, $0x2;
	[sflag:s29] =	ssyncset.done $0x0  }
0x48: {  	s1 =	sadd.s32 $0x3E80, s30;
	[sflag:s29] =	ssyncadd.s32 $0xFFFFD800  }
0x49: {  	[spmem:s2] =	stream.indirect.scatter.add.f32 [tilespmem:s1], [sflag:$0x3], $0x80, s26, s22, $0xb8;
	[tilespmem:$0x1C700] =	vst v63  }
0x4a: {  	_ =	swait.ge [sflag:s17], $0x2800  }
0x4b: {  	[sflag:s17] =	ssyncset.done $0x0  }
0x4c: {  	[sflag:s17] =	ssyncadd.s32 $0xFFFFD800  }
0x4d: {  	_ =	swait.ge [sflag:s23], $0x2800  }
0x4e: {  	[sflag:s23] =	ssyncset.done $0x0  }
0x4f: {  	[sflag:s23] =	ssyncadd.s32 $0xFFFFD800  }
0x50: {  	[spmem:s2] =	stream.indirect.scatter.add.f32 [tilespmem:s21], [sflag:$0x3], $0x80, s24, s22, $0xb8;
	[tilespmem:$0x1C700] =	vst v63  }
0x51: {  	_ =	swait.ge [sflag:s17], $0x2800  }
0x52: {  	[sflag:s17] =	ssyncset.done $0x0  }
0x53: {  	[sflag:s17] =	ssyncadd.s32 $0xFFFFD800  }
0x54: {  	[bflag:$0x0] =	sbarrier.arrive $0xFFFF  }
0x55: {  	s31 =	rddreg [dreg:$0x7]  }
0x56: {  	[hbm:s31], [sflag:s18] =	dma.local [spmem:s19], $0x2700  }
.Ltmp4:
0x57: {  	_ = 	snop;
	(pc) =	sbr.rel @p2 .LBB2_8-.Ltmp4, $4  }
.Ltmp5:
0x58: {  	_ = 	snop;
	(pc) =	sbr.rel @!p2 .LBB2_9-.Ltmp5, $4  }
0x59: {  	_ =	swait.ge [sflag:s17], $0x2700  }
0x5a: {  	[sflag:s17] =	ssyncset.done $0x0  }
0x5b: {  	s0 =	smov.u32 s4;
	[sflag:s17] =	ssyncadd.s32 $0xFFFFD900  }
0x5c: {  	_ = 	snop  }
.LBB2_5:
0x5d: {  	s10 =	sxor.u32 $0x1, s1  }
0x5e: {  	s12 =	rddreg [dreg:$0x4];
	s13 =	sadd.s32 $0x1, s1;
	s11 =	smul.u32 $0xA000, s10  }
0x5f: {  	[tilespmem:s21], [sflag:$0x1] =	stream.linear.gather [hbm4b:s12+s0], $0x2800, $0x38;
	[tilespmem:$0x1C700] =	vst v63  }
0x60: {  	s26 =	simm.s32 $0x1;
	s10 =	sadd.s32 $0x1, s10;
	s11 =	sshrl.u32 s11, $0x2  }
0x61: {  	s12 =	smul.u32 $0xA000, s1;
	s28 =	sand.u32 $0x1, s26;
	s11 =	sadd.s32 $0x3E80, s11  }
0x62: {  	[tilespmem:s11], [sflag:s10] =	stream.linear.gather [hbm4b:s15+s3], $0x2800, $0x38;
	[tilespmem:$0x1C700] =	vst v63  }
0x63: {  	s30 =	sxor.u32 $0x1, s28;
	_ =	swait.ge [sflag:s13], $0x2800  }
0x64: {  	s31 =	smul.u32 $0xA000, s28;
	s10 =	sshrl.u32 s12, $0x2;
	[sflag:s13] =	ssyncset.done $0x0  }
0x65: {  	s1 =	smul.u32 $0xA000, s30;
	s10 =	sadd.s32 $0x3E80, s10;
	[sflag:s13] =	ssyncadd.s32 $0xFFFFD800  }
0x66: {  	[spmem:s2] =	stream.indirect.scatter.add.f32 [tilespmem:s10], [sflag:$0x3], $0x80, s0, s22, $0xb8;
	[tilespmem:$0x1C700] =	vst v63  }
0x67: {  	s29 =	sadd.s32 $0x500, s15;
	s26 =	simm.s32 $0x80;
	s0 =	simm.s32 $0x2  }
.LBB2_6:
0x68: {  	s1 =	sshrl.u32 s1, $0x2;
	s10 =	sshrl.u32 s31, $0x2;
	_ =	swait.ge [sflag:s17], $0x2800  }
0x69: {  	s11 =	smov.u32 s0;
	s12 =	smov.u32 s26;
	s13 =	sadd.s32 $0x1, s0  }
0x6a: {  	p3 =	sne.s32 s0, $0x7B;
	s1 =	sadd.s32 $0x3E80, s1;
	[sflag:s17] =	ssyncset.done $0x0  }
0x6b: {  	s0 =	sadd.s32 $0x1, s30;
	s26 =	sadd.s32 $0x80, s26;
	[sflag:s17] =	ssyncadd.s32 $0xFFFFD800  }
0x6c: {  	[tilespmem:s1], [sflag:s0] =	stream.linear.gather [hbm4b:s29+s3], $0x2800, $0x38;
	[tilespmem:$0x1C700] =	vst v63  }
.Ltmp6:
0x6d: {  	s0 =	sadd.s32 $0x1, s28;
	s29 =	sadd.s32 $0x500, s29;
	(pc) =	sbr.rel @p3 .LBB2_6-.Ltmp6, $4  }
0x6e: {  	s10 =	sadd.s32 $0x3E80, s10;
	s28 =	sand.u32 $0x1, s11;
	_ =	swait.ge [sflag:s0], $0x2800  }
0x6f: {  	s30 =	sxor.u32 $0x1, s28;
	s31 =	smul.u32 $0xA000, s28;
	[sflag:s0] =	ssyncset.done $0x0  }
0x70: {  	s1 =	smul.u32 $0xA000, s30;
	[sflag:s0] =	ssyncadd.s32 $0xFFFFD800;
	s0 =	smov.u32 s13  }
0x71: {  	[spmem:s2] =	stream.indirect.scatter.add.f32 [tilespmem:s10], [sflag:$0x3], $0x80, s12, s22, $0xb8;
	[tilespmem:$0x1C700] =	vst v63  }
0x72: {  	_ =	swait.ge [sflag:s17], $0x2800  }
0x73: {  	s0 =	sshrl.u32 s1, $0x2;
	[sflag:s17] =	ssyncset.done $0x0  }
0x74: {  	s13 =	sadd.s32 $0x1, s30;
	s0 =	sadd.s32 $0x3E80, s0;
	[sflag:s17] =	ssyncadd.s32 $0xFFFFD800  }
0x75: {  	[tilespmem:s0], [sflag:s13] =	stream.linear.gather [hbm4b:s29+s3], $0x2800, $0x38;
	[tilespmem:$0x1C700] =	vst v63  }
0x76: {  	s29 =	sadd.s32 $0x1, s28  }
0x77: {  	_ =	swait.ge [sflag:s29], $0x2800  }
0x78: {  	s30 =	sshrl.u32 s31, $0x2;
	[sflag:s29] =	ssyncset.done $0x0  }
0x79: {  	s1 =	sadd.s32 $0x3E80, s30;
	[sflag:s29] =	ssyncadd.s32 $0xFFFFD800  }
0x7a: {  	[spmem:s2] =	stream.indirect.scatter.add.f32 [tilespmem:s1], [sflag:$0x3], $0x80, s26, s22, $0xb8;
	[tilespmem:$0x1C700] =	vst v63  }
0x7b: {  	_ =	swait.ge [sflag:s17], $0x2800  }
0x7c: {  	[sflag:s17] =	ssyncset.done $0x0  }
0x7d: {  	[sflag:s17] =	ssyncadd.s32 $0xFFFFD800  }
0x7e: {  	_ =	swait.ge [sflag:s23], $0x2800  }
0x7f: {  	[sflag:s23] =	ssyncset.done $0x0  }
0x80: {  	[sflag:s23] =	ssyncadd.s32 $0xFFFFD800  }
0x81: {  	[spmem:s2] =	stream.indirect.scatter.add.f32 [tilespmem:s21], [sflag:$0x3], $0x80, s24, s22, $0xb8;
	[tilespmem:$0x1C700] =	vst v63  }
0x82: {  	_ =	swait.ge [sflag:s17], $0x2800  }
0x83: {  	[sflag:s17] =	ssyncset.done $0x0  }
0x84: {  	[sflag:s17] =	ssyncadd.s32 $0xFFFFD800  }
0x85: {  	[bflag:$0x0] =	sbarrier.arrive $0xFFFF  }
0x86: {  	s31 =	rddreg [dreg:$0x5]  }
0x87: {  	[hbm:s31], [sflag:s18] =	dma.local [spmem:s19], $0x2700  }
.Ltmp7:
0x88: {  	_ = 	snop;
	(pc) =	sbr.rel @p0 .LBB2_9-.Ltmp7, $4  }
.Ltmp8:
0x89: {  	_ = 	snop;
	(pc) =	sbr.rel @!p0 .LBB2_8-.Ltmp8, $4  }
0x8a: {  	_ =	swait.ge [sflag:s17], $0x2700  }
0x8b: {  	[sflag:s17] =	ssyncset.done $0x0  }
0x8c: {  	s0 =	smov.u32 s5;
	[sflag:s17] =	ssyncadd.s32 $0xFFFFD900  }
0x8d: {  	_ = 	snop  }
.LBB2_10:
0x8e: {  	_ =	sfence.sel $0x180000  }
0x8f: {  	[bflag:$0x0] =	sbarrier.arrive $0xFFFF  }
0x90: {  	_ =	strace $0x9000004D  }
0x91: {  	s0 =	stileid.u32;
	[bflag:$0x2] =	sbarrier.arrive $0xFFFF  }
0x92: {  	p0 =	sne.s32 s0, $0x0;
	s0 =	rddreg [dreg:$0x3]  }
0x93: {  	s0 =	sadd.s32 @!p0 $0x100000, s0  }
0x94: {  	[sflag:s0] =	ssyncadd.tile.s32 @!p0 $0x1;
	_ =	shalt  }
.Lfunc_end2:
_tile_overlayer_lowered:
.L_overlay_start_2:
0x95: {  	(tag) =	ssettag $0x2  }
0x96: {  	s0 =	rddreg [dreg:$0x0];
	s2 =	stileid.u32  }
0x97: {  	s1 =	rddreg [dreg:$0x1];
	p0 =	sne.s32 s2, $0x0  }
0x98: {  	s3 =	rddreg [dreg:$0x2];
	[bflag:$0x3] =	sbarrier.arrive $0xFFFF;
	s2 =	simm.s32 @!p0 $0x1C03  }
0x99: {  	[timem:s3], [sflag:s2] =	dma.local @!p0 [hbm:s0], s1  }
0x9a: {  	s0 =	simm.s32 @!p0 $0x3  }
0x9b: {  	_ =	swait.ge @!p0 [sflag:s0], s1  }
0x9c: {  	s1 =	ssub.s32 @!p0 $0x0, s1;
	[sflag:s0] =	ssyncset.done @!p0 $0x0  }
0x9d: {  	[sflag:s0] =	ssyncadd.s32 @!p0 s1  }
0x9e: {  	[bflag:$0x3] =	sbarrier.arrive $0xFFFF  }
0x9f: {  	_ =	shalt  }

// kernel: kernel.16.cloned.1.call-start
scs
__scs_entry_jumppad:
0x0: {  	(pc) =	sbr.rel $0x88, $3  }
0x1: {  	(tag) =	ssettag $0x0;
	lr =	simm.s32 $0x1  }
0x2: {  	[smem:$0x3F8D] =	sst lr;
	_ =	strace $0xD0000000  }
0x3: {  	_ = 	snop  }
0x4: {  	_ = 	snop  }
0x5: {  	_ = 	snop  }
0x6: {  	_ = 	snop  }
0x7: {  	_ = 	snop  }
__scs_overlays_trampoline_lowered:
0x8: {  	[smem:$0x3F9C] =	sst s0  }
0x9: {  	[smem:$0x3F9D] =	sst s1  }
0xa: {  	[smem:$0x3F9E] =	sst s2  }
0xb: {  	[smem:$0x3F9F] =	sst s3  }
0xc: {  	[smem:$0x3FA0] =	sst s4  }
0xd: {  	[smem:$0x3FA1] =	sst s5  }
0xe: {  	[smem:$0x3FA2] =	sst s6  }
0xf: {  	[smem:$0x3FA3] =	sst s7  }
0x10: {  	[smem:$0x3FA4] =	sst s8  }
0x11: {  	[smem:$0x3FA5] =	sst s9;
	s0 =	simm.s32 @!p0 $0x0  }
0x12: {  	s1 =	sld [smem:$0x3F8B];
	s0 =	simm.s32 @p0 $0x1  }
0x13: {  	[smem:$0x3FA6] =	sst s0;
	s0 =	simm.s32 @!p1 $0x0  }
0x14: {  	s2 =	sld [smem:$0x3F8A];
	s0 =	simm.s32 @p1 $0x1  }
0x15: {  	[smem:$0x3FA7] =	sst s0;
	s0 =	simm.s32 @!p2 $0x0  }
0x16: {  	s3 =	sld [smem:$0x3FDB];
	s0 =	simm.s32 @p2 $0x1  }
0x17: {  	s4 =	simm.s32 $0x1BF5;
	[smem:$0x3FA9] =	sst s0  }
0x18: {  	s0 =	sld [smem:$0x3F8C];
	_ =	swait.ge [sflag:s4], $0x0  }
0x19: {  	s7 =	sld [smem:$0x3F8D]  }
0x1a: {  	s8 =	sadd.s32 $0xFFFFE003, lr  }
0x1b: {  	s9 =	sadd.s32 $0xFFFFFEF7, lr;
	s5 =	simm.s32 $0xFFFFFFFF;
	p2 =	slt.u32 s8, $0xFFFFF086  }
0x1c: {  	p1 =	slt.u32 s9, $0xF7A;
	s5 =	simm.s32 @!p2 $0x0  }
0x1d: {  	s5 =	simm.s32 @p1 $0x1;
	p0 =	seq.s32 s7, s2  }
0x1e: {  	s7 =	smul.u32 @!p0 $0xF7A, s2;
	p2 =	seq.s32 @!p0 s5, $0x0  }
0x1f: {  	s9 =	smul.u32 $0xF7A, s1;
	s8 =	simm.s32 @!p0 $0x1BF5;
	p2 =	por !p2, p0  }
0x20: {  	[sflag:s8] =	ssyncset.s32 @!p0 $0xFFFFF086;
	s6 =	sadd.s32 @!p0 s3, s7;
	s7 =	simm.s32 @!p0 $0x108  }
0x21: {  	s3 =	sadd.s32 s3, s9;
	s6 =	sadd.s32 @!p0 $0x88, s6;
	s7 =	simm.s32 @p2 $0x1082  }
0x22: {  	[simem:s7], [sflag:s8] =	dma.local @!p0 [hbm:s6], $0xF7A  }
0x23: {  	s9 =	sor.u32 $0xD0000000, s2;
	s6 =	simm.s32 $0x108;
	_ =	swait.ge @!p0 [sflag:s8], $0x0  }
0x24: {  	s3 =	sadd.s32 $0x88, s3;
	s6 =	simm.s32 @!p1 $0x1082;
	[sflag:s4] =	ssyncset.s32 $0xFFFFF086  }
0x25: {  	[simem:s6], [sflag:s4] =	dma.local [hbm:s3], $0xF7A  }
0x26: {  	[smem:$0x3F8D] =	sst s1;
	(tag) =	ssettag s2;
	_ =	strace s9  }
0x27: {  	s1 =	sld [smem:$0x3F9D]  }
0x28: {  	s2 =	sld [smem:$0x3F9E]  }
0x29: {  	s4 =	sld [smem:$0x3FA0]  }
0x2a: {  	p0 =	seq.s32 s5, $0x0;
	s5 =	sld [smem:$0x3FA1]  }
0x2b: {  	s6 =	sld [smem:$0x3FA2]  }
0x2c: {  	s7 =	sld [smem:$0x3FA3]  }
0x2d: {  	s3 =	simm.s32 $0x108;
	s8 =	sld [smem:$0x3FA4]  }
0x2e: {  	s3 =	simm.s32 @!p0 $0x1082;
	s9 =	sld [smem:$0x3FA5]  }
0x2f: {  	lr =	sadd.s32 s0, s3;
	s0 =	sld [smem:$0x3F9C]  }
0x30: {  	s3 =	sld [smem:$0x3F9F]  }
0x31: {  	[smem:$0x3FA8] =	sst s10  }
0x32: {  	s10 =	sld [smem:$0x3FA6];
	_ =	sdelay $0x3  }
0x33: {  	p0 =	seq.s32 s10, $0x1;
	s10 =	sld [smem:$0x3FA8];
	_ =	sdelay $0x3  }
0x34: {  	[smem:$0x3FA8] =	sst s10  }
0x35: {  	s10 =	sld [smem:$0x3FA7];
	_ =	sdelay $0x3  }
0x36: {  	p1 =	seq.s32 s10, $0x1;
	s10 =	sld [smem:$0x3FA8];
	_ =	sdelay $0x3  }
0x37: {  	[smem:$0x3FA8] =	sst s10  }
0x38: {  	s10 =	sld [smem:$0x3FA9]  }
0x39: {  	_ = 	snop;
	(pc) =	sbr.ind lr, $3  }
0x3a: {  	_ = 	snop  }
0x3b: {  	_ = 	snop  }
0x3c: {  	p2 =	seq.s32 s10, $0x1;
	s10 =	sld [smem:$0x3FA8]  }
0x3d: {  	_ =	shalt  }
0x3e: {  	_ =	shalt  }
0x3f: {  	_ =	shalt  }
0x40: {  	_ =	shalt  }
0x41: {  	_ =	shalt  }
0x42: {  	_ =	shalt  }
0x43: {  	_ =	shalt  }
0x44: {  	_ =	shalt  }
0x45: {  	_ =	shalt  }
0x46: {  	_ =	shalt  }
0x47: {  	_ =	shalt  }
0x48: {  	_ =	shalt  }
0x49: {  	_ =	shalt  }
0x4a: {  	_ =	shalt  }
0x4b: {  	_ =	shalt  }
0x4c: {  	_ =	shalt  }
0x4d: {  	_ =	shalt  }
0x4e: {  	_ =	shalt  }
0x4f: {  	_ =	shalt  }
0x50: {  	_ =	shalt  }
0x51: {  	_ =	shalt  }
0x52: {  	_ =	shalt  }
0x53: {  	_ =	shalt  }
0x54: {  	_ =	shalt  }
0x55: {  	_ =	shalt  }
0x56: {  	_ =	shalt  }
0x57: {  	_ =	shalt  }
0x58: {  	_ =	shalt  }
0x59: {  	_ =	shalt  }
0x5a: {  	_ =	shalt  }
0x5b: {  	_ =	shalt  }
0x5c: {  	_ =	shalt  }
0x5d: {  	_ =	shalt  }
0x5e: {  	_ =	shalt  }
0x5f: {  	_ =	shalt  }
0x60: {  	_ =	shalt  }
0x61: {  	_ =	shalt  }
0x62: {  	_ =	shalt  }
0x63: {  	_ =	shalt  }
0x64: {  	_ =	shalt  }
0x65: {  	_ =	shalt  }
0x66: {  	_ =	shalt  }
0x67: {  	_ =	shalt  }
0x68: {  	_ =	shalt  }
0x69: {  	_ =	shalt  }
0x6a: {  	_ =	shalt  }
0x6b: {  	_ =	shalt  }
0x6c: {  	_ =	shalt  }
0x6d: {  	_ =	shalt  }
0x6e: {  	_ =	shalt  }
0x6f: {  	_ =	shalt  }
0x70: {  	_ =	shalt  }
0x71: {  	_ =	shalt  }
0x72: {  	_ =	shalt  }
0x73: {  	_ =	shalt  }
0x74: {  	_ =	shalt  }
0x75: {  	_ =	shalt  }
0x76: {  	_ =	shalt  }
0x77: {  	_ =	shalt  }
0x78: {  	_ =	shalt  }
0x79: {  	_ =	shalt  }
0x7a: {  	_ =	shalt  }
0x7b: {  	_ =	shalt  }
0x7c: {  	_ =	shalt  }
0x7d: {  	_ =	shalt  }
0x7e: {  	_ =	shalt  }
0x7f: {  	_ =	shalt  }
0x80: {  	_ =	shalt  }
0x81: {  	_ =	shalt  }
0x82: {  	_ =	shalt  }
0x83: {  	_ =	shalt  }
0x84: {  	_ =	shalt  }
0x85: {  	_ =	shalt  }
0x86: {  	_ =	shalt  }
0x87: {  	_ =	shalt  }
.Lfunc_end0:
.L_simem_size_0:
called_computation.2_lowered:
.L_overlay_start_0:
0x88: {  	s2 =	sld [smem:$0x3FD9]  }
0x89: {  	s3 =	sld [smem:$0x3FFE];
	_ =	sdelay $0x1  }
0x8a: {  	s1 =	srdreg.scid  }
0x8b: {  	s0 =	sand.u32 $0x1, s1  }
0x8c: {  	s17 =	sshll.u32 s0, $0xA;
	s2 =	sadd.s32 s3, s2  }
0x8d: {  	s2 =	sadd.s32 s2, s17  }
0x8e: {  	[smem:$0x3FB4] =	sst s2  }
0x8f: {  	_ = 	snop  }
0x90: {  	(tm) =	ssettm $0x1  }
0x91: {  	s18 =	sld [smem:$0x3FFB];
	_ =	sdelay $0x3  }
0x92: {  	_ =	strace s18  }
0x93: {  	s2 =	sld [smem:$0x3FFC];
	_ =	sdelay $0x3  }
0x94: {  	_ =	strace s2  }
0x95: {  	s2 =	sld [smem:$0x3FFD];
	_ =	sdelay $0x3  }
0x96: {  	_ =	strace s2  }
0x97: {  	_ =	strace $0x8FFFFFFF  }
0x98: {  	s19 =	sld [smem:$0x3FDB];
	_ =	sdelay $0x1  }
0x99: {  	s20 =	simm.s32 $_scs_section_size  }
0x9a: {  	s4 =	simm.s32 $_size__tile_overlayer_lowered;
	s5 =	simm.s32 $_tile_overlayer_lowered  }
0x9b: {  	s6 =	simm.s32 $0x1BFF;
	s21 =	sshll.u32 s5, $0x1;
	s3 =	sadd.s32 s20, s19  }
0x9c: {  	s22 =	simm.s32 $0x0;
	s4 =	sshll.u32 s4, $0x1;
	s5 =	sadd.s32 s21, s3  }
0x9d: {  	[timem:s22], [sflag:s6] =	dma.local [hbm:s5], s4  }
0x9e: {  	_ =	swait.ge [sflag:s6], s4  }
0x9f: {  	s4 =	ssub.s32 $0x0, s4;
	[sflag:s6] =	ssyncset.done $0x0  }
0xa0: {  	[sflag:s6] =	ssyncadd.s32 s4;
	_ =	sdelay $0x1  }
0xa1: {  	s23 =	simm.s32 $0x1B8B  }
0xa2: {  	_ =	swait.ge [sflag:s23], $0x1  }
0xa3: {  	[sflag:s23] =	ssyncset.done $0x0  }
0xa4: {  	[sflag:s23] =	ssyncadd.s32 $0xFFFFFFFF  }
0xa5: {  	s4 =	sld [smem:$0x0]  }
0xa6: {  	s5 =	sand.u32 $0xFFFFFFFE, s1  }
0xa7: {  	p0 =	sne.s32 s1, s5  }
0xa8: {  	s5 =	sshll.u32 @p0 s5, $0xE  }
0xa9: {  	s5 =	sadd.s32 @p0 $0x11B8D, s5;
	s6 =	sshll.u32 @p0 s4, $0x11  }
0xaa: {  	s5 =	sor.u32 @p0 s6, s5  }
0xab: {  	[sflag:s5] =	ssyncadd.remote.s32 @p0 $0x1;
	_ =	sdelay $0x1  }
0xac: {  	s5 =	simm.s32 @p0 $0x1B8D  }
0xad: {  	_ =	swait.eq @p0 [sflag:s5], $0x1  }
0xae: {  	[sflag:s5] =	ssyncadd.s32 @p0 $0xFFFFFFFF  }
0xaf: {  	s6 =	sshll.u32 @!p0 s1, $0xE  }
0xb0: {  	s6 =	sor.u32 @!p0 $0x4000, s6;
	s5 =	simm.s32 @!p0 $0x1B8D  }
0xb1: {  	s4 =	sshll.u32 @!p0 s4, $0x11;
	s6 =	sadd.s32 @!p0 $0x11B8D, s6;
	_ =	swait.eq @!p0 [sflag:s5], $0x1  }
0xb2: {  	s4 =	sor.u32 @!p0 s4, s6;
	[sflag:s5] =	ssyncadd.s32 @!p0 $0xFFFFFFFF  }
0xb3: {  	s25 =	simm.s32 $0x1B8E;
	s24 =	sld [smem:$0x3FFE];
	[sflag:s4] =	ssyncadd.remote.s32 @!p0 $0x1  }
0xb4: {  	s26 =	simm.s32 $execute0_lowered;
	[smem:$0x3FD2] =	sst s25  }
0xb5: {  	s5 =	sshll.u32 s26, $0x1;
	_ =	strace $0x80000049;
	[dreg:$0x1] =	wrdreg $0xFFFFFFFF  }
0xb6: {  	s28 =	simm.s32 $_size_execute0_lowered;
	s3 =	sadd.s32 s3, s5;
	[dreg:$0x0] =	wrdreg $0x0  }
0xb7: {  	s5 =	sshll.u32 s28, $0x1;
	[dreg:$0x2] =	wrdreg s3  }
0xb8: {  	[dreg:$0x3] =	wrdreg s5  }
0xb9: {  	[dreg:$0x4] =	wrdreg $0xC0  }
0xba: {  	_ =	task [dreg:s22], $0x5FFFF  }
0xbb: {  	[dreg:$0x1] =	wrdreg $0xFFFFFFFF  }
0xbc: {  	[dreg:$0x0] =	wrdreg $0x60  }
0xbd: {  	[dreg:$0x2] =	wrdreg s24  }
0xbe: {  	[dreg:$0x3] =	wrdreg $0xA  }
0xbf: {  	_ =	task.clear_ibuf [dreg:s22], $0x4FFFF;
	_ =	strace $0x90000049  }
0xc0: {  	s29 =	simm.s32 $0xA;
	_ =	strace $0x8000004B  }
0xc1: {  	_ =	swait.ge [sflag:s29], $0x1  }
0xc2: {  	[sflag:s29] =	ssyncadd.s32 $0xFFFFFFFF  }
0xc3: {  	_ =	strace $0x9000004B  }
0xc4: {  	_ =	sfence  }
0xc5: {  	s30 =	sld [smem:$0x0];
	_ =	sdelay $0x2  }
0xc6: {  	s31 =	sshll.u32 s1, $0xD;
	s1 =	sshrl.u32 s1, $0x2  }
0xc7: {  	s4 =	sand.u32 $0x4000, s31;
	s1 =	sadd.s32 s1, s30  }
0xc8: {  	s0 =	sor.u32 s4, s0;
	s1 =	sshll.u32 s1, $0x11  }
0xc9: {  	s0 =	sor.u32 s1, s0  }
0xca: {  	s0 =	sadd.s32 $0x8F2B, s0  }
0xcb: {  	[sflag:s0] =	ssyncadd.remote.s32 $0x1  }
0xcc: {  	_ =	sfence.sel $0xFFFF  }
0xcd: {  	[dreg:$0x0] =	wrdreg $0xFFFFFFFF;
	(pc) =	sbr.abs _section_cstart, $3  }
0xce: {  	[dreg:$0x1] =	wrdreg $0xFFFFFFFF  }
0xcf: {  	_ =	task.clear_ibuf [dreg:s22], $0x2FFFF;
	_ =	strace $0x9FFFFFFF  }
0xd0: {  	(tm) =	ssettm $0x7FFFFFFF  }
0xd1: {  	_ =	shalt  }
tec
execute0_lowered:
.L_overlay_start_1:
0x0: {  	(tag) =	ssettag $0x1  }
0x1: {  	s0 =	srdreg.scid  }
0x2: {  	s2 =	stileid.u32;
	s1 =	rddreg [dreg:$0x0];
	s12 =	simm.s32 $0xA  }
0x3: {  	s26 =	simm.s32 $0x6000;
	s28 =	simm.s32 $0x6800;
	s29 =	simm.s32 $0x7000  }
0x4: {  	s30 =	simm.s32 $0xC800;
	s31 =	simm.s32 $0xD000;
	s13 =	simm.s32 $0xE800  }
0x5: {  	s14 =	simm.s32 $0x8;
	s0 =	sand.u32 $0x1, s0;
	s3 =	sshll.u32 s2, $0x1  }
0x6: {  	s2 =	simm.s32 $0x0;
	s4 =	sadd.s32 $0xCC00, s1;
	s5 =	sadd.s32 $0x5AE00, s1  }
0x7: {  	s7 =	sadd.s32 $0xAC5200, s1;
	s3 =	sor.u32 s0, s3;
	s0 =	ssub.s32 $0x2, s0  }
0x8: {  	[smem:$0x7FF] =	sst s2;
	s3 =	smul.u32 $0x1388, s3;
	s9 =	sshrl.u32 s0, $0x1  }
0x9: {  	s8 =	sadd.s32 $0xD36200, s1;
	_ =	strace $0x8000004A;
	s0 =	ssub.s32 s0, s9  }
0xa: {  	v2 =	vlaneseq.u32;
	s6 =	sshrl.u32 s3, $0x3;
	s11 =	smax.u32 s0, $0x1;
	s0 =	simm.s32 $0xE000  }
0xb: {  	vm0 =	vmmov $0xffff;
	v1 =	vshrl.u32 v2, $0x3;
	s10 =	sadd.s32 s6, s1;
	s6 =	sadd.s32 $0x854200, s1;
	s1 =	simm.s32 $0xD800  }
0xc: {  	s15 =	simm.s32 $0x0;
	v0 =	vand.u32 $0x7, v2;
	v2 =	vor.u32 $0x8, v2;
	v1 =	vmul.u32 $0x8, v1;
	s9 =	sadd.s32 $0x84A200, s10;
	s10 =	sadd.s32 $0x84F200, s10  }
.LBB2_1:
0xd: {  	[tilespmem:s2], [sflag:$0xA] =	stream.linear.gather [hbm4b:s9+s2], $0x1388, $0x38;
	[tilespmem:$0x15400] =	vst v63  }
0xe: {  	_ =	swait.ge [sflag:s12], $0x1388  }
0xf: {  	[sflag:s12] =	ssyncset.done $0x0  }
0x10: {  	s16 =	simm.s32 $0x1400;
	[sflag:s12] =	ssyncadd.s32 $0xFFFFEC78  }
0x11: {  	[tilespmem:s16], [sflag:$0xA] =	stream.linear.gather [hbm4b:s10+s2], $0x1388, $0x38;
	[tilespmem:$0x15400] =	vst v63  }
0x12: {  	_ =	swait.ge [sflag:s12], $0x1388  }
0x13: {  	[sflag:s12] =	ssyncset.done $0x0  }
0x14: {  	[sflag:s12] =	ssyncadd.s32 $0xFFFFEC78  }
0x15: {  	v3 =	vld [tilespmem:$0x0];
	_ =	sdelay $0x4  }
0x16: {  	v4 =	vshll.u32 v3, $0x1  }
0x17: {  	v3 =	vand.u32 $0x7, v3;
	v4 =	vand.u32 $0xFFFFFFF0, v4  }
0x18: {  	v3 =	vor.u32 v3, v4  }
0x19: {  	v4 =	vperm.xlane v3, v0;
	_ =	sdelay $0x1  }
0x1a: {  	v3 =	vperm.xlane v3, v2;
	v4 =	vadd.s32 v1, v4;
	_ =	sdelay $0x1  }
0x1b: {  	v3 =	vadd.s32 v1, v3;
	_ =	sdelay $0x1  }
0x1c: {  	s23 =	simm.s32 $0x2800  }
0x1d: {  	[tilespmem:s23], [sflag:$0x1] =	stream.indirect_vreg.gather [hbm4b:s4+s2], $0x80, v4, vm0, $0xb8;
	[tilespmem:$0x15400] =	vst v63  }
0x1e: {  	s24 =	simm.s32 $0x3000  }
0x1f: {  	[tilespmem:s24], [sflag:$0x1] =	stream.indirect_vreg.gather [hbm4b:s4+s2], $0x80, v3, vm0, $0xb8;
	[tilespmem:$0x15400] =	vst v63  }
0x20: {  	v3 =	vld [tilespmem:$0x10];
	_ =	sdelay $0x4  }
0x21: {  	v53 =	vshll.u32 v3, $0x1  }
0x22: {  	v3 =	vand.u32 $0x7, v3;
	v4 =	vand.u32 $0xFFFFFFF0, v53  }
0x23: {  	v3 =	vor.u32 v3, v4  }
0x24: {  	v4 =	vperm.xlane v3, v0;
	_ =	sdelay $0x1  }
0x25: {  	v3 =	vperm.xlane v3, v2;
	v4 =	vadd.s32 v1, v4;
	_ =	sdelay $0x1  }
0x26: {  	v3 =	vadd.s32 v1, v3;
	_ =	sdelay $0x1  }
0x27: {  	s25 =	simm.s32 $0x3800  }
0x28: {  	[tilespmem:s25], [sflag:$0x1] =	stream.indirect_vreg.gather [hbm4b:s4+s2], $0x80, v4, vm0, $0xb8;
	[tilespmem:$0x15400] =	vst v63  }
0x29: {  	s17 =	simm.s32 $0x4000  }
0x2a: {  	[tilespmem:s17], [sflag:$0x1] =	stream.indirect_vreg.gather [hbm4b:s4+s2], $0x80, v3, vm0, $0xb8;
	[tilespmem:$0x15400] =	vst v63  }
0x2b: {  	v3 =	vld.msk [tilespmem:$0x20], $0xff;
	_ =	sdelay $0x4  }
0x2c: {  	v54 =	vshll.u32 v3, $0x1  }
0x2d: {  	v3 =	vand.u32 $0x7, v3;
	v4 =	vand.u32 $0xFFFFFFF0, v54  }
0x2e: {  	v3 =	vor.u32 v3, v4  }
0x2f: {  	v3 =	vperm.xlane v3, v0;
	_ =	sdelay $0x1  }
0x30: {  	v3 =	vadd.s32 v1, v3;
	_ =	sdelay $0x3  }
0x31: {  	s18 =	simm.s32 $0x4800  }
0x32: {  	[tilespmem:s18], [sflag:$0x1] =	stream.indirect_vreg.gather [hbm4b:s4+s2], $0x80, v3, vm0, $0xb8;
	[tilespmem:$0x15400] =	vst v63  }
0x33: {  	v3 =	vld [tilespmem:$0x1400];
	_ =	sdelay $0x4  }
0x34: {  	v55 =	vshll.u32 v3, $0x1  }
0x35: {  	v3 =	vand.u32 $0x7, v3;
	v4 =	vand.u32 $0xFFFFFFF0, v55  }
0x36: {  	v3 =	vor.u32 v3, v4  }
0x37: {  	v4 =	vperm.xlane v3, v0;
	_ =	sdelay $0x1  }
0x38: {  	v3 =	vperm.xlane v3, v2;
	v4 =	vadd.s32 v1, v4;
	_ =	sdelay $0x1  }
0x39: {  	v3 =	vadd.s32 v1, v3;
	_ =	sdelay $0x1  }
0x3a: {  	s19 =	simm.s32 $0xA000  }
0x3b: {  	[tilespmem:s19], [sflag:$0x4] =	stream.indirect_vreg.gather [hbm4b:s5+s2], $0x80, v4, vm0, $0xb8;
	[tilespmem:$0x15400] =	vst v63  }
0x3c: {  	s20 =	simm.s32 $0xA800  }
0x3d: {  	[tilespmem:s20], [sflag:$0x4] =	stream.indirect_vreg.gather [hbm4b:s5+s2], $0x80, v3, vm0, $0xb8;
	[tilespmem:$0x15400] =	vst v63  }
0x3e: {  	v3 =	vld [tilespmem:$0x1410];
	_ =	sdelay $0x4  }
0x3f: {  	v56 =	vshll.u32 v3, $0x1  }
0x40: {  	v3 =	vand.u32 $0x7, v3;
	v4 =	vand.u32 $0xFFFFFFF0, v56  }
0x41: {  	v3 =	vor.u32 v3, v4  }
0x42: {  	v4 =	vperm.xlane v3, v0;
	_ =	sdelay $0x1  }
0x43: {  	v3 =	vperm.xlane v3, v2;
	v4 =	vadd.s32 v1, v4;
	_ =	sdelay $0x1  }
0x44: {  	v3 =	vadd.s32 v1, v3;
	_ =	sdelay $0x1  }
0x45: {  	s21 =	simm.s32 $0xB000  }
0x46: {  	[tilespmem:s21], [sflag:$0x4] =	stream.indirect_vreg.gather [hbm4b:s5+s2], $0x80, v4, vm0, $0xb8;
	[tilespmem:$0x15400] =	vst v63  }
0x47: {  	s22 =	simm.s32 $0xB800  }
0x48: {  	[tilespmem:s22], [sflag:$0x4] =	stream.indirect_vreg.gather [hbm4b:s5+s2], $0x80, v3, vm0, $0xb8;
	[tilespmem:$0x15400] =	vst v63  }
0x49: {  	v3 =	vld.msk [tilespmem:$0x1420], $0xff;
	_ =	sdelay $0x4  }
0x4a: {  	v57 =	vshll.u32 v3, $0x1  }
0x4b: {  	v3 =	vand.u32 $0x7, v3;
	v4 =	vand.u32 $0xFFFFFFF0, v57  }
0x4c: {  	v3 =	vor.u32 v3, v4  }
0x4d: {  	v3 =	vperm.xlane v3, v0;
	_ =	sdelay $0x1  }
0x4e: {  	v3 =	vadd.s32 v1, v3;
	_ =	sdelay $0x3  }
0x4f: {  	s23 =	simm.s32 $0xC000  }
0x50: {  	[tilespmem:s23], [sflag:$0x4] =	stream.indirect_vreg.gather [hbm4b:s5+s2], $0x80, v3, vm0, $0xb8;
	[tilespmem:$0x15400] =	vst v63  }
0x51: {  	v3 =	vld [tilespmem:$0x28];
	_ =	sdelay $0x4  }
0x52: {  	v58 =	vshll.u32 v3, $0x1  }
0x53: {  	v3 =	vand.u32 $0x7, v3;
	v4 =	vand.u32 $0xFFFFFFF0, v58  }
0x54: {  	v3 =	vor.u32 v3, v4  }
0x55: {  	v4 =	vperm.xlane v3, v0;
	_ =	sdelay $0x1  }
0x56: {  	v3 =	vperm.xlane v3, v2;
	v4 =	vadd.s32 v1, v4;
	_ =	sdelay $0x1  }
0x57: {  	v3 =	vadd.s32 v1, v3;
	_ =	sdelay $0x1  }
0x58: {  	s24 =	simm.s32 $0x5000  }
0x59: {  	[tilespmem:s24], [sflag:$0x2] =	stream.indirect_vreg.gather [hbm4b:s4+s2], $0x80, v4, vm0, $0xb8;
	[tilespmem:$0x15400] =	vst v63  }
0x5a: {  	s25 =	simm.s32 $0x5800  }
0x5b: {  	[tilespmem:s25], [sflag:$0x2] =	stream.indirect_vreg.gather [hbm4b:s4+s2], $0x80, v3, vm0, $0xb8;
	[tilespmem:$0x15400] =	vst v63  }
0x5c: {  	v3 =	vld [tilespmem:$0x38];
	_ =	sdelay $0x4  }
0x5d: {  	v59 =	vshll.u32 v3, $0x1  }
0x5e: {  	v3 =	vand.u32 $0x7, v3;
	v4 =	vand.u32 $0xFFFFFFF0, v59  }
0x5f: {  	v3 =	vor.u32 v3, v4  }
0x60: {  	v4 =	vperm.xlane v3, v0;
	_ =	sdelay $0x1  }
0x61: {  	v3 =	vperm.xlane v3, v2;
	v4 =	vadd.s32 v1, v4;
	_ =	sdelay $0x1  }
0x62: {  	v3 =	vadd.s32 v1, v3;
	_ =	sdelay $0x2  }
0x63: {  	[tilespmem:s26], [sflag:$0x2] =	stream.indirect_vreg.gather [hbm4b:s4+s2], $0x80, v4, vm0, $0xb8;
	[tilespmem:$0x15400] =	vst v63  }
0x64: {  	_ = 	snop  }
0x65: {  	[tilespmem:s28], [sflag:$0x2] =	stream.indirect_vreg.gather [hbm4b:s4+s2], $0x80, v3, vm0, $0xb8;
	[tilespmem:$0x15400] =	vst v63  }
0x66: {  	v3 =	vld.msk [tilespmem:$0x48], $0xff;
	_ =	sdelay $0x4  }
0x67: {  	v60 =	vshll.u32 v3, $0x1  }
0x68: {  	v3 =	vand.u32 $0x7, v3;
	v4 =	vand.u32 $0xFFFFFFF0, v60  }
0x69: {  	v3 =	vor.u32 v3, v4  }
0x6a: {  	v3 =	vperm.xlane v3, v0;
	_ =	sdelay $0x1  }
0x6b: {  	v3 =	vadd.s32 v1, v3;
	_ =	sdelay $0x4  }
0x6c: {  	[tilespmem:s29], [sflag:$0x2] =	stream.indirect_vreg.gather [hbm4b:s4+s2], $0x80, v3, vm0, $0xb8;
	[tilespmem:$0x15400] =	vst v63  }
0x6d: {  	v3 =	vld [tilespmem:$0x1428];
	_ =	sdelay $0x4  }
0x6e: {  	v61 =	vshll.u32 v3, $0x1  }
0x6f: {  	v3 =	vand.u32 $0x7, v3;
	v4 =	vand.u32 $0xFFFFFFF0, v61  }
0x70: {  	v3 =	vor.u32 v3, v4  }
0x71: {  	v4 =	vperm.xlane v3, v0;
	_ =	sdelay $0x1  }
0x72: {  	v3 =	vperm.xlane v3, v2;
	v4 =	vadd.s32 v1, v4;
	_ =	sdelay $0x1  }
0x73: {  	v3 =	vadd.s32 v1, v3;
	_ =	sdelay $0x2  }
0x74: {  	[tilespmem:s30], [sflag:$0x5] =	stream.indirect_vreg.gather [hbm4b:s5+s2], $0x80, v4, vm0, $0xb8;
	[tilespmem:$0x15400] =	vst v63  }
0x75: {  	_ = 	snop  }
0x76: {  	[tilespmem:s31], [sflag:$0x5] =	stream.indirect_vreg.gather [hbm4b:s5+s2], $0x80, v3, vm0, $0xb8;
	[tilespmem:$0x15400] =	vst v63  }
0x77: {  	v3 =	vld [tilespmem:$0x1438];
	_ =	sdelay $0x4  }
0x78: {  	v62 =	vshll.u32 v3, $0x1  }
0x79: {  	v3 =	vand.u32 $0x7, v3;
	v4 =	vand.u32 $0xFFFFFFF0, v62  }
0x7a: {  	v3 =	vor.u32 v3, v4  }
0x7b: {  	v4 =	vperm.xlane v3, v0;
	_ =	sdelay $0x1  }
0x7c: {  	v3 =	vperm.xlane v3, v2;
	v4 =	vadd.s32 v1, v4;
	_ =	sdelay $0x1  }
0x7d: {  	v3 =	vadd.s32 v1, v3;
	_ =	sdelay $0x2  }
0x7e: {  	[tilespmem:s1], [sflag:$0x5] =	stream.indirect_vreg.gather [hbm4b:s5+s2], $0x80, v4, vm0, $0xb8;
	[tilespmem:$0x15400] =	vst v63  }
0x7f: {  	_ = 	snop  }
0x80: {  	[tilespmem:s0], [sflag:$0x5] =	stream.indirect_vreg.gather [hbm4b:s5+s2], $0x80, v3, vm0, $0xb8;
	[tilespmem:$0x15400] =	vst v63  }
0x81: {  	v3 =	vld.msk [tilespmem:$0x1448], $0xff;
	_ =	sdelay $0x4  }
0x82: {  	v63 =	vshll.u32 v3, $0x1  }
0x83: {  	v3 =	vand.u32 $0x7, v3;
	v4 =	vand.u32 $0xFFFFFFF0, v63  }
0x84: {  	v3 =	vor.u32 v3, v4  }
0x85: {  	v3 =	vperm.xlane v3, v0;
	_ =	sdelay $0x1  }
0x86: {  	v3 =	vadd.s32 v1, v3;
	_ =	sdelay $0x3  }
0x87: {  	s16 =	simm.s32 $0x11800;
	s17 =	simm.s32 $0x0  }
0x88: {  	[tilespmem:s13], [sflag:$0x5] =	stream.indirect_vreg.gather [hbm4b:s5+s2], $0x80, v3, vm0, $0xb8;
	[tilespmem:$0x15400] =	vst v63  }
.LBB2_2:
0x89: {  	s18 =	smul.u32 $0xAB, s17;
	_ =	sdelay $0x1  }
0x8a: {  	s19 =	sadd.s32 $0x156, s18  }
0x8b: {  	s19 =	sshrl.u32 s19, $0x9  }
0x8c: {  	s19 =	sand.u32 $0x7F, s19  }
0x8d: {  	s19 =	smul.u32 $0x3, s19  }
0x8e: {  	s20 =	sadd.s32 $0x2, s17  }
0x8f: {  	s19 =	ssub.s32 s20, s19  }
0x90: {  	p0 =	seq.s32 s17, $0x0;
	s19 =	sand.u32 $0xFF, s19  }
0x91: {  	s21 =	sadd.s32 @!p0 $0x7, s19  }
0x92: {  	_ =	swait.ge @!p0 [sflag:s21], $0x1400  }
0x93: {  	[sflag:s21] =	ssyncset.done @!p0 $0x0  }
0x94: {  	p1 =	sgt.u32 @!p0 s17, $0x7A;
	[sflag:s21] =	ssyncadd.s32 @!p0 $0xFFFFEC00  }
0x95: {  	p1 =	por p0, !p1;
	_ =	swait.ge @!p0 [sflag:s21], $0x1400  }
.Ltmp0:
0x96: {  	[sflag:s21] =	ssyncset.done @!p0 $0x0;
	(pc) =	sbr.rel @!p1 .LBB2_4-.Ltmp0, $4  }
0x97: {  	[sflag:s21] =	ssyncadd.s32 @!p0 $0xFFFFEC00  }
0x98: {  	_ =	swait.ge @!p0 [sflag:s21], $0x1400  }
0x99: {  	[sflag:s21] =	ssyncset.done @!p0 $0x0  }
0x9a: {  	[sflag:s21] =	ssyncadd.s32 @!p0 $0xFFFFEC00  }
0x9b: {  	s20 =	smul.u32 $0x28, s20;
	_ =	sdelay $0x1  }
0x9c: {  	v3 =	vld [tilespmem:s20+$0x0];
	_ =	sdelay $0x4  }
0x9d: {  	v4 =	vshll.u32 v3, $0x1  }
0x9e: {  	v3 =	vand.u32 $0x7, v3;
	v4 =	vand.u32 $0xFFFFFFF0, v4  }
0x9f: {  	v3 =	vor.u32 v3, v4  }
0xa0: {  	v4 =	vperm.xlane v3, v0;
	_ =	sdelay $0x1  }
0xa1: {  	v3 =	vperm.xlane v3, v2;
	v4 =	vadd.s32 v1, v4;
	_ =	sdelay $0x1  }
0xa2: {  	s21 =	smul.u32 $0x2800, s19;
	v3 =	vadd.s32 v1, v3;
	_ =	sdelay $0x1  }
0xa3: {  	s23 =	sadd.s32 $0x1, s19;
	s22 =	sadd.s32 $0x2800, s21  }
0xa4: {  	[tilespmem:s22], [sflag:s23] =	stream.indirect_vreg.gather [hbm4b:s4+s2], $0x80, v4, vm0, $0xb8;
	[tilespmem:$0x15400] =	vst v63  }
0xa5: {  	s24 =	sadd.s32 $0x3000, s21  }
0xa6: {  	[tilespmem:s24], [sflag:s23] =	stream.indirect_vreg.gather [hbm4b:s4+s2], $0x80, v3, vm0, $0xb8;
	[tilespmem:$0x15400] =	vst v63  }
0xa7: {  	v3 =	vld [tilespmem:s20+$0x10];
	_ =	sdelay $0x4  }
0xa8: {  	v59 =	vshll.u32 v3, $0x1  }
0xa9: {  	v3 =	vand.u32 $0x7, v3;
	v4 =	vand.u32 $0xFFFFFFF0, v59  }
0xaa: {  	v3 =	vor.u32 v3, v4  }
0xab: {  	v4 =	vperm.xlane v3, v0;
	_ =	sdelay $0x1  }
0xac: {  	v3 =	vperm.xlane v3, v2;
	v4 =	vadd.s32 v1, v4;
	_ =	sdelay $0x1  }
0xad: {  	v3 =	vadd.s32 v1, v3;
	_ =	sdelay $0x1  }
0xae: {  	s25 =	sadd.s32 $0x3800, s21  }
0xaf: {  	[tilespmem:s25], [sflag:s23] =	stream.indirect_vreg.gather [hbm4b:s4+s2], $0x80, v4, vm0, $0xb8;
	[tilespmem:$0x15400] =	vst v63  }
0xb0: {  	s24 =	sadd.s32 $0x4000, s21  }
0xb1: {  	[tilespmem:s24], [sflag:s23] =	stream.indirect_vreg.gather [hbm4b:s4+s2], $0x80, v3, vm0, $0xb8;
	[tilespmem:$0x15400] =	vst v63  }
0xb2: {  	v3 =	vld.msk [tilespmem:s20+$0x20], $0xff;
	_ =	sdelay $0x4  }
0xb3: {  	v60 =	vshll.u32 v3, $0x1  }
0xb4: {  	v3 =	vand.u32 $0x7, v3;
	v4 =	vand.u32 $0xFFFFFFF0, v60  }
0xb5: {  	v3 =	vor.u32 v3, v4  }
0xb6: {  	v3 =	vperm.xlane v3, v0;
	_ =	sdelay $0x1  }
0xb7: {  	v3 =	vadd.s32 v1, v3;
	_ =	sdelay $0x3  }
0xb8: {  	s25 =	sadd.s32 $0x4800, s21  }
0xb9: {  	[tilespmem:s25], [sflag:s23] =	stream.indirect_vreg.gather [hbm4b:s4+s2], $0x80, v3, vm0, $0xb8;
	[tilespmem:$0x15400] =	vst v63  }
0xba: {  	v3 =	vld [tilespmem:s20+$0x1400];
	_ =	sdelay $0x4  }
0xbb: {  	v61 =	vshll.u32 v3, $0x1  }
0xbc: {  	v3 =	vand.u32 $0x7, v3;
	v4 =	vand.u32 $0xFFFFFFF0, v61  }
0xbd: {  	v3 =	vor.u32 v3, v4  }
0xbe: {  	v4 =	vperm.xlane v3, v0;
	_ =	sdelay $0x1  }
0xbf: {  	v3 =	vperm.xlane v3, v2;
	v4 =	vadd.s32 v1, v4;
	_ =	sdelay $0x1  }
0xc0: {  	v3 =	vadd.s32 v1, v3;
	_ =	sdelay $0x1  }
0xc1: {  	s19 =	sadd.s32 $0x4, s19;
	s24 =	sadd.s32 $0xA000, s21  }
0xc2: {  	[tilespmem:s24], [sflag:s19] =	stream.indirect_vreg.gather [hbm4b:s5+s2], $0x80, v4, vm0, $0xb8;
	[tilespmem:$0x15400] =	vst v63  }
0xc3: {  	s25 =	sadd.s32 $0xA800, s21  }
0xc4: {  	[tilespmem:s25], [sflag:s19] =	stream.indirect_vreg.gather [hbm4b:s5+s2], $0x80, v3, vm0, $0xb8;
	[tilespmem:$0x15400] =	vst v63  }
0xc5: {  	v3 =	vld [tilespmem:s20+$0x1410];
	_ =	sdelay $0x4  }
0xc6: {  	v62 =	vshll.u32 v3, $0x1  }
0xc7: {  	v3 =	vand.u32 $0x7, v3;
	v4 =	vand.u32 $0xFFFFFFF0, v62  }
0xc8: {  	v3 =	vor.u32 v3, v4  }
0xc9: {  	v4 =	vperm.xlane v3, v0;
	_ =	sdelay $0x1  }
0xca: {  	v3 =	vperm.xlane v3, v2;
	v4 =	vadd.s32 v1, v4;
	_ =	sdelay $0x1  }
0xcb: {  	v3 =	vadd.s32 v1, v3;
	_ =	sdelay $0x1  }
0xcc: {  	s23 =	sadd.s32 $0xB000, s21  }
0xcd: {  	[tilespmem:s23], [sflag:s19] =	stream.indirect_vreg.gather [hbm4b:s5+s2], $0x80, v4, vm0, $0xb8;
	[tilespmem:$0x15400] =	vst v63  }
0xce: {  	s24 =	sadd.s32 $0xB800, s21  }
0xcf: {  	[tilespmem:s24], [sflag:s19] =	stream.indirect_vreg.gather [hbm4b:s5+s2], $0x80, v3, vm0, $0xb8;
	[tilespmem:$0x15400] =	vst v63  }
0xd0: {  	v3 =	vld.msk [tilespmem:s20+$0x1420], $0xff;
	_ =	sdelay $0x4  }
0xd1: {  	v63 =	vshll.u32 v3, $0x1  }
0xd2: {  	v3 =	vand.u32 $0x7, v3;
	v4 =	vand.u32 $0xFFFFFFF0, v63  }
0xd3: {  	v3 =	vor.u32 v3, v4  }
0xd4: {  	v3 =	vperm.xlane v3, v0;
	_ =	sdelay $0x1  }
0xd5: {  	v3 =	vadd.s32 v1, v3;
	_ =	sdelay $0x3  }
0xd6: {  	s25 =	sadd.s32 $0xC000, s21  }
0xd7: {  	[tilespmem:s25], [sflag:s19] =	stream.indirect_vreg.gather [hbm4b:s5+s2], $0x80, v3, vm0, $0xb8;
	[tilespmem:$0x15400] =	vst v63  }
.LBB2_4:
0xd8: {  	s18 =	sshrl.u32 s18, $0x9  }
0xd9: {  	s18 =	sand.u32 $0x7F, s18  }
0xda: {  	s18 =	smul.u32 $0x3, s18;
	_ =	sdelay $0x1  }
0xdb: {  	s18 =	ssub.s32 s17, s18  }
0xdc: {  	s20 =	sand.u32 $0xFF, s18  }
0xdd: {  	s18 =	sadd.s32 $0x1, s20  }
0xde: {  	_ =	swait.ge [sflag:s18], $0x2800  }
0xdf: {  	s21 =	simm.s32 $0x0;
	[sflag:s18] =	ssyncset.done $0x0  }
0xe0: {  	s19 =	sadd.s32 $0x4, s20;
	[sflag:s18] =	ssyncadd.s32 $0xFFFFD800;
	s18 =	smul.u32 $0x2800, s20  }
0xe1: {  	s23 =	sand.u32 $0x3800, s21;
	_ =	swait.ge [sflag:s19], $0x2800  }
0xe2: {  	s21 =	sand.u32 $0x380, s21;
	[sflag:s19] =	ssyncset.done $0x0;
	s23 =	sadd.s32 s18, s23  }
0xe3: {  	[sflag:s19] =	ssyncadd.s32 $0xFFFFD800;
	s25 =	sor.u32 s21, s23  }
0xe4: {  	s22 =	smulhi.u32 $0xAAAAAAAB, s17;
	v3 =	vld [tilespmem:s25+$0xA400]  }
0xe5: {  	v4 =	vld [tilespmem:s25+$0x2C00]  }
0xe6: {  	s22 =	sshrl.u32 s22, $0x1  }
0xe7: {  	s21 =	smul.u32 $0xFFFF1000, s22  }
0xe8: {  	s24 =	simm.s32 $0x100;
	s23 =	smul.u32 $0x5000, s20  }
0xe9: {  	s22 =	simm.s32 $0x80;
	s25 =	sand.u32 $0x3800, s24;
	s21 =	sshra.s32 s21, $0x2  }
0xea: {  	s19 =	sshrl.u32 s23, $0x2;
	s24 =	sadd.s32 s18, s25;
	s25 =	sand.u32 $0x380, s22;
	v3 =	vadd.f32 v3, v4  }
0xeb: {  	s23 =	simm.s32 $0x200;
	s21 =	sadd.s32 s21, s16;
	s19 =	sadd.s32 $0x11800, s19  }
.LBB2_5:
0xec: {  	p0 =	sne.s32 s23, $0x2700;
	s24 =	sor.u32 s25, s24;
	[tilespmem:s21+$0x0] =	vst v3  }
0xed: {  	v3 =	vld [tilespmem:s24+$0xA400]  }
0xee: {  	v4 =	vld [tilespmem:s24+$0x2C00];
	_ =	sdelay $0x1  }
.Ltmp1:
0xef: {  	(pc) =	sbr.rel @p0 .LBB2_5-.Ltmp1, $3  }
0xf0: {  	_ =	sdelay $0x1  }
0xf1: {  	s22 =	sadd.s32 $0x80, s22;
	s21 =	sadd.s32 $0x80, s21;
	s24 =	sand.u32 $0x3800, s23;
	v3 =	vadd.f32 v3, v4  }
0xf2: {  	s25 =	sand.u32 $0x380, s22;
	s23 =	sadd.s32 $0x100, s23;
	s24 =	sadd.s32 s18, s24  }
0xf3: {  	s22 =	sor.u32 s25, s24;
	[tilespmem:s21+$0x0] =	vst v3  }
0xf4: {  	v3 =	vld [tilespmem:s22+$0xA400]  }
0xf5: {  	v4 =	vld [tilespmem:s22+$0x2C00];
	_ =	sdelay $0x2  }
0xf6: {  	s23 =	smul.u32 $0x28, s17;
	_ =	sdelay $0x1  }
0xf7: {  	s22 =	sadd.s32 s3, s23;
	v3 =	vadd.f32 v3, v4  }
0xf8: {  	s24 =	sadd.s32 $0x80, s21;
	s22 =	sshll.u32 s22, $0x4  }
0xf9: {  	s20 =	sadd.s32 $0x7, s20;
	s25 =	sadd.s32 $0x2800, s18;
	s23 =	sadd.s32 s6, s22;
	[tilespmem:s24+$0x0] =	vst v3  }
0xfa: {  	[hbm4b:s23+s2] =	stream.linear.scatter [tilespmem:s25], [sflag:s20], $0x400, $0x38;
	[tilespmem:$0x15400] =	vst v63  }
0xfb: {  	s24 =	sadd.s32 $0x3000, s18;
	s25 =	sadd.s32 $0x80, s23  }
0xfc: {  	[hbm4b:s25+s2] =	stream.linear.scatter [tilespmem:s24], [sflag:s20], $0x400, $0x38;
	[tilespmem:$0x15400] =	vst v63  }
0xfd: {  	s24 =	sadd.s32 $0x3800, s18;
	s25 =	sadd.s32 $0x100, s23  }
0xfe: {  	[hbm4b:s25+s2] =	stream.linear.scatter [tilespmem:s24], [sflag:s20], $0x400, $0x38;
	[tilespmem:$0x15400] =	vst v63  }
0xff: {  	s24 =	sadd.s32 $0x4000, s18;
	s25 =	sadd.s32 $0x180, s23  }
0x100: {  	[hbm4b:s25+s2] =	stream.linear.scatter [tilespmem:s24], [sflag:s20], $0x400, $0x38;
	[tilespmem:$0x15400] =	vst v63  }
0x101: {  	s23 =	sadd.s32 $0x200, s23;
	s24 =	sadd.s32 $0x4800, s18  }
0x102: {  	[hbm4b:s23+s2] =	stream.linear.scatter [tilespmem:s24], [sflag:s20], $0x400, $0x38;
	[tilespmem:$0x15400] =	vst v63  }
0x103: {  	s25 =	sadd.s32 $0xA000, s18;
	s23 =	sadd.s32 s7, s22  }
0x104: {  	[hbm4b:s23+s2] =	stream.linear.scatter [tilespmem:s25], [sflag:s20], $0x400, $0x38;
	[tilespmem:$0x15400] =	vst v63  }
0x105: {  	s24 =	sadd.s32 $0xA800, s18;
	s25 =	sadd.s32 $0x80, s23  }
0x106: {  	[hbm4b:s25+s2] =	stream.linear.scatter [tilespmem:s24], [sflag:s20], $0x400, $0x38;
	[tilespmem:$0x15400] =	vst v63  }
0x107: {  	s17 =	sadd.s32 $0x1, s17;
	s24 =	sadd.s32 $0xB000, s18;
	s25 =	sadd.s32 $0x100, s23  }
0x108: {  	[hbm4b:s25+s2] =	stream.linear.scatter [tilespmem:s24], [sflag:s20], $0x400, $0x38;
	[tilespmem:$0x15400] =	vst v63  }
0x109: {  	p0 =	sne.s32 s17, $0x7D;
	s24 =	sadd.s32 $0xB800, s18;
	s25 =	sadd.s32 $0x180, s23  }
0x10a: {  	[hbm4b:s25+s2] =	stream.linear.scatter [tilespmem:s24], [sflag:s20], $0x400, $0x38;
	[tilespmem:$0x15400] =	vst v63  }
.Ltmp2:
0x10b: {  	_ = 	snop;
	(pc) =	sbr.rel @p0 .LBB2_2-.Ltmp2, $4  }
0x10c: {  	s21 =	sadd.s32 $0xC000, s18;
	s24 =	sadd.s32 $0x200, s23  }
0x10d: {  	[hbm4b:s24+s2] =	stream.linear.scatter [tilespmem:s21], [sflag:s20], $0x400, $0x38;
	[tilespmem:$0x15400] =	vst v63  }
0x10e: {  	s16 =	sadd.s32 $0x1400, s16;
	s25 =	sadd.s32 s8, s22  }
0x10f: {  	[hbm4b:s25+s2] =	stream.linear.scatter [tilespmem:s19], [sflag:s20], $0x1400, $0x38;
	[tilespmem:$0x15400] =	vst v63  }
0x110: {  	_ =	swait.ge [sflag:s14], $0x1400  }
0x111: {  	[sflag:s14] =	ssyncset.done $0x0  }
0x112: {  	s15 =	sadd.s32 $0x1, s15;
	[sflag:s14] =	ssyncadd.s32 $0xFFFFEC00  }
0x113: {  	p0 =	sne.s32 s15, s11;
	_ =	swait.ge [sflag:s14], $0x1400  }
.Ltmp3:
0x114: {  	[sflag:s14] =	ssyncset.done $0x0;
	(pc) =	sbr.rel @p0 .LBB2_1-.Ltmp3, $4  }
0x115: {  	[sflag:s14] =	ssyncadd.s32 $0xFFFFEC00  }
0x116: {  	_ =	swait.ge [sflag:s14], $0x1400  }
0x117: {  	[sflag:s14] =	ssyncset.done $0x0  }
0x118: {  	[sflag:s14] =	ssyncadd.s32 $0xFFFFEC00  }
0x119: {  	_ =	sfence.sel $0x180000  }
0x11a: {  	[bflag:$0x0] =	sbarrier.arrive $0xFFFF  }
0x11b: {  	_ =	strace $0x9000004A  }
0x11c: {  	s0 =	stileid.u32;
	[bflag:$0x2] =	sbarrier.arrive $0xFFFF  }
0x11d: {  	p0 =	sne.s32 s0, $0x0;
	s0 =	rddreg [dreg:$0x1]  }
0x11e: {  	s0 =	sadd.s32 @!p0 $0x100000, s0  }
0x11f: {  	[sflag:s0] =	ssyncadd.tile.s32 @!p0 $0x1;
	_ =	shalt  }
.Lfunc_end2:
_tile_overlayer_lowered:
.L_overlay_start_2:
0x120: {  	(tag) =	ssettag $0x2  }
0x121: {  	s0 =	rddreg [dreg:$0x0];
	s2 =	stileid.u32  }
0x122: {  	s1 =	rddreg [dreg:$0x1];
	p0 =	sne.s32 s2, $0x0  }
0x123: {  	s3 =	rddreg [dreg:$0x2];
	[bflag:$0x3] =	sbarrier.arrive $0xFFFF;
	s2 =	simm.s32 @!p0 $0x1C0A  }
0x124: {  	[timem:s3], [sflag:s2] =	dma.local @!p0 [hbm:s0], s1  }
0x125: {  	s0 =	simm.s32 @!p0 $0xA  }
0x126: {  	_ =	swait.ge @!p0 [sflag:s0], s1  }
0x127: {  	s1 =	ssub.s32 @!p0 $0x0, s1;
	[sflag:s0] =	ssyncset.done @!p0 $0x0  }
0x128: {  	[sflag:s0] =	ssyncadd.s32 @!p0 s1  }
0x129: {  	[bflag:$0x3] =	sbarrier.arrive $0xFFFF  }
0x12a: {  	_ =	shalt  }

// kernel: kernel.19.cloned.1.call-start
scs
__scs_entry_jumppad:
0x0: {  	(pc) =	sbr.rel $0x88, $3  }
0x1: {  	(tag) =	ssettag $0x0;
	lr =	simm.s32 $0x1  }
0x2: {  	[smem:$0x3F8D] =	sst lr;
	_ =	strace $0xD0000000  }
0x3: {  	_ = 	snop  }
0x4: {  	_ = 	snop  }
0x5: {  	_ = 	snop  }
0x6: {  	_ = 	snop  }
0x7: {  	_ = 	snop  }
__scs_overlays_trampoline_lowered:
0x8: {  	[smem:$0x3F9C] =	sst s0  }
0x9: {  	[smem:$0x3F9D] =	sst s1  }
0xa: {  	[smem:$0x3F9E] =	sst s2  }
0xb: {  	[smem:$0x3F9F] =	sst s3  }
0xc: {  	[smem:$0x3FA0] =	sst s4  }
0xd: {  	[smem:$0x3FA1] =	sst s5  }
0xe: {  	[smem:$0x3FA2] =	sst s6  }
0xf: {  	[smem:$0x3FA3] =	sst s7  }
0x10: {  	[smem:$0x3FA4] =	sst s8  }
0x11: {  	[smem:$0x3FA5] =	sst s9;
	s0 =	simm.s32 @!p0 $0x0  }
0x12: {  	s1 =	sld [smem:$0x3F8B];
	s0 =	simm.s32 @p0 $0x1  }
0x13: {  	[smem:$0x3FA6] =	sst s0;
	s0 =	simm.s32 @!p1 $0x0  }
0x14: {  	s2 =	sld [smem:$0x3F8A];
	s0 =	simm.s32 @p1 $0x1  }
0x15: {  	[smem:$0x3FA7] =	sst s0;
	s0 =	simm.s32 @!p2 $0x0  }
0x16: {  	s3 =	sld [smem:$0x3FDB];
	s0 =	simm.s32 @p2 $0x1  }
0x17: {  	s4 =	simm.s32 $0x1BF5;
	[smem:$0x3FA9] =	sst s0  }
0x18: {  	s0 =	sld [smem:$0x3F8C];
	_ =	swait.ge [sflag:s4], $0x0  }
0x19: {  	s7 =	sld [smem:$0x3F8D]  }
0x1a: {  	s8 =	sadd.s32 $0xFFFFE003, lr  }
0x1b: {  	s9 =	sadd.s32 $0xFFFFFEF7, lr;
	s5 =	simm.s32 $0xFFFFFFFF;
	p2 =	slt.u32 s8, $0xFFFFF086  }
0x1c: {  	p1 =	slt.u32 s9, $0xF7A;
	s5 =	simm.s32 @!p2 $0x0  }
0x1d: {  	s5 =	simm.s32 @p1 $0x1;
	p0 =	seq.s32 s7, s2  }
0x1e: {  	s7 =	smul.u32 @!p0 $0xF7A, s2;
	p2 =	seq.s32 @!p0 s5, $0x0  }
0x1f: {  	s9 =	smul.u32 $0xF7A, s1;
	s8 =	simm.s32 @!p0 $0x1BF5;
	p2 =	por !p2, p0  }
0x20: {  	[sflag:s8] =	ssyncset.s32 @!p0 $0xFFFFF086;
	s6 =	sadd.s32 @!p0 s3, s7;
	s7 =	simm.s32 @!p0 $0x108  }
0x21: {  	s3 =	sadd.s32 s3, s9;
	s6 =	sadd.s32 @!p0 $0x88, s6;
	s7 =	simm.s32 @p2 $0x1082  }
0x22: {  	[simem:s7], [sflag:s8] =	dma.local @!p0 [hbm:s6], $0xF7A  }
0x23: {  	s9 =	sor.u32 $0xD0000000, s2;
	s6 =	simm.s32 $0x108;
	_ =	swait.ge @!p0 [sflag:s8], $0x0  }
0x24: {  	s3 =	sadd.s32 $0x88, s3;
	s6 =	simm.s32 @!p1 $0x1082;
	[sflag:s4] =	ssyncset.s32 $0xFFFFF086  }
0x25: {  	[simem:s6], [sflag:s4] =	dma.local [hbm:s3], $0xF7A  }
0x26: {  	[smem:$0x3F8D] =	sst s1;
	(tag) =	ssettag s2;
	_ =	strace s9  }
0x27: {  	s1 =	sld [smem:$0x3F9D]  }
0x28: {  	s2 =	sld [smem:$0x3F9E]  }
0x29: {  	s4 =	sld [smem:$0x3FA0]  }
0x2a: {  	p0 =	seq.s32 s5, $0x0;
	s5 =	sld [smem:$0x3FA1]  }
0x2b: {  	s6 =	sld [smem:$0x3FA2]  }
0x2c: {  	s7 =	sld [smem:$0x3FA3]  }
0x2d: {  	s3 =	simm.s32 $0x108;
	s8 =	sld [smem:$0x3FA4]  }
0x2e: {  	s3 =	simm.s32 @!p0 $0x1082;
	s9 =	sld [smem:$0x3FA5]  }
0x2f: {  	lr =	sadd.s32 s0, s3;
	s0 =	sld [smem:$0x3F9C]  }
0x30: {  	s3 =	sld [smem:$0x3F9F]  }
0x31: {  	[smem:$0x3FA8] =	sst s10  }
0x32: {  	s10 =	sld [smem:$0x3FA6];
	_ =	sdelay $0x3  }
0x33: {  	p0 =	seq.s32 s10, $0x1;
	s10 =	sld [smem:$0x3FA8];
	_ =	sdelay $0x3  }
0x34: {  	[smem:$0x3FA8] =	sst s10  }
0x35: {  	s10 =	sld [smem:$0x3FA7];
	_ =	sdelay $0x3  }
0x36: {  	p1 =	seq.s32 s10, $0x1;
	s10 =	sld [smem:$0x3FA8];
	_ =	sdelay $0x3  }
0x37: {  	[smem:$0x3FA8] =	sst s10  }
0x38: {  	s10 =	sld [smem:$0x3FA9]  }
0x39: {  	_ = 	snop;
	(pc) =	sbr.ind lr, $3  }
0x3a: {  	_ = 	snop  }
0x3b: {  	_ = 	snop  }
0x3c: {  	p2 =	seq.s32 s10, $0x1;
	s10 =	sld [smem:$0x3FA8]  }
0x3d: {  	_ =	shalt  }
0x3e: {  	_ =	shalt  }
0x3f: {  	_ =	shalt  }
0x40: {  	_ =	shalt  }
0x41: {  	_ =	shalt  }
0x42: {  	_ =	shalt  }
0x43: {  	_ =	shalt  }
0x44: {  	_ =	shalt  }
0x45: {  	_ =	shalt  }
0x46: {  	_ =	shalt  }
0x47: {  	_ =	shalt  }
0x48: {  	_ =	shalt  }
0x49: {  	_ =	shalt  }
0x4a: {  	_ =	shalt  }
0x4b: {  	_ =	shalt  }
0x4c: {  	_ =	shalt  }
0x4d: {  	_ =	shalt  }
0x4e: {  	_ =	shalt  }
0x4f: {  	_ =	shalt  }
0x50: {  	_ =	shalt  }
0x51: {  	_ =	shalt  }
0x52: {  	_ =	shalt  }
0x53: {  	_ =	shalt  }
0x54: {  	_ =	shalt  }
0x55: {  	_ =	shalt  }
0x56: {  	_ =	shalt  }
0x57: {  	_ =	shalt  }
0x58: {  	_ =	shalt  }
0x59: {  	_ =	shalt  }
0x5a: {  	_ =	shalt  }
0x5b: {  	_ =	shalt  }
0x5c: {  	_ =	shalt  }
0x5d: {  	_ =	shalt  }
0x5e: {  	_ =	shalt  }
0x5f: {  	_ =	shalt  }
0x60: {  	_ =	shalt  }
0x61: {  	_ =	shalt  }
0x62: {  	_ =	shalt  }
0x63: {  	_ =	shalt  }
0x64: {  	_ =	shalt  }
0x65: {  	_ =	shalt  }
0x66: {  	_ =	shalt  }
0x67: {  	_ =	shalt  }
0x68: {  	_ =	shalt  }
0x69: {  	_ =	shalt  }
0x6a: {  	_ =	shalt  }
0x6b: {  	_ =	shalt  }
0x6c: {  	_ =	shalt  }
0x6d: {  	_ =	shalt  }
0x6e: {  	_ =	shalt  }
0x6f: {  	_ =	shalt  }
0x70: {  	_ =	shalt  }
0x71: {  	_ =	shalt  }
0x72: {  	_ =	shalt  }
0x73: {  	_ =	shalt  }
0x74: {  	_ =	shalt  }
0x75: {  	_ =	shalt  }
0x76: {  	_ =	shalt  }
0x77: {  	_ =	shalt  }
0x78: {  	_ =	shalt  }
0x79: {  	_ =	shalt  }
0x7a: {  	_ =	shalt  }
0x7b: {  	_ =	shalt  }
0x7c: {  	_ =	shalt  }
0x7d: {  	_ =	shalt  }
0x7e: {  	_ =	shalt  }
0x7f: {  	_ =	shalt  }
0x80: {  	_ =	shalt  }
0x81: {  	_ =	shalt  }
0x82: {  	_ =	shalt  }
0x83: {  	_ =	shalt  }
0x84: {  	_ =	shalt  }
0x85: {  	_ =	shalt  }
0x86: {  	_ =	shalt  }
0x87: {  	_ =	shalt  }
.Lfunc_end0:
.L_simem_size_0:
called_computation.3_lowered:
.L_overlay_start_0:
0x88: {  	s2 =	sld [smem:$0x3FD9]  }
0x89: {  	s3 =	sld [smem:$0x3FFE];
	_ =	sdelay $0x1  }
0x8a: {  	s1 =	srdreg.scid  }
0x8b: {  	s0 =	sand.u32 $0x1, s1  }
0x8c: {  	s15 =	sshll.u32 s0, $0xA;
	s2 =	sadd.s32 s3, s2  }
0x8d: {  	s2 =	sadd.s32 s2, s15  }
0x8e: {  	[smem:$0x3FB4] =	sst s2  }
0x8f: {  	_ = 	snop  }
0x90: {  	s2 =	sld [smem:$0x3FD0];
	_ =	sdelay $0x2  }
0x91: {  	s4 =	simm.s32 $0xB;
	s16 =	simm.s32 $0x10  }
0x92: {  	[smem:s16], [sflag:s4] =	dma.local [hbm:s2], $0x1  }
0x93: {  	_ =	swait.eq [sflag:s4], $0x1  }
0x94: {  	[sflag:s4] =	ssyncset.done $0x0  }
0x95: {  	s17 =	sld [smem:$0x10];
	[sflag:s4] =	ssyncadd.s32 $0xFFFFFFFF  }
0x96: {  	s18 =	sld [smem:$0x11];
	(tm) =	ssettm $0x1  }
0x97: {  	s19 =	sld [smem:$0x3FFB];
	_ =	sdelay $0x3  }
0x98: {  	_ =	strace s19  }
0x99: {  	s2 =	sld [smem:$0x3FFC];
	_ =	sdelay $0x3  }
0x9a: {  	_ =	strace s2  }
0x9b: {  	s2 =	sld [smem:$0x3FFD];
	_ =	sdelay $0x3  }
0x9c: {  	_ =	strace s2  }
0x9d: {  	_ =	strace $0x8FFFFFFF  }
0x9e: {  	s20 =	sld [smem:$0x3FDB];
	_ =	sdelay $0x1  }
0x9f: {  	s5 =	simm.s32 $_scs_section_size  }
0xa0: {  	s6 =	simm.s32 $_size__tile_overlayer_lowered;
	s7 =	simm.s32 $_tile_overlayer_lowered  }
0xa1: {  	s8 =	simm.s32 $0x1BFF;
	s21 =	sshll.u32 s7, $0x1;
	s5 =	sadd.s32 s5, s20  }
0xa2: {  	s22 =	simm.s32 $0x0;
	s6 =	sshll.u32 s6, $0x1;
	s7 =	sadd.s32 s21, s5  }
0xa3: {  	[timem:s22], [sflag:s8] =	dma.local [hbm:s7], s6  }
0xa4: {  	_ =	swait.ge [sflag:s8], s6  }
0xa5: {  	s6 =	ssub.s32 $0x0, s6;
	[sflag:s8] =	ssyncset.done $0x0  }
0xa6: {  	[sflag:s8] =	ssyncadd.s32 s6;
	_ =	sdelay $0x1  }
0xa7: {  	s23 =	simm.s32 $0x1B8B  }
0xa8: {  	_ =	swait.ge [sflag:s23], $0x1  }
0xa9: {  	[sflag:s23] =	ssyncset.done $0x0  }
0xaa: {  	[sflag:s23] =	ssyncadd.s32 $0xFFFFFFFF  }
0xab: {  	s6 =	sld [smem:$0x0]  }
0xac: {  	s7 =	sand.u32 $0xFFFFFFFE, s1  }
0xad: {  	p0 =	sne.s32 s1, s7  }
0xae: {  	s7 =	sshll.u32 @p0 s7, $0xE  }
0xaf: {  	s7 =	sadd.s32 @p0 $0x11B8D, s7;
	s8 =	sshll.u32 @p0 s6, $0x11  }
0xb0: {  	s7 =	sor.u32 @p0 s8, s7  }
0xb1: {  	[sflag:s7] =	ssyncadd.remote.s32 @p0 $0x1;
	_ =	sdelay $0x1  }
0xb2: {  	s7 =	simm.s32 @p0 $0x1B8D  }
0xb3: {  	_ =	swait.eq @p0 [sflag:s7], $0x1  }
0xb4: {  	[sflag:s7] =	ssyncadd.s32 @p0 $0xFFFFFFFF  }
0xb5: {  	s8 =	sshll.u32 @!p0 s1, $0xE  }
0xb6: {  	s8 =	sor.u32 @!p0 $0x4000, s8;
	s7 =	simm.s32 @!p0 $0x1B8D  }
0xb7: {  	s6 =	sshll.u32 @!p0 s6, $0x11;
	s8 =	sadd.s32 @!p0 $0x11B8D, s8;
	_ =	swait.eq @!p0 [sflag:s7], $0x1  }
0xb8: {  	s6 =	sor.u32 @!p0 s6, s8;
	[sflag:s7] =	ssyncadd.s32 @!p0 $0xFFFFFFFF  }
0xb9: {  	s25 =	simm.s32 $0x1B8E;
	s24 =	sld [smem:$0x3FFE];
	[sflag:s6] =	ssyncadd.remote.s32 @!p0 $0x1  }
0xba: {  	s26 =	simm.s32 $execute0_lowered;
	[smem:$0x3FD2] =	sst s25  }
0xbb: {  	s7 =	sshll.u32 s26, $0x1;
	_ =	strace $0x8000004F;
	[dreg:$0x1] =	wrdreg $0xFFFFFFFF  }
0xbc: {  	s28 =	simm.s32 $_size_execute0_lowered;
	s5 =	sadd.s32 s5, s7;
	[dreg:$0x0] =	wrdreg $0x0  }
0xbd: {  	s7 =	sshll.u32 s28, $0x1;
	[dreg:$0x2] =	wrdreg s5  }
0xbe: {  	[dreg:$0x3] =	wrdreg s7  }
0xbf: {  	[dreg:$0x4] =	wrdreg $0xC0  }
0xc0: {  	_ =	task [dreg:s22], $0x5FFFF  }
0xc1: {  	[dreg:$0x1] =	wrdreg $0xFFFFFFFF  }
0xc2: {  	[dreg:$0x0] =	wrdreg $0x60  }
0xc3: {  	[dreg:$0x2] =	wrdreg s24  }
0xc4: {  	[dreg:$0x3] =	wrdreg s18  }
0xc5: {  	[dreg:$0x4] =	wrdreg s17  }
0xc6: {  	[dreg:$0x5] =	wrdreg $0x8E800  }
0xc7: {  	[dreg:$0x6] =	wrdreg $0xA  }
0xc8: {  	_ =	task.clear_ibuf [dreg:s22], $0x7FFFF;
	_ =	strace $0x9000004F  }
0xc9: {  	s29 =	simm.s32 $0xA;
	_ =	strace $0x80000051  }
0xca: {  	_ =	swait.ge [sflag:s29], $0x1  }
0xcb: {  	[sflag:s29] =	ssyncadd.s32 $0xFFFFFFFF  }
0xcc: {  	_ =	strace $0x90000051  }
0xcd: {  	_ =	sfence  }
0xce: {  	s30 =	sld [smem:$0x0];
	_ =	sdelay $0x2  }
0xcf: {  	s31 =	sshll.u32 s1, $0xD;
	s1 =	sshrl.u32 s1, $0x2  }
0xd0: {  	s4 =	sand.u32 $0x4000, s31;
	s1 =	sadd.s32 s1, s30  }
0xd1: {  	s0 =	sor.u32 s4, s0;
	s1 =	sshll.u32 s1, $0x11  }
0xd2: {  	s0 =	sor.u32 s1, s0  }
0xd3: {  	s0 =	sadd.s32 $0x8F2B, s0  }
0xd4: {  	[sflag:s0] =	ssyncadd.remote.s32 $0x1  }
0xd5: {  	_ =	sfence.sel $0xFFFF  }
0xd6: {  	[dreg:$0x0] =	wrdreg $0xFFFFFFFF;
	(pc) =	sbr.abs _section_cstart, $3  }
0xd7: {  	[dreg:$0x1] =	wrdreg $0xFFFFFFFF  }
0xd8: {  	_ =	task.clear_ibuf [dreg:s22], $0x2FFFF;
	_ =	strace $0x9FFFFFFF  }
0xd9: {  	(tm) =	ssettm $0x7FFFFFFF  }
tec
execute0_lowered:
.L_overlay_start_1:
0x0: {  	(tag) =	ssettag $0x1  }
0x1: {  	s0 =	rddreg [dreg:$0x0]  }
0x2: {  	s1 =	rddreg [dreg:$0x1]  }
0x3: {  	s10 =	rddreg [dreg:$0x2]  }
0x4: {  	s3 =	rddreg [dreg:$0x3];
	s2 =	stileid.u32  }
0x5: {  	s4 =	simm.s32 $0x0;
	s7 =	srdreg.scid;
	s5 =	smul.u32 $0x27100, s2  }
0x6: {  	s17 =	simm.s32 $0x3;
	s22 =	simm.s32 $0x50;
	s6 =	smul.u32 $0x7D0, s2  }
0x7: {  	s23 =	simm.s32 $0x1;
	s24 =	simm.s32 $0x3E00;
	s8 =	smul.u32 $0x4E000, s2  }
0x8: {  	[smem:$0x7FF] =	sst s4;
	s21 =	sand.u32 $0x1, s7;
	s13 =	smul.u32 $0x2700, s2  }
0x9: {  	s9 =	sadd.s32 $0x27000, s1;
	s31 =	sshll.u32 s2, $0x6;
	p0 =	sne.s32 s2, $0xF  }
0xa: {  	p2 =	seq.s32 s2, $0xF;
	_ =	strace $0x80000050;
	s7 =	ssub.s32 $0x2, s21  }
0xb: {  	s18 =	sor.u32 $0x1C03, s31;
	p1 =	sne.s32 s21, $0x0;
	s21 =	simm.s32 $0x3E80  }
0xc: {  	s16 =	sadd.s32 s5, s0;
	s6 =	sadd.s32 s6, s0;
	s5 =	sadd.s32 $0xCC00, s0  }
0xd: {  	s25 =	sshrl.u32 s7, $0x1;
	s26 =	sshrl.u32 s8, $0x2;
	s8 =	sadd.s32 $0x138000, s3  }
0xe: {  	s0 =	ssub.s32 s7, s25;
	s6 =	sadd.s32 $0x145600, s6;
	s19 =	sadd.s32 s26, s3  }
.Ltmp0:
0xf: {  	s7 =	sadd.s32 s1, s13;
	s28 =	sadd.s32 $0x3BE400, s16;
	(pc) =	sbr.rel .LBB2_1-.Ltmp0, $4  }
0x10: {  	s29 =	sadd.s32 s5, s13;
	s30 =	sadd.s32 $0x14D400, s16;
	s13 =	sadd.s32 s10, s13  }
0x11: {  	s15 =	sadd.s32 $0x3BE900, s16;
	s16 =	sadd.s32 $0x14D900, s16;
	[dreg:$0x5] =	wrdreg s28  }
0x12: {  	s20 =	sshrl.u32 @!p0 s8, $0x3;
	s25 =	simm.s32 $0x0;
	[dreg:$0x6] =	wrdreg s29  }
0x13: {  	[dreg:$0x7] =	wrdreg s30;
	s14 =	smax.u32 s0, $0x1;
	s19 =	sshrl.u32 s19, $0x3  }
.LBB2_8:
0x14: {  	s0 =	sadd.s32 $0x27000, s0;
	s1 =	sshrl.u32 s8, $0x3  }
0x15: {  	[hbm:s0], [sflag:s18] =	dma.local [spmem:s1], $0x100  }
0x16: {  	_ =	swait.ge [sflag:s17], $0x100  }
0x17: {  	[sflag:s17] =	ssyncset.done $0x0  }
0x18: {  	[sflag:s17] =	ssyncadd.s32 $0xFFFFFF00  }
.LBB2_9:
0x19: {  	s25 =	sadd.s32 $0x1, s25  }
0x1a: {  	p3 =	sne.s32 s25, s14  }
.Ltmp1:
0x1b: {  	_ = 	snop;
	(pc) =	sbr.rel @!p3 .LBB2_10-.Ltmp1, $2  }
0x1c: {  	_ =	sdelay $0x1  }
0x1d: {  	[bflag:$0x0] =	sbarrier.arrive $0xFFFF;
	_ =	sdelay $0x1  }
.LBB2_1:
0x1e: {  	[tilespmem:s4], [sflag:$0x3] =	stream.linear.gather [hbm4b:s6+s4], $0x3E80, $0x38;
	[tilespmem:$0x1C700] =	vst v63  }
0x1f: {  	_ =	swait.ge [sflag:s17], $0x3E80  }
0x20: {  	[sflag:s17] =	ssyncset.done $0x0  }
0x21: {  	[sflag:s17] =	ssyncadd.s32 $0xFFFFC180  }
0x22: {  	[spmem:s19], [sflag:s18] =	dma.local [hbm:s7], $0x2700  }
0x23: {  	_ =	swait.ge [sflag:s17], $0x2700  }
0x24: {  	[sflag:s17] =	ssyncset.done $0x0  }
0x25: {  	s0 =	simm.s32 @!p0 $0x3;
	[sflag:s17] =	ssyncadd.s32 $0xFFFFD900  }
0x26: {  	[spmem:s20], [sflag:s18] =	dma.local @!p0 [hbm:s9], $0x100  }
.Ltmp2:
0x27: {  	_ =	swait.ge @!p0 [sflag:s0], $0x100;
	(pc) =	sbr.rel @p1 .LBB2_5-.Ltmp2, $4  }
0x28: {  	[sflag:s0] =	ssyncset.done @!p0 $0x0  }
0x29: {  	[sflag:s0] =	ssyncadd.s32 @!p0 $0xFFFFFF00  }
0x2a: {  	s0 =	simm.s32 $0x0;
	[bflag:$0x0] =	sbarrier.arrive $0xFFFF  }
0x2b: {  	s1 =	sand.u32 $0x1, s0  }
0x2c: {  	s26 =	sxor.u32 $0x1, s1  }
0x2d: {  	s2 =	rddreg [dreg:$0x7];
	s28 =	smul.u32 $0xA000, s26  }
0x2e: {  	[tilespmem:s21], [sflag:$0x1] =	stream.linear.gather [hbm4b:s2+s0], $0x2800, $0x38;
	[tilespmem:$0x1C700] =	vst v63  }
0x2f: {  	s28 =	sshrl.u32 s28, $0x2  }
0x30: {  	s11 =	smul.u32 $0xA000, s1;
	s26 =	sadd.s32 $0x1, s26;
	s28 =	sadd.s32 $0x3E80, s28  }
0x31: {  	[tilespmem:s28], [sflag:s26] =	stream.linear.gather [hbm4b:s16+s4], $0x2800, $0x38;
	[tilespmem:$0x1C700] =	vst v63  }
0x32: {  	s12 =	sadd.s32 $0x1, s1;
	s28 =	simm.s32 $0x1  }
0x33: {  	s26 =	sshrl.u32 s11, $0x2;
	_ =	swait.ge [sflag:s12], $0x2800;
	s28 =	sand.u32 $0x1, s28  }
0x34: {  	[sflag:s12] =	ssyncset.done $0x0;
	s30 =	sxor.u32 $0x1, s28;
	s31 =	smul.u32 $0xA000, s28  }
0x35: {  	s26 =	sadd.s32 $0x3E80, s26;
	[sflag:s12] =	ssyncadd.s32 $0xFFFFD800;
	s1 =	smul.u32 $0xA000, s30  }
0x36: {  	[spmem:s3] =	stream.indirect.scatter.add.f32 [tilespmem:s26], [sflag:$0x3], $0x80, s0, s22, $0xb8;
	[tilespmem:$0x1C700] =	vst v63  }
0x37: {  	s29 =	sadd.s32 $0x500, s16;
	s0 =	simm.s32 $0x2;
	s26 =	simm.s32 $0x80  }
.LBB2_3:
0x38: {  	s1 =	sshrl.u32 s1, $0x2;
	s31 =	sshrl.u32 s31, $0x2;
	_ =	swait.ge [sflag:s17], $0x2800  }
0x39: {  	s2 =	smov.u32 s0;
	s10 =	smov.u32 s26;
	s11 =	sadd.s32 $0x1, s0  }
0x3a: {  	p3 =	sne.s32 s0, $0x7B;
	s1 =	sadd.s32 $0x3E80, s1;
	[sflag:s17] =	ssyncset.done $0x0  }
0x3b: {  	s0 =	sadd.s32 $0x1, s30;
	s26 =	sadd.s32 $0x80, s26;
	[sflag:s17] =	ssyncadd.s32 $0xFFFFD800  }
0x3c: {  	[tilespmem:s1], [sflag:s0] =	stream.linear.gather [hbm4b:s29+s4], $0x2800, $0x38;
	[tilespmem:$0x1C700] =	vst v63  }
.Ltmp3:
0x3d: {  	s0 =	sadd.s32 $0x1, s28;
	s29 =	sadd.s32 $0x500, s29;
	(pc) =	sbr.rel @p3 .LBB2_3-.Ltmp3, $4  }
0x3e: {  	s28 =	sand.u32 $0x1, s2;
	s2 =	sadd.s32 $0x3E80, s31;
	_ =	swait.ge [sflag:s0], $0x2800  }
0x3f: {  	s30 =	sxor.u32 $0x1, s28;
	s31 =	smul.u32 $0xA000, s28;
	[sflag:s0] =	ssyncset.done $0x0  }
0x40: {  	s1 =	smul.u32 $0xA000, s30;
	[sflag:s0] =	ssyncadd.s32 $0xFFFFD800;
	s0 =	smov.u32 s11  }
0x41: {  	[spmem:s3] =	stream.indirect.scatter.add.f32 [tilespmem:s2], [sflag:$0x3], $0x80, s10, s22, $0xb8;
	[tilespmem:$0x1C700] =	vst v63  }
0x42: {  	_ =	swait.ge [sflag:s17], $0x2800  }
0x43: {  	s0 =	sshrl.u32 s1, $0x2;
	s12 =	sadd.s32 $0x1, s30;
	[sflag:s17] =	ssyncset.done $0x0  }
0x44: {  	s30 =	sadd.s32 $0x1, s28;
	s0 =	sadd.s32 $0x3E80, s0;
	[sflag:s17] =	ssyncadd.s32 $0xFFFFD800  }
0x45: {  	[tilespmem:s0], [sflag:s12] =	stream.linear.gather [hbm4b:s29+s4], $0x2800, $0x38;
	[tilespmem:$0x1C700] =	vst v63  }
0x46: {  	_ =	swait.ge [sflag:s30], $0x2800  }
0x47: {  	s31 =	sshrl.u32 s31, $0x2;
	[sflag:s30] =	ssyncset.done $0x0  }
0x48: {  	s1 =	sadd.s32 $0x3E80, s31;
	[sflag:s30] =	ssyncadd.s32 $0xFFFFD800  }
0x49: {  	[spmem:s3] =	stream.indirect.scatter.add.f32 [tilespmem:s1], [sflag:$0x3], $0x80, s26, s22, $0xb8;
	[tilespmem:$0x1C700] =	vst v63  }
0x4a: {  	_ =	swait.ge [sflag:s17], $0x2800  }
0x4b: {  	[sflag:s17] =	ssyncset.done $0x0  }
0x4c: {  	[sflag:s17] =	ssyncadd.s32 $0xFFFFD800  }
0x4d: {  	_ =	swait.ge [sflag:s23], $0x2800  }
0x4e: {  	[sflag:s23] =	ssyncset.done $0x0  }
0x4f: {  	[sflag:s23] =	ssyncadd.s32 $0xFFFFD800  }
0x50: {  	[spmem:s3] =	stream.indirect.scatter.add.f32 [tilespmem:s21], [sflag:$0x3], $0x80, s24, s22, $0xb8;
	[tilespmem:$0x1C700] =	vst v63  }
0x51: {  	_ =	swait.ge [sflag:s17], $0x2800  }
0x52: {  	[sflag:s17] =	ssyncset.done $0x0  }
0x53: {  	[sflag:s17] =	ssyncadd.s32 $0xFFFFD800  }
0x54: {  	[bflag:$0x0] =	sbarrier.arrive $0xFFFF  }
0x55: {  	[hbm:s13], [sflag:s18] =	dma.local [spmem:s19], $0x2700  }
.Ltmp4:
0x56: {  	_ = 	snop;
	(pc) =	sbr.rel @p2 .LBB2_8-.Ltmp4, $4  }
.Ltmp5:
0x57: {  	_ =	swait.ge [sflag:s17], $0x2700;
	(pc) =	sbr.rel @!p2 .LBB2_9-.Ltmp5, $4  }
0x58: {  	[sflag:s17] =	ssyncset.done $0x0  }
0x59: {  	[sflag:s17] =	ssyncadd.s32 $0xFFFFD900  }
0x5a: {  	s0 =	rddreg [dreg:$0x2]  }
0x5b: {  	_ = 	snop  }
.LBB2_5:
0x5c: {  	s2 =	sxor.u32 $0x1, s1  }
0x5d: {  	s11 =	rddreg [dreg:$0x5];
	s12 =	sadd.s32 $0x1, s1;
	s10 =	smul.u32 $0xA000, s2  }
0x5e: {  	[tilespmem:s21], [sflag:$0x1] =	stream.linear.gather [hbm4b:s11+s0], $0x2800, $0x38;
	[tilespmem:$0x1C700] =	vst v63  }
0x5f: {  	s26 =	simm.s32 $0x1;
	s2 =	sadd.s32 $0x1, s2;
	s10 =	sshrl.u32 s10, $0x2  }
0x60: {  	s11 =	smul.u32 $0xA000, s1;
	s28 =	sand.u32 $0x1, s26;
	s10 =	sadd.s32 $0x3E80, s10  }
0x61: {  	[tilespmem:s10], [sflag:s2] =	stream.linear.gather [hbm4b:s15+s4], $0x2800, $0x38;
	[tilespmem:$0x1C700] =	vst v63  }
0x62: {  	s30 =	sxor.u32 $0x1, s28;
	_ =	swait.ge [sflag:s12], $0x2800  }
0x63: {  	s31 =	smul.u32 $0xA000, s28;
	s2 =	sshrl.u32 s11, $0x2;
	[sflag:s12] =	ssyncset.done $0x0  }
0x64: {  	s1 =	smul.u32 $0xA000, s30;
	s2 =	sadd.s32 $0x3E80, s2;
	[sflag:s12] =	ssyncadd.s32 $0xFFFFD800  }
0x65: {  	[spmem:s3] =	stream.indirect.scatter.add.f32 [tilespmem:s2], [sflag:$0x3], $0x80, s0, s22, $0xb8;
	[tilespmem:$0x1C700] =	vst v63  }
0x66: {  	s29 =	sadd.s32 $0x500, s15;
	s26 =	simm.s32 $0x80;
	s0 =	simm.s32 $0x2  }
.LBB2_6:
0x67: {  	s1 =	sshrl.u32 s1, $0x2;
	s2 =	sshrl.u32 s31, $0x2;
	_ =	swait.ge [sflag:s17], $0x2800  }
0x68: {  	s10 =	smov.u32 s0;
	s11 =	smov.u32 s26;
	s12 =	sadd.s32 $0x1, s0  }
0x69: {  	p3 =	sne.s32 s0, $0x7B;
	s1 =	sadd.s32 $0x3E80, s1;
	[sflag:s17] =	ssyncset.done $0x0  }
0x6a: {  	s0 =	sadd.s32 $0x1, s30;
	s26 =	sadd.s32 $0x80, s26;
	[sflag:s17] =	ssyncadd.s32 $0xFFFFD800  }
0x6b: {  	[tilespmem:s1], [sflag:s0] =	stream.linear.gather [hbm4b:s29+s4], $0x2800, $0x38;
	[tilespmem:$0x1C700] =	vst v63  }
.Ltmp6:
0x6c: {  	s0 =	sadd.s32 $0x1, s28;
	s29 =	sadd.s32 $0x500, s29;
	(pc) =	sbr.rel @p3 .LBB2_6-.Ltmp6, $4  }
0x6d: {  	s2 =	sadd.s32 $0x3E80, s2;
	s28 =	sand.u32 $0x1, s10;
	_ =	swait.ge [sflag:s0], $0x2800  }
0x6e: {  	s30 =	sxor.u32 $0x1, s28;
	s31 =	smul.u32 $0xA000, s28;
	[sflag:s0] =	ssyncset.done $0x0  }
0x6f: {  	s1 =	smul.u32 $0xA000, s30;
	[sflag:s0] =	ssyncadd.s32 $0xFFFFD800;
	s0 =	smov.u32 s12  }
0x70: {  	[spmem:s3] =	stream.indirect.scatter.add.f32 [tilespmem:s2], [sflag:$0x3], $0x80, s11, s22, $0xb8;
	[tilespmem:$0x1C700] =	vst v63  }
0x71: {  	_ =	swait.ge [sflag:s17], $0x2800  }
0x72: {  	s0 =	sshrl.u32 s1, $0x2;
	[sflag:s17] =	ssyncset.done $0x0  }
0x73: {  	s12 =	sadd.s32 $0x1, s30;
	s0 =	sadd.s32 $0x3E80, s0;
	[sflag:s17] =	ssyncadd.s32 $0xFFFFD800  }
0x74: {  	[tilespmem:s0], [sflag:s12] =	stream.linear.gather [hbm4b:s29+s4], $0x2800, $0x38;
	[tilespmem:$0x1C700] =	vst v63  }
0x75: {  	s29 =	sadd.s32 $0x1, s28  }
0x76: {  	_ =	swait.ge [sflag:s29], $0x2800  }
0x77: {  	s30 =	sshrl.u32 s31, $0x2;
	[sflag:s29] =	ssyncset.done $0x0  }
0x78: {  	s1 =	sadd.s32 $0x3E80, s30;
	[sflag:s29] =	ssyncadd.s32 $0xFFFFD800  }
0x79: {  	[spmem:s3] =	stream.indirect.scatter.add.f32 [tilespmem:s1], [sflag:$0x3], $0x80, s26, s22, $0xb8;
	[tilespmem:$0x1C700] =	vst v63  }
0x7a: {  	_ =	swait.ge [sflag:s17], $0x2800  }
0x7b: {  	[sflag:s17] =	ssyncset.done $0x0  }
0x7c: {  	[sflag:s17] =	ssyncadd.s32 $0xFFFFD800  }
0x7d: {  	_ =	swait.ge [sflag:s23], $0x2800  }
0x7e: {  	[sflag:s23] =	ssyncset.done $0x0  }
0x7f: {  	[sflag:s23] =	ssyncadd.s32 $0xFFFFD800  }
0x80: {  	[spmem:s3] =	stream.indirect.scatter.add.f32 [tilespmem:s21], [sflag:$0x3], $0x80, s24, s22, $0xb8;
	[tilespmem:$0x1C700] =	vst v63  }
0x81: {  	_ =	swait.ge [sflag:s17], $0x2800  }
0x82: {  	[sflag:s17] =	ssyncset.done $0x0  }
0x83: {  	[sflag:s17] =	ssyncadd.s32 $0xFFFFD800  }
0x84: {  	[bflag:$0x0] =	sbarrier.arrive $0xFFFF  }
0x85: {  	s31 =	rddreg [dreg:$0x6]  }
0x86: {  	[hbm:s31], [sflag:s18] =	dma.local [spmem:s19], $0x2700  }
.Ltmp7:
0x87: {  	_ = 	snop;
	(pc) =	sbr.rel @p0 .LBB2_9-.Ltmp7, $4  }
.Ltmp8:
0x88: {  	_ = 	snop;
	(pc) =	sbr.rel @!p0 .LBB2_8-.Ltmp8, $4  }
0x89: {  	_ =	swait.ge [sflag:s17], $0x2700  }
0x8a: {  	[sflag:s17] =	ssyncset.done $0x0  }
0x8b: {  	s0 =	smov.u32 s5;
	[sflag:s17] =	ssyncadd.s32 $0xFFFFD900  }
0x8c: {  	_ = 	snop  }
.LBB2_10:
0x8d: {  	_ =	sfence.sel $0x180000  }
0x8e: {  	[bflag:$0x0] =	sbarrier.arrive $0xFFFF  }
0x8f: {  	_ =	strace $0x90000050  }
0x90: {  	s0 =	stileid.u32;
	[bflag:$0x2] =	sbarrier.arrive $0xFFFF  }
0x91: {  	p0 =	sne.s32 s0, $0x0;
	s0 =	rddreg [dreg:$0x4]  }
0x92: {  	s0 =	sadd.s32 @!p0 $0x100000, s0  }
0x93: {  	[sflag:s0] =	ssyncadd.tile.s32 @!p0 $0x1;
	_ =	shalt  }
.Lfunc_end2:
_tile_overlayer_lowered:
.L_overlay_start_2:
0x94: {  	(tag) =	ssettag $0x2  }
0x95: {  	s0 =	rddreg [dreg:$0x0];
	s2 =	stileid.u32  }
0x96: {  	s1 =	rddreg [dreg:$0x1];
	p0 =	sne.s32 s2, $0x0  }
0x97: {  	s3 =	rddreg [dreg:$0x2];
	[bflag:$0x3] =	sbarrier.arrive $0xFFFF;
	s2 =	simm.s32 @!p0 $0x1C03  }
0x98: {  	[timem:s3], [sflag:s2] =	dma.local @!p0 [hbm:s0], s1  }
0x99: {  	s0 =	simm.s32 @!p0 $0x3  }
0x9a: {  	_ =	swait.ge @!p0 [sflag:s0], s1  }
0x9b: {  	s1 =	ssub.s32 @!p0 $0x0, s1;
	[sflag:s0] =	ssyncset.done @!p0 $0x0  }
0x9c: {  	[sflag:s0] =	ssyncadd.s32 @!p0 s1  }
0x9d: {  	[bflag:$0x3] =	sbarrier.arrive $0xFFFF  }
0x9e: {  	_ =	shalt  }

</sc_bundles>
